<compile_context>
chip_gen: v7x
topology: tpu7x:2x2x1
jax: 0.10.2.dev20260603
libtpu: 0.0.44.dev20260713+nightly
codegen_flags: <defaults>
</compile_context>

<pallas_src>
import functools

import jax
import jax.numpy as jnp
from jax import lax
from jax.experimental import pallas as pl
from jax.experimental.pallas import tpu as pltpu
from jax.experimental.pallas import tpu_sc as plsc

N = 10000
E = 160000
FN = 78
H = 64
W2 = 128
OD = 128
B = 64
PD = 1000

Ep = 163840
NCORES = 2
NSUB = 16
NW = NCORES * NSUB
EPT = Ep // NW
EPC = Ep // NSUB
CH = 128
NP = 10240
NROWS_T = NP // NSUB

_mesh = plsc.VectorSubcoreMesh(core_axis_name="c", subcore_axis_name="s")



@functools.partial(
    pl.kernel, mesh=_mesh,
    out_type=jax.ShapeDtypeStruct((NCORES, NP, W2), jnp.float32),
    scratch_types=[
        pltpu.VMEM_SHARED((NP, W2), jnp.float32),
        pltpu.VMEM((CH, W2), jnp.float32),
        pltpu.VMEM((CH,), jnp.int32),
    ])
def _sc_scatter(vals_hbm, row_hbm, col_hbm, z_hbm, out_hbm, tab, vbuf, ibuf):
    c = lax.axis_index("c")
    s = lax.axis_index("s")
    pltpu.sync_copy(z_hbm, vbuf)

    def zs(j, carry):
        pltpu.sync_copy(vbuf, tab.at[pl.ds(s * NROWS_T + j * CH, CH)])
        return carry

    lax.fori_loop(0, NROWS_T // CH, zs, 0)
    plsc.subcore_barrier()

    def make_chunk(idx_hbm):
        def chunk(i, carry):
            off = s * EPC + i * CH
            pltpu.sync_copy(vals_hbm.at[pl.ds(off, CH)], vbuf)
            pltpu.sync_copy(idx_hbm.at[pl.ds(off, CH)], ibuf)
            pltpu.sync_copy(vbuf, tab.at[ibuf], add=True)
            return carry
        return chunk

    @pl.when(c == 0)
    def _():
        lax.fori_loop(0, EPC // CH, make_chunk(row_hbm), 0)

    @pl.when(c == 1)
    def _():
        lax.fori_loop(0, EPC // CH, make_chunk(col_hbm), 0)

    plsc.subcore_barrier()
    pltpu.sync_copy(tab.at[pl.ds(s * NROWS_T, NROWS_T)],
                    out_hbm.at[c, pl.ds(s * NROWS_T, NROWS_T)])


@functools.partial(
    pl.kernel, mesh=_mesh,
    out_type=jax.ShapeDtypeStruct((Ep, W2), jnp.float32),
    scratch_types=[
        pltpu.VMEM((CH,), jnp.int32),
        pltpu.VMEM((CH,), jnp.int32),
        pltpu.VMEM((CH,), jnp.int32),
        pltpu.VMEM((CH, W2), jnp.float32),
        pltpu.VMEM((CH, W2), jnp.float32),
        pltpu.VMEM((CH, W2), jnp.float32),
        pltpu.VMEM((CH, W2), jnp.float32),
        pltpu.SemaphoreType.DMA,
        pltpu.SemaphoreType.DMA,
        pltpu.SemaphoreType.DMA,
    ])
def _sc_gather(row_hbm, col_hbm, rev_hbm, u_hbm, s_hbm, e_hbm, out_hbm,
               ir, ic, iv, ubuf, sbuf, ebuf, obuf, s1, s2, s3):
    c = lax.axis_index("c")
    s = lax.axis_index("s")
    wid = s * NCORES + c

    def chunk(i, carry):
        off = wid * EPT + i * CH
        pltpu.sync_copy(row_hbm.at[pl.ds(off, CH)], ir)
        pltpu.sync_copy(col_hbm.at[pl.ds(off, CH)], ic)
        pltpu.sync_copy(rev_hbm.at[pl.ds(off, CH)], iv)
        cp1 = pltpu.async_copy(u_hbm.at[ir], ubuf, s1)
        cp2 = pltpu.async_copy(s_hbm.at[ic], sbuf, s2)
        cp3 = pltpu.async_copy(e_hbm.at[iv], ebuf, s3)
        cp1.wait()
        cp2.wait()
        cp3.wait()

        def rowfn(r, acc):
            for q in range(H // 16):
                sl = pl.ds(q * 16, 16)
                sr = pl.ds(H + q * 16, 16)
                obuf[r, sl] = sbuf[r, sl] - ebuf[r, sl]
                obuf[r, sr] = ubuf[r, sl]
            return acc

        lax.fori_loop(0, CH, rowfn, 0)
        pltpu.sync_copy(obuf, out_hbm.at[pl.ds(off, CH)])
        return carry

    lax.fori_loop(0, EPT // CH, chunk, 0)



BLK_E = 2048
NB_E = Ep // BLK_E
BLK_N = 2000
NB_N = N // BLK_N


def _dot_t(a, w, prec=lax.Precision.HIGHEST):
    return lax.dot_general(a, w, (((1,), (1,)), ((), ())),
                           precision=prec,
                           preferred_element_type=jnp.float32)


def _dot_td(a, w):
    return lax.dot_general(a, w, (((1,), (1,)), ((), ())),
                           preferred_element_type=jnp.float32)


def _edge_init_body(ea_ref, we_ref, be_ref, eh_ref):
    i = pl.program_id(0)
    eh = _dot_t(ea_ref[...], we_ref[...]) + be_ref[...]
    rid = i * BLK_E + lax.broadcasted_iota(jnp.int32, (BLK_E, H), 0)
    eh = jnp.where(rid < E, eh, 0.0)
    eh_ref[...] = jnp.concatenate([eh, jnp.zeros_like(eh)], axis=1)


def _tc_edge_init(ea_p, W_edge_p, b_edge_r):
    return pl.pallas_call(
        _edge_init_body,
        grid=(NB_E,),
        in_specs=[
            pl.BlockSpec((BLK_E, 8), lambda i: (i, 0)),
            pl.BlockSpec((H, 8), lambda i: (0, 0)),
            pl.BlockSpec((1, H), lambda i: (0, 0)),
        ],
        out_specs=pl.BlockSpec((BLK_E, W2), lambda i: (i, 0)),
        out_shape=jax.ShapeDtypeStruct((Ep, W2), jnp.float32),
    )(ea_p, W_edge_p, b_edge_r)


def _edge_body(g_ref, bm_ref, wmb_ref, eh_ref):
    i = pl.program_id(0)
    g = g_ref[...]
    pre = _dot_t(g[:, :H], wmb_ref[...]) + g[:, H:] + bm_ref[...]
    m = jnp.maximum(pre, 0.0)
    rid = i * BLK_E + lax.broadcasted_iota(jnp.int32, (BLK_E, H), 0)
    m = jnp.where(rid < E, m, 0.0)
    eh_ref[...] = jnp.concatenate([m, jnp.zeros_like(m)], axis=1)


def _tc_edge(gath, bm, WmB):
    return pl.pallas_call(
        _edge_body,
        grid=(NB_E,),
        in_specs=[
            pl.BlockSpec((BLK_E, W2), lambda i: (i, 0)),
            pl.BlockSpec((1, H), lambda i: (0, 0)),
            pl.BlockSpec((H, H), lambda i: (0, 0)),
        ],
        out_specs=pl.BlockSpec((BLK_E, W2), lambda i: (i, 0)),
        out_shape=jax.ShapeDtypeStruct((Ep, W2), jnp.float32),
    )(gath, bm, WmB)


def _small1_body(x_ref, a1_ref, u_ref):
    u = _dot_t(x_ref[...], a1_ref[...])
    u_ref[...] = jnp.concatenate([u, jnp.zeros_like(u)], axis=1)


def _tc_small1(x, A1):
    return pl.pallas_call(
        _small1_body,
        out_shape=jax.ShapeDtypeStruct((N, W2), jnp.float32),
    )(x, A1)


def _small2_body(ncf_ref, xprev_ref, wna_ref, wnb_ref, bn_ref, a_ref,
                 x_ref, u_ref):
    nc = ncf_ref[:, :H]
    xl = jnp.maximum(_dot_t(xprev_ref[...], wna_ref[...])
                     + _dot_t(nc, wnb_ref[...]) + bn_ref[...], 0.0)
    x_ref[...] = xl
    u = _dot_t(xl, a_ref[...])
    u_ref[...] = jnp.concatenate([u, jnp.zeros_like(u)], axis=1)


def _tc_small2(NCf, x_prev, WnA, WnB, bn, A):
    return pl.pallas_call(
        _small2_body,
        grid=(1,),
        in_specs=[
            pl.BlockSpec((N, W2), lambda i: (0, 0)),
            pl.BlockSpec(x_prev.shape, lambda i: (0, 0)),
            pl.BlockSpec(WnA.shape, lambda i: (0, 0)),
            pl.BlockSpec(WnB.shape, lambda i: (0, 0)),
            pl.BlockSpec(bn.shape, lambda i: (0, 0)),
            pl.BlockSpec(A.shape, lambda i: (0, 0)),
        ],
        out_specs=[
            pl.BlockSpec((N, H), lambda i: (0, 0)),
            pl.BlockSpec((N, W2), lambda i: (0, 0)),
        ],
        out_shape=[
            jax.ShapeDtypeStruct((N, H), jnp.float32),
            jax.ShapeDtypeStruct((N, W2), jnp.float32),
        ],
    )(NCf, x_prev, WnA, WnB, bn, A)


def _final_body(ncf_ref, xprev_ref, wna_ref, wnb_ref, bn_ref, batch_ref,
                xp_ref):
    i = pl.program_id(0)
    nc = ncf_ref[:, :H]
    x3 = jnp.maximum(_dot_t(xprev_ref[...], wna_ref[...])
                     + _dot_t(nc, wnb_ref[...]) + bn_ref[...], 0.0)
    bids = batch_ref[0, 0, :]
    onehot = (lax.broadcasted_iota(jnp.int32, (B, BLK_N), 0)
              == bids[None, :]).astype(jnp.float32)
    part = lax.dot_general(onehot, x3, (((1,), (0,)), ((), ())),
                           precision=lax.Precision.HIGHEST,
                           preferred_element_type=jnp.float32)

    @pl.when(i == 0)
    def _():
        xp_ref[...] = jnp.zeros_like(xp_ref)

    xp_ref[...] += part


def _tc_final(NCf, x_prev, WnA, WnB, bn, batch3):
    return pl.pallas_call(
        _final_body,
        grid=(NB_N,),
        in_specs=[
            pl.BlockSpec((BLK_N, W2), lambda i: (i, 0)),
            pl.BlockSpec((BLK_N, H), lambda i: (i, 0)),
            pl.BlockSpec((H, H), lambda i: (0, 0)),
            pl.BlockSpec((H, H), lambda i: (0, 0)),
            pl.BlockSpec((1, H), lambda i: (0, 0)),
            pl.BlockSpec((1, 1, BLK_N), lambda i: (i, 0, 0)),
        ],
        out_specs=pl.BlockSpec((B, H), lambda i: (0, 0)),
        out_shape=jax.ShapeDtypeStruct((B, H), jnp.float32),
    )(NCf, x_prev, WnA, WnB, bn, batch3)


def _head_body(xp_ref, tg_ref, wxd_ref, bxd_ref, wp_ref, bp_ref,
               w1_ref, b1_ref, w2_ref, b2_ref, wo_ref, bo_ref, out_ref):
    xd = jnp.maximum(_dot_td(xp_ref[...], wxd_ref[...]) + bxd_ref[...], 0.0)
    xt = jnp.maximum(_dot_td(tg_ref[...], wp_ref[...]) + bp_ref[...], 0.0)
    h1 = jnp.maximum(_dot_td(xd, w1_ref[:, :OD]) + _dot_td(xt, w1_ref[:, OD:])
                     + b1_ref[...], 0.0)
    h2 = jnp.maximum(_dot_td(h1, w2_ref[...]) + b2_ref[...], 0.0)
    out_ref[...] = _dot_td(h2, wo_ref[...]) + bo_ref[...]


def _tc_head(xp, target, W_fcxd, b_fcxd, W_prot, b_prot,
             W_fc1, b_fc1, W_fc2, b_fc2, W_out, b_out):
    return pl.pallas_call(
        _head_body,
        out_shape=jax.ShapeDtypeStruct((B, 8), jnp.float32),
    )(xp, target, W_fcxd, b_fcxd, W_prot, b_prot,
      W_fc1, b_fc1, W_fc2, b_fc2, W_out, b_out)



def kernel(x, edge_attr, target, W_edge, b_edge, Wm1, bm1, Wn1, bn1,
           Wm2, bm2, Wn2, bn2, Wm3, bm3, Wn3, bn3, W_fcxd, b_fcxd,
           W_prot, b_prot, W_fc1, b_fc1, W_fc2, b_fc2, W_out, b_out,
           edge_index, batch):
    row, col = edge_index[0], edge_index[1]
    k = row * N + col
    rk = col * N + row
    order = jnp.argsort(k)
    sk = k[order]
    pos = jnp.clip(jnp.searchsorted(sk, rk), 0, E - 1)
    found = sk[pos] == rk
    rev = jnp.where(found, order[pos], E).astype(jnp.int32)

    PADN = Ep - E
    row_p = jnp.pad(row, (0, PADN))
    col_p = jnp.pad(col, (0, PADN))
    rev_p = jnp.pad(rev, (0, PADN), constant_values=E)
    ea_p = jnp.pad(edge_attr, ((0, PADN), (0, 2)))
    zrows = jnp.broadcast_to(x[0, 0] * 0.0, (CH, W2))
    batch3 = batch.reshape(NB_N, 1, BLK_N)

    A1, B1 = Wm1[:, :FN], Wm1[:, FN:]
    A2, B2 = Wm2[:, :H], Wm2[:, H:]
    A3, B3 = Wm3[:, :H], Wm3[:, H:]
    WnA1, WnB1 = Wn1[:, :FN], Wn1[:, FN:]
    WnA2, WnB2 = Wn2[:, :H], Wn2[:, H:]
    WnA3, WnB3 = Wn3[:, :H], Wn3[:, H:]
    bm1r, bm2r, bm3r = bm1.reshape(1, H), bm2.reshape(1, H), bm3.reshape(1, H)
    bn1r, bn2r, bn3r = bn1.reshape(1, H), bn2.reshape(1, H), bn3.reshape(1, H)
    W_edge_p = jnp.pad(W_edge, ((0, 0), (0, 2)))

    EH1 = _tc_edge_init(ea_p, W_edge_p, b_edge.reshape(1, H))
    S1 = _sc_scatter(EH1, row_p, col_p, zrows)
    U1 = _tc_small1(x, A1)
    G1 = _sc_gather(row_p, col_p, rev_p, U1, S1[0], EH1)
    EH2 = _tc_edge(G1, bm1r, B1)

    S2 = _sc_scatter(EH2, row_p, col_p, zrows)
    x1, U2 = _tc_small2(S2[1], x, WnA1, WnB1, bn1r, A2)
    G2 = _sc_gather(row_p, col_p, rev_p, U2, S2[0], EH2)
    EH3 = _tc_edge(G2, bm2r, B2)

    S3 = _sc_scatter(EH3, row_p, col_p, zrows)
    x2, U3 = _tc_small2(S3[1], x1, WnA2, WnB2, bn2r, A3)
    G3 = _sc_gather(row_p, col_p, rev_p, U3, S3[0], EH3)
    EH4 = _tc_edge(G3, bm3r, B3)

    S4 = _sc_scatter(EH4, row_p, col_p, zrows)
    xp = _tc_final(S4[1], x2, WnA3, WnB3, bn3r, batch3)

    W_out_p = jnp.pad(W_out, ((0, 7), (0, 0)))
    b_out_p = jnp.pad(b_out.reshape(1, 1), ((0, 0), (0, 7)))
    res = _tc_head(xp, target, W_fcxd, b_fcxd.reshape(1, OD),
                   W_prot, b_prot.reshape(1, OD),
                   W_fc1, b_fc1.reshape(1, 1024),
                   W_fc2, b_fc2.reshape(1, 2 * OD),
                   W_out_p, b_out_p)
    return res[:, :1]

# --- scband reference (transcript-rebuilt; emitter-appended) ---
"""Pipeline reference for scband-dmpnnnet-42399917146353 (READ-ONLY COPY).

The authoritative reference and input builder live on the scoring server;
editing this copy changes nothing except your own understanding.
"""

import jax, jax.numpy as jnp
import numpy as np

N = 10000
E = 160000
FN = 78
FE = 6
H = 64
OD = 128
B = 64
PD = 1000

def _lin(x, W, b):
    return x @ W.T + b

def _conv(x, row, col, edge_hidden, Wm, bm, Wn, bn):
    # messages[i] = relu(W_msg(cat(x[row[i]], sum_{j: row[j]==col[i], j != reverse(i)} edge_hidden[j])))
    S = jax.ops.segment_sum(edge_hidden, row, num_segments=N)
    k = row * N + col
    rk = col * N + row
    order = jnp.argsort(k)
    sk = k[order]
    pos = jnp.clip(jnp.searchsorted(sk, rk), 0, E - 1)
    found = sk[pos] == rk
    rev = edge_hidden[order[pos]]
    msg_agg = S[col] - jnp.where(found[:, None], rev, 0.0)
    messages = jax.nn.relu(_lin(jnp.concatenate([x[row], msg_agg], axis=-1), Wm, bm))
    node_messages = jax.ops.segment_sum(messages, col, num_segments=N)
    x_out = jax.nn.relu(_lin(jnp.concatenate([x, node_messages], axis=-1), Wn, bn))
    return x_out, messages

def setup_inputs(seed: int = 0):
    key = jax.random.key(seed)
    ks = jax.random.split(key, 24)
    d = {}
    d['x'] = jax.random.normal(ks[0], (N, FN), jnp.float32)
    d['edge_attr'] = jax.random.normal(ks[1], (E, FE), jnp.float32)
    d['target'] = jax.random.normal(ks[2], (B, PD), jnp.float32)
    d['W_edge'] = jax.random.normal(ks[3], (H, FE), jnp.float32) * 0.3
    d['b_edge'] = jnp.zeros((H,), jnp.float32)
    d['Wm1'] = jax.random.normal(ks[4], (H, FN + H), jnp.float32) * 0.08
    d['bm1'] = jnp.zeros((H,), jnp.float32)
    d['Wn1'] = jax.random.normal(ks[5], (H, FN + H), jnp.float32) * 0.08
    d['bn1'] = jnp.zeros((H,), jnp.float32)
    d['Wm2'] = jax.random.normal(ks[6], (H, 2 * H), jnp.float32) * 0.08
    d['bm2'] = jnp.zeros((H,), jnp.float32)
    d['Wn2'] = jax.random.normal(ks[7], (H, 2 * H), jnp.float32) * 0.08
    d['bn2'] = jnp.zeros((H,), jnp.float32)
    d['Wm3'] = jax.random.normal(ks[8], (H, 2 * H), jnp.float32) * 0.08
    d['bm3'] = jnp.zeros((H,), jnp.float32)
    d['Wn3'] = jax.random.normal(ks[9], (H, 2 * H), jnp.float32) * 0.08
    d['bn3'] = jnp.zeros((H,), jnp.float32)
    d['W_fcxd'] = jax.random.normal(ks[10], (OD, H), jnp.float32) * 0.1
    d['b_fcxd'] = jnp.zeros((OD,), jnp.float32)
    d['W_prot'] = jax.random.normal(ks[11], (OD, PD), jnp.float32) * 0.03
    d['b_prot'] = jnp.zeros((OD,), jnp.float32)
    d['W_fc1'] = jax.random.normal(ks[12], (1024, 2 * OD), jnp.float32) * 0.05
    d['b_fc1'] = jnp.zeros((1024,), jnp.float32)
    d['W_fc2'] = jax.random.normal(ks[13], (2 * OD, 1024), jnp.float32) * 0.03
    d['b_fc2'] = jnp.zeros((2 * OD,), jnp.float32)
    d['W_out'] = jax.random.normal(ks[14], (1, 2 * OD), jnp.float32) * 0.05
    d['b_out'] = jnp.zeros((1,), jnp.float32)
    d['edge_index'] = jax.random.randint(ks[15], (2, E), 0, N, dtype=jnp.int32)
    d['batch'] = jnp.sort(jax.random.randint(ks[16], (N,), 0, B, dtype=jnp.int32))
    return d

def reference(x, edge_attr, target, W_edge, b_edge, Wm1, bm1, Wn1, bn1, Wm2, bm2, Wn2, bn2, Wm3, bm3, Wn3, bn3, W_fcxd, b_fcxd, W_prot, b_prot, W_fc1, b_fc1, W_fc2, b_fc2, W_out, b_out, edge_index, batch):
    row, col = edge_index[0], edge_index[1]
    eh = _lin(edge_attr, W_edge, b_edge)
    x1, eh = _conv(x, row, col, eh, Wm1, bm1, Wn1, bn1)
    x2, eh = _conv(x1, row, col, eh, Wm2, bm2, Wn2, bn2)
    x3, eh = _conv(x2, row, col, eh, Wm3, bm3, Wn3, bn3)
    xp = jax.ops.segment_sum(x3, batch, num_segments=B)
    xd = jax.nn.relu(_lin(xp, W_fcxd, b_fcxd))
    xt = jax.nn.relu(_lin(target, W_prot, b_prot))
    xc = jnp.concatenate([xd, xt], axis=1)
    xc = jax.nn.relu(_lin(xc, W_fc1, b_fc1))
    xc = jax.nn.relu(_lin(xc, W_fc2, b_fc2))
    return _lin(xc, W_out, b_out)

if __name__ == "__main__":
    import jax
    _d = setup_inputs()
    print(jax.jit(kernel)(*tuple(_d.values())))

</pallas_src>

<mosaic_0001>
#map = affine_map<(d0, d1) -> (0, 0)>
#map1 = affine_map<(d0, d1) -> (0)>
#map2 = affine_map<(d0, d1) -> (0, 0, 0)>
module attributes {stable_mosaic.version = 14 : i64} {
  func.func @_sc_scatter(%arg0: i32, %arg1: i32, %arg2: memref<163840x128xf32, #tpu.memory_space<hbm>>, %arg3: memref<163840xi32, #tpu.memory_space<hbm>>, %arg4: memref<163840xi32, #tpu.memory_space<hbm>>, %arg5: memref<128x128xf32, #tpu.memory_space<hbm>>, %arg6: memref<2x10240x128xf32, #tpu.memory_space<hbm>>, %arg7: memref<10240x128xf32, #tpu.memory_space<vmem_shared>>, %arg8: memref<128x128xf32, #tpu.memory_space<vmem>>, %arg9: memref<128xi32, #tpu.memory_space<vmem>>) attributes {dimension_semantics = [#tpu.dimension_semantics<core_parallel>, #tpu.dimension_semantics<subcore_parallel>], iteration_bounds = array<i64: 2, 16>, scalar_prefetch = 0 : i64, scratch_operands = 3 : i64, tpu.core_type = #tpu.core_type<sc_vector_subcore>, window_params = [{transform_indices = #map}, {transform_indices = #map1}, {transform_indices = #map1}, {transform_indices = #map}, {transform_indices = #map2}]} {
    "tpu.region"() ({
      %run_scoped3A = tpu.sem_alloc : memref<!tpu.dma_semaphore, #tpu.memory_space<semaphore_mem>>
      tpu.enqueue_dma source(%arg5 : memref<128x128xf32, #tpu.memory_space<hbm>>) target(%arg8 : memref<128x128xf32, #tpu.memory_space<vmem>>) target_semaphore(%run_scoped3A : memref<!tpu.dma_semaphore, #tpu.memory_space<semaphore_mem>>)
      tpu.wait_dma2 semaphore(%run_scoped3A : memref<!tpu.dma_semaphore, #tpu.memory_space<semaphore_mem>>) src(%arg5 : memref<128x128xf32, #tpu.memory_space<hbm>>) dst(%arg8 : memref<128x128xf32, #tpu.memory_space<vmem>>)
      tpu.yield
    }) : () -> ()
    %scan3A = arith.constant 0 : i32
    %scan3A_0 = arith.constant 0 : i32
    %scan3A_1 = arith.constant 5 : i32
    %scan3A_2 = arith.addi %scan3A_0, %scan3A_1 : i32
    %scan3A_3 = arith.constant 1 : i32
    scf.for %scan3A_16 = %scan3A_0 to %scan3A_2 step %scan3A_3  : i32 {
      %mul3A_17 = arith.constant 640 : i32
      %mul3A_18 = arith.muli %arg1, %mul3A_17 : i32
      %mul3A_19 = arith.constant 128 : i32
      %mul3A_20 = arith.muli %scan3A_16, %mul3A_19 : i32
      %add3A = arith.addi %mul3A_18, %mul3A_20 : i32
      "tpu.region"() ({
        %run_scoped3A = tpu.sem_alloc : memref<!tpu.dma_semaphore, #tpu.memory_space<semaphore_mem>>
        %dma_start3A = arith.constant 0 : i32
        %dma_start3A_21 = tpu.memref_slice %arg7[%add3A, %dma_start3A] : memref<10240x128xf32, #tpu.memory_space<vmem_shared>> -> memref<128x128xf32, #tpu.memory_space<vmem_shared>>
        %dma_start3A_22 = arith.constant 0 : i32
        %dma_start3A_23 = tpu.memref_slice %arg7[%add3A, %dma_start3A_22] : memref<10240x128xf32, #tpu.memory_space<vmem_shared>> -> memref<128x128xf32, #tpu.memory_space<vmem_shared>>
        tpu.enqueue_dma source(%arg8 : memref<128x128xf32, #tpu.memory_space<vmem>>) target(%dma_start3A_23 : memref<128x128xf32, #tpu.memory_space<vmem_shared>>) target_semaphore(%run_scoped3A : memref<!tpu.dma_semaphore, #tpu.memory_space<semaphore_mem>>)
        %dma_wait3A = arith.constant 0 : i32
        %dma_wait3A_24 = tpu.memref_slice %arg7[%add3A, %dma_wait3A] : memref<10240x128xf32, #tpu.memory_space<vmem_shared>> -> memref<128x128xf32, #tpu.memory_space<vmem_shared>>
        %dma_wait3A_25 = arith.constant 0 : i32
        %dma_wait3A_26 = tpu.memref_slice %arg7[%add3A, %dma_wait3A_25] : memref<10240x128xf32, #tpu.memory_space<vmem_shared>> -> memref<128x128xf32, #tpu.memory_space<vmem_shared>>
        tpu.wait_dma2 semaphore(%run_scoped3A : memref<!tpu.dma_semaphore, #tpu.memory_space<semaphore_mem>>) src(%arg8 : memref<128x128xf32, #tpu.memory_space<vmem>>) dst(%dma_wait3A_26 : memref<128x128xf32, #tpu.memory_space<vmem_shared>>)
        tpu.yield
      }) : () -> ()
    }
    %scan3A_4 = arith.constant 5 : i32
    %barrier3A = arith.constant 0 : index
    tpu.barrier barrier_id(%barrier3A)
    %eq3A = arith.constant 0 : i32
    %eq3A_5 = arith.cmpi eq, %arg0, %eq3A : i32
    %convert_element_type3A = arith.extui %eq3A_5 : i1 to i32
    %cond3A = arith.constant 0 : i32
    %cond3A_6 = arith.cmpi ne, %convert_element_type3A, %cond3A : i32
    scf.if %cond3A_6 {
      %scan3A_16 = arith.constant 0 : i32
      %scan3A_17 = arith.constant 0 : i32
      %scan3A_18 = arith.constant 80 : i32
      %scan3A_19 = arith.addi %scan3A_17, %scan3A_18 : i32
      %scan3A_20 = arith.constant 1 : i32
      scf.for %scan3A_22 = %scan3A_17 to %scan3A_19 step %scan3A_20  : i32 {
        %mul3A_23 = arith.constant 10240 : i32
        %mul3A_24 = arith.muli %arg1, %mul3A_23 : i32
        %mul3A_25 = arith.constant 128 : i32
        %mul3A_26 = arith.muli %scan3A_22, %mul3A_25 : i32
        %add3A = arith.addi %mul3A_24, %mul3A_26 : i32
        "tpu.region"() ({
          %run_scoped3A = tpu.sem_alloc : memref<!tpu.dma_semaphore, #tpu.memory_space<semaphore_mem>>
          %dma_start3A = arith.constant 0 : i32
          %dma_start3A_27 = tpu.memref_slice %arg2[%add3A, %dma_start3A] : memref<163840x128xf32, #tpu.memory_space<hbm>> -> memref<128x128xf32, #tpu.memory_space<hbm>>
          %dma_start3A_28 = arith.constant 0 : i32
          %dma_start3A_29 = tpu.memref_slice %arg2[%add3A, %dma_start3A_28] : memref<163840x128xf32, #tpu.memory_space<hbm>> -> memref<128x128xf32, #tpu.memory_space<hbm>>
          tpu.enqueue_dma source(%dma_start3A_29 : memref<128x128xf32, #tpu.memory_space<hbm>>) target(%arg8 : memref<128x128xf32, #tpu.memory_space<vmem>>) target_semaphore(%run_scoped3A : memref<!tpu.dma_semaphore, #tpu.memory_space<semaphore_mem>>)
          %dma_wait3A = arith.constant 0 : i32
          %dma_wait3A_30 = tpu.memref_slice %arg2[%add3A, %dma_wait3A] : memref<163840x128xf32, #tpu.memory_space<hbm>> -> memref<128x128xf32, #tpu.memory_space<hbm>>
          %dma_wait3A_31 = arith.constant 0 : i32
          %dma_wait3A_32 = tpu.memref_slice %arg2[%add3A, %dma_wait3A_31] : memref<163840x128xf32, #tpu.memory_space<hbm>> -> memref<128x128xf32, #tpu.memory_space<hbm>>
          tpu.wait_dma2 semaphore(%run_scoped3A : memref<!tpu.dma_semaphore, #tpu.memory_space<semaphore_mem>>) src(%dma_wait3A_32 : memref<128x128xf32, #tpu.memory_space<hbm>>) dst(%arg8 : memref<128x128xf32, #tpu.memory_space<vmem>>)
          tpu.yield
        }) : () -> ()
        "tpu.region"() ({
          %run_scoped3A = tpu.sem_alloc : memref<!tpu.dma_semaphore, #tpu.memory_space<semaphore_mem>>
          %dma_start3A = tpu.memref_slice %arg3[%add3A] : memref<163840xi32, #tpu.memory_space<hbm>> -> memref<128xi32, #tpu.memory_space<hbm>>
          %dma_start3A_27 = tpu.memref_slice %arg3[%add3A] : memref<163840xi32, #tpu.memory_space<hbm>> -> memref<128xi32, #tpu.memory_space<hbm>>
          tpu.enqueue_dma source(%dma_start3A_27 : memref<128xi32, #tpu.memory_space<hbm>>) target(%arg9 : memref<128xi32, #tpu.memory_space<vmem>>) target_semaphore(%run_scoped3A : memref<!tpu.dma_semaphore, #tpu.memory_space<semaphore_mem>>)
          %dma_wait3A = tpu.memref_slice %arg3[%add3A] : memref<163840xi32, #tpu.memory_space<hbm>> -> memref<128xi32, #tpu.memory_space<hbm>>
          %dma_wait3A_28 = tpu.memref_slice %arg3[%add3A] : memref<163840xi32, #tpu.memory_space<hbm>> -> memref<128xi32, #tpu.memory_space<hbm>>
          tpu.wait_dma2 semaphore(%run_scoped3A : memref<!tpu.dma_semaphore, #tpu.memory_space<semaphore_mem>>) src(%dma_wait3A_28 : memref<128xi32, #tpu.memory_space<hbm>>) dst(%arg9 : memref<128xi32, #tpu.memory_space<vmem>>)
          tpu.yield
        }) : () -> ()
        "tpu.region"() ({
          %run_scoped3A = tpu.sem_alloc : memref<!tpu.dma_semaphore, #tpu.memory_space<semaphore_mem>>
          %dma_start3A = arith.constant 0 : i32
          %dma_start3A_27 = arith.constant 0 : i32
          %dma_start3A_28 = tpu.memref_slice %arg7[%dma_start3A, %dma_start3A_27] : memref<10240x128xf32, #tpu.memory_space<vmem_shared>> -> memref<10240x128xf32, #tpu.memory_space<vmem_shared>>
          tpu.enqueue_indirect_dma source(%arg8 : memref<128x128xf32, #tpu.memory_space<vmem>>) target(%dma_start3A_28 : memref<10240x128xf32, #tpu.memory_space<vmem_shared>>) offsets(%arg9 : memref<128xi32, #tpu.memory_space<vmem>>) semaphore(%run_scoped3A : memref<!tpu.dma_semaphore, #tpu.memory_space<semaphore_mem>>) {add = true}
          %dma_wait3A = arith.constant 0 : i32
          %dma_wait3A_29 = arith.constant 0 : i32
          %dma_wait3A_30 = tpu.memref_slice %arg7[%dma_wait3A, %dma_wait3A_29] : memref<10240x128xf32, #tpu.memory_space<vmem_shared>> -> memref<10240x128xf32, #tpu.memory_space<vmem_shared>>
          tpu.wait_indirect_dma semaphore(%run_scoped3A : memref<!tpu.dma_semaphore, #tpu.memory_space<semaphore_mem>>) src(%arg8 : memref<128x128xf32, #tpu.memory_space<vmem>>) dst(%dma_wait3A_30 : memref<10240x128xf32, #tpu.memory_space<vmem_shared>>)
          tpu.yield
        }) : () -> ()
      }
      %scan3A_21 = arith.constant 80 : i32
    } else {
    }
    %eq3A_7 = arith.constant 1 : i32
    %eq3A_8 = arith.cmpi eq, %arg0, %eq3A_7 : i32
    %convert_element_type3A_9 = arith.extui %eq3A_8 : i1 to i32
    %cond3A_10 = arith.constant 0 : i32
    %cond3A_11 = arith.cmpi ne, %convert_element_type3A_9, %cond3A_10 : i32
    scf.if %cond3A_11 {
      %scan3A_16 = arith.constant 0 : i32
      %scan3A_17 = arith.constant 0 : i32
      %scan3A_18 = arith.constant 80 : i32
      %scan3A_19 = arith.addi %scan3A_17, %scan3A_18 : i32
      %scan3A_20 = arith.constant 1 : i32
      scf.for %scan3A_22 = %scan3A_17 to %scan3A_19 step %scan3A_20  : i32 {
        %mul3A_23 = arith.constant 10240 : i32
        %mul3A_24 = arith.muli %arg1, %mul3A_23 : i32
        %mul3A_25 = arith.constant 128 : i32
        %mul3A_26 = arith.muli %scan3A_22, %mul3A_25 : i32
        %add3A = arith.addi %mul3A_24, %mul3A_26 : i32
        "tpu.region"() ({
          %run_scoped3A = tpu.sem_alloc : memref<!tpu.dma_semaphore, #tpu.memory_space<semaphore_mem>>
          %dma_start3A = arith.constant 0 : i32
          %dma_start3A_27 = tpu.memref_slice %arg2[%add3A, %dma_start3A] : memref<163840x128xf32, #tpu.memory_space<hbm>> -> memref<128x128xf32, #tpu.memory_space<hbm>>
          %dma_start3A_28 = arith.constant 0 : i32
          %dma_start3A_29 = tpu.memref_slice %arg2[%add3A, %dma_start3A_28] : memref<163840x128xf32, #tpu.memory_space<hbm>> -> memref<128x128xf32, #tpu.memory_space<hbm>>
          tpu.enqueue_dma source(%dma_start3A_29 : memref<128x128xf32, #tpu.memory_space<hbm>>) target(%arg8 : memref<128x128xf32, #tpu.memory_space<vmem>>) target_semaphore(%run_scoped3A : memref<!tpu.dma_semaphore, #tpu.memory_space<semaphore_mem>>)
          %dma_wait3A = arith.constant 0 : i32
          %dma_wait3A_30 = tpu.memref_slice %arg2[%add3A, %dma_wait3A] : memref<163840x128xf32, #tpu.memory_space<hbm>> -> memref<128x128xf32, #tpu.memory_space<hbm>>
          %dma_wait3A_31 = arith.constant 0 : i32
          %dma_wait3A_32 = tpu.memref_slice %arg2[%add3A, %dma_wait3A_31] : memref<163840x128xf32, #tpu.memory_space<hbm>> -> memref<128x128xf32, #tpu.memory_space<hbm>>
          tpu.wait_dma2 semaphore(%run_scoped3A : memref<!tpu.dma_semaphore, #tpu.memory_space<semaphore_mem>>) src(%dma_wait3A_32 : memref<128x128xf32, #tpu.memory_space<hbm>>) dst(%arg8 : memref<128x128xf32, #tpu.memory_space<vmem>>)
          tpu.yield
        }) : () -> ()
        "tpu.region"() ({
          %run_scoped3A = tpu.sem_alloc : memref<!tpu.dma_semaphore, #tpu.memory_space<semaphore_mem>>
          %dma_start3A = tpu.memref_slice %arg4[%add3A] : memref<163840xi32, #tpu.memory_space<hbm>> -> memref<128xi32, #tpu.memory_space<hbm>>
          %dma_start3A_27 = tpu.memref_slice %arg4[%add3A] : memref<163840xi32, #tpu.memory_space<hbm>> -> memref<128xi32, #tpu.memory_space<hbm>>
          tpu.enqueue_dma source(%dma_start3A_27 : memref<128xi32, #tpu.memory_space<hbm>>) target(%arg9 : memref<128xi32, #tpu.memory_space<vmem>>) target_semaphore(%run_scoped3A : memref<!tpu.dma_semaphore, #tpu.memory_space<semaphore_mem>>)
          %dma_wait3A = tpu.memref_slice %arg4[%add3A] : memref<163840xi32, #tpu.memory_space<hbm>> -> memref<128xi32, #tpu.memory_space<hbm>>
          %dma_wait3A_28 = tpu.memref_slice %arg4[%add3A] : memref<163840xi32, #tpu.memory_space<hbm>> -> memref<128xi32, #tpu.memory_space<hbm>>
          tpu.wait_dma2 semaphore(%run_scoped3A : memref<!tpu.dma_semaphore, #tpu.memory_space<semaphore_mem>>) src(%dma_wait3A_28 : memref<128xi32, #tpu.memory_space<hbm>>) dst(%arg9 : memref<128xi32, #tpu.memory_space<vmem>>)
          tpu.yield
        }) : () -> ()
        "tpu.region"() ({
          %run_scoped3A = tpu.sem_alloc : memref<!tpu.dma_semaphore, #tpu.memory_space<semaphore_mem>>
          %dma_start3A = arith.constant 0 : i32
          %dma_start3A_27 = arith.constant 0 : i32
          %dma_start3A_28 = tpu.memref_slice %arg7[%dma_start3A, %dma_start3A_27] : memref<10240x128xf32, #tpu.memory_space<vmem_shared>> -> memref<10240x128xf32, #tpu.memory_space<vmem_shared>>
          tpu.enqueue_indirect_dma source(%arg8 : memref<128x128xf32, #tpu.memory_space<vmem>>) target(%dma_start3A_28 : memref<10240x128xf32, #tpu.memory_space<vmem_shared>>) offsets(%arg9 : memref<128xi32, #tpu.memory_space<vmem>>) semaphore(%run_scoped3A : memref<!tpu.dma_semaphore, #tpu.memory_space<semaphore_mem>>) {add = true}
          %dma_wait3A = arith.constant 0 : i32
          %dma_wait3A_29 = arith.constant 0 : i32
          %dma_wait3A_30 = tpu.memref_slice %arg7[%dma_wait3A, %dma_wait3A_29] : memref<10240x128xf32, #tpu.memory_space<vmem_shared>> -> memref<10240x128xf32, #tpu.memory_space<vmem_shared>>
          tpu.wait_indirect_dma semaphore(%run_scoped3A : memref<!tpu.dma_semaphore, #tpu.memory_space<semaphore_mem>>) src(%arg8 : memref<128x128xf32, #tpu.memory_space<vmem>>) dst(%dma_wait3A_30 : memref<10240x128xf32, #tpu.memory_space<vmem_shared>>)
          tpu.yield
        }) : () -> ()
      }
      %scan3A_21 = arith.constant 80 : i32
    } else {
    }
    %barrier3A_12 = arith.constant 0 : index
    tpu.barrier barrier_id(%barrier3A_12)
    %mul3A = arith.constant 640 : i32
    %mul3A_13 = arith.muli %arg1, %mul3A : i32
    %mul3A_14 = arith.constant 640 : i32
    %mul3A_15 = arith.muli %arg1, %mul3A_14 : i32
    "tpu.region"() ({
      %run_scoped3A = tpu.sem_alloc : memref<!tpu.dma_semaphore, #tpu.memory_space<semaphore_mem>>
      %dma_start3A = arith.constant 0 : i32
      %dma_start3A_16 = tpu.memref_slice %arg6[%arg0, %mul3A_15, %dma_start3A] : memref<2x10240x128xf32, #tpu.memory_space<hbm>> -> memref<1x640x128xf32, #tpu.memory_space<hbm>>
      %dma_start3A_17 = tpu.memref_squeeze %dma_start3A_16 : memref<1x640x128xf32, #tpu.memory_space<hbm>> -> memref<640x128xf32, #tpu.memory_space<hbm>>
      %dma_start3A_18 = arith.constant 0 : i32
      %dma_start3A_19 = tpu.memref_slice %arg7[%mul3A_13, %dma_start3A_18] : memref<10240x128xf32, #tpu.memory_space<vmem_shared>> -> memref<640x128xf32, #tpu.memory_space<vmem_shared>>
      tpu.enqueue_dma source(%dma_start3A_19 : memref<640x128xf32, #tpu.memory_space<vmem_shared>>) target(%dma_start3A_17 : memref<640x128xf32, #tpu.memory_space<hbm>>) target_semaphore(%run_scoped3A : memref<!tpu.dma_semaphore, #tpu.memory_space<semaphore_mem>>)
      %dma_wait3A = arith.constant 0 : i32
      %dma_wait3A_20 = tpu.memref_slice %arg6[%arg0, %mul3A_15, %dma_wait3A] : memref<2x10240x128xf32, #tpu.memory_space<hbm>> -> memref<1x640x128xf32, #tpu.memory_space<hbm>>
      %dma_wait3A_21 = tpu.memref_squeeze %dma_wait3A_20 : memref<1x640x128xf32, #tpu.memory_space<hbm>> -> memref<640x128xf32, #tpu.memory_space<hbm>>
      %dma_wait3A_22 = arith.constant 0 : i32
      %dma_wait3A_23 = tpu.memref_slice %arg7[%mul3A_13, %dma_wait3A_22] : memref<10240x128xf32, #tpu.memory_space<vmem_shared>> -> memref<640x128xf32, #tpu.memory_space<vmem_shared>>
      tpu.wait_dma2 semaphore(%run_scoped3A : memref<!tpu.dma_semaphore, #tpu.memory_space<semaphore_mem>>) src(%dma_wait3A_23 : memref<640x128xf32, #tpu.memory_space<vmem_shared>>) dst(%dma_wait3A_21 : memref<640x128xf32, #tpu.memory_space<hbm>>)
      tpu.yield
    }) : () -> ()
    return
  }
}

#map = affine_map<(d0, d1) -> (0)>
#map1 = affine_map<(d0, d1) -> (0, 0)>
module attributes {stable_mosaic.version = 14 : i64} {
  func.func @_sc_gather(%arg0: i32, %arg1: i32, %arg2: memref<163840xi32, #tpu.memory_space<hbm>>, %arg3: memref<163840xi32, #tpu.memory_space<hbm>>, %arg4: memref<163840xi32, #tpu.memory_space<hbm>>, %arg5: memref<10000x128xf32, #tpu.memory_space<hbm>>, %arg6: memref<10240x128xf32, #tpu.memory_space<hbm>>, %arg7: memref<163840x128xf32, #tpu.memory_space<hbm>>, %arg8: memref<163840x128xf32, #tpu.memory_space<hbm>>, %arg9: memref<128xi32, #tpu.memory_space<vmem>>, %arg10: memref<128xi32, #tpu.memory_space<vmem>>, %arg11: memref<128xi32, #tpu.memory_space<vmem>>, %arg12: memref<128x128xf32, #tpu.memory_space<vmem>>, %arg13: memref<128x128xf32, #tpu.memory_space<vmem>>, %arg14: memref<128x128xf32, #tpu.memory_space<vmem>>, %arg15: memref<128x128xf32, #tpu.memory_space<vmem>>, %arg16: memref<!tpu.dma_semaphore, #tpu.memory_space<semaphore_mem>>, %arg17: memref<!tpu.dma_semaphore, #tpu.memory_space<semaphore_mem>>, %arg18: memref<!tpu.dma_semaphore, #tpu.memory_space<semaphore_mem>>) attributes {dimension_semantics = [#tpu.dimension_semantics<core_parallel>, #tpu.dimension_semantics<subcore_parallel>], iteration_bounds = array<i64: 2, 16>, scalar_prefetch = 0 : i64, scratch_operands = 10 : i64, tpu.core_type = #tpu.core_type<sc_vector_subcore>, window_params = [{transform_indices = #map}, {transform_indices = #map}, {transform_indices = #map}, {transform_indices = #map1}, {transform_indices = #map1}, {transform_indices = #map1}, {transform_indices = #map1}]} {
    %mul3A = arith.constant 2 : i32
    %mul3A_0 = arith.muli %arg1, %mul3A : i32
    %add3A = arith.addi %mul3A_0, %arg0 : i32
    %scan3A = arith.constant 0 : i32
    %scan3A_1 = arith.constant 0 : i32
    %scan3A_2 = arith.constant 40 : i32
    %scan3A_3 = arith.addi %scan3A_1, %scan3A_2 : i32
    %scan3A_4 = arith.constant 1 : i32
    scf.for %scan3A_6 = %scan3A_1 to %scan3A_3 step %scan3A_4  : i32 {
      %mul3A_7 = arith.constant 5120 : i32
      %mul3A_8 = arith.muli %add3A, %mul3A_7 : i32
      %mul3A_9 = arith.constant 128 : i32
      %mul3A_10 = arith.muli %scan3A_6, %mul3A_9 : i32
      %add3A_11 = arith.addi %mul3A_8, %mul3A_10 : i32
      "tpu.region"() ({
        %run_scoped3A = tpu.sem_alloc : memref<!tpu.dma_semaphore, #tpu.memory_space<semaphore_mem>>
        %dma_start3A_34 = tpu.memref_slice %arg2[%add3A_11] : memref<163840xi32, #tpu.memory_space<hbm>> -> memref<128xi32, #tpu.memory_space<hbm>>
        %dma_start3A_35 = tpu.memref_slice %arg2[%add3A_11] : memref<163840xi32, #tpu.memory_space<hbm>> -> memref<128xi32, #tpu.memory_space<hbm>>
        tpu.enqueue_dma source(%dma_start3A_35 : memref<128xi32, #tpu.memory_space<hbm>>) target(%arg9 : memref<128xi32, #tpu.memory_space<vmem>>) target_semaphore(%run_scoped3A : memref<!tpu.dma_semaphore, #tpu.memory_space<semaphore_mem>>)
        %dma_wait3A_36 = tpu.memref_slice %arg2[%add3A_11] : memref<163840xi32, #tpu.memory_space<hbm>> -> memref<128xi32, #tpu.memory_space<hbm>>
        %dma_wait3A_37 = tpu.memref_slice %arg2[%add3A_11] : memref<163840xi32, #tpu.memory_space<hbm>> -> memref<128xi32, #tpu.memory_space<hbm>>
        tpu.wait_dma2 semaphore(%run_scoped3A : memref<!tpu.dma_semaphore, #tpu.memory_space<semaphore_mem>>) src(%dma_wait3A_37 : memref<128xi32, #tpu.memory_space<hbm>>) dst(%arg9 : memref<128xi32, #tpu.memory_space<vmem>>)
        tpu.yield
      }) : () -> ()
      "tpu.region"() ({
        %run_scoped3A = tpu.sem_alloc : memref<!tpu.dma_semaphore, #tpu.memory_space<semaphore_mem>>
        %dma_start3A_34 = tpu.memref_slice %arg3[%add3A_11] : memref<163840xi32, #tpu.memory_space<hbm>> -> memref<128xi32, #tpu.memory_space<hbm>>
        %dma_start3A_35 = tpu.memref_slice %arg3[%add3A_11] : memref<163840xi32, #tpu.memory_space<hbm>> -> memref<128xi32, #tpu.memory_space<hbm>>
        tpu.enqueue_dma source(%dma_start3A_35 : memref<128xi32, #tpu.memory_space<hbm>>) target(%arg10 : memref<128xi32, #tpu.memory_space<vmem>>) target_semaphore(%run_scoped3A : memref<!tpu.dma_semaphore, #tpu.memory_space<semaphore_mem>>)
        %dma_wait3A_36 = tpu.memref_slice %arg3[%add3A_11] : memref<163840xi32, #tpu.memory_space<hbm>> -> memref<128xi32, #tpu.memory_space<hbm>>
        %dma_wait3A_37 = tpu.memref_slice %arg3[%add3A_11] : memref<163840xi32, #tpu.memory_space<hbm>> -> memref<128xi32, #tpu.memory_space<hbm>>
        tpu.wait_dma2 semaphore(%run_scoped3A : memref<!tpu.dma_semaphore, #tpu.memory_space<semaphore_mem>>) src(%dma_wait3A_37 : memref<128xi32, #tpu.memory_space<hbm>>) dst(%arg10 : memref<128xi32, #tpu.memory_space<vmem>>)
        tpu.yield
      }) : () -> ()
      "tpu.region"() ({
        %run_scoped3A = tpu.sem_alloc : memref<!tpu.dma_semaphore, #tpu.memory_space<semaphore_mem>>
        %dma_start3A_34 = tpu.memref_slice %arg4[%add3A_11] : memref<163840xi32, #tpu.memory_space<hbm>> -> memref<128xi32, #tpu.memory_space<hbm>>
        %dma_start3A_35 = tpu.memref_slice %arg4[%add3A_11] : memref<163840xi32, #tpu.memory_space<hbm>> -> memref<128xi32, #tpu.memory_space<hbm>>
        tpu.enqueue_dma source(%dma_start3A_35 : memref<128xi32, #tpu.memory_space<hbm>>) target(%arg11 : memref<128xi32, #tpu.memory_space<vmem>>) target_semaphore(%run_scoped3A : memref<!tpu.dma_semaphore, #tpu.memory_space<semaphore_mem>>)
        %dma_wait3A_36 = tpu.memref_slice %arg4[%add3A_11] : memref<163840xi32, #tpu.memory_space<hbm>> -> memref<128xi32, #tpu.memory_space<hbm>>
        %dma_wait3A_37 = tpu.memref_slice %arg4[%add3A_11] : memref<163840xi32, #tpu.memory_space<hbm>> -> memref<128xi32, #tpu.memory_space<hbm>>
        tpu.wait_dma2 semaphore(%run_scoped3A : memref<!tpu.dma_semaphore, #tpu.memory_space<semaphore_mem>>) src(%dma_wait3A_37 : memref<128xi32, #tpu.memory_space<hbm>>) dst(%arg11 : memref<128xi32, #tpu.memory_space<vmem>>)
        tpu.yield
      }) : () -> ()
      %dma_start3A = arith.constant 0 : i32
      %dma_start3A_12 = arith.constant 0 : i32
      %dma_start3A_13 = tpu.memref_slice %arg5[%dma_start3A, %dma_start3A_12] : memref<10000x128xf32, #tpu.memory_space<hbm>> -> memref<10000x128xf32, #tpu.memory_space<hbm>>
      tpu.enqueue_indirect_dma source(%dma_start3A_13 : memref<10000x128xf32, #tpu.memory_space<hbm>>) target(%arg12 : memref<128x128xf32, #tpu.memory_space<vmem>>) offsets(%arg9 : memref<128xi32, #tpu.memory_space<vmem>>) semaphore(%arg16 : memref<!tpu.dma_semaphore, #tpu.memory_space<semaphore_mem>>)
      %dma_start3A_14 = arith.constant 0 : i32
      %dma_start3A_15 = arith.constant 0 : i32
      %dma_start3A_16 = tpu.memref_slice %arg6[%dma_start3A_14, %dma_start3A_15] : memref<10240x128xf32, #tpu.memory_space<hbm>> -> memref<10240x128xf32, #tpu.memory_space<hbm>>
      tpu.enqueue_indirect_dma source(%dma_start3A_16 : memref<10240x128xf32, #tpu.memory_space<hbm>>) target(%arg13 : memref<128x128xf32, #tpu.memory_space<vmem>>) offsets(%arg10 : memref<128xi32, #tpu.memory_space<vmem>>) semaphore(%arg17 : memref<!tpu.dma_semaphore, #tpu.memory_space<semaphore_mem>>)
      %dma_start3A_17 = arith.constant 0 : i32
      %dma_start3A_18 = arith.constant 0 : i32
      %dma_start3A_19 = tpu.memref_slice %arg7[%dma_start3A_17, %dma_start3A_18] : memref<163840x128xf32, #tpu.memory_space<hbm>> -> memref<163840x128xf32, #tpu.memory_space<hbm>>
      tpu.enqueue_indirect_dma source(%dma_start3A_19 : memref<163840x128xf32, #tpu.memory_space<hbm>>) target(%arg14 : memref<128x128xf32, #tpu.memory_space<vmem>>) offsets(%arg11 : memref<128xi32, #tpu.memory_space<vmem>>) semaphore(%arg18 : memref<!tpu.dma_semaphore, #tpu.memory_space<semaphore_mem>>)
      %dma_wait3A = arith.constant 0 : i32
      %dma_wait3A_20 = arith.constant 0 : i32
      %dma_wait3A_21 = tpu.memref_slice %arg5[%dma_wait3A, %dma_wait3A_20] : memref<10000x128xf32, #tpu.memory_space<hbm>> -> memref<10000x128xf32, #tpu.memory_space<hbm>>
      tpu.wait_indirect_dma semaphore(%arg16 : memref<!tpu.dma_semaphore, #tpu.memory_space<semaphore_mem>>) src(%dma_wait3A_21 : memref<10000x128xf32, #tpu.memory_space<hbm>>) dst(%arg12 : memref<128x128xf32, #tpu.memory_space<vmem>>)
      %dma_wait3A_22 = arith.constant 0 : i32
      %dma_wait3A_23 = arith.constant 0 : i32
      %dma_wait3A_24 = tpu.memref_slice %arg6[%dma_wait3A_22, %dma_wait3A_23] : memref<10240x128xf32, #tpu.memory_space<hbm>> -> memref<10240x128xf32, #tpu.memory_space<hbm>>
      tpu.wait_indirect_dma semaphore(%arg17 : memref<!tpu.dma_semaphore, #tpu.memory_space<semaphore_mem>>) src(%dma_wait3A_24 : memref<10240x128xf32, #tpu.memory_space<hbm>>) dst(%arg13 : memref<128x128xf32, #tpu.memory_space<vmem>>)
      %dma_wait3A_25 = arith.constant 0 : i32
      %dma_wait3A_26 = arith.constant 0 : i32
      %dma_wait3A_27 = tpu.memref_slice %arg7[%dma_wait3A_25, %dma_wait3A_26] : memref<163840x128xf32, #tpu.memory_space<hbm>> -> memref<163840x128xf32, #tpu.memory_space<hbm>>
      tpu.wait_indirect_dma semaphore(%arg18 : memref<!tpu.dma_semaphore, #tpu.memory_space<semaphore_mem>>) src(%dma_wait3A_27 : memref<163840x128xf32, #tpu.memory_space<hbm>>) dst(%arg14 : memref<128x128xf32, #tpu.memory_space<vmem>>)
      %scan3A_28 = arith.constant 0 : i32
      %scan3A_29 = arith.constant 0 : i32
      %scan3A_30 = arith.constant 128 : i32
      %scan3A_31 = arith.addi %scan3A_29, %scan3A_30 : i32
      %scan3A_32 = arith.constant 1 : i32
      scf.for %scan3A_34 = %scan3A_29 to %scan3A_31 step %scan3A_32  : i32 {
        %get3A = arith.index_cast %scan3A_34 : i32 to index
        %get3A_35 = arith.constant 0 : index
        %get3A_36 = tpu.vector_load %arg13[%get3A, %get3A_35] {strides = array<i32>} : memref<128x128xf32, #tpu.memory_space<vmem>>, vector<1x16xf32>,
        %get3A_37 = vector.shape_cast %get3A_36 : vector<1x16xf32> to vector<16xf32>
        %get3A_38 = arith.index_cast %scan3A_34 : i32 to index
        %get3A_39 = arith.constant 0 : index
        %get3A_40 = tpu.vector_load %arg14[%get3A_38, %get3A_39] {strides = array<i32>} : memref<128x128xf32, #tpu.memory_space<vmem>>, vector<1x16xf32>,
        %get3A_41 = vector.shape_cast %get3A_40 : vector<1x16xf32> to vector<16xf32>
        %sub3A = arith.subf %get3A_37, %get3A_41 : vector<16xf32>
        %swap3A = arith.index_cast %scan3A_34 : i32 to index
        %swap3A_42 = arith.constant 0 : index
        %swap3A_43 = tpu.vector_load %arg15[%swap3A, %swap3A_42] {strides = array<i32>} : memref<128x128xf32, #tpu.memory_space<vmem>>, vector<1x16xf32>,
        %swap3A_44 = vector.shape_cast %swap3A_43 : vector<1x16xf32> to vector<16xf32>
        %swap3A_45 = vector.shape_cast %sub3A : vector<16xf32> to vector<1x16xf32>
        tpu.vector_store %arg15[%swap3A, %swap3A_42], %swap3A_45 {strides = array<i32>} : memref<128x128xf32, #tpu.memory_space<vmem>>, vector<1x16xf32>,
        %get3A_46 = arith.index_cast %scan3A_34 : i32 to index
        %get3A_47 = arith.constant 0 : index
        %get3A_48 = tpu.vector_load %arg12[%get3A_46, %get3A_47] {strides = array<i32>} : memref<128x128xf32, #tpu.memory_space<vmem>>, vector<1x16xf32>,
        %get3A_49 = vector.shape_cast %get3A_48 : vector<1x16xf32> to vector<16xf32>
        %swap3A_50 = arith.index_cast %scan3A_34 : i32 to index
        %swap3A_51 = arith.constant 64 : index
        %swap3A_52 = tpu.vector_load %arg15[%swap3A_50, %swap3A_51] {strides = array<i32>} : memref<128x128xf32, #tpu.memory_space<vmem>>, vector<1x16xf32>,
        %swap3A_53 = vector.shape_cast %swap3A_52 : vector<1x16xf32> to vector<16xf32>
        %swap3A_54 = vector.shape_cast %get3A_49 : vector<16xf32> to vector<1x16xf32>
        tpu.vector_store %arg15[%swap3A_50, %swap3A_51], %swap3A_54 {strides = array<i32>} : memref<128x128xf32, #tpu.memory_space<vmem>>, vector<1x16xf32>,
        %get3A_55 = arith.index_cast %scan3A_34 : i32 to index
        %get3A_56 = arith.constant 16 : index
        %get3A_57 = tpu.vector_load %arg13[%get3A_55, %get3A_56] {strides = array<i32>} : memref<128x128xf32, #tpu.memory_space<vmem>>, vector<1x16xf32>,
        %get3A_58 = vector.shape_cast %get3A_57 : vector<1x16xf32> to vector<16xf32>
        %get3A_59 = arith.index_cast %scan3A_34 : i32 to index
        %get3A_60 = arith.constant 16 : index
        %get3A_61 = tpu.vector_load %arg14[%get3A_59, %get3A_60] {strides = array<i32>} : memref<128x128xf32, #tpu.memory_space<vmem>>, vector<1x16xf32>,
        %get3A_62 = vector.shape_cast %get3A_61 : vector<1x16xf32> to vector<16xf32>
        %sub3A_63 = arith.subf %get3A_58, %get3A_62 : vector<16xf32>
        %swap3A_64 = arith.index_cast %scan3A_34 : i32 to index
        %swap3A_65 = arith.constant 16 : index
        %swap3A_66 = tpu.vector_load %arg15[%swap3A_64, %swap3A_65] {strides = array<i32>} : memref<128x128xf32, #tpu.memory_space<vmem>>, vector<1x16xf32>,
        %swap3A_67 = vector.shape_cast %swap3A_66 : vector<1x16xf32> to vector<16xf32>
        %swap3A_68 = vector.shape_cast %sub3A_63 : vector<16xf32> to vector<1x16xf32>
        tpu.vector_store %arg15[%swap3A_64, %swap3A_65], %swap3A_68 {strides = array<i32>} : memref<128x128xf32, #tpu.memory_space<vmem>>, vector<1x16xf32>,
        %get3A_69 = arith.index_cast %scan3A_34 : i32 to index
        %get3A_70 = arith.constant 16 : index
        %get3A_71 = tpu.vector_load %arg12[%get3A_69, %get3A_70] {strides = array<i32>} : memref<128x128xf32, #tpu.memory_space<vmem>>, vector<1x16xf32>,
        %get3A_72 = vector.shape_cast %get3A_71 : vector<1x16xf32> to vector<16xf32>
        %swap3A_73 = arith.index_cast %scan3A_34 : i32 to index
        %swap3A_74 = arith.constant 80 : index
        %swap3A_75 = tpu.vector_load %arg15[%swap3A_73, %swap3A_74] {strides = array<i32>} : memref<128x128xf32, #tpu.memory_space<vmem>>, vector<1x16xf32>,
        %swap3A_76 = vector.shape_cast %swap3A_75 : vector<1x16xf32> to vector<16xf32>
        %swap3A_77 = vector.shape_cast %get3A_72 : vector<16xf32> to vector<1x16xf32>
        tpu.vector_store %arg15[%swap3A_73, %swap3A_74], %swap3A_77 {strides = array<i32>} : memref<128x128xf32, #tpu.memory_space<vmem>>, vector<1x16xf32>,
        %get3A_78 = arith.index_cast %scan3A_34 : i32 to index
        %get3A_79 = arith.constant 32 : index
        %get3A_80 = tpu.vector_load %arg13[%get3A_78, %get3A_79] {strides = array<i32>} : memref<128x128xf32, #tpu.memory_space<vmem>>, vector<1x16xf32>,
        %get3A_81 = vector.shape_cast %get3A_80 : vector<1x16xf32> to vector<16xf32>
        %get3A_82 = arith.index_cast %scan3A_34 : i32 to index
        %get3A_83 = arith.constant 32 : index
        %get3A_84 = tpu.vector_load %arg14[%get3A_82, %get3A_83] {strides = array<i32>} : memref<128x128xf32, #tpu.memory_space<vmem>>, vector<1x16xf32>,
        %get3A_85 = vector.shape_cast %get3A_84 : vector<1x16xf32> to vector<16xf32>
        %sub3A_86 = arith.subf %get3A_81, %get3A_85 : vector<16xf32>
        %swap3A_87 = arith.index_cast %scan3A_34 : i32 to index
        %swap3A_88 = arith.constant 32 : index
        %swap3A_89 = tpu.vector_load %arg15[%swap3A_87, %swap3A_88] {strides = array<i32>} : memref<128x128xf32, #tpu.memory_space<vmem>>, vector<1x16xf32>,
        %swap3A_90 = vector.shape_cast %swap3A_89 : vector<1x16xf32> to vector<16xf32>
        %swap3A_91 = vector.shape_cast %sub3A_86 : vector<16xf32> to vector<1x16xf32>
        tpu.vector_store %arg15[%swap3A_87, %swap3A_88], %swap3A_91 {strides = array<i32>} : memref<128x128xf32, #tpu.memory_space<vmem>>, vector<1x16xf32>,
        %get3A_92 = arith.index_cast %scan3A_34 : i32 to index
        %get3A_93 = arith.constant 32 : index
        %get3A_94 = tpu.vector_load %arg12[%get3A_92, %get3A_93] {strides = array<i32>} : memref<128x128xf32, #tpu.memory_space<vmem>>, vector<1x16xf32>,
        %get3A_95 = vector.shape_cast %get3A_94 : vector<1x16xf32> to vector<16xf32>
        %swap3A_96 = arith.index_cast %scan3A_34 : i32 to index
        %swap3A_97 = arith.constant 96 : index
        %swap3A_98 = tpu.vector_load %arg15[%swap3A_96, %swap3A_97] {strides = array<i32>} : memref<128x128xf32, #tpu.memory_space<vmem>>, vector<1x16xf32>,
        %swap3A_99 = vector.shape_cast %swap3A_98 : vector<1x16xf32> to vector<16xf32>
        %swap3A_100 = vector.shape_cast %get3A_95 : vector<16xf32> to vector<1x16xf32>
        tpu.vector_store %arg15[%swap3A_96, %swap3A_97], %swap3A_100 {strides = array<i32>} : memref<128x128xf32, #tpu.memory_space<vmem>>, vector<1x16xf32>,
        %get3A_101 = arith.index_cast %scan3A_34 : i32 to index
        %get3A_102 = arith.constant 48 : index
        %get3A_103 = tpu.vector_load %arg13[%get3A_101, %get3A_102] {strides = array<i32>} : memref<128x128xf32, #tpu.memory_space<vmem>>, vector<1x16xf32>,
        %get3A_104 = vector.shape_cast %get3A_103 : vector<1x16xf32> to vector<16xf32>
        %get3A_105 = arith.index_cast %scan3A_34 : i32 to index
        %get3A_106 = arith.constant 48 : index
        %get3A_107 = tpu.vector_load %arg14[%get3A_105, %get3A_106] {strides = array<i32>} : memref<128x128xf32, #tpu.memory_space<vmem>>, vector<1x16xf32>,
        %get3A_108 = vector.shape_cast %get3A_107 : vector<1x16xf32> to vector<16xf32>
        %sub3A_109 = arith.subf %get3A_104, %get3A_108 : vector<16xf32>
        %swap3A_110 = arith.index_cast %scan3A_34 : i32 to index
        %swap3A_111 = arith.constant 48 : index
        %swap3A_112 = tpu.vector_load %arg15[%swap3A_110, %swap3A_111] {strides = array<i32>} : memref<128x128xf32, #tpu.memory_space<vmem>>, vector<1x16xf32>,
        %swap3A_113 = vector.shape_cast %swap3A_112 : vector<1x16xf32> to vector<16xf32>
        %swap3A_114 = vector.shape_cast %sub3A_109 : vector<16xf32> to vector<1x16xf32>
        tpu.vector_store %arg15[%swap3A_110, %swap3A_111], %swap3A_114 {strides = array<i32>} : memref<128x128xf32, #tpu.memory_space<vmem>>, vector<1x16xf32>,
        %get3A_115 = arith.index_cast %scan3A_34 : i32 to index
        %get3A_116 = arith.constant 48 : index
        %get3A_117 = tpu.vector_load %arg12[%get3A_115, %get3A_116] {strides = array<i32>} : memref<128x128xf32, #tpu.memory_space<vmem>>, vector<1x16xf32>,
        %get3A_118 = vector.shape_cast %get3A_117 : vector<1x16xf32> to vector<16xf32>
        %swap3A_119 = arith.index_cast %scan3A_34 : i32 to index
        %swap3A_120 = arith.constant 112 : index
        %swap3A_121 = tpu.vector_load %arg15[%swap3A_119, %swap3A_120] {strides = array<i32>} : memref<128x128xf32, #tpu.memory_space<vmem>>, vector<1x16xf32>,
        %swap3A_122 = vector.shape_cast %swap3A_121 : vector<1x16xf32> to vector<16xf32>
        %swap3A_123 = vector.shape_cast %get3A_118 : vector<16xf32> to vector<1x16xf32>
        tpu.vector_store %arg15[%swap3A_119, %swap3A_120], %swap3A_123 {strides = array<i32>} : memref<128x128xf32, #tpu.memory_space<vmem>>, vector<1x16xf32>,
      }
      %scan3A_33 = arith.constant 128 : i32
      "tpu.region"() ({
        %run_scoped3A = tpu.sem_alloc : memref<!tpu.dma_semaphore, #tpu.memory_space<semaphore_mem>>
        %dma_start3A_34 = arith.constant 0 : i32
        %dma_start3A_35 = tpu.memref_slice %arg8[%add3A_11, %dma_start3A_34] : memref<163840x128xf32, #tpu.memory_space<hbm>> -> memref<128x128xf32, #tpu.memory_space<hbm>>
        %dma_start3A_36 = arith.constant 0 : i32
        %dma_start3A_37 = tpu.memref_slice %arg8[%add3A_11, %dma_start3A_36] : memref<163840x128xf32, #tpu.memory_space<hbm>> -> memref<128x128xf32, #tpu.memory_space<hbm>>
        tpu.enqueue_dma source(%arg15 : memref<128x128xf32, #tpu.memory_space<vmem>>) target(%dma_start3A_37 : memref<128x128xf32, #tpu.memory_space<hbm>>) target_semaphore(%run_scoped3A : memref<!tpu.dma_semaphore, #tpu.memory_space<semaphore_mem>>)
        %dma_wait3A_38 = arith.constant 0 : i32
        %dma_wait3A_39 = tpu.memref_slice %arg8[%add3A_11, %dma_wait3A_38] : memref<163840x128xf32, #tpu.memory_space<hbm>> -> memref<128x128xf32, #tpu.memory_space<hbm>>
        %dma_wait3A_40 = arith.constant 0 : i32
        %dma_wait3A_41 = tpu.memref_slice %arg8[%add3A_11, %dma_wait3A_40] : memref<163840x128xf32, #tpu.memory_space<hbm>> -> memref<128x128xf32, #tpu.memory_space<hbm>>
        tpu.wait_dma2 semaphore(%run_scoped3A : memref<!tpu.dma_semaphore, #tpu.memory_space<semaphore_mem>>) src(%arg15 : memref<128x128xf32, #tpu.memory_space<vmem>>) dst(%dma_wait3A_41 : memref<128x128xf32, #tpu.memory_space<hbm>>)
        tpu.yield
      }) : () -> ()
    }
    %scan3A_5 = arith.constant 40 : i32
    return
  }
}

#map = affine_map<(d0, d1) -> (0, 0)>
#map1 = affine_map<(d0, d1) -> (0)>
#map2 = affine_map<(d0, d1) -> (0, 0, 0)>
module attributes {stable_mosaic.version = 14 : i64} {
  func.func @_sc_scatter(%arg0: i32, %arg1: i32, %arg2: memref<163840x128xf32, #tpu.memory_space<hbm>>, %arg3: memref<163840xi32, #tpu.memory_space<hbm>>, %arg4: memref<163840xi32, #tpu.memory_space<hbm>>, %arg5: memref<128x128xf32, #tpu.memory_space<hbm>>, %arg6: memref<2x10240x128xf32, #tpu.memory_space<hbm>>, %arg7: memref<10240x128xf32, #tpu.memory_space<vmem_shared>>, %arg8: memref<128x128xf32, #tpu.memory_space<vmem>>, %arg9: memref<128xi32, #tpu.memory_space<vmem>>) attributes {dimension_semantics = [#tpu.dimension_semantics<core_parallel>, #tpu.dimension_semantics<subcore_parallel>], iteration_bounds = array<i64: 2, 16>, scalar_prefetch = 0 : i64, scratch_operands = 3 : i64, tpu.core_type = #tpu.core_type<sc_vector_subcore>, window_params = [{transform_indices = #map}, {transform_indices = #map1}, {transform_indices = #map1}, {transform_indices = #map}, {transform_indices = #map2}]} {
    "tpu.region"() ({
      %run_scoped3A = tpu.sem_alloc : memref<!tpu.dma_semaphore, #tpu.memory_space<semaphore_mem>>
      tpu.enqueue_dma source(%arg5 : memref<128x128xf32, #tpu.memory_space<hbm>>) target(%arg8 : memref<128x128xf32, #tpu.memory_space<vmem>>) target_semaphore(%run_scoped3A : memref<!tpu.dma_semaphore, #tpu.memory_space<semaphore_mem>>)
      tpu.wait_dma2 semaphore(%run_scoped3A : memref<!tpu.dma_semaphore, #tpu.memory_space<semaphore_mem>>) src(%arg5 : memref<128x128xf32, #tpu.memory_space<hbm>>) dst(%arg8 : memref<128x128xf32, #tpu.memory_space<vmem>>)
      tpu.yield
    }) : () -> ()
    %scan3A = arith.constant 0 : i32
    %scan3A_0 = arith.constant 0 : i32
    %scan3A_1 = arith.constant 5 : i32
    %scan3A_2 = arith.addi %scan3A_0, %scan3A_1 : i32
    %scan3A_3 = arith.constant 1 : i32
    scf.for %scan3A_16 = %scan3A_0 to %scan3A_2 step %scan3A_3  : i32 {
      %mul3A_17 = arith.constant 640 : i32
      %mul3A_18 = arith.muli %arg1, %mul3A_17 : i32
      %mul3A_19 = arith.constant 128 : i32
      %mul3A_20 = arith.muli %scan3A_16, %mul3A_19 : i32
      %add3A = arith.addi %mul3A_18, %mul3A_20 : i32
      "tpu.region"() ({
        %run_scoped3A = tpu.sem_alloc : memref<!tpu.dma_semaphore, #tpu.memory_space<semaphore_mem>>
        %dma_start3A = arith.constant 0 : i32
        %dma_start3A_21 = tpu.memref_slice %arg7[%add3A, %dma_start3A] : memref<10240x128xf32, #tpu.memory_space<vmem_shared>> -> memref<128x128xf32, #tpu.memory_space<vmem_shared>>
        %dma_start3A_22 = arith.constant 0 : i32
        %dma_start3A_23 = tpu.memref_slice %arg7[%add3A, %dma_start3A_22] : memref<10240x128xf32, #tpu.memory_space<vmem_shared>> -> memref<128x128xf32, #tpu.memory_space<vmem_shared>>
        tpu.enqueue_dma source(%arg8 : memref<128x128xf32, #tpu.memory_space<vmem>>) target(%dma_start3A_23 : memref<128x128xf32, #tpu.memory_space<vmem_shared>>) target_semaphore(%run_scoped3A : memref<!tpu.dma_semaphore, #tpu.memory_space<semaphore_mem>>)
        %dma_wait3A = arith.constant 0 : i32
        %dma_wait3A_24 = tpu.memref_slice %arg7[%add3A, %dma_wait3A] : memref<10240x128xf32, #tpu.memory_space<vmem_shared>> -> memref<128x128xf32, #tpu.memory_space<vmem_shared>>
        %dma_wait3A_25 = arith.constant 0 : i32
        %dma_wait3A_26 = tpu.memref_slice %arg7[%add3A, %dma_wait3A_25] : memref<10240x128xf32, #tpu.memory_space<vmem_shared>> -> memref<128x128xf32, #tpu.memory_space<vmem_shared>>
        tpu.wait_dma2 semaphore(%run_scoped3A : memref<!tpu.dma_semaphore, #tpu.memory_space<semaphore_mem>>) src(%arg8 : memref<128x128xf32, #tpu.memory_space<vmem>>) dst(%dma_wait3A_26 : memref<128x128xf32, #tpu.memory_space<vmem_shared>>)
        tpu.yield
      }) : () -> ()
    }
    %scan3A_4 = arith.constant 5 : i32
    %barrier3A = arith.constant 0 : index
    tpu.barrier barrier_id(%barrier3A)
    %eq3A = arith.constant 0 : i32
    %eq3A_5 = arith.cmpi eq, %arg0, %eq3A : i32
    %convert_element_type3A = arith.extui %eq3A_5 : i1 to i32
    %cond3A = arith.constant 0 : i32
    %cond3A_6 = arith.cmpi ne, %convert_element_type3A, %cond3A : i32
    scf.if %cond3A_6 {
      %scan3A_16 = arith.constant 0 : i32
      %scan3A_17 = arith.constant 0 : i32
      %scan3A_18 = arith.constant 80 : i32
      %scan3A_19 = arith.addi %scan3A_17, %scan3A_18 : i32
      %scan3A_20 = arith.constant 1 : i32
      scf.for %scan3A_22 = %scan3A_17 to %scan3A_19 step %scan3A_20  : i32 {
        %mul3A_23 = arith.constant 10240 : i32
        %mul3A_24 = arith.muli %arg1, %mul3A_23 : i32
        %mul3A_25 = arith.constant 128 : i32
        %mul3A_26 = arith.muli %scan3A_22, %mul3A_25 : i32
        %add3A = arith.addi %mul3A_24, %mul3A_26 : i32
        "tpu.region"() ({
          %run_scoped3A = tpu.sem_alloc : memref<!tpu.dma_semaphore, #tpu.memory_space<semaphore_mem>>
          %dma_start3A = arith.constant 0 : i32
          %dma_start3A_27 = tpu.memref_slice %arg2[%add3A, %dma_start3A] : memref<163840x128xf32, #tpu.memory_space<hbm>> -> memref<128x128xf32, #tpu.memory_space<hbm>>
          %dma_start3A_28 = arith.constant 0 : i32
          %dma_start3A_29 = tpu.memref_slice %arg2[%add3A, %dma_start3A_28] : memref<163840x128xf32, #tpu.memory_space<hbm>> -> memref<128x128xf32, #tpu.memory_space<hbm>>
          tpu.enqueue_dma source(%dma_start3A_29 : memref<128x128xf32, #tpu.memory_space<hbm>>) target(%arg8 : memref<128x128xf32, #tpu.memory_space<vmem>>) target_semaphore(%run_scoped3A : memref<!tpu.dma_semaphore, #tpu.memory_space<semaphore_mem>>)
          %dma_wait3A = arith.constant 0 : i32
          %dma_wait3A_30 = tpu.memref_slice %arg2[%add3A, %dma_wait3A] : memref<163840x128xf32, #tpu.memory_space<hbm>> -> memref<128x128xf32, #tpu.memory_space<hbm>>
          %dma_wait3A_31 = arith.constant 0 : i32
          %dma_wait3A_32 = tpu.memref_slice %arg2[%add3A, %dma_wait3A_31] : memref<163840x128xf32, #tpu.memory_space<hbm>> -> memref<128x128xf32, #tpu.memory_space<hbm>>
          tpu.wait_dma2 semaphore(%run_scoped3A : memref<!tpu.dma_semaphore, #tpu.memory_space<semaphore_mem>>) src(%dma_wait3A_32 : memref<128x128xf32, #tpu.memory_space<hbm>>) dst(%arg8 : memref<128x128xf32, #tpu.memory_space<vmem>>)
          tpu.yield
        }) : () -> ()
        "tpu.region"() ({
          %run_scoped3A = tpu.sem_alloc : memref<!tpu.dma_semaphore, #tpu.memory_space<semaphore_mem>>
          %dma_start3A = tpu.memref_slice %arg3[%add3A] : memref<163840xi32, #tpu.memory_space<hbm>> -> memref<128xi32, #tpu.memory_space<hbm>>
          %dma_start3A_27 = tpu.memref_slice %arg3[%add3A] : memref<163840xi32, #tpu.memory_space<hbm>> -> memref<128xi32, #tpu.memory_space<hbm>>
          tpu.enqueue_dma source(%dma_start3A_27 : memref<128xi32, #tpu.memory_space<hbm>>) target(%arg9 : memref<128xi32, #tpu.memory_space<vmem>>) target_semaphore(%run_scoped3A : memref<!tpu.dma_semaphore, #tpu.memory_space<semaphore_mem>>)
          %dma_wait3A = tpu.memref_slice %arg3[%add3A] : memref<163840xi32, #tpu.memory_space<hbm>> -> memref<128xi32, #tpu.memory_space<hbm>>
          %dma_wait3A_28 = tpu.memref_slice %arg3[%add3A] : memref<163840xi32, #tpu.memory_space<hbm>> -> memref<128xi32, #tpu.memory_space<hbm>>
          tpu.wait_dma2 semaphore(%run_scoped3A : memref<!tpu.dma_semaphore, #tpu.memory_space<semaphore_mem>>) src(%dma_wait3A_28 : memref<128xi32, #tpu.memory_space<hbm>>) dst(%arg9 : memref<128xi32, #tpu.memory_space<vmem>>)
          tpu.yield
        }) : () -> ()
        "tpu.region"() ({
          %run_scoped3A = tpu.sem_alloc : memref<!tpu.dma_semaphore, #tpu.memory_space<semaphore_mem>>
          %dma_start3A = arith.constant 0 : i32
          %dma_start3A_27 = arith.constant 0 : i32
          %dma_start3A_28 = tpu.memref_slice %arg7[%dma_start3A, %dma_start3A_27] : memref<10240x128xf32, #tpu.memory_space<vmem_shared>> -> memref<10240x128xf32, #tpu.memory_space<vmem_shared>>
          tpu.enqueue_indirect_dma source(%arg8 : memref<128x128xf32, #tpu.memory_space<vmem>>) target(%dma_start3A_28 : memref<10240x128xf32, #tpu.memory_space<vmem_shared>>) offsets(%arg9 : memref<128xi32, #tpu.memory_space<vmem>>) semaphore(%run_scoped3A : memref<!tpu.dma_semaphore, #tpu.memory_space<semaphore_mem>>) {add = true}
          %dma_wait3A = arith.constant 0 : i32
          %dma_wait3A_29 = arith.constant 0 : i32
          %dma_wait3A_30 = tpu.memref_slice %arg7[%dma_wait3A, %dma_wait3A_29] : memref<10240x128xf32, #tpu.memory_space<vmem_shared>> -> memref<10240x128xf32, #tpu.memory_space<vmem_shared>>
          tpu.wait_indirect_dma semaphore(%run_scoped3A : memref<!tpu.dma_semaphore, #tpu.memory_space<semaphore_mem>>) src(%arg8 : memref<128x128xf32, #tpu.memory_space<vmem>>) dst(%dma_wait3A_30 : memref<10240x128xf32, #tpu.memory_space<vmem_shared>>)
          tpu.yield
        }) : () -> ()
      }
      %scan3A_21 = arith.constant 80 : i32
    } else {
    }
    %eq3A_7 = arith.constant 1 : i32
    %eq3A_8 = arith.cmpi eq, %arg0, %eq3A_7 : i32
    %convert_element_type3A_9 = arith.extui %eq3A_8 : i1 to i32
    %cond3A_10 = arith.constant 0 : i32
    %cond3A_11 = arith.cmpi ne, %convert_element_type3A_9, %cond3A_10 : i32
    scf.if %cond3A_11 {
      %scan3A_16 = arith.constant 0 : i32
      %scan3A_17 = arith.constant 0 : i32
      %scan3A_18 = arith.constant 80 : i32
      %scan3A_19 = arith.addi %scan3A_17, %scan3A_18 : i32
      %scan3A_20 = arith.constant 1 : i32
      scf.for %scan3A_22 = %scan3A_17 to %scan3A_19 step %scan3A_20  : i32 {
        %mul3A_23 = arith.constant 10240 : i32
        %mul3A_24 = arith.muli %arg1, %mul3A_23 : i32
        %mul3A_25 = arith.constant 128 : i32
        %mul3A_26 = arith.muli %scan3A_22, %mul3A_25 : i32
        %add3A = arith.addi %mul3A_24, %mul3A_26 : i32
        "tpu.region"() ({
          %run_scoped3A = tpu.sem_alloc : memref<!tpu.dma_semaphore, #tpu.memory_space<semaphore_mem>>
          %dma_start3A = arith.constant 0 : i32
          %dma_start3A_27 = tpu.memref_slice %arg2[%add3A, %dma_start3A] : memref<163840x128xf32, #tpu.memory_space<hbm>> -> memref<128x128xf32, #tpu.memory_space<hbm>>
          %dma_start3A_28 = arith.constant 0 : i32
          %dma_start3A_29 = tpu.memref_slice %arg2[%add3A, %dma_start3A_28] : memref<163840x128xf32, #tpu.memory_space<hbm>> -> memref<128x128xf32, #tpu.memory_space<hbm>>
          tpu.enqueue_dma source(%dma_start3A_29 : memref<128x128xf32, #tpu.memory_space<hbm>>) target(%arg8 : memref<128x128xf32, #tpu.memory_space<vmem>>) target_semaphore(%run_scoped3A : memref<!tpu.dma_semaphore, #tpu.memory_space<semaphore_mem>>)
          %dma_wait3A = arith.constant 0 : i32
          %dma_wait3A_30 = tpu.memref_slice %arg2[%add3A, %dma_wait3A] : memref<163840x128xf32, #tpu.memory_space<hbm>> -> memref<128x128xf32, #tpu.memory_space<hbm>>
          %dma_wait3A_31 = arith.constant 0 : i32
          %dma_wait3A_32 = tpu.memref_slice %arg2[%add3A, %dma_wait3A_31] : memref<163840x128xf32, #tpu.memory_space<hbm>> -> memref<128x128xf32, #tpu.memory_space<hbm>>
          tpu.wait_dma2 semaphore(%run_scoped3A : memref<!tpu.dma_semaphore, #tpu.memory_space<semaphore_mem>>) src(%dma_wait3A_32 : memref<128x128xf32, #tpu.memory_space<hbm>>) dst(%arg8 : memref<128x128xf32, #tpu.memory_space<vmem>>)
          tpu.yield
        }) : () -> ()
        "tpu.region"() ({
          %run_scoped3A = tpu.sem_alloc : memref<!tpu.dma_semaphore, #tpu.memory_space<semaphore_mem>>
          %dma_start3A = tpu.memref_slice %arg4[%add3A] : memref<163840xi32, #tpu.memory_space<hbm>> -> memref<128xi32, #tpu.memory_space<hbm>>
          %dma_start3A_27 = tpu.memref_slice %arg4[%add3A] : memref<163840xi32, #tpu.memory_space<hbm>> -> memref<128xi32, #tpu.memory_space<hbm>>
          tpu.enqueue_dma source(%dma_start3A_27 : memref<128xi32, #tpu.memory_space<hbm>>) target(%arg9 : memref<128xi32, #tpu.memory_space<vmem>>) target_semaphore(%run_scoped3A : memref<!tpu.dma_semaphore, #tpu.memory_space<semaphore_mem>>)
          %dma_wait3A = tpu.memref_slice %arg4[%add3A] : memref<163840xi32, #tpu.memory_space<hbm>> -> memref<128xi32, #tpu.memory_space<hbm>>
          %dma_wait3A_28 = tpu.memref_slice %arg4[%add3A] : memref<163840xi32, #tpu.memory_space<hbm>> -> memref<128xi32, #tpu.memory_space<hbm>>
          tpu.wait_dma2 semaphore(%run_scoped3A : memref<!tpu.dma_semaphore, #tpu.memory_space<semaphore_mem>>) src(%dma_wait3A_28 : memref<128xi32, #tpu.memory_space<hbm>>) dst(%arg9 : memref<128xi32, #tpu.memory_space<vmem>>)
          tpu.yield
        }) : () -> ()
        "tpu.region"() ({
          %run_scoped3A = tpu.sem_alloc : memref<!tpu.dma_semaphore, #tpu.memory_space<semaphore_mem>>
          %dma_start3A = arith.constant 0 : i32
          %dma_start3A_27 = arith.constant 0 : i32
          %dma_start3A_28 = tpu.memref_slice %arg7[%dma_start3A, %dma_start3A_27] : memref<10240x128xf32, #tpu.memory_space<vmem_shared>> -> memref<10240x128xf32, #tpu.memory_space<vmem_shared>>
          tpu.enqueue_indirect_dma source(%arg8 : memref<128x128xf32, #tpu.memory_space<vmem>>) target(%dma_start3A_28 : memref<10240x128xf32, #tpu.memory_space<vmem_shared>>) offsets(%arg9 : memref<128xi32, #tpu.memory_space<vmem>>) semaphore(%run_scoped3A : memref<!tpu.dma_semaphore, #tpu.memory_space<semaphore_mem>>) {add = true}
          %dma_wait3A = arith.constant 0 : i32
          %dma_wait3A_29 = arith.constant 0 : i32
          %dma_wait3A_30 = tpu.memref_slice %arg7[%dma_wait3A, %dma_wait3A_29] : memref<10240x128xf32, #tpu.memory_space<vmem_shared>> -> memref<10240x128xf32, #tpu.memory_space<vmem_shared>>
          tpu.wait_indirect_dma semaphore(%run_scoped3A : memref<!tpu.dma_semaphore, #tpu.memory_space<semaphore_mem>>) src(%arg8 : memref<128x128xf32, #tpu.memory_space<vmem>>) dst(%dma_wait3A_30 : memref<10240x128xf32, #tpu.memory_space<vmem_shared>>)
          tpu.yield
        }) : () -> ()
      }
      %scan3A_21 = arith.constant 80 : i32
    } else {
    }
    %barrier3A_12 = arith.constant 0 : index
    tpu.barrier barrier_id(%barrier3A_12)
    %mul3A = arith.constant 640 : i32
    %mul3A_13 = arith.muli %arg1, %mul3A : i32
    %mul3A_14 = arith.constant 640 : i32
    %mul3A_15 = arith.muli %arg1, %mul3A_14 : i32
    "tpu.region"() ({
      %run_scoped3A = tpu.sem_alloc : memref<!tpu.dma_semaphore, #tpu.memory_space<semaphore_mem>>
      %dma_start3A = arith.constant 0 : i32
      %dma_start3A_16 = tpu.memref_slice %arg6[%arg0, %mul3A_15, %dma_start3A] : memref<2x10240x128xf32, #tpu.memory_space<hbm>> -> memref<1x640x128xf32, #tpu.memory_space<hbm>>
      %dma_start3A_17 = tpu.memref_squeeze %dma_start3A_16 : memref<1x640x128xf32, #tpu.memory_space<hbm>> -> memref<640x128xf32, #tpu.memory_space<hbm>>
      %dma_start3A_18 = arith.constant 0 : i32
      %dma_start3A_19 = tpu.memref_slice %arg7[%mul3A_13, %dma_start3A_18] : memref<10240x128xf32, #tpu.memory_space<vmem_shared>> -> memref<640x128xf32, #tpu.memory_space<vmem_shared>>
      tpu.enqueue_dma source(%dma_start3A_19 : memref<640x128xf32, #tpu.memory_space<vmem_shared>>) target(%dma_start3A_17 : memref<640x128xf32, #tpu.memory_space<hbm>>) target_semaphore(%run_scoped3A : memref<!tpu.dma_semaphore, #tpu.memory_space<semaphore_mem>>)
      %dma_wait3A = arith.constant 0 : i32
      %dma_wait3A_20 = tpu.memref_slice %arg6[%arg0, %mul3A_15, %dma_wait3A] : memref<2x10240x128xf32, #tpu.memory_space<hbm>> -> memref<1x640x128xf32, #tpu.memory_space<hbm>>
      %dma_wait3A_21 = tpu.memref_squeeze %dma_wait3A_20 : memref<1x640x128xf32, #tpu.memory_space<hbm>> -> memref<640x128xf32, #tpu.memory_space<hbm>>
      %dma_wait3A_22 = arith.constant 0 : i32
      %dma_wait3A_23 = tpu.memref_slice %arg7[%mul3A_13, %dma_wait3A_22] : memref<10240x128xf32, #tpu.memory_space<vmem_shared>> -> memref<640x128xf32, #tpu.memory_space<vmem_shared>>
      tpu.wait_dma2 semaphore(%run_scoped3A : memref<!tpu.dma_semaphore, #tpu.memory_space<semaphore_mem>>) src(%dma_wait3A_23 : memref<640x128xf32, #tpu.memory_space<vmem_shared>>) dst(%dma_wait3A_21 : memref<640x128xf32, #tpu.memory_space<hbm>>)
      tpu.yield
    }) : () -> ()
    return
  }
}

#map = affine_map<(d0, d1) -> (0)>
#map1 = affine_map<(d0, d1) -> (0, 0)>
module attributes {stable_mosaic.version = 14 : i64} {
  func.func @_sc_gather(%arg0: i32, %arg1: i32, %arg2: memref<163840xi32, #tpu.memory_space<hbm>>, %arg3: memref<163840xi32, #tpu.memory_space<hbm>>, %arg4: memref<163840xi32, #tpu.memory_space<hbm>>, %arg5: memref<10000x128xf32, #tpu.memory_space<hbm>>, %arg6: memref<10240x128xf32, #tpu.memory_space<hbm>>, %arg7: memref<163840x128xf32, #tpu.memory_space<hbm>>, %arg8: memref<163840x128xf32, #tpu.memory_space<hbm>>, %arg9: memref<128xi32, #tpu.memory_space<vmem>>, %arg10: memref<128xi32, #tpu.memory_space<vmem>>, %arg11: memref<128xi32, #tpu.memory_space<vmem>>, %arg12: memref<128x128xf32, #tpu.memory_space<vmem>>, %arg13: memref<128x128xf32, #tpu.memory_space<vmem>>, %arg14: memref<128x128xf32, #tpu.memory_space<vmem>>, %arg15: memref<128x128xf32, #tpu.memory_space<vmem>>, %arg16: memref<!tpu.dma_semaphore, #tpu.memory_space<semaphore_mem>>, %arg17: memref<!tpu.dma_semaphore, #tpu.memory_space<semaphore_mem>>, %arg18: memref<!tpu.dma_semaphore, #tpu.memory_space<semaphore_mem>>) attributes {dimension_semantics = [#tpu.dimension_semantics<core_parallel>, #tpu.dimension_semantics<subcore_parallel>], iteration_bounds = array<i64: 2, 16>, scalar_prefetch = 0 : i64, scratch_operands = 10 : i64, tpu.core_type = #tpu.core_type<sc_vector_subcore>, window_params = [{transform_indices = #map}, {transform_indices = #map}, {transform_indices = #map}, {transform_indices = #map1}, {transform_indices = #map1}, {transform_indices = #map1}, {transform_indices = #map1}]} {
    %mul3A = arith.constant 2 : i32
    %mul3A_0 = arith.muli %arg1, %mul3A : i32
    %add3A = arith.addi %mul3A_0, %arg0 : i32
    %scan3A = arith.constant 0 : i32
    %scan3A_1 = arith.constant 0 : i32
    %scan3A_2 = arith.constant 40 : i32
    %scan3A_3 = arith.addi %scan3A_1, %scan3A_2 : i32
    %scan3A_4 = arith.constant 1 : i32
    scf.for %scan3A_6 = %scan3A_1 to %scan3A_3 step %scan3A_4  : i32 {
      %mul3A_7 = arith.constant 5120 : i32
      %mul3A_8 = arith.muli %add3A, %mul3A_7 : i32
      %mul3A_9 = arith.constant 128 : i32
      %mul3A_10 = arith.muli %scan3A_6, %mul3A_9 : i32
      %add3A_11 = arith.addi %mul3A_8, %mul3A_10 : i32
      "tpu.region"() ({
        %run_scoped3A = tpu.sem_alloc : memref<!tpu.dma_semaphore, #tpu.memory_space<semaphore_mem>>
        %dma_start3A_34 = tpu.memref_slice %arg2[%add3A_11] : memref<163840xi32, #tpu.memory_space<hbm>> -> memref<128xi32, #tpu.memory_space<hbm>>
        %dma_start3A_35 = tpu.memref_slice %arg2[%add3A_11] : memref<163840xi32, #tpu.memory_space<hbm>> -> memref<128xi32, #tpu.memory_space<hbm>>
        tpu.enqueue_dma source(%dma_start3A_35 : memref<128xi32, #tpu.memory_space<hbm>>) target(%arg9 : memref<128xi32, #tpu.memory_space<vmem>>) target_semaphore(%run_scoped3A : memref<!tpu.dma_semaphore, #tpu.memory_space<semaphore_mem>>)
        %dma_wait3A_36 = tpu.memref_slice %arg2[%add3A_11] : memref<163840xi32, #tpu.memory_space<hbm>> -> memref<128xi32, #tpu.memory_space<hbm>>
        %dma_wait3A_37 = tpu.memref_slice %arg2[%add3A_11] : memref<163840xi32, #tpu.memory_space<hbm>> -> memref<128xi32, #tpu.memory_space<hbm>>
        tpu.wait_dma2 semaphore(%run_scoped3A : memref<!tpu.dma_semaphore, #tpu.memory_space<semaphore_mem>>) src(%dma_wait3A_37 : memref<128xi32, #tpu.memory_space<hbm>>) dst(%arg9 : memref<128xi32, #tpu.memory_space<vmem>>)
        tpu.yield
      }) : () -> ()
      "tpu.region"() ({
        %run_scoped3A = tpu.sem_alloc : memref<!tpu.dma_semaphore, #tpu.memory_space<semaphore_mem>>
        %dma_start3A_34 = tpu.memref_slice %arg3[%add3A_11] : memref<163840xi32, #tpu.memory_space<hbm>> -> memref<128xi32, #tpu.memory_space<hbm>>
        %dma_start3A_35 = tpu.memref_slice %arg3[%add3A_11] : memref<163840xi32, #tpu.memory_space<hbm>> -> memref<128xi32, #tpu.memory_space<hbm>>
        tpu.enqueue_dma source(%dma_start3A_35 : memref<128xi32, #tpu.memory_space<hbm>>) target(%arg10 : memref<128xi32, #tpu.memory_space<vmem>>) target_semaphore(%run_scoped3A : memref<!tpu.dma_semaphore, #tpu.memory_space<semaphore_mem>>)
        %dma_wait3A_36 = tpu.memref_slice %arg3[%add3A_11] : memref<163840xi32, #tpu.memory_space<hbm>> -> memref<128xi32, #tpu.memory_space<hbm>>
        %dma_wait3A_37 = tpu.memref_slice %arg3[%add3A_11] : memref<163840xi32, #tpu.memory_space<hbm>> -> memref<128xi32, #tpu.memory_space<hbm>>
        tpu.wait_dma2 semaphore(%run_scoped3A : memref<!tpu.dma_semaphore, #tpu.memory_space<semaphore_mem>>) src(%dma_wait3A_37 : memref<128xi32, #tpu.memory_space<hbm>>) dst(%arg10 : memref<128xi32, #tpu.memory_space<vmem>>)
        tpu.yield
      }) : () -> ()
      "tpu.region"() ({
        %run_scoped3A = tpu.sem_alloc : memref<!tpu.dma_semaphore, #tpu.memory_space<semaphore_mem>>
        %dma_start3A_34 = tpu.memref_slice %arg4[%add3A_11] : memref<163840xi32, #tpu.memory_space<hbm>> -> memref<128xi32, #tpu.memory_space<hbm>>
        %dma_start3A_35 = tpu.memref_slice %arg4[%add3A_11] : memref<163840xi32, #tpu.memory_space<hbm>> -> memref<128xi32, #tpu.memory_space<hbm>>
        tpu.enqueue_dma source(%dma_start3A_35 : memref<128xi32, #tpu.memory_space<hbm>>) target(%arg11 : memref<128xi32, #tpu.memory_space<vmem>>) target_semaphore(%run_scoped3A : memref<!tpu.dma_semaphore, #tpu.memory_space<semaphore_mem>>)
        %dma_wait3A_36 = tpu.memref_slice %arg4[%add3A_11] : memref<163840xi32, #tpu.memory_space<hbm>> -> memref<128xi32, #tpu.memory_space<hbm>>
        %dma_wait3A_37 = tpu.memref_slice %arg4[%add3A_11] : memref<163840xi32, #tpu.memory_space<hbm>> -> memref<128xi32, #tpu.memory_space<hbm>>
        tpu.wait_dma2 semaphore(%run_scoped3A : memref<!tpu.dma_semaphore, #tpu.memory_space<semaphore_mem>>) src(%dma_wait3A_37 : memref<128xi32, #tpu.memory_space<hbm>>) dst(%arg11 : memref<128xi32, #tpu.memory_space<vmem>>)
        tpu.yield
      }) : () -> ()
      %dma_start3A = arith.constant 0 : i32
      %dma_start3A_12 = arith.constant 0 : i32
      %dma_start3A_13 = tpu.memref_slice %arg5[%dma_start3A, %dma_start3A_12] : memref<10000x128xf32, #tpu.memory_space<hbm>> -> memref<10000x128xf32, #tpu.memory_space<hbm>>
      tpu.enqueue_indirect_dma source(%dma_start3A_13 : memref<10000x128xf32, #tpu.memory_space<hbm>>) target(%arg12 : memref<128x128xf32, #tpu.memory_space<vmem>>) offsets(%arg9 : memref<128xi32, #tpu.memory_space<vmem>>) semaphore(%arg16 : memref<!tpu.dma_semaphore, #tpu.memory_space<semaphore_mem>>)
      %dma_start3A_14 = arith.constant 0 : i32
      %dma_start3A_15 = arith.constant 0 : i32
      %dma_start3A_16 = tpu.memref_slice %arg6[%dma_start3A_14, %dma_start3A_15] : memref<10240x128xf32, #tpu.memory_space<hbm>> -> memref<10240x128xf32, #tpu.memory_space<hbm>>
      tpu.enqueue_indirect_dma source(%dma_start3A_16 : memref<10240x128xf32, #tpu.memory_space<hbm>>) target(%arg13 : memref<128x128xf32, #tpu.memory_space<vmem>>) offsets(%arg10 : memref<128xi32, #tpu.memory_space<vmem>>) semaphore(%arg17 : memref<!tpu.dma_semaphore, #tpu.memory_space<semaphore_mem>>)
      %dma_start3A_17 = arith.constant 0 : i32
      %dma_start3A_18 = arith.constant 0 : i32
      %dma_start3A_19 = tpu.memref_slice %arg7[%dma_start3A_17, %dma_start3A_18] : memref<163840x128xf32, #tpu.memory_space<hbm>> -> memref<163840x128xf32, #tpu.memory_space<hbm>>
      tpu.enqueue_indirect_dma source(%dma_start3A_19 : memref<163840x128xf32, #tpu.memory_space<hbm>>) target(%arg14 : memref<128x128xf32, #tpu.memory_space<vmem>>) offsets(%arg11 : memref<128xi32, #tpu.memory_space<vmem>>) semaphore(%arg18 : memref<!tpu.dma_semaphore, #tpu.memory_space<semaphore_mem>>)
      %dma_wait3A = arith.constant 0 : i32
      %dma_wait3A_20 = arith.constant 0 : i32
      %dma_wait3A_21 = tpu.memref_slice %arg5[%dma_wait3A, %dma_wait3A_20] : memref<10000x128xf32, #tpu.memory_space<hbm>> -> memref<10000x128xf32, #tpu.memory_space<hbm>>
      tpu.wait_indirect_dma semaphore(%arg16 : memref<!tpu.dma_semaphore, #tpu.memory_space<semaphore_mem>>) src(%dma_wait3A_21 : memref<10000x128xf32, #tpu.memory_space<hbm>>) dst(%arg12 : memref<128x128xf32, #tpu.memory_space<vmem>>)
      %dma_wait3A_22 = arith.constant 0 : i32
      %dma_wait3A_23 = arith.constant 0 : i32
      %dma_wait3A_24 = tpu.memref_slice %arg6[%dma_wait3A_22, %dma_wait3A_23] : memref<10240x128xf32, #tpu.memory_space<hbm>> -> memref<10240x128xf32, #tpu.memory_space<hbm>>
      tpu.wait_indirect_dma semaphore(%arg17 : memref<!tpu.dma_semaphore, #tpu.memory_space<semaphore_mem>>) src(%dma_wait3A_24 : memref<10240x128xf32, #tpu.memory_space<hbm>>) dst(%arg13 : memref<128x128xf32, #tpu.memory_space<vmem>>)
      %dma_wait3A_25 = arith.constant 0 : i32
      %dma_wait3A_26 = arith.constant 0 : i32
      %dma_wait3A_27 = tpu.memref_slice %arg7[%dma_wait3A_25, %dma_wait3A_26] : memref<163840x128xf32, #tpu.memory_space<hbm>> -> memref<163840x128xf32, #tpu.memory_space<hbm>>
      tpu.wait_indirect_dma semaphore(%arg18 : memref<!tpu.dma_semaphore, #tpu.memory_space<semaphore_mem>>) src(%dma_wait3A_27 : memref<163840x128xf32, #tpu.memory_space<hbm>>) dst(%arg14 : memref<128x128xf32, #tpu.memory_space<vmem>>)
      %scan3A_28 = arith.constant 0 : i32
      %scan3A_29 = arith.constant 0 : i32
      %scan3A_30 = arith.constant 128 : i32
      %scan3A_31 = arith.addi %scan3A_29, %scan3A_30 : i32
      %scan3A_32 = arith.constant 1 : i32
      scf.for %scan3A_34 = %scan3A_29 to %scan3A_31 step %scan3A_32  : i32 {
        %get3A = arith.index_cast %scan3A_34 : i32 to index
        %get3A_35 = arith.constant 0 : index
        %get3A_36 = tpu.vector_load %arg13[%get3A, %get3A_35] {strides = array<i32>} : memref<128x128xf32, #tpu.memory_space<vmem>>, vector<1x16xf32>,
        %get3A_37 = vector.shape_cast %get3A_36 : vector<1x16xf32> to vector<16xf32>
        %get3A_38 = arith.index_cast %scan3A_34 : i32 to index
        %get3A_39 = arith.constant 0 : index
        %get3A_40 = tpu.vector_load %arg14[%get3A_38, %get3A_39] {strides = array<i32>} : memref<128x128xf32, #tpu.memory_space<vmem>>, vector<1x16xf32>,
        %get3A_41 = vector.shape_cast %get3A_40 : vector<1x16xf32> to vector<16xf32>
        %sub3A = arith.subf %get3A_37, %get3A_41 : vector<16xf32>
        %swap3A = arith.index_cast %scan3A_34 : i32 to index
        %swap3A_42 = arith.constant 0 : index
        %swap3A_43 = tpu.vector_load %arg15[%swap3A, %swap3A_42] {strides = array<i32>} : memref<128x128xf32, #tpu.memory_space<vmem>>, vector<1x16xf32>,
        %swap3A_44 = vector.shape_cast %swap3A_43 : vector<1x16xf32> to vector<16xf32>
        %swap3A_45 = vector.shape_cast %sub3A : vector<16xf32> to vector<1x16xf32>
        tpu.vector_store %arg15[%swap3A, %swap3A_42], %swap3A_45 {strides = array<i32>} : memref<128x128xf32, #tpu.memory_space<vmem>>, vector<1x16xf32>,
        %get3A_46 = arith.index_cast %scan3A_34 : i32 to index
        %get3A_47 = arith.constant 0 : index
        %get3A_48 = tpu.vector_load %arg12[%get3A_46, %get3A_47] {strides = array<i32>} : memref<128x128xf32, #tpu.memory_space<vmem>>, vector<1x16xf32>,
        %get3A_49 = vector.shape_cast %get3A_48 : vector<1x16xf32> to vector<16xf32>
        %swap3A_50 = arith.index_cast %scan3A_34 : i32 to index
        %swap3A_51 = arith.constant 64 : index
        %swap3A_52 = tpu.vector_load %arg15[%swap3A_50, %swap3A_51] {strides = array<i32>} : memref<128x128xf32, #tpu.memory_space<vmem>>, vector<1x16xf32>,
        %swap3A_53 = vector.shape_cast %swap3A_52 : vector<1x16xf32> to vector<16xf32>
        %swap3A_54 = vector.shape_cast %get3A_49 : vector<16xf32> to vector<1x16xf32>
        tpu.vector_store %arg15[%swap3A_50, %swap3A_51], %swap3A_54 {strides = array<i32>} : memref<128x128xf32, #tpu.memory_space<vmem>>, vector<1x16xf32>,
        %get3A_55 = arith.index_cast %scan3A_34 : i32 to index
        %get3A_56 = arith.constant 16 : index
        %get3A_57 = tpu.vector_load %arg13[%get3A_55, %get3A_56] {strides = array<i32>} : memref<128x128xf32, #tpu.memory_space<vmem>>, vector<1x16xf32>,
        %get3A_58 = vector.shape_cast %get3A_57 : vector<1x16xf32> to vector<16xf32>
        %get3A_59 = arith.index_cast %scan3A_34 : i32 to index
        %get3A_60 = arith.constant 16 : index
        %get3A_61 = tpu.vector_load %arg14[%get3A_59, %get3A_60] {strides = array<i32>} : memref<128x128xf32, #tpu.memory_space<vmem>>, vector<1x16xf32>,
        %get3A_62 = vector.shape_cast %get3A_61 : vector<1x16xf32> to vector<16xf32>
        %sub3A_63 = arith.subf %get3A_58, %get3A_62 : vector<16xf32>
        %swap3A_64 = arith.index_cast %scan3A_34 : i32 to index
        %swap3A_65 = arith.constant 16 : index
        %swap3A_66 = tpu.vector_load %arg15[%swap3A_64, %swap3A_65] {strides = array<i32>} : memref<128x128xf32, #tpu.memory_space<vmem>>, vector<1x16xf32>,
        %swap3A_67 = vector.shape_cast %swap3A_66 : vector<1x16xf32> to vector<16xf32>
        %swap3A_68 = vector.shape_cast %sub3A_63 : vector<16xf32> to vector<1x16xf32>
        tpu.vector_store %arg15[%swap3A_64, %swap3A_65], %swap3A_68 {strides = array<i32>} : memref<128x128xf32, #tpu.memory_space<vmem>>, vector<1x16xf32>,
        %get3A_69 = arith.index_cast %scan3A_34 : i32 to index
        %get3A_70 = arith.constant 16 : index
        %get3A_71 = tpu.vector_load %arg12[%get3A_69, %get3A_70] {strides = array<i32>} : memref<128x128xf32, #tpu.memory_space<vmem>>, vector<1x16xf32>,
        %get3A_72 = vector.shape_cast %get3A_71 : vector<1x16xf32> to vector<16xf32>
        %swap3A_73 = arith.index_cast %scan3A_34 : i32 to index
        %swap3A_74 = arith.constant 80 : index
        %swap3A_75 = tpu.vector_load %arg15[%swap3A_73, %swap3A_74] {strides = array<i32>} : memref<128x128xf32, #tpu.memory_space<vmem>>, vector<1x16xf32>,
        %swap3A_76 = vector.shape_cast %swap3A_75 : vector<1x16xf32> to vector<16xf32>
        %swap3A_77 = vector.shape_cast %get3A_72 : vector<16xf32> to vector<1x16xf32>
        tpu.vector_store %arg15[%swap3A_73, %swap3A_74], %swap3A_77 {strides = array<i32>} : memref<128x128xf32, #tpu.memory_space<vmem>>, vector<1x16xf32>,
        %get3A_78 = arith.index_cast %scan3A_34 : i32 to index
        %get3A_79 = arith.constant 32 : index
        %get3A_80 = tpu.vector_load %arg13[%get3A_78, %get3A_79] {strides = array<i32>} : memref<128x128xf32, #tpu.memory_space<vmem>>, vector<1x16xf32>,
        %get3A_81 = vector.shape_cast %get3A_80 : vector<1x16xf32> to vector<16xf32>
        %get3A_82 = arith.index_cast %scan3A_34 : i32 to index
        %get3A_83 = arith.constant 32 : index
        %get3A_84 = tpu.vector_load %arg14[%get3A_82, %get3A_83] {strides = array<i32>} : memref<128x128xf32, #tpu.memory_space<vmem>>, vector<1x16xf32>,
        %get3A_85 = vector.shape_cast %get3A_84 : vector<1x16xf32> to vector<16xf32>
        %sub3A_86 = arith.subf %get3A_81, %get3A_85 : vector<16xf32>
        %swap3A_87 = arith.index_cast %scan3A_34 : i32 to index
        %swap3A_88 = arith.constant 32 : index
        %swap3A_89 = tpu.vector_load %arg15[%swap3A_87, %swap3A_88] {strides = array<i32>} : memref<128x128xf32, #tpu.memory_space<vmem>>, vector<1x16xf32>,
        %swap3A_90 = vector.shape_cast %swap3A_89 : vector<1x16xf32> to vector<16xf32>
        %swap3A_91 = vector.shape_cast %sub3A_86 : vector<16xf32> to vector<1x16xf32>
        tpu.vector_store %arg15[%swap3A_87, %swap3A_88], %swap3A_91 {strides = array<i32>} : memref<128x128xf32, #tpu.memory_space<vmem>>, vector<1x16xf32>,
        %get3A_92 = arith.index_cast %scan3A_34 : i32 to index
        %get3A_93 = arith.constant 32 : index
        %get3A_94 = tpu.vector_load %arg12[%get3A_92, %get3A_93] {strides = array<i32>} : memref<128x128xf32, #tpu.memory_space<vmem>>, vector<1x16xf32>,
        %get3A_95 = vector.shape_cast %get3A_94 : vector<1x16xf32> to vector<16xf32>
        %swap3A_96 = arith.index_cast %scan3A_34 : i32 to index
        %swap3A_97 = arith.constant 96 : index
        %swap3A_98 = tpu.vector_load %arg15[%swap3A_96, %swap3A_97] {strides = array<i32>} : memref<128x128xf32, #tpu.memory_space<vmem>>, vector<1x16xf32>,
        %swap3A_99 = vector.shape_cast %swap3A_98 : vector<1x16xf32> to vector<16xf32>
        %swap3A_100 = vector.shape_cast %get3A_95 : vector<16xf32> to vector<1x16xf32>
        tpu.vector_store %arg15[%swap3A_96, %swap3A_97], %swap3A_100 {strides = array<i32>} : memref<128x128xf32, #tpu.memory_space<vmem>>, vector<1x16xf32>,
        %get3A_101 = arith.index_cast %scan3A_34 : i32 to index
        %get3A_102 = arith.constant 48 : index
        %get3A_103 = tpu.vector_load %arg13[%get3A_101, %get3A_102] {strides = array<i32>} : memref<128x128xf32, #tpu.memory_space<vmem>>, vector<1x16xf32>,
        %get3A_104 = vector.shape_cast %get3A_103 : vector<1x16xf32> to vector<16xf32>
        %get3A_105 = arith.index_cast %scan3A_34 : i32 to index
        %get3A_106 = arith.constant 48 : index
        %get3A_107 = tpu.vector_load %arg14[%get3A_105, %get3A_106] {strides = array<i32>} : memref<128x128xf32, #tpu.memory_space<vmem>>, vector<1x16xf32>,
        %get3A_108 = vector.shape_cast %get3A_107 : vector<1x16xf32> to vector<16xf32>
        %sub3A_109 = arith.subf %get3A_104, %get3A_108 : vector<16xf32>
        %swap3A_110 = arith.index_cast %scan3A_34 : i32 to index
        %swap3A_111 = arith.constant 48 : index
        %swap3A_112 = tpu.vector_load %arg15[%swap3A_110, %swap3A_111] {strides = array<i32>} : memref<128x128xf32, #tpu.memory_space<vmem>>, vector<1x16xf32>,
        %swap3A_113 = vector.shape_cast %swap3A_112 : vector<1x16xf32> to vector<16xf32>
        %swap3A_114 = vector.shape_cast %sub3A_109 : vector<16xf32> to vector<1x16xf32>
        tpu.vector_store %arg15[%swap3A_110, %swap3A_111], %swap3A_114 {strides = array<i32>} : memref<128x128xf32, #tpu.memory_space<vmem>>, vector<1x16xf32>,
        %get3A_115 = arith.index_cast %scan3A_34 : i32 to index
        %get3A_116 = arith.constant 48 : index
        %get3A_117 = tpu.vector_load %arg12[%get3A_115, %get3A_116] {strides = array<i32>} : memref<128x128xf32, #tpu.memory_space<vmem>>, vector<1x16xf32>,
        %get3A_118 = vector.shape_cast %get3A_117 : vector<1x16xf32> to vector<16xf32>
        %swap3A_119 = arith.index_cast %scan3A_34 : i32 to index
        %swap3A_120 = arith.constant 112 : index
        %swap3A_121 = tpu.vector_load %arg15[%swap3A_119, %swap3A_120] {strides = array<i32>} : memref<128x128xf32, #tpu.memory_space<vmem>>, vector<1x16xf32>,
        %swap3A_122 = vector.shape_cast %swap3A_121 : vector<1x16xf32> to vector<16xf32>
        %swap3A_123 = vector.shape_cast %get3A_118 : vector<16xf32> to vector<1x16xf32>
        tpu.vector_store %arg15[%swap3A_119, %swap3A_120], %swap3A_123 {strides = array<i32>} : memref<128x128xf32, #tpu.memory_space<vmem>>, vector<1x16xf32>,
      }
      %scan3A_33 = arith.constant 128 : i32
      "tpu.region"() ({
        %run_scoped3A = tpu.sem_alloc : memref<!tpu.dma_semaphore, #tpu.memory_space<semaphore_mem>>
        %dma_start3A_34 = arith.constant 0 : i32
        %dma_start3A_35 = tpu.memref_slice %arg8[%add3A_11, %dma_start3A_34] : memref<163840x128xf32, #tpu.memory_space<hbm>> -> memref<128x128xf32, #tpu.memory_space<hbm>>
        %dma_start3A_36 = arith.constant 0 : i32
        %dma_start3A_37 = tpu.memref_slice %arg8[%add3A_11, %dma_start3A_36] : memref<163840x128xf32, #tpu.memory_space<hbm>> -> memref<128x128xf32, #tpu.memory_space<hbm>>
        tpu.enqueue_dma source(%arg15 : memref<128x128xf32, #tpu.memory_space<vmem>>) target(%dma_start3A_37 : memref<128x128xf32, #tpu.memory_space<hbm>>) target_semaphore(%run_scoped3A : memref<!tpu.dma_semaphore, #tpu.memory_space<semaphore_mem>>)
        %dma_wait3A_38 = arith.constant 0 : i32
        %dma_wait3A_39 = tpu.memref_slice %arg8[%add3A_11, %dma_wait3A_38] : memref<163840x128xf32, #tpu.memory_space<hbm>> -> memref<128x128xf32, #tpu.memory_space<hbm>>
        %dma_wait3A_40 = arith.constant 0 : i32
        %dma_wait3A_41 = tpu.memref_slice %arg8[%add3A_11, %dma_wait3A_40] : memref<163840x128xf32, #tpu.memory_space<hbm>> -> memref<128x128xf32, #tpu.memory_space<hbm>>
        tpu.wait_dma2 semaphore(%run_scoped3A : memref<!tpu.dma_semaphore, #tpu.memory_space<semaphore_mem>>) src(%arg15 : memref<128x128xf32, #tpu.memory_space<vmem>>) dst(%dma_wait3A_41 : memref<128x128xf32, #tpu.memory_space<hbm>>)
        tpu.yield
      }) : () -> ()
    }
    %scan3A_5 = arith.constant 40 : i32
    return
  }
}

#map = affine_map<(d0, d1) -> (0, 0)>
#map1 = affine_map<(d0, d1) -> (0)>
#map2 = affine_map<(d0, d1) -> (0, 0, 0)>
module attributes {stable_mosaic.version = 14 : i64} {
  func.func @_sc_scatter(%arg0: i32, %arg1: i32, %arg2: memref<163840x128xf32, #tpu.memory_space<hbm>>, %arg3: memref<163840xi32, #tpu.memory_space<hbm>>, %arg4: memref<163840xi32, #tpu.memory_space<hbm>>, %arg5: memref<128x128xf32, #tpu.memory_space<hbm>>, %arg6: memref<2x10240x128xf32, #tpu.memory_space<hbm>>, %arg7: memref<10240x128xf32, #tpu.memory_space<vmem_shared>>, %arg8: memref<128x128xf32, #tpu.memory_space<vmem>>, %arg9: memref<128xi32, #tpu.memory_space<vmem>>) attributes {dimension_semantics = [#tpu.dimension_semantics<core_parallel>, #tpu.dimension_semantics<subcore_parallel>], iteration_bounds = array<i64: 2, 16>, scalar_prefetch = 0 : i64, scratch_operands = 3 : i64, tpu.core_type = #tpu.core_type<sc_vector_subcore>, window_params = [{transform_indices = #map}, {transform_indices = #map1}, {transform_indices = #map1}, {transform_indices = #map}, {transform_indices = #map2}]} {
    "tpu.region"() ({
      %run_scoped3A = tpu.sem_alloc : memref<!tpu.dma_semaphore, #tpu.memory_space<semaphore_mem>>
      tpu.enqueue_dma source(%arg5 : memref<128x128xf32, #tpu.memory_space<hbm>>) target(%arg8 : memref<128x128xf32, #tpu.memory_space<vmem>>) target_semaphore(%run_scoped3A : memref<!tpu.dma_semaphore, #tpu.memory_space<semaphore_mem>>)
      tpu.wait_dma2 semaphore(%run_scoped3A : memref<!tpu.dma_semaphore, #tpu.memory_space<semaphore_mem>>) src(%arg5 : memref<128x128xf32, #tpu.memory_space<hbm>>) dst(%arg8 : memref<128x128xf32, #tpu.memory_space<vmem>>)
      tpu.yield
    }) : () -> ()
    %scan3A = arith.constant 0 : i32
    %scan3A_0 = arith.constant 0 : i32
    %scan3A_1 = arith.constant 5 : i32
    %scan3A_2 = arith.addi %scan3A_0, %scan3A_1 : i32
    %scan3A_3 = arith.constant 1 : i32
    scf.for %scan3A_16 = %scan3A_0 to %scan3A_2 step %scan3A_3  : i32 {
      %mul3A_17 = arith.constant 640 : i32
      %mul3A_18 = arith.muli %arg1, %mul3A_17 : i32
      %mul3A_19 = arith.constant 128 : i32
      %mul3A_20 = arith.muli %scan3A_16, %mul3A_19 : i32
      %add3A = arith.addi %mul3A_18, %mul3A_20 : i32
      "tpu.region"() ({
        %run_scoped3A = tpu.sem_alloc : memref<!tpu.dma_semaphore, #tpu.memory_space<semaphore_mem>>
        %dma_start3A = arith.constant 0 : i32
        %dma_start3A_21 = tpu.memref_slice %arg7[%add3A, %dma_start3A] : memref<10240x128xf32, #tpu.memory_space<vmem_shared>> -> memref<128x128xf32, #tpu.memory_space<vmem_shared>>
        %dma_start3A_22 = arith.constant 0 : i32
        %dma_start3A_23 = tpu.memref_slice %arg7[%add3A, %dma_start3A_22] : memref<10240x128xf32, #tpu.memory_space<vmem_shared>> -> memref<128x128xf32, #tpu.memory_space<vmem_shared>>
        tpu.enqueue_dma source(%arg8 : memref<128x128xf32, #tpu.memory_space<vmem>>) target(%dma_start3A_23 : memref<128x128xf32, #tpu.memory_space<vmem_shared>>) target_semaphore(%run_scoped3A : memref<!tpu.dma_semaphore, #tpu.memory_space<semaphore_mem>>)
        %dma_wait3A = arith.constant 0 : i32
        %dma_wait3A_24 = tpu.memref_slice %arg7[%add3A, %dma_wait3A] : memref<10240x128xf32, #tpu.memory_space<vmem_shared>> -> memref<128x128xf32, #tpu.memory_space<vmem_shared>>
        %dma_wait3A_25 = arith.constant 0 : i32
        %dma_wait3A_26 = tpu.memref_slice %arg7[%add3A, %dma_wait3A_25] : memref<10240x128xf32, #tpu.memory_space<vmem_shared>> -> memref<128x128xf32, #tpu.memory_space<vmem_shared>>
        tpu.wait_dma2 semaphore(%run_scoped3A : memref<!tpu.dma_semaphore, #tpu.memory_space<semaphore_mem>>) src(%arg8 : memref<128x128xf32, #tpu.memory_space<vmem>>) dst(%dma_wait3A_26 : memref<128x128xf32, #tpu.memory_space<vmem_shared>>)
        tpu.yield
      }) : () -> ()
    }
    %scan3A_4 = arith.constant 5 : i32
    %barrier3A = arith.constant 0 : index
    tpu.barrier barrier_id(%barrier3A)
    %eq3A = arith.constant 0 : i32
    %eq3A_5 = arith.cmpi eq, %arg0, %eq3A : i32
    %convert_element_type3A = arith.extui %eq3A_5 : i1 to i32
    %cond3A = arith.constant 0 : i32
    %cond3A_6 = arith.cmpi ne, %convert_element_type3A, %cond3A : i32
    scf.if %cond3A_6 {
      %scan3A_16 = arith.constant 0 : i32
      %scan3A_17 = arith.constant 0 : i32
      %scan3A_18 = arith.constant 80 : i32
      %scan3A_19 = arith.addi %scan3A_17, %scan3A_18 : i32
      %scan3A_20 = arith.constant 1 : i32
      scf.for %scan3A_22 = %scan3A_17 to %scan3A_19 step %scan3A_20  : i32 {
        %mul3A_23 = arith.constant 10240 : i32
        %mul3A_24 = arith.muli %arg1, %mul3A_23 : i32
        %mul3A_25 = arith.constant 128 : i32
        %mul3A_26 = arith.muli %scan3A_22, %mul3A_25 : i32
        %add3A = arith.addi %mul3A_24, %mul3A_26 : i32
        "tpu.region"() ({
          %run_scoped3A = tpu.sem_alloc : memref<!tpu.dma_semaphore, #tpu.memory_space<semaphore_mem>>
          %dma_start3A = arith.constant 0 : i32
          %dma_start3A_27 = tpu.memref_slice %arg2[%add3A, %dma_start3A] : memref<163840x128xf32, #tpu.memory_space<hbm>> -> memref<128x128xf32, #tpu.memory_space<hbm>>
          %dma_start3A_28 = arith.constant 0 : i32
          %dma_start3A_29 = tpu.memref_slice %arg2[%add3A, %dma_start3A_28] : memref<163840x128xf32, #tpu.memory_space<hbm>> -> memref<128x128xf32, #tpu.memory_space<hbm>>
          tpu.enqueue_dma source(%dma_start3A_29 : memref<128x128xf32, #tpu.memory_space<hbm>>) target(%arg8 : memref<128x128xf32, #tpu.memory_space<vmem>>) target_semaphore(%run_scoped3A : memref<!tpu.dma_semaphore, #tpu.memory_space<semaphore_mem>>)
          %dma_wait3A = arith.constant 0 : i32
          %dma_wait3A_30 = tpu.memref_slice %arg2[%add3A, %dma_wait3A] : memref<163840x128xf32, #tpu.memory_space<hbm>> -> memref<128x128xf32, #tpu.memory_space<hbm>>
          %dma_wait3A_31 = arith.constant 0 : i32
          %dma_wait3A_32 = tpu.memref_slice %arg2[%add3A, %dma_wait3A_31] : memref<163840x128xf32, #tpu.memory_space<hbm>> -> memref<128x128xf32, #tpu.memory_space<hbm>>
          tpu.wait_dma2 semaphore(%run_scoped3A : memref<!tpu.dma_semaphore, #tpu.memory_space<semaphore_mem>>) src(%dma_wait3A_32 : memref<128x128xf32, #tpu.memory_space<hbm>>) dst(%arg8 : memref<128x128xf32, #tpu.memory_space<vmem>>)
          tpu.yield
        }) : () -> ()
        "tpu.region"() ({
          %run_scoped3A = tpu.sem_alloc : memref<!tpu.dma_semaphore, #tpu.memory_space<semaphore_mem>>
          %dma_start3A = tpu.memref_slice %arg3[%add3A] : memref<163840xi32, #tpu.memory_space<hbm>> -> memref<128xi32, #tpu.memory_space<hbm>>
          %dma_start3A_27 = tpu.memref_slice %arg3[%add3A] : memref<163840xi32, #tpu.memory_space<hbm>> -> memref<128xi32, #tpu.memory_space<hbm>>
          tpu.enqueue_dma source(%dma_start3A_27 : memref<128xi32, #tpu.memory_space<hbm>>) target(%arg9 : memref<128xi32, #tpu.memory_space<vmem>>) target_semaphore(%run_scoped3A : memref<!tpu.dma_semaphore, #tpu.memory_space<semaphore_mem>>)
          %dma_wait3A = tpu.memref_slice %arg3[%add3A] : memref<163840xi32, #tpu.memory_space<hbm>> -> memref<128xi32, #tpu.memory_space<hbm>>
          %dma_wait3A_28 = tpu.memref_slice %arg3[%add3A] : memref<163840xi32, #tpu.memory_space<hbm>> -> memref<128xi32, #tpu.memory_space<hbm>>
          tpu.wait_dma2 semaphore(%run_scoped3A : memref<!tpu.dma_semaphore, #tpu.memory_space<semaphore_mem>>) src(%dma_wait3A_28 : memref<128xi32, #tpu.memory_space<hbm>>) dst(%arg9 : memref<128xi32, #tpu.memory_space<vmem>>)
          tpu.yield
        }) : () -> ()
        "tpu.region"() ({
          %run_scoped3A = tpu.sem_alloc : memref<!tpu.dma_semaphore, #tpu.memory_space<semaphore_mem>>
          %dma_start3A = arith.constant 0 : i32
          %dma_start3A_27 = arith.constant 0 : i32
          %dma_start3A_28 = tpu.memref_slice %arg7[%dma_start3A, %dma_start3A_27] : memref<10240x128xf32, #tpu.memory_space<vmem_shared>> -> memref<10240x128xf32, #tpu.memory_space<vmem_shared>>
          tpu.enqueue_indirect_dma source(%arg8 : memref<128x128xf32, #tpu.memory_space<vmem>>) target(%dma_start3A_28 : memref<10240x128xf32, #tpu.memory_space<vmem_shared>>) offsets(%arg9 : memref<128xi32, #tpu.memory_space<vmem>>) semaphore(%run_scoped3A : memref<!tpu.dma_semaphore, #tpu.memory_space<semaphore_mem>>) {add = true}
          %dma_wait3A = arith.constant 0 : i32
          %dma_wait3A_29 = arith.constant 0 : i32
          %dma_wait3A_30 = tpu.memref_slice %arg7[%dma_wait3A, %dma_wait3A_29] : memref<10240x128xf32, #tpu.memory_space<vmem_shared>> -> memref<10240x128xf32, #tpu.memory_space<vmem_shared>>
          tpu.wait_indirect_dma semaphore(%run_scoped3A : memref<!tpu.dma_semaphore, #tpu.memory_space<semaphore_mem>>) src(%arg8 : memref<128x128xf32, #tpu.memory_space<vmem>>) dst(%dma_wait3A_30 : memref<10240x128xf32, #tpu.memory_space<vmem_shared>>)
          tpu.yield
        }) : () -> ()
      }
      %scan3A_21 = arith.constant 80 : i32
    } else {
    }
    %eq3A_7 = arith.constant 1 : i32
    %eq3A_8 = arith.cmpi eq, %arg0, %eq3A_7 : i32
    %convert_element_type3A_9 = arith.extui %eq3A_8 : i1 to i32
    %cond3A_10 = arith.constant 0 : i32
    %cond3A_11 = arith.cmpi ne, %convert_element_type3A_9, %cond3A_10 : i32
    scf.if %cond3A_11 {
      %scan3A_16 = arith.constant 0 : i32
      %scan3A_17 = arith.constant 0 : i32
      %scan3A_18 = arith.constant 80 : i32
      %scan3A_19 = arith.addi %scan3A_17, %scan3A_18 : i32
      %scan3A_20 = arith.constant 1 : i32
      scf.for %scan3A_22 = %scan3A_17 to %scan3A_19 step %scan3A_20  : i32 {
        %mul3A_23 = arith.constant 10240 : i32
        %mul3A_24 = arith.muli %arg1, %mul3A_23 : i32
        %mul3A_25 = arith.constant 128 : i32
        %mul3A_26 = arith.muli %scan3A_22, %mul3A_25 : i32
        %add3A = arith.addi %mul3A_24, %mul3A_26 : i32
        "tpu.region"() ({
          %run_scoped3A = tpu.sem_alloc : memref<!tpu.dma_semaphore, #tpu.memory_space<semaphore_mem>>
          %dma_start3A = arith.constant 0 : i32
          %dma_start3A_27 = tpu.memref_slice %arg2[%add3A, %dma_start3A] : memref<163840x128xf32, #tpu.memory_space<hbm>> -> memref<128x128xf32, #tpu.memory_space<hbm>>
          %dma_start3A_28 = arith.constant 0 : i32
          %dma_start3A_29 = tpu.memref_slice %arg2[%add3A, %dma_start3A_28] : memref<163840x128xf32, #tpu.memory_space<hbm>> -> memref<128x128xf32, #tpu.memory_space<hbm>>
          tpu.enqueue_dma source(%dma_start3A_29 : memref<128x128xf32, #tpu.memory_space<hbm>>) target(%arg8 : memref<128x128xf32, #tpu.memory_space<vmem>>) target_semaphore(%run_scoped3A : memref<!tpu.dma_semaphore, #tpu.memory_space<semaphore_mem>>)
          %dma_wait3A = arith.constant 0 : i32
          %dma_wait3A_30 = tpu.memref_slice %arg2[%add3A, %dma_wait3A] : memref<163840x128xf32, #tpu.memory_space<hbm>> -> memref<128x128xf32, #tpu.memory_space<hbm>>
          %dma_wait3A_31 = arith.constant 0 : i32
          %dma_wait3A_32 = tpu.memref_slice %arg2[%add3A, %dma_wait3A_31] : memref<163840x128xf32, #tpu.memory_space<hbm>> -> memref<128x128xf32, #tpu.memory_space<hbm>>
          tpu.wait_dma2 semaphore(%run_scoped3A : memref<!tpu.dma_semaphore, #tpu.memory_space<semaphore_mem>>) src(%dma_wait3A_32 : memref<128x128xf32, #tpu.memory_space<hbm>>) dst(%arg8 : memref<128x128xf32, #tpu.memory_space<vmem>>)
          tpu.yield
        }) : () -> ()
        "tpu.region"() ({
          %run_scoped3A = tpu.sem_alloc : memref<!tpu.dma_semaphore, #tpu.memory_space<semaphore_mem>>
          %dma_start3A = tpu.memref_slice %arg4[%add3A] : memref<163840xi32, #tpu.memory_space<hbm>> -> memref<128xi32, #tpu.memory_space<hbm>>
          %dma_start3A_27 = tpu.memref_slice %arg4[%add3A] : memref<163840xi32, #tpu.memory_space<hbm>> -> memref<128xi32, #tpu.memory_space<hbm>>
          tpu.enqueue_dma source(%dma_start3A_27 : memref<128xi32, #tpu.memory_space<hbm>>) target(%arg9 : memref<128xi32, #tpu.memory_space<vmem>>) target_semaphore(%run_scoped3A : memref<!tpu.dma_semaphore, #tpu.memory_space<semaphore_mem>>)
          %dma_wait3A = tpu.memref_slice %arg4[%add3A] : memref<163840xi32, #tpu.memory_space<hbm>> -> memref<128xi32, #tpu.memory_space<hbm>>
          %dma_wait3A_28 = tpu.memref_slice %arg4[%add3A] : memref<163840xi32, #tpu.memory_space<hbm>> -> memref<128xi32, #tpu.memory_space<hbm>>
          tpu.wait_dma2 semaphore(%run_scoped3A : memref<!tpu.dma_semaphore, #tpu.memory_space<semaphore_mem>>) src(%dma_wait3A_28 : memref<128xi32, #tpu.memory_space<hbm>>) dst(%arg9 : memref<128xi32, #tpu.memory_space<vmem>>)
          tpu.yield
        }) : () -> ()
        "tpu.region"() ({
          %run_scoped3A = tpu.sem_alloc : memref<!tpu.dma_semaphore, #tpu.memory_space<semaphore_mem>>
          %dma_start3A = arith.constant 0 : i32
          %dma_start3A_27 = arith.constant 0 : i32
          %dma_start3A_28 = tpu.memref_slice %arg7[%dma_start3A, %dma_start3A_27] : memref<10240x128xf32, #tpu.memory_space<vmem_shared>> -> memref<10240x128xf32, #tpu.memory_space<vmem_shared>>
          tpu.enqueue_indirect_dma source(%arg8 : memref<128x128xf32, #tpu.memory_space<vmem>>) target(%dma_start3A_28 : memref<10240x128xf32, #tpu.memory_space<vmem_shared>>) offsets(%arg9 : memref<128xi32, #tpu.memory_space<vmem>>) semaphore(%run_scoped3A : memref<!tpu.dma_semaphore, #tpu.memory_space<semaphore_mem>>) {add = true}
          %dma_wait3A = arith.constant 0 : i32
          %dma_wait3A_29 = arith.constant 0 : i32
          %dma_wait3A_30 = tpu.memref_slice %arg7[%dma_wait3A, %dma_wait3A_29] : memref<10240x128xf32, #tpu.memory_space<vmem_shared>> -> memref<10240x128xf32, #tpu.memory_space<vmem_shared>>
          tpu.wait_indirect_dma semaphore(%run_scoped3A : memref<!tpu.dma_semaphore, #tpu.memory_space<semaphore_mem>>) src(%arg8 : memref<128x128xf32, #tpu.memory_space<vmem>>) dst(%dma_wait3A_30 : memref<10240x128xf32, #tpu.memory_space<vmem_shared>>)
          tpu.yield
        }) : () -> ()
      }
      %scan3A_21 = arith.constant 80 : i32
    } else {
    }
    %barrier3A_12 = arith.constant 0 : index
    tpu.barrier barrier_id(%barrier3A_12)
    %mul3A = arith.constant 640 : i32
    %mul3A_13 = arith.muli %arg1, %mul3A : i32
    %mul3A_14 = arith.constant 640 : i32
    %mul3A_15 = arith.muli %arg1, %mul3A_14 : i32
    "tpu.region"() ({
      %run_scoped3A = tpu.sem_alloc : memref<!tpu.dma_semaphore, #tpu.memory_space<semaphore_mem>>
      %dma_start3A = arith.constant 0 : i32
      %dma_start3A_16 = tpu.memref_slice %arg6[%arg0, %mul3A_15, %dma_start3A] : memref<2x10240x128xf32, #tpu.memory_space<hbm>> -> memref<1x640x128xf32, #tpu.memory_space<hbm>>
      %dma_start3A_17 = tpu.memref_squeeze %dma_start3A_16 : memref<1x640x128xf32, #tpu.memory_space<hbm>> -> memref<640x128xf32, #tpu.memory_space<hbm>>
      %dma_start3A_18 = arith.constant 0 : i32
      %dma_start3A_19 = tpu.memref_slice %arg7[%mul3A_13, %dma_start3A_18] : memref<10240x128xf32, #tpu.memory_space<vmem_shared>> -> memref<640x128xf32, #tpu.memory_space<vmem_shared>>
      tpu.enqueue_dma source(%dma_start3A_19 : memref<640x128xf32, #tpu.memory_space<vmem_shared>>) target(%dma_start3A_17 : memref<640x128xf32, #tpu.memory_space<hbm>>) target_semaphore(%run_scoped3A : memref<!tpu.dma_semaphore, #tpu.memory_space<semaphore_mem>>)
      %dma_wait3A = arith.constant 0 : i32
      %dma_wait3A_20 = tpu.memref_slice %arg6[%arg0, %mul3A_15, %dma_wait3A] : memref<2x10240x128xf32, #tpu.memory_space<hbm>> -> memref<1x640x128xf32, #tpu.memory_space<hbm>>
      %dma_wait3A_21 = tpu.memref_squeeze %dma_wait3A_20 : memref<1x640x128xf32, #tpu.memory_space<hbm>> -> memref<640x128xf32, #tpu.memory_space<hbm>>
      %dma_wait3A_22 = arith.constant 0 : i32
      %dma_wait3A_23 = tpu.memref_slice %arg7[%mul3A_13, %dma_wait3A_22] : memref<10240x128xf32, #tpu.memory_space<vmem_shared>> -> memref<640x128xf32, #tpu.memory_space<vmem_shared>>
      tpu.wait_dma2 semaphore(%run_scoped3A : memref<!tpu.dma_semaphore, #tpu.memory_space<semaphore_mem>>) src(%dma_wait3A_23 : memref<640x128xf32, #tpu.memory_space<vmem_shared>>) dst(%dma_wait3A_21 : memref<640x128xf32, #tpu.memory_space<hbm>>)
      tpu.yield
    }) : () -> ()
    return
  }
}

#map = affine_map<(d0, d1) -> (0)>
#map1 = affine_map<(d0, d1) -> (0, 0)>
module attributes {stable_mosaic.version = 14 : i64} {
  func.func @_sc_gather(%arg0: i32, %arg1: i32, %arg2: memref<163840xi32, #tpu.memory_space<hbm>>, %arg3: memref<163840xi32, #tpu.memory_space<hbm>>, %arg4: memref<163840xi32, #tpu.memory_space<hbm>>, %arg5: memref<10000x128xf32, #tpu.memory_space<hbm>>, %arg6: memref<10240x128xf32, #tpu.memory_space<hbm>>, %arg7: memref<163840x128xf32, #tpu.memory_space<hbm>>, %arg8: memref<163840x128xf32, #tpu.memory_space<hbm>>, %arg9: memref<128xi32, #tpu.memory_space<vmem>>, %arg10: memref<128xi32, #tpu.memory_space<vmem>>, %arg11: memref<128xi32, #tpu.memory_space<vmem>>, %arg12: memref<128x128xf32, #tpu.memory_space<vmem>>, %arg13: memref<128x128xf32, #tpu.memory_space<vmem>>, %arg14: memref<128x128xf32, #tpu.memory_space<vmem>>, %arg15: memref<128x128xf32, #tpu.memory_space<vmem>>, %arg16: memref<!tpu.dma_semaphore, #tpu.memory_space<semaphore_mem>>, %arg17: memref<!tpu.dma_semaphore, #tpu.memory_space<semaphore_mem>>, %arg18: memref<!tpu.dma_semaphore, #tpu.memory_space<semaphore_mem>>) attributes {dimension_semantics = [#tpu.dimension_semantics<core_parallel>, #tpu.dimension_semantics<subcore_parallel>], iteration_bounds = array<i64: 2, 16>, scalar_prefetch = 0 : i64, scratch_operands = 10 : i64, tpu.core_type = #tpu.core_type<sc_vector_subcore>, window_params = [{transform_indices = #map}, {transform_indices = #map}, {transform_indices = #map}, {transform_indices = #map1}, {transform_indices = #map1}, {transform_indices = #map1}, {transform_indices = #map1}]} {
    %mul3A = arith.constant 2 : i32
    %mul3A_0 = arith.muli %arg1, %mul3A : i32
    %add3A = arith.addi %mul3A_0, %arg0 : i32
    %scan3A = arith.constant 0 : i32
    %scan3A_1 = arith.constant 0 : i32
    %scan3A_2 = arith.constant 40 : i32
    %scan3A_3 = arith.addi %scan3A_1, %scan3A_2 : i32
    %scan3A_4 = arith.constant 1 : i32
    scf.for %scan3A_6 = %scan3A_1 to %scan3A_3 step %scan3A_4  : i32 {
      %mul3A_7 = arith.constant 5120 : i32
      %mul3A_8 = arith.muli %add3A, %mul3A_7 : i32
      %mul3A_9 = arith.constant 128 : i32
      %mul3A_10 = arith.muli %scan3A_6, %mul3A_9 : i32
      %add3A_11 = arith.addi %mul3A_8, %mul3A_10 : i32
      "tpu.region"() ({
        %run_scoped3A = tpu.sem_alloc : memref<!tpu.dma_semaphore, #tpu.memory_space<semaphore_mem>>
        %dma_start3A_34 = tpu.memref_slice %arg2[%add3A_11] : memref<163840xi32, #tpu.memory_space<hbm>> -> memref<128xi32, #tpu.memory_space<hbm>>
        %dma_start3A_35 = tpu.memref_slice %arg2[%add3A_11] : memref<163840xi32, #tpu.memory_space<hbm>> -> memref<128xi32, #tpu.memory_space<hbm>>
        tpu.enqueue_dma source(%dma_start3A_35 : memref<128xi32, #tpu.memory_space<hbm>>) target(%arg9 : memref<128xi32, #tpu.memory_space<vmem>>) target_semaphore(%run_scoped3A : memref<!tpu.dma_semaphore, #tpu.memory_space<semaphore_mem>>)
        %dma_wait3A_36 = tpu.memref_slice %arg2[%add3A_11] : memref<163840xi32, #tpu.memory_space<hbm>> -> memref<128xi32, #tpu.memory_space<hbm>>
        %dma_wait3A_37 = tpu.memref_slice %arg2[%add3A_11] : memref<163840xi32, #tpu.memory_space<hbm>> -> memref<128xi32, #tpu.memory_space<hbm>>
        tpu.wait_dma2 semaphore(%run_scoped3A : memref<!tpu.dma_semaphore, #tpu.memory_space<semaphore_mem>>) src(%dma_wait3A_37 : memref<128xi32, #tpu.memory_space<hbm>>) dst(%arg9 : memref<128xi32, #tpu.memory_space<vmem>>)
        tpu.yield
      }) : () -> ()
      "tpu.region"() ({
        %run_scoped3A = tpu.sem_alloc : memref<!tpu.dma_semaphore, #tpu.memory_space<semaphore_mem>>
        %dma_start3A_34 = tpu.memref_slice %arg3[%add3A_11] : memref<163840xi32, #tpu.memory_space<hbm>> -> memref<128xi32, #tpu.memory_space<hbm>>
        %dma_start3A_35 = tpu.memref_slice %arg3[%add3A_11] : memref<163840xi32, #tpu.memory_space<hbm>> -> memref<128xi32, #tpu.memory_space<hbm>>
        tpu.enqueue_dma source(%dma_start3A_35 : memref<128xi32, #tpu.memory_space<hbm>>) target(%arg10 : memref<128xi32, #tpu.memory_space<vmem>>) target_semaphore(%run_scoped3A : memref<!tpu.dma_semaphore, #tpu.memory_space<semaphore_mem>>)
        %dma_wait3A_36 = tpu.memref_slice %arg3[%add3A_11] : memref<163840xi32, #tpu.memory_space<hbm>> -> memref<128xi32, #tpu.memory_space<hbm>>
        %dma_wait3A_37 = tpu.memref_slice %arg3[%add3A_11] : memref<163840xi32, #tpu.memory_space<hbm>> -> memref<128xi32, #tpu.memory_space<hbm>>
        tpu.wait_dma2 semaphore(%run_scoped3A : memref<!tpu.dma_semaphore, #tpu.memory_space<semaphore_mem>>) src(%dma_wait3A_37 : memref<128xi32, #tpu.memory_space<hbm>>) dst(%arg10 : memref<128xi32, #tpu.memory_space<vmem>>)
        tpu.yield
      }) : () -> ()
      "tpu.region"() ({
        %run_scoped3A = tpu.sem_alloc : memref<!tpu.dma_semaphore, #tpu.memory_space<semaphore_mem>>
        %dma_start3A_34 = tpu.memref_slice %arg4[%add3A_11] : memref<163840xi32, #tpu.memory_space<hbm>> -> memref<128xi32, #tpu.memory_space<hbm>>
        %dma_start3A_35 = tpu.memref_slice %arg4[%add3A_11] : memref<163840xi32, #tpu.memory_space<hbm>> -> memref<128xi32, #tpu.memory_space<hbm>>
        tpu.enqueue_dma source(%dma_start3A_35 : memref<128xi32, #tpu.memory_space<hbm>>) target(%arg11 : memref<128xi32, #tpu.memory_space<vmem>>) target_semaphore(%run_scoped3A : memref<!tpu.dma_semaphore, #tpu.memory_space<semaphore_mem>>)
        %dma_wait3A_36 = tpu.memref_slice %arg4[%add3A_11] : memref<163840xi32, #tpu.memory_space<hbm>> -> memref<128xi32, #tpu.memory_space<hbm>>
        %dma_wait3A_37 = tpu.memref_slice %arg4[%add3A_11] : memref<163840xi32, #tpu.memory_space<hbm>> -> memref<128xi32, #tpu.memory_space<hbm>>
        tpu.wait_dma2 semaphore(%run_scoped3A : memref<!tpu.dma_semaphore, #tpu.memory_space<semaphore_mem>>) src(%dma_wait3A_37 : memref<128xi32, #tpu.memory_space<hbm>>) dst(%arg11 : memref<128xi32, #tpu.memory_space<vmem>>)
        tpu.yield
      }) : () -> ()
      %dma_start3A = arith.constant 0 : i32
      %dma_start3A_12 = arith.constant 0 : i32
      %dma_start3A_13 = tpu.memref_slice %arg5[%dma_start3A, %dma_start3A_12] : memref<10000x128xf32, #tpu.memory_space<hbm>> -> memref<10000x128xf32, #tpu.memory_space<hbm>>
      tpu.enqueue_indirect_dma source(%dma_start3A_13 : memref<10000x128xf32, #tpu.memory_space<hbm>>) target(%arg12 : memref<128x128xf32, #tpu.memory_space<vmem>>) offsets(%arg9 : memref<128xi32, #tpu.memory_space<vmem>>) semaphore(%arg16 : memref<!tpu.dma_semaphore, #tpu.memory_space<semaphore_mem>>)
      %dma_start3A_14 = arith.constant 0 : i32
      %dma_start3A_15 = arith.constant 0 : i32
      %dma_start3A_16 = tpu.memref_slice %arg6[%dma_start3A_14, %dma_start3A_15] : memref<10240x128xf32, #tpu.memory_space<hbm>> -> memref<10240x128xf32, #tpu.memory_space<hbm>>
      tpu.enqueue_indirect_dma source(%dma_start3A_16 : memref<10240x128xf32, #tpu.memory_space<hbm>>) target(%arg13 : memref<128x128xf32, #tpu.memory_space<vmem>>) offsets(%arg10 : memref<128xi32, #tpu.memory_space<vmem>>) semaphore(%arg17 : memref<!tpu.dma_semaphore, #tpu.memory_space<semaphore_mem>>)
      %dma_start3A_17 = arith.constant 0 : i32
      %dma_start3A_18 = arith.constant 0 : i32
      %dma_start3A_19 = tpu.memref_slice %arg7[%dma_start3A_17, %dma_start3A_18] : memref<163840x128xf32, #tpu.memory_space<hbm>> -> memref<163840x128xf32, #tpu.memory_space<hbm>>
      tpu.enqueue_indirect_dma source(%dma_start3A_19 : memref<163840x128xf32, #tpu.memory_space<hbm>>) target(%arg14 : memref<128x128xf32, #tpu.memory_space<vmem>>) offsets(%arg11 : memref<128xi32, #tpu.memory_space<vmem>>) semaphore(%arg18 : memref<!tpu.dma_semaphore, #tpu.memory_space<semaphore_mem>>)
      %dma_wait3A = arith.constant 0 : i32
      %dma_wait3A_20 = arith.constant 0 : i32
      %dma_wait3A_21 = tpu.memref_slice %arg5[%dma_wait3A, %dma_wait3A_20] : memref<10000x128xf32, #tpu.memory_space<hbm>> -> memref<10000x128xf32, #tpu.memory_space<hbm>>
      tpu.wait_indirect_dma semaphore(%arg16 : memref<!tpu.dma_semaphore, #tpu.memory_space<semaphore_mem>>) src(%dma_wait3A_21 : memref<10000x128xf32, #tpu.memory_space<hbm>>) dst(%arg12 : memref<128x128xf32, #tpu.memory_space<vmem>>)
      %dma_wait3A_22 = arith.constant 0 : i32
      %dma_wait3A_23 = arith.constant 0 : i32
      %dma_wait3A_24 = tpu.memref_slice %arg6[%dma_wait3A_22, %dma_wait3A_23] : memref<10240x128xf32, #tpu.memory_space<hbm>> -> memref<10240x128xf32, #tpu.memory_space<hbm>>
      tpu.wait_indirect_dma semaphore(%arg17 : memref<!tpu.dma_semaphore, #tpu.memory_space<semaphore_mem>>) src(%dma_wait3A_24 : memref<10240x128xf32, #tpu.memory_space<hbm>>) dst(%arg13 : memref<128x128xf32, #tpu.memory_space<vmem>>)
      %dma_wait3A_25 = arith.constant 0 : i32
      %dma_wait3A_26 = arith.constant 0 : i32
      %dma_wait3A_27 = tpu.memref_slice %arg7[%dma_wait3A_25, %dma_wait3A_26] : memref<163840x128xf32, #tpu.memory_space<hbm>> -> memref<163840x128xf32, #tpu.memory_space<hbm>>
      tpu.wait_indirect_dma semaphore(%arg18 : memref<!tpu.dma_semaphore, #tpu.memory_space<semaphore_mem>>) src(%dma_wait3A_27 : memref<163840x128xf32, #tpu.memory_space<hbm>>) dst(%arg14 : memref<128x128xf32, #tpu.memory_space<vmem>>)
      %scan3A_28 = arith.constant 0 : i32
      %scan3A_29 = arith.constant 0 : i32
      %scan3A_30 = arith.constant 128 : i32
      %scan3A_31 = arith.addi %scan3A_29, %scan3A_30 : i32
      %scan3A_32 = arith.constant 1 : i32
      scf.for %scan3A_34 = %scan3A_29 to %scan3A_31 step %scan3A_32  : i32 {
        %get3A = arith.index_cast %scan3A_34 : i32 to index
        %get3A_35 = arith.constant 0 : index
        %get3A_36 = tpu.vector_load %arg13[%get3A, %get3A_35] {strides = array<i32>} : memref<128x128xf32, #tpu.memory_space<vmem>>, vector<1x16xf32>,
        %get3A_37 = vector.shape_cast %get3A_36 : vector<1x16xf32> to vector<16xf32>
        %get3A_38 = arith.index_cast %scan3A_34 : i32 to index
        %get3A_39 = arith.constant 0 : index
        %get3A_40 = tpu.vector_load %arg14[%get3A_38, %get3A_39] {strides = array<i32>} : memref<128x128xf32, #tpu.memory_space<vmem>>, vector<1x16xf32>,
        %get3A_41 = vector.shape_cast %get3A_40 : vector<1x16xf32> to vector<16xf32>
        %sub3A = arith.subf %get3A_37, %get3A_41 : vector<16xf32>
        %swap3A = arith.index_cast %scan3A_34 : i32 to index
        %swap3A_42 = arith.constant 0 : index
        %swap3A_43 = tpu.vector_load %arg15[%swap3A, %swap3A_42] {strides = array<i32>} : memref<128x128xf32, #tpu.memory_space<vmem>>, vector<1x16xf32>,
        %swap3A_44 = vector.shape_cast %swap3A_43 : vector<1x16xf32> to vector<16xf32>
        %swap3A_45 = vector.shape_cast %sub3A : vector<16xf32> to vector<1x16xf32>
        tpu.vector_store %arg15[%swap3A, %swap3A_42], %swap3A_45 {strides = array<i32>} : memref<128x128xf32, #tpu.memory_space<vmem>>, vector<1x16xf32>,
        %get3A_46 = arith.index_cast %scan3A_34 : i32 to index
        %get3A_47 = arith.constant 0 : index
        %get3A_48 = tpu.vector_load %arg12[%get3A_46, %get3A_47] {strides = array<i32>} : memref<128x128xf32, #tpu.memory_space<vmem>>, vector<1x16xf32>,
        %get3A_49 = vector.shape_cast %get3A_48 : vector<1x16xf32> to vector<16xf32>
        %swap3A_50 = arith.index_cast %scan3A_34 : i32 to index
        %swap3A_51 = arith.constant 64 : index
        %swap3A_52 = tpu.vector_load %arg15[%swap3A_50, %swap3A_51] {strides = array<i32>} : memref<128x128xf32, #tpu.memory_space<vmem>>, vector<1x16xf32>,
        %swap3A_53 = vector.shape_cast %swap3A_52 : vector<1x16xf32> to vector<16xf32>
        %swap3A_54 = vector.shape_cast %get3A_49 : vector<16xf32> to vector<1x16xf32>
        tpu.vector_store %arg15[%swap3A_50, %swap3A_51], %swap3A_54 {strides = array<i32>} : memref<128x128xf32, #tpu.memory_space<vmem>>, vector<1x16xf32>,
        %get3A_55 = arith.index_cast %scan3A_34 : i32 to index
        %get3A_56 = arith.constant 16 : index
        %get3A_57 = tpu.vector_load %arg13[%get3A_55, %get3A_56] {strides = array<i32>} : memref<128x128xf32, #tpu.memory_space<vmem>>, vector<1x16xf32>,
        %get3A_58 = vector.shape_cast %get3A_57 : vector<1x16xf32> to vector<16xf32>
        %get3A_59 = arith.index_cast %scan3A_34 : i32 to index
        %get3A_60 = arith.constant 16 : index
        %get3A_61 = tpu.vector_load %arg14[%get3A_59, %get3A_60] {strides = array<i32>} : memref<128x128xf32, #tpu.memory_space<vmem>>, vector<1x16xf32>,
        %get3A_62 = vector.shape_cast %get3A_61 : vector<1x16xf32> to vector<16xf32>
        %sub3A_63 = arith.subf %get3A_58, %get3A_62 : vector<16xf32>
        %swap3A_64 = arith.index_cast %scan3A_34 : i32 to index
        %swap3A_65 = arith.constant 16 : index
        %swap3A_66 = tpu.vector_load %arg15[%swap3A_64, %swap3A_65] {strides = array<i32>} : memref<128x128xf32, #tpu.memory_space<vmem>>, vector<1x16xf32>,
        %swap3A_67 = vector.shape_cast %swap3A_66 : vector<1x16xf32> to vector<16xf32>
        %swap3A_68 = vector.shape_cast %sub3A_63 : vector<16xf32> to vector<1x16xf32>
        tpu.vector_store %arg15[%swap3A_64, %swap3A_65], %swap3A_68 {strides = array<i32>} : memref<128x128xf32, #tpu.memory_space<vmem>>, vector<1x16xf32>,
        %get3A_69 = arith.index_cast %scan3A_34 : i32 to index
        %get3A_70 = arith.constant 16 : index
        %get3A_71 = tpu.vector_load %arg12[%get3A_69, %get3A_70] {strides = array<i32>} : memref<128x128xf32, #tpu.memory_space<vmem>>, vector<1x16xf32>,
        %get3A_72 = vector.shape_cast %get3A_71 : vector<1x16xf32> to vector<16xf32>
        %swap3A_73 = arith.index_cast %scan3A_34 : i32 to index
        %swap3A_74 = arith.constant 80 : index
        %swap3A_75 = tpu.vector_load %arg15[%swap3A_73, %swap3A_74] {strides = array<i32>} : memref<128x128xf32, #tpu.memory_space<vmem>>, vector<1x16xf32>,
        %swap3A_76 = vector.shape_cast %swap3A_75 : vector<1x16xf32> to vector<16xf32>
        %swap3A_77 = vector.shape_cast %get3A_72 : vector<16xf32> to vector<1x16xf32>
        tpu.vector_store %arg15[%swap3A_73, %swap3A_74], %swap3A_77 {strides = array<i32>} : memref<128x128xf32, #tpu.memory_space<vmem>>, vector<1x16xf32>,
        %get3A_78 = arith.index_cast %scan3A_34 : i32 to index
        %get3A_79 = arith.constant 32 : index
        %get3A_80 = tpu.vector_load %arg13[%get3A_78, %get3A_79] {strides = array<i32>} : memref<128x128xf32, #tpu.memory_space<vmem>>, vector<1x16xf32>,
        %get3A_81 = vector.shape_cast %get3A_80 : vector<1x16xf32> to vector<16xf32>
        %get3A_82 = arith.index_cast %scan3A_34 : i32 to index
        %get3A_83 = arith.constant 32 : index
        %get3A_84 = tpu.vector_load %arg14[%get3A_82, %get3A_83] {strides = array<i32>} : memref<128x128xf32, #tpu.memory_space<vmem>>, vector<1x16xf32>,
        %get3A_85 = vector.shape_cast %get3A_84 : vector<1x16xf32> to vector<16xf32>
        %sub3A_86 = arith.subf %get3A_81, %get3A_85 : vector<16xf32>
        %swap3A_87 = arith.index_cast %scan3A_34 : i32 to index
        %swap3A_88 = arith.constant 32 : index
        %swap3A_89 = tpu.vector_load %arg15[%swap3A_87, %swap3A_88] {strides = array<i32>} : memref<128x128xf32, #tpu.memory_space<vmem>>, vector<1x16xf32>,
        %swap3A_90 = vector.shape_cast %swap3A_89 : vector<1x16xf32> to vector<16xf32>
        %swap3A_91 = vector.shape_cast %sub3A_86 : vector<16xf32> to vector<1x16xf32>
        tpu.vector_store %arg15[%swap3A_87, %swap3A_88], %swap3A_91 {strides = array<i32>} : memref<128x128xf32, #tpu.memory_space<vmem>>, vector<1x16xf32>,
        %get3A_92 = arith.index_cast %scan3A_34 : i32 to index
        %get3A_93 = arith.constant 32 : index
        %get3A_94 = tpu.vector_load %arg12[%get3A_92, %get3A_93] {strides = array<i32>} : memref<128x128xf32, #tpu.memory_space<vmem>>, vector<1x16xf32>,
        %get3A_95 = vector.shape_cast %get3A_94 : vector<1x16xf32> to vector<16xf32>
        %swap3A_96 = arith.index_cast %scan3A_34 : i32 to index
        %swap3A_97 = arith.constant 96 : index
        %swap3A_98 = tpu.vector_load %arg15[%swap3A_96, %swap3A_97] {strides = array<i32>} : memref<128x128xf32, #tpu.memory_space<vmem>>, vector<1x16xf32>,
        %swap3A_99 = vector.shape_cast %swap3A_98 : vector<1x16xf32> to vector<16xf32>
        %swap3A_100 = vector.shape_cast %get3A_95 : vector<16xf32> to vector<1x16xf32>
        tpu.vector_store %arg15[%swap3A_96, %swap3A_97], %swap3A_100 {strides = array<i32>} : memref<128x128xf32, #tpu.memory_space<vmem>>, vector<1x16xf32>,
        %get3A_101 = arith.index_cast %scan3A_34 : i32 to index
        %get3A_102 = arith.constant 48 : index
        %get3A_103 = tpu.vector_load %arg13[%get3A_101, %get3A_102] {strides = array<i32>} : memref<128x128xf32, #tpu.memory_space<vmem>>, vector<1x16xf32>,
        %get3A_104 = vector.shape_cast %get3A_103 : vector<1x16xf32> to vector<16xf32>
        %get3A_105 = arith.index_cast %scan3A_34 : i32 to index
        %get3A_106 = arith.constant 48 : index
        %get3A_107 = tpu.vector_load %arg14[%get3A_105, %get3A_106] {strides = array<i32>} : memref<128x128xf32, #tpu.memory_space<vmem>>, vector<1x16xf32>,
        %get3A_108 = vector.shape_cast %get3A_107 : vector<1x16xf32> to vector<16xf32>
        %sub3A_109 = arith.subf %get3A_104, %get3A_108 : vector<16xf32>
        %swap3A_110 = arith.index_cast %scan3A_34 : i32 to index
        %swap3A_111 = arith.constant 48 : index
        %swap3A_112 = tpu.vector_load %arg15[%swap3A_110, %swap3A_111] {strides = array<i32>} : memref<128x128xf32, #tpu.memory_space<vmem>>, vector<1x16xf32>,
        %swap3A_113 = vector.shape_cast %swap3A_112 : vector<1x16xf32> to vector<16xf32>
        %swap3A_114 = vector.shape_cast %sub3A_109 : vector<16xf32> to vector<1x16xf32>
        tpu.vector_store %arg15[%swap3A_110, %swap3A_111], %swap3A_114 {strides = array<i32>} : memref<128x128xf32, #tpu.memory_space<vmem>>, vector<1x16xf32>,
        %get3A_115 = arith.index_cast %scan3A_34 : i32 to index
        %get3A_116 = arith.constant 48 : index
        %get3A_117 = tpu.vector_load %arg12[%get3A_115, %get3A_116] {strides = array<i32>} : memref<128x128xf32, #tpu.memory_space<vmem>>, vector<1x16xf32>,
        %get3A_118 = vector.shape_cast %get3A_117 : vector<1x16xf32> to vector<16xf32>
        %swap3A_119 = arith.index_cast %scan3A_34 : i32 to index
        %swap3A_120 = arith.constant 112 : index
        %swap3A_121 = tpu.vector_load %arg15[%swap3A_119, %swap3A_120] {strides = array<i32>} : memref<128x128xf32, #tpu.memory_space<vmem>>, vector<1x16xf32>,
        %swap3A_122 = vector.shape_cast %swap3A_121 : vector<1x16xf32> to vector<16xf32>
        %swap3A_123 = vector.shape_cast %get3A_118 : vector<16xf32> to vector<1x16xf32>
        tpu.vector_store %arg15[%swap3A_119, %swap3A_120], %swap3A_123 {strides = array<i32>} : memref<128x128xf32, #tpu.memory_space<vmem>>, vector<1x16xf32>,
      }
      %scan3A_33 = arith.constant 128 : i32
      "tpu.region"() ({
        %run_scoped3A = tpu.sem_alloc : memref<!tpu.dma_semaphore, #tpu.memory_space<semaphore_mem>>
        %dma_start3A_34 = arith.constant 0 : i32
        %dma_start3A_35 = tpu.memref_slice %arg8[%add3A_11, %dma_start3A_34] : memref<163840x128xf32, #tpu.memory_space<hbm>> -> memref<128x128xf32, #tpu.memory_space<hbm>>
        %dma_start3A_36 = arith.constant 0 : i32
        %dma_start3A_37 = tpu.memref_slice %arg8[%add3A_11, %dma_start3A_36] : memref<163840x128xf32, #tpu.memory_space<hbm>> -> memref<128x128xf32, #tpu.memory_space<hbm>>
        tpu.enqueue_dma source(%arg15 : memref<128x128xf32, #tpu.memory_space<vmem>>) target(%dma_start3A_37 : memref<128x128xf32, #tpu.memory_space<hbm>>) target_semaphore(%run_scoped3A : memref<!tpu.dma_semaphore, #tpu.memory_space<semaphore_mem>>)
        %dma_wait3A_38 = arith.constant 0 : i32
        %dma_wait3A_39 = tpu.memref_slice %arg8[%add3A_11, %dma_wait3A_38] : memref<163840x128xf32, #tpu.memory_space<hbm>> -> memref<128x128xf32, #tpu.memory_space<hbm>>
        %dma_wait3A_40 = arith.constant 0 : i32
        %dma_wait3A_41 = tpu.memref_slice %arg8[%add3A_11, %dma_wait3A_40] : memref<163840x128xf32, #tpu.memory_space<hbm>> -> memref<128x128xf32, #tpu.memory_space<hbm>>
        tpu.wait_dma2 semaphore(%run_scoped3A : memref<!tpu.dma_semaphore, #tpu.memory_space<semaphore_mem>>) src(%arg15 : memref<128x128xf32, #tpu.memory_space<vmem>>) dst(%dma_wait3A_41 : memref<128x128xf32, #tpu.memory_space<hbm>>)
        tpu.yield
      }) : () -> ()
    }
    %scan3A_5 = arith.constant 40 : i32
    return
  }
}

#map = affine_map<(d0, d1) -> (0, 0)>
#map1 = affine_map<(d0, d1) -> (0)>
#map2 = affine_map<(d0, d1) -> (0, 0, 0)>
module attributes {stable_mosaic.version = 14 : i64} {
  func.func @_sc_scatter(%arg0: i32, %arg1: i32, %arg2: memref<163840x128xf32, #tpu.memory_space<hbm>>, %arg3: memref<163840xi32, #tpu.memory_space<hbm>>, %arg4: memref<163840xi32, #tpu.memory_space<hbm>>, %arg5: memref<128x128xf32, #tpu.memory_space<hbm>>, %arg6: memref<2x10240x128xf32, #tpu.memory_space<hbm>>, %arg7: memref<10240x128xf32, #tpu.memory_space<vmem_shared>>, %arg8: memref<128x128xf32, #tpu.memory_space<vmem>>, %arg9: memref<128xi32, #tpu.memory_space<vmem>>) attributes {dimension_semantics = [#tpu.dimension_semantics<core_parallel>, #tpu.dimension_semantics<subcore_parallel>], iteration_bounds = array<i64: 2, 16>, scalar_prefetch = 0 : i64, scratch_operands = 3 : i64, tpu.core_type = #tpu.core_type<sc_vector_subcore>, window_params = [{transform_indices = #map}, {transform_indices = #map1}, {transform_indices = #map1}, {transform_indices = #map}, {transform_indices = #map2}]} {
    "tpu.region"() ({
      %run_scoped3A = tpu.sem_alloc : memref<!tpu.dma_semaphore, #tpu.memory_space<semaphore_mem>>
      tpu.enqueue_dma source(%arg5 : memref<128x128xf32, #tpu.memory_space<hbm>>) target(%arg8 : memref<128x128xf32, #tpu.memory_space<vmem>>) target_semaphore(%run_scoped3A : memref<!tpu.dma_semaphore, #tpu.memory_space<semaphore_mem>>)
      tpu.wait_dma2 semaphore(%run_scoped3A : memref<!tpu.dma_semaphore, #tpu.memory_space<semaphore_mem>>) src(%arg5 : memref<128x128xf32, #tpu.memory_space<hbm>>) dst(%arg8 : memref<128x128xf32, #tpu.memory_space<vmem>>)
      tpu.yield
    }) : () -> ()
    %scan3A = arith.constant 0 : i32
    %scan3A_0 = arith.constant 0 : i32
    %scan3A_1 = arith.constant 5 : i32
    %scan3A_2 = arith.addi %scan3A_0, %scan3A_1 : i32
    %scan3A_3 = arith.constant 1 : i32
    scf.for %scan3A_16 = %scan3A_0 to %scan3A_2 step %scan3A_3  : i32 {
      %mul3A_17 = arith.constant 640 : i32
      %mul3A_18 = arith.muli %arg1, %mul3A_17 : i32
      %mul3A_19 = arith.constant 128 : i32
      %mul3A_20 = arith.muli %scan3A_16, %mul3A_19 : i32
      %add3A = arith.addi %mul3A_18, %mul3A_20 : i32
      "tpu.region"() ({
        %run_scoped3A = tpu.sem_alloc : memref<!tpu.dma_semaphore, #tpu.memory_space<semaphore_mem>>
        %dma_start3A = arith.constant 0 : i32
        %dma_start3A_21 = tpu.memref_slice %arg7[%add3A, %dma_start3A] : memref<10240x128xf32, #tpu.memory_space<vmem_shared>> -> memref<128x128xf32, #tpu.memory_space<vmem_shared>>
        %dma_start3A_22 = arith.constant 0 : i32
        %dma_start3A_23 = tpu.memref_slice %arg7[%add3A, %dma_start3A_22] : memref<10240x128xf32, #tpu.memory_space<vmem_shared>> -> memref<128x128xf32, #tpu.memory_space<vmem_shared>>
        tpu.enqueue_dma source(%arg8 : memref<128x128xf32, #tpu.memory_space<vmem>>) target(%dma_start3A_23 : memref<128x128xf32, #tpu.memory_space<vmem_shared>>) target_semaphore(%run_scoped3A : memref<!tpu.dma_semaphore, #tpu.memory_space<semaphore_mem>>)
        %dma_wait3A = arith.constant 0 : i32
        %dma_wait3A_24 = tpu.memref_slice %arg7[%add3A, %dma_wait3A] : memref<10240x128xf32, #tpu.memory_space<vmem_shared>> -> memref<128x128xf32, #tpu.memory_space<vmem_shared>>
        %dma_wait3A_25 = arith.constant 0 : i32
        %dma_wait3A_26 = tpu.memref_slice %arg7[%add3A, %dma_wait3A_25] : memref<10240x128xf32, #tpu.memory_space<vmem_shared>> -> memref<128x128xf32, #tpu.memory_space<vmem_shared>>
        tpu.wait_dma2 semaphore(%run_scoped3A : memref<!tpu.dma_semaphore, #tpu.memory_space<semaphore_mem>>) src(%arg8 : memref<128x128xf32, #tpu.memory_space<vmem>>) dst(%dma_wait3A_26 : memref<128x128xf32, #tpu.memory_space<vmem_shared>>)
        tpu.yield
      }) : () -> ()
    }
    %scan3A_4 = arith.constant 5 : i32
    %barrier3A = arith.constant 0 : index
    tpu.barrier barrier_id(%barrier3A)
    %eq3A = arith.constant 0 : i32
    %eq3A_5 = arith.cmpi eq, %arg0, %eq3A : i32
    %convert_element_type3A = arith.extui %eq3A_5 : i1 to i32
    %cond3A = arith.constant 0 : i32
    %cond3A_6 = arith.cmpi ne, %convert_element_type3A, %cond3A : i32
    scf.if %cond3A_6 {
      %scan3A_16 = arith.constant 0 : i32
      %scan3A_17 = arith.constant 0 : i32
      %scan3A_18 = arith.constant 80 : i32
      %scan3A_19 = arith.addi %scan3A_17, %scan3A_18 : i32
      %scan3A_20 = arith.constant 1 : i32
      scf.for %scan3A_22 = %scan3A_17 to %scan3A_19 step %scan3A_20  : i32 {
        %mul3A_23 = arith.constant 10240 : i32
        %mul3A_24 = arith.muli %arg1, %mul3A_23 : i32
        %mul3A_25 = arith.constant 128 : i32
        %mul3A_26 = arith.muli %scan3A_22, %mul3A_25 : i32
        %add3A = arith.addi %mul3A_24, %mul3A_26 : i32
        "tpu.region"() ({
          %run_scoped3A = tpu.sem_alloc : memref<!tpu.dma_semaphore, #tpu.memory_space<semaphore_mem>>
          %dma_start3A = arith.constant 0 : i32
          %dma_start3A_27 = tpu.memref_slice %arg2[%add3A, %dma_start3A] : memref<163840x128xf32, #tpu.memory_space<hbm>> -> memref<128x128xf32, #tpu.memory_space<hbm>>
          %dma_start3A_28 = arith.constant 0 : i32
          %dma_start3A_29 = tpu.memref_slice %arg2[%add3A, %dma_start3A_28] : memref<163840x128xf32, #tpu.memory_space<hbm>> -> memref<128x128xf32, #tpu.memory_space<hbm>>
          tpu.enqueue_dma source(%dma_start3A_29 : memref<128x128xf32, #tpu.memory_space<hbm>>) target(%arg8 : memref<128x128xf32, #tpu.memory_space<vmem>>) target_semaphore(%run_scoped3A : memref<!tpu.dma_semaphore, #tpu.memory_space<semaphore_mem>>)
          %dma_wait3A = arith.constant 0 : i32
          %dma_wait3A_30 = tpu.memref_slice %arg2[%add3A, %dma_wait3A] : memref<163840x128xf32, #tpu.memory_space<hbm>> -> memref<128x128xf32, #tpu.memory_space<hbm>>
          %dma_wait3A_31 = arith.constant 0 : i32
          %dma_wait3A_32 = tpu.memref_slice %arg2[%add3A, %dma_wait3A_31] : memref<163840x128xf32, #tpu.memory_space<hbm>> -> memref<128x128xf32, #tpu.memory_space<hbm>>
          tpu.wait_dma2 semaphore(%run_scoped3A : memref<!tpu.dma_semaphore, #tpu.memory_space<semaphore_mem>>) src(%dma_wait3A_32 : memref<128x128xf32, #tpu.memory_space<hbm>>) dst(%arg8 : memref<128x128xf32, #tpu.memory_space<vmem>>)
          tpu.yield
        }) : () -> ()
        "tpu.region"() ({
          %run_scoped3A = tpu.sem_alloc : memref<!tpu.dma_semaphore, #tpu.memory_space<semaphore_mem>>
          %dma_start3A = tpu.memref_slice %arg3[%add3A] : memref<163840xi32, #tpu.memory_space<hbm>> -> memref<128xi32, #tpu.memory_space<hbm>>
          %dma_start3A_27 = tpu.memref_slice %arg3[%add3A] : memref<163840xi32, #tpu.memory_space<hbm>> -> memref<128xi32, #tpu.memory_space<hbm>>
          tpu.enqueue_dma source(%dma_start3A_27 : memref<128xi32, #tpu.memory_space<hbm>>) target(%arg9 : memref<128xi32, #tpu.memory_space<vmem>>) target_semaphore(%run_scoped3A : memref<!tpu.dma_semaphore, #tpu.memory_space<semaphore_mem>>)
          %dma_wait3A = tpu.memref_slice %arg3[%add3A] : memref<163840xi32, #tpu.memory_space<hbm>> -> memref<128xi32, #tpu.memory_space<hbm>>
          %dma_wait3A_28 = tpu.memref_slice %arg3[%add3A] : memref<163840xi32, #tpu.memory_space<hbm>> -> memref<128xi32, #tpu.memory_space<hbm>>
          tpu.wait_dma2 semaphore(%run_scoped3A : memref<!tpu.dma_semaphore, #tpu.memory_space<semaphore_mem>>) src(%dma_wait3A_28 : memref<128xi32, #tpu.memory_space<hbm>>) dst(%arg9 : memref<128xi32, #tpu.memory_space<vmem>>)
          tpu.yield
        }) : () -> ()
        "tpu.region"() ({
          %run_scoped3A = tpu.sem_alloc : memref<!tpu.dma_semaphore, #tpu.memory_space<semaphore_mem>>
          %dma_start3A = arith.constant 0 : i32
          %dma_start3A_27 = arith.constant 0 : i32
          %dma_start3A_28 = tpu.memref_slice %arg7[%dma_start3A, %dma_start3A_27] : memref<10240x128xf32, #tpu.memory_space<vmem_shared>> -> memref<10240x128xf32, #tpu.memory_space<vmem_shared>>
          tpu.enqueue_indirect_dma source(%arg8 : memref<128x128xf32, #tpu.memory_space<vmem>>) target(%dma_start3A_28 : memref<10240x128xf32, #tpu.memory_space<vmem_shared>>) offsets(%arg9 : memref<128xi32, #tpu.memory_space<vmem>>) semaphore(%run_scoped3A : memref<!tpu.dma_semaphore, #tpu.memory_space<semaphore_mem>>) {add = true}
          %dma_wait3A = arith.constant 0 : i32
          %dma_wait3A_29 = arith.constant 0 : i32
          %dma_wait3A_30 = tpu.memref_slice %arg7[%dma_wait3A, %dma_wait3A_29] : memref<10240x128xf32, #tpu.memory_space<vmem_shared>> -> memref<10240x128xf32, #tpu.memory_space<vmem_shared>>
          tpu.wait_indirect_dma semaphore(%run_scoped3A : memref<!tpu.dma_semaphore, #tpu.memory_space<semaphore_mem>>) src(%arg8 : memref<128x128xf32, #tpu.memory_space<vmem>>) dst(%dma_wait3A_30 : memref<10240x128xf32, #tpu.memory_space<vmem_shared>>)
          tpu.yield
        }) : () -> ()
      }
      %scan3A_21 = arith.constant 80 : i32
    } else {
    }
    %eq3A_7 = arith.constant 1 : i32
    %eq3A_8 = arith.cmpi eq, %arg0, %eq3A_7 : i32
    %convert_element_type3A_9 = arith.extui %eq3A_8 : i1 to i32
    %cond3A_10 = arith.constant 0 : i32
    %cond3A_11 = arith.cmpi ne, %convert_element_type3A_9, %cond3A_10 : i32
    scf.if %cond3A_11 {
      %scan3A_16 = arith.constant 0 : i32
      %scan3A_17 = arith.constant 0 : i32
      %scan3A_18 = arith.constant 80 : i32
      %scan3A_19 = arith.addi %scan3A_17, %scan3A_18 : i32
      %scan3A_20 = arith.constant 1 : i32
      scf.for %scan3A_22 = %scan3A_17 to %scan3A_19 step %scan3A_20  : i32 {
        %mul3A_23 = arith.constant 10240 : i32
        %mul3A_24 = arith.muli %arg1, %mul3A_23 : i32
        %mul3A_25 = arith.constant 128 : i32
        %mul3A_26 = arith.muli %scan3A_22, %mul3A_25 : i32
        %add3A = arith.addi %mul3A_24, %mul3A_26 : i32
        "tpu.region"() ({
          %run_scoped3A = tpu.sem_alloc : memref<!tpu.dma_semaphore, #tpu.memory_space<semaphore_mem>>
          %dma_start3A = arith.constant 0 : i32
          %dma_start3A_27 = tpu.memref_slice %arg2[%add3A, %dma_start3A] : memref<163840x128xf32, #tpu.memory_space<hbm>> -> memref<128x128xf32, #tpu.memory_space<hbm>>
          %dma_start3A_28 = arith.constant 0 : i32
          %dma_start3A_29 = tpu.memref_slice %arg2[%add3A, %dma_start3A_28] : memref<163840x128xf32, #tpu.memory_space<hbm>> -> memref<128x128xf32, #tpu.memory_space<hbm>>
          tpu.enqueue_dma source(%dma_start3A_29 : memref<128x128xf32, #tpu.memory_space<hbm>>) target(%arg8 : memref<128x128xf32, #tpu.memory_space<vmem>>) target_semaphore(%run_scoped3A : memref<!tpu.dma_semaphore, #tpu.memory_space<semaphore_mem>>)
          %dma_wait3A = arith.constant 0 : i32
          %dma_wait3A_30 = tpu.memref_slice %arg2[%add3A, %dma_wait3A] : memref<163840x128xf32, #tpu.memory_space<hbm>> -> memref<128x128xf32, #tpu.memory_space<hbm>>
          %dma_wait3A_31 = arith.constant 0 : i32
          %dma_wait3A_32 = tpu.memref_slice %arg2[%add3A, %dma_wait3A_31] : memref<163840x128xf32, #tpu.memory_space<hbm>> -> memref<128x128xf32, #tpu.memory_space<hbm>>
          tpu.wait_dma2 semaphore(%run_scoped3A : memref<!tpu.dma_semaphore, #tpu.memory_space<semaphore_mem>>) src(%dma_wait3A_32 : memref<128x128xf32, #tpu.memory_space<hbm>>) dst(%arg8 : memref<128x128xf32, #tpu.memory_space<vmem>>)
          tpu.yield
        }) : () -> ()
        "tpu.region"() ({
          %run_scoped3A = tpu.sem_alloc : memref<!tpu.dma_semaphore, #tpu.memory_space<semaphore_mem>>
          %dma_start3A = tpu.memref_slice %arg4[%add3A] : memref<163840xi32, #tpu.memory_space<hbm>> -> memref<128xi32, #tpu.memory_space<hbm>>
          %dma_start3A_27 = tpu.memref_slice %arg4[%add3A] : memref<163840xi32, #tpu.memory_space<hbm>> -> memref<128xi32, #tpu.memory_space<hbm>>
          tpu.enqueue_dma source(%dma_start3A_27 : memref<128xi32, #tpu.memory_space<hbm>>) target(%arg9 : memref<128xi32, #tpu.memory_space<vmem>>) target_semaphore(%run_scoped3A : memref<!tpu.dma_semaphore, #tpu.memory_space<semaphore_mem>>)
          %dma_wait3A = tpu.memref_slice %arg4[%add3A] : memref<163840xi32, #tpu.memory_space<hbm>> -> memref<128xi32, #tpu.memory_space<hbm>>
          %dma_wait3A_28 = tpu.memref_slice %arg4[%add3A] : memref<163840xi32, #tpu.memory_space<hbm>> -> memref<128xi32, #tpu.memory_space<hbm>>
          tpu.wait_dma2 semaphore(%run_scoped3A : memref<!tpu.dma_semaphore, #tpu.memory_space<semaphore_mem>>) src(%dma_wait3A_28 : memref<128xi32, #tpu.memory_space<hbm>>) dst(%arg9 : memref<128xi32, #tpu.memory_space<vmem>>)
          tpu.yield
        }) : () -> ()
        "tpu.region"() ({
          %run_scoped3A = tpu.sem_alloc : memref<!tpu.dma_semaphore, #tpu.memory_space<semaphore_mem>>
          %dma_start3A = arith.constant 0 : i32
          %dma_start3A_27 = arith.constant 0 : i32
          %dma_start3A_28 = tpu.memref_slice %arg7[%dma_start3A, %dma_start3A_27] : memref<10240x128xf32, #tpu.memory_space<vmem_shared>> -> memref<10240x128xf32, #tpu.memory_space<vmem_shared>>
          tpu.enqueue_indirect_dma source(%arg8 : memref<128x128xf32, #tpu.memory_space<vmem>>) target(%dma_start3A_28 : memref<10240x128xf32, #tpu.memory_space<vmem_shared>>) offsets(%arg9 : memref<128xi32, #tpu.memory_space<vmem>>) semaphore(%run_scoped3A : memref<!tpu.dma_semaphore, #tpu.memory_space<semaphore_mem>>) {add = true}
          %dma_wait3A = arith.constant 0 : i32
          %dma_wait3A_29 = arith.constant 0 : i32
          %dma_wait3A_30 = tpu.memref_slice %arg7[%dma_wait3A, %dma_wait3A_29] : memref<10240x128xf32, #tpu.memory_space<vmem_shared>> -> memref<10240x128xf32, #tpu.memory_space<vmem_shared>>
          tpu.wait_indirect_dma semaphore(%run_scoped3A : memref<!tpu.dma_semaphore, #tpu.memory_space<semaphore_mem>>) src(%arg8 : memref<128x128xf32, #tpu.memory_space<vmem>>) dst(%dma_wait3A_30 : memref<10240x128xf32, #tpu.memory_space<vmem_shared>>)
          tpu.yield
        }) : () -> ()
      }
      %scan3A_21 = arith.constant 80 : i32
    } else {
    }
    %barrier3A_12 = arith.constant 0 : index
    tpu.barrier barrier_id(%barrier3A_12)
    %mul3A = arith.constant 640 : i32
    %mul3A_13 = arith.muli %arg1, %mul3A : i32
    %mul3A_14 = arith.constant 640 : i32
    %mul3A_15 = arith.muli %arg1, %mul3A_14 : i32
    "tpu.region"() ({
      %run_scoped3A = tpu.sem_alloc : memref<!tpu.dma_semaphore, #tpu.memory_space<semaphore_mem>>
      %dma_start3A = arith.constant 0 : i32
      %dma_start3A_16 = tpu.memref_slice %arg6[%arg0, %mul3A_15, %dma_start3A] : memref<2x10240x128xf32, #tpu.memory_space<hbm>> -> memref<1x640x128xf32, #tpu.memory_space<hbm>>
      %dma_start3A_17 = tpu.memref_squeeze %dma_start3A_16 : memref<1x640x128xf32, #tpu.memory_space<hbm>> -> memref<640x128xf32, #tpu.memory_space<hbm>>
      %dma_start3A_18 = arith.constant 0 : i32
      %dma_start3A_19 = tpu.memref_slice %arg7[%mul3A_13, %dma_start3A_18] : memref<10240x128xf32, #tpu.memory_space<vmem_shared>> -> memref<640x128xf32, #tpu.memory_space<vmem_shared>>
      tpu.enqueue_dma source(%dma_start3A_19 : memref<640x128xf32, #tpu.memory_space<vmem_shared>>) target(%dma_start3A_17 : memref<640x128xf32, #tpu.memory_space<hbm>>) target_semaphore(%run_scoped3A : memref<!tpu.dma_semaphore, #tpu.memory_space<semaphore_mem>>)
      %dma_wait3A = arith.constant 0 : i32
      %dma_wait3A_20 = tpu.memref_slice %arg6[%arg0, %mul3A_15, %dma_wait3A] : memref<2x10240x128xf32, #tpu.memory_space<hbm>> -> memref<1x640x128xf32, #tpu.memory_space<hbm>>
      %dma_wait3A_21 = tpu.memref_squeeze %dma_wait3A_20 : memref<1x640x128xf32, #tpu.memory_space<hbm>> -> memref<640x128xf32, #tpu.memory_space<hbm>>
      %dma_wait3A_22 = arith.constant 0 : i32
      %dma_wait3A_23 = tpu.memref_slice %arg7[%mul3A_13, %dma_wait3A_22] : memref<10240x128xf32, #tpu.memory_space<vmem_shared>> -> memref<640x128xf32, #tpu.memory_space<vmem_shared>>
      tpu.wait_dma2 semaphore(%run_scoped3A : memref<!tpu.dma_semaphore, #tpu.memory_space<semaphore_mem>>) src(%dma_wait3A_23 : memref<640x128xf32, #tpu.memory_space<vmem_shared>>) dst(%dma_wait3A_21 : memref<640x128xf32, #tpu.memory_space<hbm>>)
      tpu.yield
    }) : () -> ()
    return
  }
}

module attributes {stable_mosaic.version = 14 : i64} {
  func.func @_edge_init_body(%arg0: i32, %arg1: memref<2048x8xf32, #tpu.memory_space<vmem>>, %arg2: memref<64x8xf32, #tpu.memory_space<vmem>>, %arg3: memref<1x64xf32, #tpu.memory_space<vmem>>, %arg4: memref<2048x128xf32, #tpu.memory_space<vmem>>) attributes {dimension_semantics = [#tpu.dimension_semantics<arbitrary>], iteration_bounds = array<i64: 80>, scalar_prefetch = 0 : i64, scratch_operands = 0 : i64, tpu.core_type = #tpu.core_type<tc>, window_params = [{transform_indices = @transform_0, window_bounds = array<i64: 2048, 8>}, {pipeline_mode = #tpu.pipeline_mode<synchronous>, transform_indices = @transform_1, window_bounds = array<i64: 64, 8>}, {pipeline_mode = #tpu.pipeline_mode<synchronous>, transform_indices = @transform_2, window_bounds = array<i64: 1, 64>}, {transform_indices = @transform_3, window_bounds = array<i64: 2048, 128>}]} {
    %get3A = arith.constant 0 : index
    %get3A_0 = arith.constant 0 : index
    %get3A_1 = vector.load %arg1[%get3A, %get3A_0] : memref<2048x8xf32, #tpu.memory_space<vmem>>, vector<2048x8xf32>
    %get3A_2 = arith.constant 0 : index
    %get3A_3 = arith.constant 0 : index
    %get3A_4 = vector.load %arg2[%get3A_2, %get3A_3] : memref<64x8xf32, #tpu.memory_space<vmem>>, vector<64x8xf32>
    %dot_general3A = arith.constant dense<0.000000e+00> : vector<2048x64xf32>
    %dot_general3A_5 = tpu.matmul %get3A_1, %get3A_4, %dot_general3A {dimension_numbers = #tpu.dot_dimension_numbers<[1], [1], [0], [0], [0, 0, 1, 0], [], []>, precision = #tpu.contract_precision<fp32>, transpose_lhs_hint = false} : vector<2048x8xf32>, vector<64x8xf32>, vector<2048x64xf32> -> vector<2048x64xf32>
    %get3A_6 = arith.constant 0 : index
    %get3A_7 = arith.constant 0 : index
    %get3A_8 = vector.load %arg3[%get3A_6, %get3A_7] : memref<1x64xf32, #tpu.memory_space<vmem>>, vector<1x64xf32>
    %add3A = vector.broadcast %get3A_8 : vector<1x64xf32> to vector<2048x64xf32>
    %add3A_9 = arith.addf %dot_general3A_5, %add3A : vector<2048x64xf32>
    %mul3A = arith.constant 2048 : i32
    %mul3A_10 = arith.muli %arg0, %mul3A : i32
    %iota3A = tpu.iota {dimensions = array<i32: 0>} : vector<2048x64xi32>
    %add3A_11 = vector.broadcast %mul3A_10 : i32 to vector<2048x64xi32>
    %add3A_12 = arith.addi %add3A_11, %iota3A : vector<2048x64xi32>
    %lt3A = arith.constant 160000 : i32
    %lt3A_13 = vector.broadcast %lt3A : i32 to vector<2048x64xi32>
    %lt3A_14 = arith.cmpi slt, %add3A_12, %lt3A_13 : vector<2048x64xi32>
    %jit3A = arith.constant 0.000000e+00 : f32
    %broadcast_in_dim3A = vector.broadcast %jit3A : f32 to vector<2048x64xf32>
    %select_n3A = arith.select %lt3A_14, %add3A_9, %broadcast_in_dim3A : vector<2048x64xi1>, vector<2048x64xf32>
    %broadcast_in_dim3A_15 = arith.constant 0.000000e+00 : f32
    %broadcast_in_dim3A_16 = vector.broadcast %broadcast_in_dim3A_15 : f32 to vector<2048x64xf32>
    %concatenate3A = tpu.concatenate %select_n3A, %broadcast_in_dim3A_16 in 1 : vector<2048x64xf32>, vector<2048x64xf32> -> vector<2048x128xf32>
    %swap3A = arith.constant 0 : index
    %swap3A_17 = arith.constant 0 : index
    %swap3A_18 = vector.load %arg4[%swap3A, %swap3A_17] : memref<2048x128xf32, #tpu.memory_space<vmem>>, vector<2048x128xf32>
    tpu.vector_store %arg4[%swap3A, %swap3A_17], %concatenate3A {strides = array<i32>} : memref<2048x128xf32, #tpu.memory_space<vmem>>, vector<2048x128xf32>,
    return
  }
  func.func @transform_0(%arg0: i32) -> (i32, i32) {
    %c0_i32 = arith.constant 0 : i32
    %c0_i32_0 = arith.constant 0 : i32
    return %arg0, %c0_i32 : i32, i32
  }
  func.func @transform_1(%arg0: i32) -> (i32, i32) {
    %c0_i32 = arith.constant 0 : i32
    %c0_i32_0 = arith.constant 0 : i32
    %c0_i32_1 = arith.constant 0 : i32
    return %c0_i32, %c0_i32_0 : i32, i32
  }
  func.func @transform_2(%arg0: i32) -> (i32, i32) {
    %c0_i32 = arith.constant 0 : i32
    %c0_i32_0 = arith.constant 0 : i32
    %c0_i32_1 = arith.constant 0 : i32
    return %c0_i32, %c0_i32_0 : i32, i32
  }
  func.func @transform_3(%arg0: i32) -> (i32, i32) {
    %c0_i32 = arith.constant 0 : i32
    %c0_i32_0 = arith.constant 0 : i32
    return %arg0, %c0_i32 : i32, i32
  }
}

module attributes {stable_mosaic.version = 14 : i64} {
  func.func @_small1_body(%arg0: memref<10000x78xf32, #tpu.memory_space<vmem>>, %arg1: memref<64x78xf32, #tpu.memory_space<vmem>>, %arg2: memref<10000x128xf32, #tpu.memory_space<vmem>>) attributes {dimension_semantics = [], scalar_prefetch = 0 : i64, scratch_operands = 0 : i64, tpu.core_type = #tpu.core_type<tc>} {
    %get3A = arith.constant 0 : index
    %get3A_0 = arith.constant 0 : index
    %get3A_1 = vector.load %arg0[%get3A, %get3A_0] : memref<10000x78xf32, #tpu.memory_space<vmem>>, vector<10000x78xf32>
    %get3A_2 = arith.constant 0 : index
    %get3A_3 = arith.constant 0 : index
    %get3A_4 = vector.load %arg1[%get3A_2, %get3A_3] : memref<64x78xf32, #tpu.memory_space<vmem>>, vector<64x78xf32>
    %dot_general3A = arith.constant dense<0.000000e+00> : vector<10000x64xf32>
    %dot_general3A_5 = tpu.matmul %get3A_1, %get3A_4, %dot_general3A {dimension_numbers = #tpu.dot_dimension_numbers<[1], [1], [0], [0], [0, 0, 1, 0], [], []>, precision = #tpu.contract_precision<fp32>, transpose_lhs_hint = false} : vector<10000x78xf32>, vector<64x78xf32>, vector<10000x64xf32> -> vector<10000x64xf32>
    %broadcast_in_dim3A = arith.constant 0.000000e+00 : f32
    %broadcast_in_dim3A_6 = vector.broadcast %broadcast_in_dim3A : f32 to vector<10000x64xf32>
    %concatenate3A = tpu.concatenate %dot_general3A_5, %broadcast_in_dim3A_6 in 1 : vector<10000x64xf32>, vector<10000x64xf32> -> vector<10000x128xf32>
    %swap3A = arith.constant 0 : index
    %swap3A_7 = arith.constant 0 : index
    %swap3A_8 = vector.load %arg2[%swap3A, %swap3A_7] : memref<10000x128xf32, #tpu.memory_space<vmem>>, vector<10000x128xf32>
    tpu.vector_store %arg2[%swap3A, %swap3A_7], %concatenate3A {strides = array<i32>} : memref<10000x128xf32, #tpu.memory_space<vmem>>, vector<10000x128xf32>,
    return
  }
}

module attributes {stable_mosaic.version = 14 : i64} {
  func.func @_edge_body(%arg0: i32, %arg1: memref<2048x128xf32, #tpu.memory_space<vmem>>, %arg2: memref<1x64xf32, #tpu.memory_space<vmem>>, %arg3: memref<64x64xf32, #tpu.memory_space<vmem>>, %arg4: memref<2048x128xf32, #tpu.memory_space<vmem>>) attributes {dimension_semantics = [#tpu.dimension_semantics<arbitrary>], iteration_bounds = array<i64: 80>, scalar_prefetch = 0 : i64, scratch_operands = 0 : i64, tpu.core_type = #tpu.core_type<tc>, window_params = [{transform_indices = @transform_0, window_bounds = array<i64: 2048, 128>}, {pipeline_mode = #tpu.pipeline_mode<synchronous>, transform_indices = @transform_1, window_bounds = array<i64: 1, 64>}, {pipeline_mode = #tpu.pipeline_mode<synchronous>, transform_indices = @transform_2, window_bounds = array<i64: 64, 64>}, {transform_indices = @transform_3, window_bounds = array<i64: 2048, 128>}]} {
    %get3A = arith.constant 0 : index
    %get3A_0 = arith.constant 0 : index
    %get3A_1 = vector.load %arg1[%get3A, %get3A_0] : memref<2048x128xf32, #tpu.memory_space<vmem>>, vector<2048x128xf32>
    %slice3A = vector.extract_strided_slice %get3A_1 {offsets = [0, 0], sizes = [2048, 64], strides = [1, 1]} : vector<2048x128xf32> to vector<2048x64xf32>
    %get3A_2 = arith.constant 0 : index
    %get3A_3 = arith.constant 0 : index
    %get3A_4 = vector.load %arg3[%get3A_2, %get3A_3] : memref<64x64xf32, #tpu.memory_space<vmem>>, vector<64x64xf32>
    %dot_general3A = arith.constant dense<0.000000e+00> : vector<2048x64xf32>
    %dot_general3A_5 = tpu.matmul %slice3A, %get3A_4, %dot_general3A {dimension_numbers = #tpu.dot_dimension_numbers<[1], [1], [0], [0], [0, 0, 1, 0], [], []>, precision = #tpu.contract_precision<fp32>, transpose_lhs_hint = false} : vector<2048x64xf32>, vector<64x64xf32>, vector<2048x64xf32> -> vector<2048x64xf32>
    %slice3A_6 = vector.extract_strided_slice %get3A_1 {offsets = [0, 64], sizes = [2048, 64], strides = [1, 1]} : vector<2048x128xf32> to vector<2048x64xf32>
    %add3A = arith.addf %dot_general3A_5, %slice3A_6 : vector<2048x64xf32>
    %get3A_7 = arith.constant 0 : index
    %get3A_8 = arith.constant 0 : index
    %get3A_9 = vector.load %arg2[%get3A_7, %get3A_8] : memref<1x64xf32, #tpu.memory_space<vmem>>, vector<1x64xf32>
    %add3A_10 = vector.broadcast %get3A_9 : vector<1x64xf32> to vector<2048x64xf32>
    %add3A_11 = arith.addf %add3A, %add3A_10 : vector<2048x64xf32>
    %max3A = arith.constant 0.000000e+00 : f32
    %max3A_12 = vector.broadcast %max3A : f32 to vector<2048x64xf32>
    %max3A_13 = arith.maximumf %add3A_11, %max3A_12 : vector<2048x64xf32>
    %mul3A = arith.constant 2048 : i32
    %mul3A_14 = arith.muli %arg0, %mul3A : i32
    %iota3A = tpu.iota {dimensions = array<i32: 0>} : vector<2048x64xi32>
    %add3A_15 = vector.broadcast %mul3A_14 : i32 to vector<2048x64xi32>
    %add3A_16 = arith.addi %add3A_15, %iota3A : vector<2048x64xi32>
    %lt3A = arith.constant 160000 : i32
    %lt3A_17 = vector.broadcast %lt3A : i32 to vector<2048x64xi32>
    %lt3A_18 = arith.cmpi slt, %add3A_16, %lt3A_17 : vector<2048x64xi32>
    %jit3A = arith.constant 0.000000e+00 : f32
    %broadcast_in_dim3A = vector.broadcast %jit3A : f32 to vector<2048x64xf32>
    %select_n3A = arith.select %lt3A_18, %max3A_13, %broadcast_in_dim3A : vector<2048x64xi1>, vector<2048x64xf32>
    %broadcast_in_dim3A_19 = arith.constant 0.000000e+00 : f32
    %broadcast_in_dim3A_20 = vector.broadcast %broadcast_in_dim3A_19 : f32 to vector<2048x64xf32>
    %concatenate3A = tpu.concatenate %select_n3A, %broadcast_in_dim3A_20 in 1 : vector<2048x64xf32>, vector<2048x64xf32> -> vector<2048x128xf32>
    %swap3A = arith.constant 0 : index
    %swap3A_21 = arith.constant 0 : index
    %swap3A_22 = vector.load %arg4[%swap3A, %swap3A_21] : memref<2048x128xf32, #tpu.memory_space<vmem>>, vector<2048x128xf32>
    tpu.vector_store %arg4[%swap3A, %swap3A_21], %concatenate3A {strides = array<i32>} : memref<2048x128xf32, #tpu.memory_space<vmem>>, vector<2048x128xf32>,
    return
  }
  func.func @transform_0(%arg0: i32) -> (i32, i32) {
    %c0_i32 = arith.constant 0 : i32
    %c0_i32_0 = arith.constant 0 : i32
    return %arg0, %c0_i32 : i32, i32
  }
  func.func @transform_1(%arg0: i32) -> (i32, i32) {
    %c0_i32 = arith.constant 0 : i32
    %c0_i32_0 = arith.constant 0 : i32
    %c0_i32_1 = arith.constant 0 : i32
    return %c0_i32, %c0_i32_0 : i32, i32
  }
  func.func @transform_2(%arg0: i32) -> (i32, i32) {
    %c0_i32 = arith.constant 0 : i32
    %c0_i32_0 = arith.constant 0 : i32
    %c0_i32_1 = arith.constant 0 : i32
    return %c0_i32, %c0_i32_0 : i32, i32
  }
  func.func @transform_3(%arg0: i32) -> (i32, i32) {
    %c0_i32 = arith.constant 0 : i32
    %c0_i32_0 = arith.constant 0 : i32
    return %arg0, %c0_i32 : i32, i32
  }
}

module attributes {stable_mosaic.version = 14 : i64} {
  func.func @_small2_body(%arg0: i32, %arg1: memref<10000x128xf32, #tpu.memory_space<vmem>>, %arg2: memref<10000x78xf32, #tpu.memory_space<vmem>>, %arg3: memref<64x78xf32, #tpu.memory_space<vmem>>, %arg4: memref<64x64xf32, #tpu.memory_space<vmem>>, %arg5: memref<1x64xf32, #tpu.memory_space<vmem>>, %arg6: memref<64x64xf32, #tpu.memory_space<vmem>>, %arg7: memref<10000x64xf32, #tpu.memory_space<vmem>>, %arg8: memref<10000x128xf32, #tpu.memory_space<vmem>>) attributes {dimension_semantics = [#tpu.dimension_semantics<arbitrary>], iteration_bounds = array<i64: 1>, scalar_prefetch = 0 : i64, scratch_operands = 0 : i64, tpu.core_type = #tpu.core_type<tc>, window_params = [{transform_indices = @transform_0, window_bounds = array<i64: 10000, 128>}, {pipeline_mode = #tpu.pipeline_mode<synchronous>, transform_indices = @transform_1, window_bounds = array<i64: 10000, 78>}, {pipeline_mode = #tpu.pipeline_mode<synchronous>, transform_indices = @transform_2, window_bounds = array<i64: 64, 78>}, {pipeline_mode = #tpu.pipeline_mode<synchronous>, transform_indices = @transform_3, window_bounds = array<i64: 64, 64>}, {pipeline_mode = #tpu.pipeline_mode<synchronous>, transform_indices = @transform_4, window_bounds = array<i64: 1, 64>}, {pipeline_mode = #tpu.pipeline_mode<synchronous>, transform_indices = @transform_5, window_bounds = array<i64: 64, 64>}, {pipeline_mode = #tpu.pipeline_mode<synchronous>, transform_indices = @transform_6, window_bounds = array<i64: 10000, 64>}, {pipeline_mode = #tpu.pipeline_mode<synchronous>, transform_indices = @transform_7, window_bounds = array<i64: 10000, 128>}]} {
    %get3A = arith.constant 0 : index
    %get3A_0 = arith.constant 0 : index
    %get3A_1 = vector.load %arg1[%get3A, %get3A_0] : memref<10000x128xf32, #tpu.memory_space<vmem>>, vector<10000x64xf32>
    %get3A_2 = arith.constant 0 : index
    %get3A_3 = arith.constant 0 : index
    %get3A_4 = vector.load %arg2[%get3A_2, %get3A_3] : memref<10000x78xf32, #tpu.memory_space<vmem>>, vector<10000x78xf32>
    %get3A_5 = arith.constant 0 : index
    %get3A_6 = arith.constant 0 : index
    %get3A_7 = vector.load %arg3[%get3A_5, %get3A_6] : memref<64x78xf32, #tpu.memory_space<vmem>>, vector<64x78xf32>
    %dot_general3A = arith.constant dense<0.000000e+00> : vector<10000x64xf32>
    %dot_general3A_8 = tpu.matmul %get3A_4, %get3A_7, %dot_general3A {dimension_numbers = #tpu.dot_dimension_numbers<[1], [1], [0], [0], [0, 0, 1, 0], [], []>, precision = #tpu.contract_precision<fp32>, transpose_lhs_hint = false} : vector<10000x78xf32>, vector<64x78xf32>, vector<10000x64xf32> -> vector<10000x64xf32>
    %get3A_9 = arith.constant 0 : index
    %get3A_10 = arith.constant 0 : index
    %get3A_11 = vector.load %arg4[%get3A_9, %get3A_10] : memref<64x64xf32, #tpu.memory_space<vmem>>, vector<64x64xf32>
    %dot_general3A_12 = arith.constant dense<0.000000e+00> : vector<10000x64xf32>
    %dot_general3A_13 = tpu.matmul %get3A_1, %get3A_11, %dot_general3A_12 {dimension_numbers = #tpu.dot_dimension_numbers<[1], [1], [0], [0], [0, 0, 1, 0], [], []>, precision = #tpu.contract_precision<fp32>, transpose_lhs_hint = false} : vector<10000x64xf32>, vector<64x64xf32>, vector<10000x64xf32> -> vector<10000x64xf32>
    %add3A = arith.addf %dot_general3A_8, %dot_general3A_13 : vector<10000x64xf32>
    %get3A_14 = arith.constant 0 : index
    %get3A_15 = arith.constant 0 : index
    %get3A_16 = vector.load %arg5[%get3A_14, %get3A_15] : memref<1x64xf32, #tpu.memory_space<vmem>>, vector<1x64xf32>
    %add3A_17 = vector.broadcast %get3A_16 : vector<1x64xf32> to vector<10000x64xf32>
    %add3A_18 = arith.addf %add3A, %add3A_17 : vector<10000x64xf32>
    %max3A = arith.constant 0.000000e+00 : f32
    %max3A_19 = vector.broadcast %max3A : f32 to vector<10000x64xf32>
    %max3A_20 = arith.maximumf %add3A_18, %max3A_19 : vector<10000x64xf32>
    %swap3A = arith.constant 0 : index
    %swap3A_21 = arith.constant 0 : index
    %swap3A_22 = vector.load %arg7[%swap3A, %swap3A_21] : memref<10000x64xf32, #tpu.memory_space<vmem>>, vector<10000x64xf32>
    tpu.vector_store %arg7[%swap3A, %swap3A_21], %max3A_20 {strides = array<i32>} : memref<10000x64xf32, #tpu.memory_space<vmem>>, vector<10000x64xf32>,
    %get3A_23 = arith.constant 0 : index
    %get3A_24 = arith.constant 0 : index
    %get3A_25 = vector.load %arg6[%get3A_23, %get3A_24] : memref<64x64xf32, #tpu.memory_space<vmem>>, vector<64x64xf32>
    %dot_general3A_26 = arith.constant dense<0.000000e+00> : vector<10000x64xf32>
    %dot_general3A_27 = tpu.matmul %max3A_20, %get3A_25, %dot_general3A_26 {dimension_numbers = #tpu.dot_dimension_numbers<[1], [1], [0], [0], [0, 0, 1, 0], [], []>, precision = #tpu.contract_precision<fp32>, transpose_lhs_hint = false} : vector<10000x64xf32>, vector<64x64xf32>, vector<10000x64xf32> -> vector<10000x64xf32>
    %broadcast_in_dim3A = arith.constant 0.000000e+00 : f32
    %broadcast_in_dim3A_28 = vector.broadcast %broadcast_in_dim3A : f32 to vector<10000x64xf32>
    %concatenate3A = tpu.concatenate %dot_general3A_27, %broadcast_in_dim3A_28 in 1 : vector<10000x64xf32>, vector<10000x64xf32> -> vector<10000x128xf32>
    %swap3A_29 = arith.constant 0 : index
    %swap3A_30 = arith.constant 0 : index
    %swap3A_31 = vector.load %arg8[%swap3A_29, %swap3A_30] : memref<10000x128xf32, #tpu.memory_space<vmem>>, vector<10000x128xf32>
    tpu.vector_store %arg8[%swap3A_29, %swap3A_30], %concatenate3A {strides = array<i32>} : memref<10000x128xf32, #tpu.memory_space<vmem>>, vector<10000x128xf32>,
    return
  }
  func.func @transform_0(%arg0: i32) -> (i32, i32) {
    %c0_i32 = arith.constant 0 : i32
    %c0_i32_0 = arith.constant 0 : i32
    %c0_i32_1 = arith.constant 0 : i32
    return %c0_i32, %c0_i32_0 : i32, i32
  }
  func.func @transform_1(%arg0: i32) -> (i32, i32) {
    %c0_i32 = arith.constant 0 : i32
    %c0_i32_0 = arith.constant 0 : i32
    %c0_i32_1 = arith.constant 0 : i32
    return %c0_i32, %c0_i32_0 : i32, i32
  }
  func.func @transform_2(%arg0: i32) -> (i32, i32) {
    %c0_i32 = arith.constant 0 : i32
    %c0_i32_0 = arith.constant 0 : i32
    %c0_i32_1 = arith.constant 0 : i32
    return %c0_i32, %c0_i32_0 : i32, i32
  }
  func.func @transform_3(%arg0: i32) -> (i32, i32) {
    %c0_i32 = arith.constant 0 : i32
    %c0_i32_0 = arith.constant 0 : i32
    %c0_i32_1 = arith.constant 0 : i32
    return %c0_i32, %c0_i32_0 : i32, i32
  }
  func.func @transform_4(%arg0: i32) -> (i32, i32) {
    %c0_i32 = arith.constant 0 : i32
    %c0_i32_0 = arith.constant 0 : i32
    %c0_i32_1 = arith.constant 0 : i32
    return %c0_i32, %c0_i32_0 : i32, i32
  }
  func.func @transform_5(%arg0: i32) -> (i32, i32) {
    %c0_i32 = arith.constant 0 : i32
    %c0_i32_0 = arith.constant 0 : i32
    %c0_i32_1 = arith.constant 0 : i32
    return %c0_i32, %c0_i32_0 : i32, i32
  }
  func.func @transform_6(%arg0: i32) -> (i32, i32) {
    %c0_i32 = arith.constant 0 : i32
    %c0_i32_0 = arith.constant 0 : i32
    %c0_i32_1 = arith.constant 0 : i32
    return %c0_i32, %c0_i32_0 : i32, i32
  }
  func.func @transform_7(%arg0: i32) -> (i32, i32) {
    %c0_i32 = arith.constant 0 : i32
    %c0_i32_0 = arith.constant 0 : i32
    %c0_i32_1 = arith.constant 0 : i32
    return %c0_i32, %c0_i32_0 : i32, i32
  }
}

module attributes {stable_mosaic.version = 14 : i64} {
  func.func @_small2_body(%arg0: i32, %arg1: memref<10000x128xf32, #tpu.memory_space<vmem>>, %arg2: memref<10000x64xf32, #tpu.memory_space<vmem>>, %arg3: memref<64x64xf32, #tpu.memory_space<vmem>>, %arg4: memref<64x64xf32, #tpu.memory_space<vmem>>, %arg5: memref<1x64xf32, #tpu.memory_space<vmem>>, %arg6: memref<64x64xf32, #tpu.memory_space<vmem>>, %arg7: memref<10000x64xf32, #tpu.memory_space<vmem>>, %arg8: memref<10000x128xf32, #tpu.memory_space<vmem>>) attributes {dimension_semantics = [#tpu.dimension_semantics<arbitrary>], iteration_bounds = array<i64: 1>, scalar_prefetch = 0 : i64, scratch_operands = 0 : i64, tpu.core_type = #tpu.core_type<tc>, window_params = [{transform_indices = @transform_0, window_bounds = array<i64: 10000, 128>}, {pipeline_mode = #tpu.pipeline_mode<synchronous>, transform_indices = @transform_1, window_bounds = array<i64: 10000, 64>}, {pipeline_mode = #tpu.pipeline_mode<synchronous>, transform_indices = @transform_2, window_bounds = array<i64: 64, 64>}, {pipeline_mode = #tpu.pipeline_mode<synchronous>, transform_indices = @transform_3, window_bounds = array<i64: 64, 64>}, {pipeline_mode = #tpu.pipeline_mode<synchronous>, transform_indices = @transform_4, window_bounds = array<i64: 1, 64>}, {pipeline_mode = #tpu.pipeline_mode<synchronous>, transform_indices = @transform_5, window_bounds = array<i64: 64, 64>}, {pipeline_mode = #tpu.pipeline_mode<synchronous>, transform_indices = @transform_6, window_bounds = array<i64: 10000, 64>}, {pipeline_mode = #tpu.pipeline_mode<synchronous>, transform_indices = @transform_7, window_bounds = array<i64: 10000, 128>}]} {
    %get3A = arith.constant 0 : index
    %get3A_0 = arith.constant 0 : index
    %get3A_1 = vector.load %arg1[%get3A, %get3A_0] : memref<10000x128xf32, #tpu.memory_space<vmem>>, vector<10000x64xf32>
    %get3A_2 = arith.constant 0 : index
    %get3A_3 = arith.constant 0 : index
    %get3A_4 = vector.load %arg2[%get3A_2, %get3A_3] : memref<10000x64xf32, #tpu.memory_space<vmem>>, vector<10000x64xf32>
    %get3A_5 = arith.constant 0 : index
    %get3A_6 = arith.constant 0 : index
    %get3A_7 = vector.load %arg3[%get3A_5, %get3A_6] : memref<64x64xf32, #tpu.memory_space<vmem>>, vector<64x64xf32>
    %dot_general3A = arith.constant dense<0.000000e+00> : vector<10000x64xf32>
    %dot_general3A_8 = tpu.matmul %get3A_4, %get3A_7, %dot_general3A {dimension_numbers = #tpu.dot_dimension_numbers<[1], [1], [0], [0], [0, 0, 1, 0], [], []>, precision = #tpu.contract_precision<fp32>, transpose_lhs_hint = false} : vector<10000x64xf32>, vector<64x64xf32>, vector<10000x64xf32> -> vector<10000x64xf32>
    %get3A_9 = arith.constant 0 : index
    %get3A_10 = arith.constant 0 : index
    %get3A_11 = vector.load %arg4[%get3A_9, %get3A_10] : memref<64x64xf32, #tpu.memory_space<vmem>>, vector<64x64xf32>
    %dot_general3A_12 = arith.constant dense<0.000000e+00> : vector<10000x64xf32>
    %dot_general3A_13 = tpu.matmul %get3A_1, %get3A_11, %dot_general3A_12 {dimension_numbers = #tpu.dot_dimension_numbers<[1], [1], [0], [0], [0, 0, 1, 0], [], []>, precision = #tpu.contract_precision<fp32>, transpose_lhs_hint = false} : vector<10000x64xf32>, vector<64x64xf32>, vector<10000x64xf32> -> vector<10000x64xf32>
    %add3A = arith.addf %dot_general3A_8, %dot_general3A_13 : vector<10000x64xf32>
    %get3A_14 = arith.constant 0 : index
    %get3A_15 = arith.constant 0 : index
    %get3A_16 = vector.load %arg5[%get3A_14, %get3A_15] : memref<1x64xf32, #tpu.memory_space<vmem>>, vector<1x64xf32>
    %add3A_17 = vector.broadcast %get3A_16 : vector<1x64xf32> to vector<10000x64xf32>
    %add3A_18 = arith.addf %add3A, %add3A_17 : vector<10000x64xf32>
    %max3A = arith.constant 0.000000e+00 : f32
    %max3A_19 = vector.broadcast %max3A : f32 to vector<10000x64xf32>
    %max3A_20 = arith.maximumf %add3A_18, %max3A_19 : vector<10000x64xf32>
    %swap3A = arith.constant 0 : index
    %swap3A_21 = arith.constant 0 : index
    %swap3A_22 = vector.load %arg7[%swap3A, %swap3A_21] : memref<10000x64xf32, #tpu.memory_space<vmem>>, vector<10000x64xf32>
    tpu.vector_store %arg7[%swap3A, %swap3A_21], %max3A_20 {strides = array<i32>} : memref<10000x64xf32, #tpu.memory_space<vmem>>, vector<10000x64xf32>,
    %get3A_23 = arith.constant 0 : index
    %get3A_24 = arith.constant 0 : index
    %get3A_25 = vector.load %arg6[%get3A_23, %get3A_24] : memref<64x64xf32, #tpu.memory_space<vmem>>, vector<64x64xf32>
    %dot_general3A_26 = arith.constant dense<0.000000e+00> : vector<10000x64xf32>
    %dot_general3A_27 = tpu.matmul %max3A_20, %get3A_25, %dot_general3A_26 {dimension_numbers = #tpu.dot_dimension_numbers<[1], [1], [0], [0], [0, 0, 1, 0], [], []>, precision = #tpu.contract_precision<fp32>, transpose_lhs_hint = false} : vector<10000x64xf32>, vector<64x64xf32>, vector<10000x64xf32> -> vector<10000x64xf32>
    %broadcast_in_dim3A = arith.constant 0.000000e+00 : f32
    %broadcast_in_dim3A_28 = vector.broadcast %broadcast_in_dim3A : f32 to vector<10000x64xf32>
    %concatenate3A = tpu.concatenate %dot_general3A_27, %broadcast_in_dim3A_28 in 1 : vector<10000x64xf32>, vector<10000x64xf32> -> vector<10000x128xf32>
    %swap3A_29 = arith.constant 0 : index
    %swap3A_30 = arith.constant 0 : index
    %swap3A_31 = vector.load %arg8[%swap3A_29, %swap3A_30] : memref<10000x128xf32, #tpu.memory_space<vmem>>, vector<10000x128xf32>
    tpu.vector_store %arg8[%swap3A_29, %swap3A_30], %concatenate3A {strides = array<i32>} : memref<10000x128xf32, #tpu.memory_space<vmem>>, vector<10000x128xf32>,
    return
  }
  func.func @transform_0(%arg0: i32) -> (i32, i32) {
    %c0_i32 = arith.constant 0 : i32
    %c0_i32_0 = arith.constant 0 : i32
    %c0_i32_1 = arith.constant 0 : i32
    return %c0_i32, %c0_i32_0 : i32, i32
  }
  func.func @transform_1(%arg0: i32) -> (i32, i32) {
    %c0_i32 = arith.constant 0 : i32
    %c0_i32_0 = arith.constant 0 : i32
    %c0_i32_1 = arith.constant 0 : i32
    return %c0_i32, %c0_i32_0 : i32, i32
  }
  func.func @transform_2(%arg0: i32) -> (i32, i32) {
    %c0_i32 = arith.constant 0 : i32
    %c0_i32_0 = arith.constant 0 : i32
    %c0_i32_1 = arith.constant 0 : i32
    return %c0_i32, %c0_i32_0 : i32, i32
  }
  func.func @transform_3(%arg0: i32) -> (i32, i32) {
    %c0_i32 = arith.constant 0 : i32
    %c0_i32_0 = arith.constant 0 : i32
    %c0_i32_1 = arith.constant 0 : i32
    return %c0_i32, %c0_i32_0 : i32, i32
  }
  func.func @transform_4(%arg0: i32) -> (i32, i32) {
    %c0_i32 = arith.constant 0 : i32
    %c0_i32_0 = arith.constant 0 : i32
    %c0_i32_1 = arith.constant 0 : i32
    return %c0_i32, %c0_i32_0 : i32, i32
  }
  func.func @transform_5(%arg0: i32) -> (i32, i32) {
    %c0_i32 = arith.constant 0 : i32
    %c0_i32_0 = arith.constant 0 : i32
    %c0_i32_1 = arith.constant 0 : i32
    return %c0_i32, %c0_i32_0 : i32, i32
  }
  func.func @transform_6(%arg0: i32) -> (i32, i32) {
    %c0_i32 = arith.constant 0 : i32
    %c0_i32_0 = arith.constant 0 : i32
    %c0_i32_1 = arith.constant 0 : i32
    return %c0_i32, %c0_i32_0 : i32, i32
  }
  func.func @transform_7(%arg0: i32) -> (i32, i32) {
    %c0_i32 = arith.constant 0 : i32
    %c0_i32_0 = arith.constant 0 : i32
    %c0_i32_1 = arith.constant 0 : i32
    return %c0_i32, %c0_i32_0 : i32, i32
  }
}

module attributes {stable_mosaic.version = 14 : i64} {
  func.func @_final_body(%arg0: i32, %arg1: memref<2000x128xf32, #tpu.memory_space<vmem>>, %arg2: memref<2000x64xf32, #tpu.memory_space<vmem>>, %arg3: memref<64x64xf32, #tpu.memory_space<vmem>>, %arg4: memref<64x64xf32, #tpu.memory_space<vmem>>, %arg5: memref<1x64xf32, #tpu.memory_space<vmem>>, %arg6: memref<1x1x2000xi32, #tpu.memory_space<vmem>>, %arg7: memref<64x64xf32, #tpu.memory_space<vmem>>) attributes {dimension_semantics = [#tpu.dimension_semantics<arbitrary>], iteration_bounds = array<i64: 5>, scalar_prefetch = 0 : i64, scratch_operands = 0 : i64, tpu.core_type = #tpu.core_type<tc>, window_params = [{transform_indices = @transform_0, window_bounds = array<i64: 2000, 128>}, {transform_indices = @transform_1, window_bounds = array<i64: 2000, 64>}, {pipeline_mode = #tpu.pipeline_mode<synchronous>, transform_indices = @transform_2, window_bounds = array<i64: 64, 64>}, {pipeline_mode = #tpu.pipeline_mode<synchronous>, transform_indices = @transform_3, window_bounds = array<i64: 64, 64>}, {pipeline_mode = #tpu.pipeline_mode<synchronous>, transform_indices = @transform_4, window_bounds = array<i64: 1, 64>}, {transform_indices = @transform_5, window_bounds = array<i64: 1, 1, 2000>}, {pipeline_mode = #tpu.pipeline_mode<synchronous>, transform_indices = @transform_6, window_bounds = array<i64: 64, 64>}]} {
    %get3A = arith.constant 0 : index
    %get3A_0 = arith.constant 0 : index
    %get3A_1 = vector.load %arg1[%get3A, %get3A_0] : memref<2000x128xf32, #tpu.memory_space<vmem>>, vector<2000x64xf32>
    %get3A_2 = arith.constant 0 : index
    %get3A_3 = arith.constant 0 : index
    %get3A_4 = vector.load %arg2[%get3A_2, %get3A_3] : memref<2000x64xf32, #tpu.memory_space<vmem>>, vector<2000x64xf32>
    %get3A_5 = arith.constant 0 : index
    %get3A_6 = arith.constant 0 : index
    %get3A_7 = vector.load %arg3[%get3A_5, %get3A_6] : memref<64x64xf32, #tpu.memory_space<vmem>>, vector<64x64xf32>
    %dot_general3A = arith.constant dense<0.000000e+00> : vector<2000x64xf32>
    %dot_general3A_8 = tpu.matmul %get3A_4, %get3A_7, %dot_general3A {dimension_numbers = #tpu.dot_dimension_numbers<[1], [1], [0], [0], [0, 0, 1, 0], [], []>, precision = #tpu.contract_precision<fp32>, transpose_lhs_hint = false} : vector<2000x64xf32>, vector<64x64xf32>, vector<2000x64xf32> -> vector<2000x64xf32>
    %get3A_9 = arith.constant 0 : index
    %get3A_10 = arith.constant 0 : index
    %get3A_11 = vector.load %arg4[%get3A_9, %get3A_10] : memref<64x64xf32, #tpu.memory_space<vmem>>, vector<64x64xf32>
    %dot_general3A_12 = arith.constant dense<0.000000e+00> : vector<2000x64xf32>
    %dot_general3A_13 = tpu.matmul %get3A_1, %get3A_11, %dot_general3A_12 {dimension_numbers = #tpu.dot_dimension_numbers<[1], [1], [0], [0], [0, 0, 1, 0], [], []>, precision = #tpu.contract_precision<fp32>, transpose_lhs_hint = false} : vector<2000x64xf32>, vector<64x64xf32>, vector<2000x64xf32> -> vector<2000x64xf32>
    %add3A = arith.addf %dot_general3A_8, %dot_general3A_13 : vector<2000x64xf32>
    %get3A_14 = arith.constant 0 : index
    %get3A_15 = arith.constant 0 : index
    %get3A_16 = vector.load %arg5[%get3A_14, %get3A_15] : memref<1x64xf32, #tpu.memory_space<vmem>>, vector<1x64xf32>
    %add3A_17 = vector.broadcast %get3A_16 : vector<1x64xf32> to vector<2000x64xf32>
    %add3A_18 = arith.addf %add3A, %add3A_17 : vector<2000x64xf32>
    %max3A = arith.constant 0.000000e+00 : f32
    %max3A_19 = vector.broadcast %max3A : f32 to vector<2000x64xf32>
    %max3A_20 = arith.maximumf %add3A_18, %max3A_19 : vector<2000x64xf32>
    %get3A_21 = arith.constant 0 : index
    %get3A_22 = arith.constant 0 : index
    %get3A_23 = arith.constant 0 : index
    %get3A_24 = vector.load %arg6[%get3A_21, %get3A_22, %get3A_23] : memref<1x1x2000xi32, #tpu.memory_space<vmem>>, vector<1x1x2000xi32>
    %get3A_25 = vector.shape_cast %get3A_24 : vector<1x1x2000xi32> to vector<2000xi32>
    %iota3A = tpu.iota {dimensions = array<i32: 0>} : vector<64x2000xi32>
    %broadcast_in_dim3A = vector.shape_cast %get3A_25 : vector<2000xi32> to vector<1x2000xi32>
    %eq3A = vector.broadcast %broadcast_in_dim3A : vector<1x2000xi32> to vector<64x2000xi32>
    %eq3A_26 = arith.cmpi eq, %iota3A, %eq3A : vector<64x2000xi32>
    %convert_element_type3A = arith.extui %eq3A_26 : vector<64x2000xi1> to vector<64x2000xi32>
    %convert_element_type3A_27 = arith.sitofp %convert_element_type3A : vector<64x2000xi32> to vector<64x2000xf32>
    %dot_general3A_28 = arith.constant dense<0.000000e+00> : vector<64x64xf32>
    %dot_general3A_29 = tpu.matmul %convert_element_type3A_27, %max3A_20, %dot_general3A_28 {dimension_numbers = #tpu.dot_dimension_numbers<[1], [0], [0], [1], [0, 0, 1, 1], [], []>, precision = #tpu.contract_precision<fp32>, transpose_lhs_hint = false} : vector<64x2000xf32>, vector<2000x64xf32>, vector<64x64xf32> -> vector<64x64xf32>
    %eq3A_30 = arith.constant 0 : i32
    %eq3A_31 = arith.cmpi eq, %arg0, %eq3A_30 : i32
    %convert_element_type3A_32 = arith.extui %eq3A_31 : i1 to i32
    %cond3A = arith.constant 0 : i32
    %cond3A_33 = arith.cmpi ne, %convert_element_type3A_32, %cond3A : i32
    scf.if %cond3A_33 {
      %broadcast_in_dim3A_40 = arith.constant 0.000000e+00 : f32
      %broadcast_in_dim3A_41 = vector.broadcast %broadcast_in_dim3A_40 : f32 to vector<64x64xf32>
      %swap3A_42 = arith.constant 0 : index
      %swap3A_43 = arith.constant 0 : index
      %swap3A_44 = vector.load %arg7[%swap3A_42, %swap3A_43] : memref<64x64xf32, #tpu.memory_space<vmem>>, vector<64x64xf32>
      tpu.vector_store %arg7[%swap3A_42, %swap3A_43], %broadcast_in_dim3A_41 {strides = array<i32>} : memref<64x64xf32, #tpu.memory_space<vmem>>, vector<64x64xf32>,
    } else {
    }
    %get3A_34 = arith.constant 0 : index
    %get3A_35 = arith.constant 0 : index
    %get3A_36 = vector.load %arg7[%get3A_34, %get3A_35] : memref<64x64xf32, #tpu.memory_space<vmem>>, vector<64x64xf32>
    %add3A_37 = arith.addf %get3A_36, %dot_general3A_29 : vector<64x64xf32>
    %swap3A = arith.constant 0 : index
    %swap3A_38 = arith.constant 0 : index
    %swap3A_39 = vector.load %arg7[%swap3A, %swap3A_38] : memref<64x64xf32, #tpu.memory_space<vmem>>, vector<64x64xf32>
    tpu.vector_store %arg7[%swap3A, %swap3A_38], %add3A_37 {strides = array<i32>} : memref<64x64xf32, #tpu.memory_space<vmem>>, vector<64x64xf32>,
    return
  }
  func.func @transform_0(%arg0: i32) -> (i32, i32) {
    %c0_i32 = arith.constant 0 : i32
    %c0_i32_0 = arith.constant 0 : i32
    return %arg0, %c0_i32 : i32, i32
  }
  func.func @transform_1(%arg0: i32) -> (i32, i32) {
    %c0_i32 = arith.constant 0 : i32
    %c0_i32_0 = arith.constant 0 : i32
    return %arg0, %c0_i32 : i32, i32
  }
  func.func @transform_2(%arg0: i32) -> (i32, i32) {
    %c0_i32 = arith.constant 0 : i32
    %c0_i32_0 = arith.constant 0 : i32
    %c0_i32_1 = arith.constant 0 : i32
    return %c0_i32, %c0_i32_0 : i32, i32
  }
  func.func @transform_3(%arg0: i32) -> (i32, i32) {
    %c0_i32 = arith.constant 0 : i32
    %c0_i32_0 = arith.constant 0 : i32
    %c0_i32_1 = arith.constant 0 : i32
    return %c0_i32, %c0_i32_0 : i32, i32
  }
  func.func @transform_4(%arg0: i32) -> (i32, i32) {
    %c0_i32 = arith.constant 0 : i32
    %c0_i32_0 = arith.constant 0 : i32
    %c0_i32_1 = arith.constant 0 : i32
    return %c0_i32, %c0_i32_0 : i32, i32
  }
  func.func @transform_5(%arg0: i32) -> (i32, i32, i32) {
    %c0_i32 = arith.constant 0 : i32
    %c0_i32_0 = arith.constant 0 : i32
    %c0_i32_1 = arith.constant 0 : i32
    return %arg0, %c0_i32, %c0_i32_0 : i32, i32, i32
  }
  func.func @transform_6(%arg0: i32) -> (i32, i32) {
    %c0_i32 = arith.constant 0 : i32
    %c0_i32_0 = arith.constant 0 : i32
    %c0_i32_1 = arith.constant 0 : i32
    return %c0_i32, %c0_i32_0 : i32, i32
  }
}

module attributes {stable_mosaic.version = 14 : i64} {
  func.func @_head_body(%arg0: memref<64x64xf32, #tpu.memory_space<vmem>>, %arg1: memref<64x1000xf32, #tpu.memory_space<vmem>>, %arg2: memref<128x64xf32, #tpu.memory_space<vmem>>, %arg3: memref<1x128xf32, #tpu.memory_space<vmem>>, %arg4: memref<128x1000xf32, #tpu.memory_space<vmem>>, %arg5: memref<1x128xf32, #tpu.memory_space<vmem>>, %arg6: memref<1024x256xf32, #tpu.memory_space<vmem>>, %arg7: memref<1x1024xf32, #tpu.memory_space<vmem>>, %arg8: memref<256x1024xf32, #tpu.memory_space<vmem>>, %arg9: memref<1x256xf32, #tpu.memory_space<vmem>>, %arg10: memref<8x256xf32, #tpu.memory_space<vmem>>, %arg11: memref<1x8xf32, #tpu.memory_space<vmem>>, %arg12: memref<64x8xf32, #tpu.memory_space<vmem>>) attributes {dimension_semantics = [], scalar_prefetch = 0 : i64, scratch_operands = 0 : i64, tpu.core_type = #tpu.core_type<tc>} {
    %get3A = arith.constant 0 : index
    %get3A_0 = arith.constant 0 : index
    %get3A_1 = vector.load %arg0[%get3A, %get3A_0] : memref<64x64xf32, #tpu.memory_space<vmem>>, vector<64x64xf32>
    %get3A_2 = arith.constant 0 : index
    %get3A_3 = arith.constant 0 : index
    %get3A_4 = vector.load %arg2[%get3A_2, %get3A_3] : memref<128x64xf32, #tpu.memory_space<vmem>>, vector<128x64xf32>
    %dot_general3A = arith.constant dense<0.000000e+00> : vector<64x128xf32>
    %dot_general3A_5 = tpu.matmul %get3A_1, %get3A_4, %dot_general3A {dimension_numbers = #tpu.dot_dimension_numbers<[1], [1], [0], [0], [0, 0, 1, 0], [], []>, transpose_lhs_hint = false} : vector<64x64xf32>, vector<128x64xf32>, vector<64x128xf32> -> vector<64x128xf32>
    %get3A_6 = arith.constant 0 : index
    %get3A_7 = arith.constant 0 : index
    %get3A_8 = vector.load %arg3[%get3A_6, %get3A_7] : memref<1x128xf32, #tpu.memory_space<vmem>>, vector<1x128xf32>
    %add3A = vector.broadcast %get3A_8 : vector<1x128xf32> to vector<64x128xf32>
    %add3A_9 = arith.addf %dot_general3A_5, %add3A : vector<64x128xf32>
    %max3A = arith.constant 0.000000e+00 : f32
    %max3A_10 = vector.broadcast %max3A : f32 to vector<64x128xf32>
    %max3A_11 = arith.maximumf %add3A_9, %max3A_10 : vector<64x128xf32>
    %get3A_12 = arith.constant 0 : index
    %get3A_13 = arith.constant 0 : index
    %get3A_14 = vector.load %arg1[%get3A_12, %get3A_13] : memref<64x1000xf32, #tpu.memory_space<vmem>>, vector<64x1000xf32>
    %get3A_15 = arith.constant 0 : index
    %get3A_16 = arith.constant 0 : index
    %get3A_17 = vector.load %arg4[%get3A_15, %get3A_16] : memref<128x1000xf32, #tpu.memory_space<vmem>>, vector<128x1000xf32>
    %dot_general3A_18 = arith.constant dense<0.000000e+00> : vector<64x128xf32>
    %dot_general3A_19 = tpu.matmul %get3A_14, %get3A_17, %dot_general3A_18 {dimension_numbers = #tpu.dot_dimension_numbers<[1], [1], [0], [0], [0, 0, 1, 0], [], []>, transpose_lhs_hint = false} : vector<64x1000xf32>, vector<128x1000xf32>, vector<64x128xf32> -> vector<64x128xf32>
    %get3A_20 = arith.constant 0 : index
    %get3A_21 = arith.constant 0 : index
    %get3A_22 = vector.load %arg5[%get3A_20, %get3A_21] : memref<1x128xf32, #tpu.memory_space<vmem>>, vector<1x128xf32>
    %add3A_23 = vector.broadcast %get3A_22 : vector<1x128xf32> to vector<64x128xf32>
    %add3A_24 = arith.addf %dot_general3A_19, %add3A_23 : vector<64x128xf32>
    %max3A_25 = arith.constant 0.000000e+00 : f32
    %max3A_26 = vector.broadcast %max3A_25 : f32 to vector<64x128xf32>
    %max3A_27 = arith.maximumf %add3A_24, %max3A_26 : vector<64x128xf32>
    %get3A_28 = arith.constant 0 : index
    %get3A_29 = arith.constant 0 : index
    %get3A_30 = vector.load %arg6[%get3A_28, %get3A_29] : memref<1024x256xf32, #tpu.memory_space<vmem>>, vector<1024x128xf32>
    %dot_general3A_31 = arith.constant dense<0.000000e+00> : vector<64x1024xf32>
    %dot_general3A_32 = tpu.matmul %max3A_11, %get3A_30, %dot_general3A_31 {dimension_numbers = #tpu.dot_dimension_numbers<[1], [1], [0], [0], [0, 0, 1, 0], [], []>, transpose_lhs_hint = false} : vector<64x128xf32>, vector<1024x128xf32>, vector<64x1024xf32> -> vector<64x1024xf32>
    %get3A_33 = arith.constant 0 : index
    %get3A_34 = arith.constant 128 : index
    %get3A_35 = vector.load %arg6[%get3A_33, %get3A_34] : memref<1024x256xf32, #tpu.memory_space<vmem>>, vector<1024x128xf32>
    %dot_general3A_36 = arith.constant dense<0.000000e+00> : vector<64x1024xf32>
    %dot_general3A_37 = tpu.matmul %max3A_27, %get3A_35, %dot_general3A_36 {dimension_numbers = #tpu.dot_dimension_numbers<[1], [1], [0], [0], [0, 0, 1, 0], [], []>, transpose_lhs_hint = false} : vector<64x128xf32>, vector<1024x128xf32>, vector<64x1024xf32> -> vector<64x1024xf32>
    %add3A_38 = arith.addf %dot_general3A_32, %dot_general3A_37 : vector<64x1024xf32>
    %get3A_39 = arith.constant 0 : index
    %get3A_40 = arith.constant 0 : index
    %get3A_41 = vector.load %arg7[%get3A_39, %get3A_40] : memref<1x1024xf32, #tpu.memory_space<vmem>>, vector<1x1024xf32>
    %add3A_42 = vector.broadcast %get3A_41 : vector<1x1024xf32> to vector<64x1024xf32>
    %add3A_43 = arith.addf %add3A_38, %add3A_42 : vector<64x1024xf32>
    %max3A_44 = arith.constant 0.000000e+00 : f32
    %max3A_45 = vector.broadcast %max3A_44 : f32 to vector<64x1024xf32>
    %max3A_46 = arith.maximumf %add3A_43, %max3A_45 : vector<64x1024xf32>
    %get3A_47 = arith.constant 0 : index
    %get3A_48 = arith.constant 0 : index
    %get3A_49 = vector.load %arg8[%get3A_47, %get3A_48] : memref<256x1024xf32, #tpu.memory_space<vmem>>, vector<256x1024xf32>
    %dot_general3A_50 = arith.constant dense<0.000000e+00> : vector<64x256xf32>
    %dot_general3A_51 = tpu.matmul %max3A_46, %get3A_49, %dot_general3A_50 {dimension_numbers = #tpu.dot_dimension_numbers<[1], [1], [0], [0], [0, 0, 1, 0], [], []>, transpose_lhs_hint = false} : vector<64x1024xf32>, vector<256x1024xf32>, vector<64x256xf32> -> vector<64x256xf32>
    %get3A_52 = arith.constant 0 : index
    %get3A_53 = arith.constant 0 : index
    %get3A_54 = vector.load %arg9[%get3A_52, %get3A_53] : memref<1x256xf32, #tpu.memory_space<vmem>>, vector<1x256xf32>
    %add3A_55 = vector.broadcast %get3A_54 : vector<1x256xf32> to vector<64x256xf32>
    %add3A_56 = arith.addf %dot_general3A_51, %add3A_55 : vector<64x256xf32>
    %max3A_57 = arith.constant 0.000000e+00 : f32
    %max3A_58 = vector.broadcast %max3A_57 : f32 to vector<64x256xf32>
    %max3A_59 = arith.maximumf %add3A_56, %max3A_58 : vector<64x256xf32>
    %get3A_60 = arith.constant 0 : index
    %get3A_61 = arith.constant 0 : index
    %get3A_62 = vector.load %arg10[%get3A_60, %get3A_61] : memref<8x256xf32, #tpu.memory_space<vmem>>, vector<8x256xf32>
    %dot_general3A_63 = arith.constant dense<0.000000e+00> : vector<64x8xf32>
    %dot_general3A_64 = tpu.matmul %max3A_59, %get3A_62, %dot_general3A_63 {dimension_numbers = #tpu.dot_dimension_numbers<[1], [1], [0], [0], [0, 0, 1, 0], [], []>, transpose_lhs_hint = false} : vector<64x256xf32>, vector<8x256xf32>, vector<64x8xf32> -> vector<64x8xf32>
    %get3A_65 = arith.constant 0 : index
    %get3A_66 = arith.constant 0 : index
    %get3A_67 = vector.load %arg11[%get3A_65, %get3A_66] : memref<1x8xf32, #tpu.memory_space<vmem>>, vector<1x8xf32>
    %add3A_68 = vector.broadcast %get3A_67 : vector<1x8xf32> to vector<64x8xf32>
    %add3A_69 = arith.addf %dot_general3A_64, %add3A_68 : vector<64x8xf32>
    %swap3A = arith.constant 0 : index
    %swap3A_70 = arith.constant 0 : index
    %swap3A_71 = vector.load %arg12[%swap3A, %swap3A_70] : memref<64x8xf32, #tpu.memory_space<vmem>>, vector<64x8xf32>
    tpu.vector_store %arg12[%swap3A, %swap3A_70], %add3A_69 {strides = array<i32>} : memref<64x8xf32, #tpu.memory_space<vmem>>, vector<64x8xf32>,
    return
  }
}

</mosaic_0001>

<sc_bundles>
// kernel: gather_offload_async_start.1
scs
__scs_entry_jumppad:
0x0: {  	(pc) =	sbr.rel $0x88, $3  }
0x1: {  	(tag) =	ssettag $0x0;
	lr =	simm.s32 $0x1  }
0x2: {  	[smem:$0x3F84] =	sst lr;
	_ =	strace $0xD0000000  }
0x3: {  	_ = 	snop  }
0x4: {  	_ = 	snop  }
0x5: {  	_ = 	snop  }
0x6: {  	_ = 	snop  }
0x7: {  	_ = 	snop  }
__scs_overlays_trampoline_lowered:
0x8: {  	[smem:$0x3F93] =	sst s0  }
0x9: {  	[smem:$0x3F94] =	sst s1  }
0xa: {  	[smem:$0x3F95] =	sst s2  }
0xb: {  	[smem:$0x3F96] =	sst s3  }
0xc: {  	[smem:$0x3F97] =	sst s4  }
0xd: {  	[smem:$0x3F98] =	sst s5  }
0xe: {  	[smem:$0x3F99] =	sst s6  }
0xf: {  	[smem:$0x3F9A] =	sst s7  }
0x10: {  	[smem:$0x3F9B] =	sst s8  }
0x11: {  	[smem:$0x3F9C] =	sst s9;
	s0 =	simm.s32 @!p0 $0x0  }
0x12: {  	s1 =	sld [smem:$0x3F82];
	s0 =	simm.s32 @p0 $0x1  }
0x13: {  	[smem:$0x3F9D] =	sst s0;
	s0 =	simm.s32 @!p1 $0x0  }
0x14: {  	s2 =	sld [smem:$0x3F81];
	s0 =	simm.s32 @p1 $0x1  }
0x15: {  	[smem:$0x3F9E] =	sst s0;
	s0 =	simm.s32 @!p2 $0x0  }
0x16: {  	s3 =	sld [smem:$0x3FDB];
	s0 =	simm.s32 @p2 $0x1  }
0x17: {  	s4 =	simm.s32 $0x1BF5;
	[smem:$0x3FA0] =	sst s0  }
0x18: {  	s0 =	sld [smem:$0x3F83];
	_ =	swait.ge [sflag:s4], $0x0  }
0x19: {  	s7 =	sld [smem:$0x3F84]  }
0x1a: {  	s8 =	sadd.s32 $0xFFFFE003, lr  }
0x1b: {  	s9 =	sadd.s32 $0xFFFFFEF7, lr;
	s5 =	simm.s32 $0xFFFFFFFF;
	p2 =	slt.u32 s8, $0xFFFFF086  }
0x1c: {  	p1 =	slt.u32 s9, $0xF7A;
	s5 =	simm.s32 @!p2 $0x0  }
0x1d: {  	s5 =	simm.s32 @p1 $0x1;
	p0 =	seq.s32 s7, s2  }
0x1e: {  	s7 =	smul.u32 @!p0 $0xF7A, s2;
	p2 =	seq.s32 @!p0 s5, $0x0  }
0x1f: {  	s9 =	smul.u32 $0xF7A, s1;
	s8 =	simm.s32 @!p0 $0x1BF5;
	p2 =	por !p2, p0  }
0x20: {  	[sflag:s8] =	ssyncset.s32 @!p0 $0xFFFFF086;
	s6 =	sadd.s32 @!p0 s3, s7;
	s7 =	simm.s32 @!p0 $0x108  }
0x21: {  	s3 =	sadd.s32 s3, s9;
	s6 =	sadd.s32 @!p0 $0x88, s6;
	s7 =	simm.s32 @p2 $0x1082  }
0x22: {  	[simem:s7], [sflag:s8] =	dma.local @!p0 [hbm:s6], $0xF7A  }
0x23: {  	s9 =	sor.u32 $0xD0000000, s2;
	s6 =	simm.s32 $0x108;
	_ =	swait.ge @!p0 [sflag:s8], $0x0  }
0x24: {  	s3 =	sadd.s32 $0x88, s3;
	s6 =	simm.s32 @!p1 $0x1082;
	[sflag:s4] =	ssyncset.s32 $0xFFFFF086  }
0x25: {  	[simem:s6], [sflag:s4] =	dma.local [hbm:s3], $0xF7A  }
0x26: {  	[smem:$0x3F84] =	sst s1;
	(tag) =	ssettag s2;
	_ =	strace s9  }
0x27: {  	s1 =	sld [smem:$0x3F94]  }
0x28: {  	s2 =	sld [smem:$0x3F95]  }
0x29: {  	s4 =	sld [smem:$0x3F97]  }
0x2a: {  	p0 =	seq.s32 s5, $0x0;
	s5 =	sld [smem:$0x3F98]  }
0x2b: {  	s6 =	sld [smem:$0x3F99]  }
0x2c: {  	s7 =	sld [smem:$0x3F9A]  }
0x2d: {  	s3 =	simm.s32 $0x108;
	s8 =	sld [smem:$0x3F9B]  }
0x2e: {  	s3 =	simm.s32 @!p0 $0x1082;
	s9 =	sld [smem:$0x3F9C]  }
0x2f: {  	lr =	sadd.s32 s0, s3;
	s0 =	sld [smem:$0x3F93]  }
0x30: {  	s3 =	sld [smem:$0x3F96]  }
0x31: {  	[smem:$0x3F9F] =	sst s10  }
0x32: {  	s10 =	sld [smem:$0x3F9D];
	_ =	sdelay $0x3  }
0x33: {  	p0 =	seq.s32 s10, $0x1;
	s10 =	sld [smem:$0x3F9F];
	_ =	sdelay $0x3  }
0x34: {  	[smem:$0x3F9F] =	sst s10  }
0x35: {  	s10 =	sld [smem:$0x3F9E];
	_ =	sdelay $0x3  }
0x36: {  	p1 =	seq.s32 s10, $0x1;
	s10 =	sld [smem:$0x3F9F];
	_ =	sdelay $0x3  }
0x37: {  	[smem:$0x3F9F] =	sst s10  }
0x38: {  	s10 =	sld [smem:$0x3FA0]  }
0x39: {  	_ = 	snop;
	(pc) =	sbr.ind lr, $3  }
0x3a: {  	_ = 	snop  }
0x3b: {  	_ = 	snop  }
0x3c: {  	p2 =	seq.s32 s10, $0x1;
	s10 =	sld [smem:$0x3F9F]  }
0x3d: {  	_ =	shalt  }
0x3e: {  	_ =	shalt  }
0x3f: {  	_ =	shalt  }
0x40: {  	_ =	shalt  }
0x41: {  	_ =	shalt  }
0x42: {  	_ =	shalt  }
0x43: {  	_ =	shalt  }
0x44: {  	_ =	shalt  }
0x45: {  	_ =	shalt  }
0x46: {  	_ =	shalt  }
0x47: {  	_ =	shalt  }
0x48: {  	_ =	shalt  }
0x49: {  	_ =	shalt  }
0x4a: {  	_ =	shalt  }
0x4b: {  	_ =	shalt  }
0x4c: {  	_ =	shalt  }
0x4d: {  	_ =	shalt  }
0x4e: {  	_ =	shalt  }
0x4f: {  	_ =	shalt  }
0x50: {  	_ =	shalt  }
0x51: {  	_ =	shalt  }
0x52: {  	_ =	shalt  }
0x53: {  	_ =	shalt  }
0x54: {  	_ =	shalt  }
0x55: {  	_ =	shalt  }
0x56: {  	_ =	shalt  }
0x57: {  	_ =	shalt  }
0x58: {  	_ =	shalt  }
0x59: {  	_ =	shalt  }
0x5a: {  	_ =	shalt  }
0x5b: {  	_ =	shalt  }
0x5c: {  	_ =	shalt  }
0x5d: {  	_ =	shalt  }
0x5e: {  	_ =	shalt  }
0x5f: {  	_ =	shalt  }
0x60: {  	_ =	shalt  }
0x61: {  	_ =	shalt  }
0x62: {  	_ =	shalt  }
0x63: {  	_ =	shalt  }
0x64: {  	_ =	shalt  }
0x65: {  	_ =	shalt  }
0x66: {  	_ =	shalt  }
0x67: {  	_ =	shalt  }
0x68: {  	_ =	shalt  }
0x69: {  	_ =	shalt  }
0x6a: {  	_ =	shalt  }
0x6b: {  	_ =	shalt  }
0x6c: {  	_ =	shalt  }
0x6d: {  	_ =	shalt  }
0x6e: {  	_ =	shalt  }
0x6f: {  	_ =	shalt  }
0x70: {  	_ =	shalt  }
0x71: {  	_ =	shalt  }
0x72: {  	_ =	shalt  }
0x73: {  	_ =	shalt  }
0x74: {  	_ =	shalt  }
0x75: {  	_ =	shalt  }
0x76: {  	_ =	shalt  }
0x77: {  	_ =	shalt  }
0x78: {  	_ =	shalt  }
0x79: {  	_ =	shalt  }
0x7a: {  	_ =	shalt  }
0x7b: {  	_ =	shalt  }
0x7c: {  	_ =	shalt  }
0x7d: {  	_ =	shalt  }
0x7e: {  	_ =	shalt  }
0x7f: {  	_ =	shalt  }
0x80: {  	_ =	shalt  }
0x81: {  	_ =	shalt  }
0x82: {  	_ =	shalt  }
0x83: {  	_ =	shalt  }
0x84: {  	_ =	shalt  }
0x85: {  	_ =	shalt  }
0x86: {  	_ =	shalt  }
0x87: {  	_ =	shalt  }
.Lfunc_end0:
.L_simem_size_0:
called_computation.1_lowered:
.L_overlay_start_0:
0x88: {  	s2 =	sld [smem:$0x3FD9]  }
0x89: {  	s3 =	sld [smem:$0x3FFE];
	_ =	sdelay $0x1  }
0x8a: {  	s1 =	srdreg.scid  }
0x8b: {  	s0 =	sand.u32 $0x1, s1  }
0x8c: {  	s16 =	sshll.u32 s0, $0xA;
	s2 =	sadd.s32 s3, s2  }
0x8d: {  	s2 =	sadd.s32 s2, s16  }
0x8e: {  	[smem:$0x3FAB] =	sst s2  }
0x8f: {  	_ = 	snop  }
0x90: {  	(tm) =	ssettm $0x1  }
0x91: {  	s17 =	sld [smem:$0x3FFB];
	_ =	sdelay $0x3  }
0x92: {  	_ =	strace s17  }
0x93: {  	s2 =	sld [smem:$0x3FFC];
	_ =	sdelay $0x3  }
0x94: {  	_ =	strace s2  }
0x95: {  	s2 =	sld [smem:$0x3FFD];
	_ =	sdelay $0x3  }
0x96: {  	_ =	strace s2  }
0x97: {  	_ =	strace $0x8FFFFFFF  }
0x98: {  	s18 =	sld [smem:$0x3FDB];
	_ =	sdelay $0x1  }
0x99: {  	s19 =	simm.s32 $_scs_section_size  }
0x9a: {  	s4 =	simm.s32 $_size__tile_overlayer_lowered;
	s5 =	simm.s32 $_tile_overlayer_lowered  }
0x9b: {  	s22 =	simm.s32 $0x1BFF;
	s21 =	sshll.u32 s5, $0x1;
	s2 =	sadd.s32 s19, s18  }
0x9c: {  	s6 =	simm.s32 $0x0;
	s20 =	sshll.u32 s4, $0x1;
	s4 =	sadd.s32 s21, s2  }
0x9d: {  	[timem:s6], [sflag:s22] =	dma.local [hbm:s4], s20  }
0x9e: {  	_ =	swait.ge [sflag:s22], s20  }
0x9f: {  	s3 =	ssub.s32 $0x0, s20;
	[sflag:s22] =	ssyncset.done $0x0  }
0xa0: {  	[sflag:s22] =	ssyncadd.s32 s3;
	_ =	sdelay $0x1  }
0xa1: {  	s23 =	simm.s32 $0x1B8B  }
0xa2: {  	_ =	swait.ge [sflag:s23], $0x1  }
0xa3: {  	[sflag:s23] =	ssyncset.done $0x0  }
0xa4: {  	s25 =	simm.s32 $0x1B8E;
	s24 =	sld [smem:$0x3FFE];
	[sflag:s23] =	ssyncadd.s32 $0xFFFFFFFF  }
0xa5: {  	s26 =	simm.s32 $execute0_lowered;
	[smem:$0x3FD2] =	sst s25  }
0xa6: {  	s4 =	sshll.u32 s26, $0x1;
	_ =	strace $0x80000046;
	[dreg:$0x1] =	wrdreg $0xFFFFFFFF  }
0xa7: {  	s28 =	simm.s32 $_size_execute0_lowered;
	s2 =	sadd.s32 s2, s4;
	[dreg:$0x0] =	wrdreg $0x0  }
0xa8: {  	s4 =	sshll.u32 s28, $0x1;
	[dreg:$0x2] =	wrdreg s2  }
0xa9: {  	[dreg:$0x3] =	wrdreg s4  }
0xaa: {  	[dreg:$0x4] =	wrdreg $0xC0  }
0xab: {  	_ =	task [dreg:s6], $0x5FFFF  }
0xac: {  	[dreg:$0x1] =	wrdreg $0xFFFFFFFF  }
0xad: {  	[dreg:$0x0] =	wrdreg $0x60  }
0xae: {  	[dreg:$0x2] =	wrdreg s24  }
0xaf: {  	[dreg:$0x3] =	wrdreg $0x9  }
0xb0: {  	_ =	task.clear_ibuf [dreg:s6], $0x4FFFF;
	_ =	strace $0x90000046  }
0xb1: {  	s29 =	simm.s32 $0x9;
	_ =	strace $0x80000048  }
0xb2: {  	_ =	swait.ge [sflag:s29], $0x1  }
0xb3: {  	[sflag:s29] =	ssyncadd.s32 $0xFFFFFFFF  }
0xb4: {  	_ =	strace $0x90000048  }
0xb5: {  	_ =	sfence  }
0xb6: {  	s30 =	sld [smem:$0x0];
	_ =	sdelay $0x2  }
0xb7: {  	s31 =	sshll.u32 s1, $0xD;
	s1 =	sshrl.u32 s1, $0x2  }
0xb8: {  	s3 =	sand.u32 $0x4000, s31;
	s1 =	sadd.s32 s1, s30  }
0xb9: {  	s0 =	sor.u32 s3, s0;
	s1 =	sshll.u32 s1, $0x11  }
0xba: {  	s0 =	sor.u32 s1, s0  }
0xbb: {  	s0 =	sadd.s32 $0x8F2B, s0  }
0xbc: {  	[sflag:s0] =	ssyncadd.remote.s32 $0x1  }
0xbd: {  	_ =	sfence.sel $0xFFFF  }
0xbe: {  	[dreg:$0x0] =	wrdreg $0xFFFFFFFF;
	(pc) =	sbr.abs _section_cstart, $3  }
0xbf: {  	[dreg:$0x1] =	wrdreg $0xFFFFFFFF  }
0xc0: {  	_ =	task.clear_ibuf [dreg:s6], $0x2FFFF;
	_ =	strace $0x9FFFFFFF  }
0xc1: {  	(tm) =	ssettm $0x7FFFFFFF  }
tec
execute0_lowered:
.L_overlay_start_1:
0x0: {  	(tag) =	ssettag $0x1  }
0x1: {  	s8 =	rddreg [dreg:$0x0]  }
0x2: {  	s0 =	rddreg [dreg:$0x1];
	_ =	strace $0x80000047;
	s1 =	stileid.u32  }
0x3: {  	s3 =	srdreg.scid;
	s4 =	simm.s32 $0x1;
	s7 =	simm.s32 $0x1  }
0x4: {  	s9 =	simm.s32 $0x1;
	s10 =	simm.s32 $0x3;
	s13 =	simm.s32 $0x0  }
0x5: {  	s12 =	simm.s32 $0x0;
	s5 =	sand.u32 $0x1, s3;
	s6 =	sshll.u32 s1, $0x1  }
0x6: {  	s2 =	sadd.s32 $0x1DC00, s8;
	s3 =	sadd.s32 $0x2CC00, s8;
	s5 =	sor.u32 s6, s5  }
.Ltmp0:
0x7: {  	[sflag:s4] =	ssyncpa.u1 $0x0;
	p0 =	slt.u32 s5, $0x9;
	(pc) =	sbr.rel .LBB2_1-.Ltmp0, $4  }
0x8: {  	s6 =	simm.s32 $0x2;
	s7 =	simm.s32 @!p0 $0x0;
	p0 =	sne.s32 s5, $0x8  }
0x9: {  	[sflag:s6] =	ssyncpa.u1 $0x0;
	s5 =	smul.u32 $0xFA0, s5;
	s9 =	simm.s32 @!p0 $0x0  }
0xa: {  	s8 =	sadd.s32 $0x32200, s8;
	[sflag:s10] =	ssyncpa.u1 $0x0;
	s7 =	sadd.s32 s9, s7  }
0xb: {  	vm0 =	vmmov $0xffff;
	s10 =	simm.s32 $0x0;
	s11 =	smov.u32 s5;
	s9 =	sadd.s32 $0x1, s7  }
.LBB2_4:
0xc: {  	v2 =	vnsel vm1, $0x0, v2  }
0xd: {  	vm1 =	vgt.s32 v0, $0x0;
	v2 =	vmin.u32 v2, $0x270FF  }
0xe: {  	v0 =	vnsel vm1, $0x0, v0  }
0xf: {  	v0 =	vmin.u32 v0, $0x270FF  }
0x10: {  	[tilespmem:s18], [sflag:$0x1] =	stream.indirect_vreg.gather [hbm4b:s2+s10], $0x1, v1, vm0, $0x4038;
	[tilespmem:$0x3E80] =	vst v63  }
0x11: {  	(ifvalue) =	ssetifvalue $0x7FFFFFFF  }
0x12: {  	[tilespmem:s15], [sflag:$0x1] =	stream.indirect_vreg.gather [hbm4b:s2+s10], $0x1, v2, vm0, $0x4038;
	[tilespmem:$0x3E80] =	vst v63  }
0x13: {  	s29 =	sadd.s32 $0x10, s15;
	(ifvalue) =	ssetifvalue $0x7FFFFFFF  }
0x14: {  	[tilespmem:s29], [sflag:$0x1] =	stream.indirect_vreg.gather [hbm4b:s2+s10], $0x1, v0, vm0, $0x4038;
	[tilespmem:$0x3E80] =	vst v63  }
0x15: {  	_ =	swait.ge [sflag:s4], $0xFA0  }
0x16: {  	s30 =	sshrl.u32 s13, $0x3;
	[sflag:s4] =	ssyncset.done $0x0  }
0x17: {  	s31 =	sand.u32 $0x7, s13;
	s15 =	sadd.s32 s8, s30;
	[sflag:s4] =	ssyncadd.s32 $0xFFFFF060  }
0x18: {  	[hbm4b:s15+s31] =	stream.linear.scatter [tilespmem:s14], [sflag:$0x3], $0xFA0, $0x38;
	[tilespmem:$0x3E80] =	vst v63  }
.LBB2_5:
0x19: {  	s15 =	sadd.s32 $0x1F400, s11  }
0x1a: {  	p1 =	sgt.s32 s15, $0x270FF  }
0x1b: {  	s15 =	smov.u32 @p1 s5;
	p1 =	sne.s32 s12, s9  }
.Ltmp1:
0x1c: {  	p0 =	slt.u32 s12, $0x2;
	(pc) =	sbr.rel @!p1 .LBB2_6-.Ltmp1, $4  }
0x1d: {  	s14 =	simm.s32 @!p0 $0x3  }
0x1e: {  	_ =	swait.ge @!p0 [sflag:s14], $0xFA0  }
0x1f: {  	s16 =	sadd.s32 $0x1, s12;
	s13 =	smov.u32 s11;
	[sflag:s14] =	ssyncset.done @!p0 $0x0  }
0x20: {  	s12 =	smov.u32 s16;
	s11 =	smov.u32 s15;
	[sflag:s14] =	ssyncadd.s32 @!p0 $0xFFFFF060  }
.LBB2_1:
0x21: {  	p0 =	sge.u32 s12, s7  }
0x22: {  	s14 =	sxor.u32 @!p0 $0x1, s12  }
0x23: {  	s14 =	smul.u32 @!p0 $0x3E80, s14  }
0x24: {  	s31 =	sadd.s32 $0xFFFFFFFF, s12;
	s15 =	sshrl.u32 @!p0 s11, $0x3  }
0x25: {  	s16 =	sand.u32 @!p0 $0x7, s11;
	s15 =	sadd.s32 @!p0 s3, s15;
	s14 =	sshra.s32 @!p0 s14, $0x2  }
0x26: {  	[tilespmem:s14], [sflag:$0x2] =	stream.linear.gather @!p0 [hbm4b:s15+s16], $0xFA0, $0x38;
	[tilespmem:$0x3E80] =	vst v63  }
0x27: {  	p0 =	sge.u32 s31, s7  }
.Ltmp2:
0x28: {  	_ = 	snop;
	(pc) =	sbr.rel @p0 .LBB2_5-.Ltmp2, $1  }
0x29: {  	_ =	sdelay $0x3  }
0x2a: {  	s14 =	sand.u32 $0x1, s12  }
0x2b: {  	_ =	swait.ge [sflag:s6], $0xFA0;
	p0 =	seq.s32 s14, $0x1;
	s14 =	simm.s32 $0xFA0  }
0x2c: {  	[sflag:s6] =	ssyncset.done $0x0;
	s14 =	simm.s32 @!p0 $0x0  }
0x2d: {  	[sflag:s6] =	ssyncadd.s32 $0xFFFFF060;
	(ifvalue) =	ssetifvalue $0x7FFFFFFF;
	v0 =	vld.msk [tilespmem:s14+$0x0 ss:$0x1], $0xffff;
	_ =	sdelay $0x4  }
0x2e: {  	s15 =	sadd.s32 $0x10, s14;
	vm1 =	vgt.s32 v0, $0x0  }
0x2f: {  	v2 =	vld.msk [tilespmem:s15+$0x0 ss:$0x1], $0xffff;
	v1 =	vnsel vm1, $0x0, v0  }
0x30: {  	v1 =	vmin.u32 v1, $0x270FF;
	_ =	sdelay $0x2  }
0x31: {  	s17 =	simm.s32 $0x20;
	s14 =	sadd.s32 $0x1F40, s14;
	s16 =	sadd.s32 $0x10, s15  }
0x32: {  	s15 =	sadd.s32 $0x10, s14;
	s18 =	smov.u32 s14;
	v0 =	vld.msk [tilespmem:s16+$0x0 ss:$0x1], $0xffff;
	vm1 =	vgt.s32 v2, $0x0;
	(ifvalue) =	ssetifvalue $0x7FFFFFFF  }
.LBB2_3:
0x33: {  	[tilespmem:s18], [sflag:$0x1] =	stream.indirect_vreg.gather [hbm4b:s2+s10], $0x1, v1, vm0, $0x4038;
	[tilespmem:$0x3E80] =	vst v63  }
0x34: {  	s17 =	sadd.s32 $0x10, s17  }
0x35: {  	v2 =	vnsel vm1, $0x0, v2;
	p0 =	slt.u32 s17, $0xF90  }
.Ltmp3:
0x36: {  	s18 =	smov.u32 s15;
	v1 =	vmin.u32 v2, $0x270FF;
	(pc) =	sbr.rel @p0 .LBB2_3-.Ltmp3, $3  }
0x37: {  	_ =	sdelay $0x1  }
0x38: {  	s16 =	sadd.s32 $0x10, s16  }
0x39: {  	vm1 =	vgt.s32 v0, $0x0;
	s15 =	sadd.s32 $0x10, s15;
	v2 =	vmov v0;
	(ifvalue) =	ssetifvalue $0x7FFFFFFF;
	v0 =	vld.msk [tilespmem:s16+$0x0 ss:$0x1], $0xffff  }
.Ltmp4:
0x3a: {  	_ = 	snop;
	(pc) =	sbr.rel .LBB2_4-.Ltmp4, $1  }
0x3b: {  	_ =	sdelay $0x3  }
.LBB2_6:
0x3c: {  	_ =	sfence.sel $0x180000  }
0x3d: {  	s2 =	simm.s32 $0x2;
	[bflag:$0x0] =	sbarrier.arrive $0xFFFF  }
0x3e: {  	s30 =	simm.s32 $0x3;
	[sflag:s2] =	ssyncpa.u1 $0x1  }
0x3f: {  	s31 =	simm.s32 $0x1;
	[sflag:s30] =	ssyncpa.u1 $0x1  }
0x40: {  	[sflag:s31] =	ssyncpa.u1 $0x1  }
0x41: {  	p0 =	sne.s32 s1, $0x0;
	_ =	strace $0x90000047  }
0x42: {  	s0 =	sadd.s32 @!p0 $0x100000, s0;
	[bflag:$0x2] =	sbarrier.arrive $0xFFFF  }
0x43: {  	[sflag:s0] =	ssyncadd.tile.s32 @!p0 $0x1;
	_ =	shalt  }
.Lfunc_end2:
_tile_overlayer_lowered:
.L_overlay_start_2:
0x44: {  	(tag) =	ssettag $0x2  }
0x45: {  	s0 =	rddreg [dreg:$0x0];
	s2 =	stileid.u32  }
0x46: {  	s1 =	rddreg [dreg:$0x1];
	p0 =	sne.s32 s2, $0x0  }
0x47: {  	s3 =	rddreg [dreg:$0x2];
	[bflag:$0x3] =	sbarrier.arrive $0xFFFF;
	s2 =	simm.s32 @!p0 $0x1C01  }
0x48: {  	[timem:s3], [sflag:s2] =	dma.local @!p0 [hbm:s0], s1  }
0x49: {  	s0 =	simm.s32 @!p0 $0x1  }
0x4a: {  	_ =	swait.ge @!p0 [sflag:s0], s1  }
0x4b: {  	s1 =	ssub.s32 @!p0 $0x0, s1;
	[sflag:s0] =	ssyncset.done @!p0 $0x0  }
0x4c: {  	[sflag:s0] =	ssyncadd.s32 @!p0 s1  }
0x4d: {  	[bflag:$0x3] =	sbarrier.arrive $0xFFFF  }
0x4e: {  	_ =	shalt  }

// kernel: gather_offload_async_start.2
scs
__scs_entry_jumppad:
0x0: {  	(pc) =	sbr.rel $0x88, $3  }
0x1: {  	(tag) =	ssettag $0x0;
	lr =	simm.s32 $0x1  }
0x2: {  	[smem:$0x3F84] =	sst lr;
	_ =	strace $0xD0000000  }
0x3: {  	_ = 	snop  }
0x4: {  	_ = 	snop  }
0x5: {  	_ = 	snop  }
0x6: {  	_ = 	snop  }
0x7: {  	_ = 	snop  }
__scs_overlays_trampoline_lowered:
0x8: {  	[smem:$0x3F93] =	sst s0  }
0x9: {  	[smem:$0x3F94] =	sst s1  }
0xa: {  	[smem:$0x3F95] =	sst s2  }
0xb: {  	[smem:$0x3F96] =	sst s3  }
0xc: {  	[smem:$0x3F97] =	sst s4  }
0xd: {  	[smem:$0x3F98] =	sst s5  }
0xe: {  	[smem:$0x3F99] =	sst s6  }
0xf: {  	[smem:$0x3F9A] =	sst s7  }
0x10: {  	[smem:$0x3F9B] =	sst s8  }
0x11: {  	[smem:$0x3F9C] =	sst s9;
	s0 =	simm.s32 @!p0 $0x0  }
0x12: {  	s1 =	sld [smem:$0x3F82];
	s0 =	simm.s32 @p0 $0x1  }
0x13: {  	[smem:$0x3F9D] =	sst s0;
	s0 =	simm.s32 @!p1 $0x0  }
0x14: {  	s2 =	sld [smem:$0x3F81];
	s0 =	simm.s32 @p1 $0x1  }
0x15: {  	[smem:$0x3F9E] =	sst s0;
	s0 =	simm.s32 @!p2 $0x0  }
0x16: {  	s3 =	sld [smem:$0x3FDB];
	s0 =	simm.s32 @p2 $0x1  }
0x17: {  	s4 =	simm.s32 $0x1BF5;
	[smem:$0x3FA0] =	sst s0  }
0x18: {  	s0 =	sld [smem:$0x3F83];
	_ =	swait.ge [sflag:s4], $0x0  }
0x19: {  	s7 =	sld [smem:$0x3F84]  }
0x1a: {  	s8 =	sadd.s32 $0xFFFFE003, lr  }
0x1b: {  	s9 =	sadd.s32 $0xFFFFFEF7, lr;
	s5 =	simm.s32 $0xFFFFFFFF;
	p2 =	slt.u32 s8, $0xFFFFF086  }
0x1c: {  	p1 =	slt.u32 s9, $0xF7A;
	s5 =	simm.s32 @!p2 $0x0  }
0x1d: {  	s5 =	simm.s32 @p1 $0x1;
	p0 =	seq.s32 s7, s2  }
0x1e: {  	s7 =	smul.u32 @!p0 $0xF7A, s2;
	p2 =	seq.s32 @!p0 s5, $0x0  }
0x1f: {  	s9 =	smul.u32 $0xF7A, s1;
	s8 =	simm.s32 @!p0 $0x1BF5;
	p2 =	por !p2, p0  }
0x20: {  	[sflag:s8] =	ssyncset.s32 @!p0 $0xFFFFF086;
	s6 =	sadd.s32 @!p0 s3, s7;
	s7 =	simm.s32 @!p0 $0x108  }
0x21: {  	s3 =	sadd.s32 s3, s9;
	s6 =	sadd.s32 @!p0 $0x88, s6;
	s7 =	simm.s32 @p2 $0x1082  }
0x22: {  	[simem:s7], [sflag:s8] =	dma.local @!p0 [hbm:s6], $0xF7A  }
0x23: {  	s9 =	sor.u32 $0xD0000000, s2;
	s6 =	simm.s32 $0x108;
	_ =	swait.ge @!p0 [sflag:s8], $0x0  }
0x24: {  	s3 =	sadd.s32 $0x88, s3;
	s6 =	simm.s32 @!p1 $0x1082;
	[sflag:s4] =	ssyncset.s32 $0xFFFFF086  }
0x25: {  	[simem:s6], [sflag:s4] =	dma.local [hbm:s3], $0xF7A  }
0x26: {  	[smem:$0x3F84] =	sst s1;
	(tag) =	ssettag s2;
	_ =	strace s9  }
0x27: {  	s1 =	sld [smem:$0x3F94]  }
0x28: {  	s2 =	sld [smem:$0x3F95]  }
0x29: {  	s4 =	sld [smem:$0x3F97]  }
0x2a: {  	p0 =	seq.s32 s5, $0x0;
	s5 =	sld [smem:$0x3F98]  }
0x2b: {  	s6 =	sld [smem:$0x3F99]  }
0x2c: {  	s7 =	sld [smem:$0x3F9A]  }
0x2d: {  	s3 =	simm.s32 $0x108;
	s8 =	sld [smem:$0x3F9B]  }
0x2e: {  	s3 =	simm.s32 @!p0 $0x1082;
	s9 =	sld [smem:$0x3F9C]  }
0x2f: {  	lr =	sadd.s32 s0, s3;
	s0 =	sld [smem:$0x3F93]  }
0x30: {  	s3 =	sld [smem:$0x3F96]  }
0x31: {  	[smem:$0x3F9F] =	sst s10  }
0x32: {  	s10 =	sld [smem:$0x3F9D];
	_ =	sdelay $0x3  }
0x33: {  	p0 =	seq.s32 s10, $0x1;
	s10 =	sld [smem:$0x3F9F];
	_ =	sdelay $0x3  }
0x34: {  	[smem:$0x3F9F] =	sst s10  }
0x35: {  	s10 =	sld [smem:$0x3F9E];
	_ =	sdelay $0x3  }
0x36: {  	p1 =	seq.s32 s10, $0x1;
	s10 =	sld [smem:$0x3F9F];
	_ =	sdelay $0x3  }
0x37: {  	[smem:$0x3F9F] =	sst s10  }
0x38: {  	s10 =	sld [smem:$0x3FA0]  }
0x39: {  	_ = 	snop;
	(pc) =	sbr.ind lr, $3  }
0x3a: {  	_ = 	snop  }
0x3b: {  	_ = 	snop  }
0x3c: {  	p2 =	seq.s32 s10, $0x1;
	s10 =	sld [smem:$0x3F9F]  }
0x3d: {  	_ =	shalt  }
0x3e: {  	_ =	shalt  }
0x3f: {  	_ =	shalt  }
0x40: {  	_ =	shalt  }
0x41: {  	_ =	shalt  }
0x42: {  	_ =	shalt  }
0x43: {  	_ =	shalt  }
0x44: {  	_ =	shalt  }
0x45: {  	_ =	shalt  }
0x46: {  	_ =	shalt  }
0x47: {  	_ =	shalt  }
0x48: {  	_ =	shalt  }
0x49: {  	_ =	shalt  }
0x4a: {  	_ =	shalt  }
0x4b: {  	_ =	shalt  }
0x4c: {  	_ =	shalt  }
0x4d: {  	_ =	shalt  }
0x4e: {  	_ =	shalt  }
0x4f: {  	_ =	shalt  }
0x50: {  	_ =	shalt  }
0x51: {  	_ =	shalt  }
0x52: {  	_ =	shalt  }
0x53: {  	_ =	shalt  }
0x54: {  	_ =	shalt  }
0x55: {  	_ =	shalt  }
0x56: {  	_ =	shalt  }
0x57: {  	_ =	shalt  }
0x58: {  	_ =	shalt  }
0x59: {  	_ =	shalt  }
0x5a: {  	_ =	shalt  }
0x5b: {  	_ =	shalt  }
0x5c: {  	_ =	shalt  }
0x5d: {  	_ =	shalt  }
0x5e: {  	_ =	shalt  }
0x5f: {  	_ =	shalt  }
0x60: {  	_ =	shalt  }
0x61: {  	_ =	shalt  }
0x62: {  	_ =	shalt  }
0x63: {  	_ =	shalt  }
0x64: {  	_ =	shalt  }
0x65: {  	_ =	shalt  }
0x66: {  	_ =	shalt  }
0x67: {  	_ =	shalt  }
0x68: {  	_ =	shalt  }
0x69: {  	_ =	shalt  }
0x6a: {  	_ =	shalt  }
0x6b: {  	_ =	shalt  }
0x6c: {  	_ =	shalt  }
0x6d: {  	_ =	shalt  }
0x6e: {  	_ =	shalt  }
0x6f: {  	_ =	shalt  }
0x70: {  	_ =	shalt  }
0x71: {  	_ =	shalt  }
0x72: {  	_ =	shalt  }
0x73: {  	_ =	shalt  }
0x74: {  	_ =	shalt  }
0x75: {  	_ =	shalt  }
0x76: {  	_ =	shalt  }
0x77: {  	_ =	shalt  }
0x78: {  	_ =	shalt  }
0x79: {  	_ =	shalt  }
0x7a: {  	_ =	shalt  }
0x7b: {  	_ =	shalt  }
0x7c: {  	_ =	shalt  }
0x7d: {  	_ =	shalt  }
0x7e: {  	_ =	shalt  }
0x7f: {  	_ =	shalt  }
0x80: {  	_ =	shalt  }
0x81: {  	_ =	shalt  }
0x82: {  	_ =	shalt  }
0x83: {  	_ =	shalt  }
0x84: {  	_ =	shalt  }
0x85: {  	_ =	shalt  }
0x86: {  	_ =	shalt  }
0x87: {  	_ =	shalt  }
.Lfunc_end0:
.L_simem_size_0:
called_computation.2_lowered:
.L_overlay_start_0:
0x88: {  	s2 =	sld [smem:$0x3FD9]  }
0x89: {  	s3 =	sld [smem:$0x3FFE];
	_ =	sdelay $0x1  }
0x8a: {  	s1 =	srdreg.scid  }
0x8b: {  	s0 =	sand.u32 $0x1, s1  }
0x8c: {  	s16 =	sshll.u32 s0, $0xA;
	s2 =	sadd.s32 s3, s2  }
0x8d: {  	s2 =	sadd.s32 s2, s16  }
0x8e: {  	[smem:$0x3FAB] =	sst s2  }
0x8f: {  	_ = 	snop  }
0x90: {  	(tm) =	ssettm $0x1  }
0x91: {  	s17 =	sld [smem:$0x3FFB];
	_ =	sdelay $0x3  }
0x92: {  	_ =	strace s17  }
0x93: {  	s2 =	sld [smem:$0x3FFC];
	_ =	sdelay $0x3  }
0x94: {  	_ =	strace s2  }
0x95: {  	s2 =	sld [smem:$0x3FFD];
	_ =	sdelay $0x3  }
0x96: {  	_ =	strace s2  }
0x97: {  	_ =	strace $0x8FFFFFFF  }
0x98: {  	s18 =	sld [smem:$0x3FDB];
	_ =	sdelay $0x1  }
0x99: {  	s19 =	simm.s32 $_scs_section_size  }
0x9a: {  	s4 =	simm.s32 $_size__tile_overlayer_lowered;
	s5 =	simm.s32 $_tile_overlayer_lowered  }
0x9b: {  	s22 =	simm.s32 $0x1BFF;
	s21 =	sshll.u32 s5, $0x1;
	s2 =	sadd.s32 s19, s18  }
0x9c: {  	s6 =	simm.s32 $0x0;
	s20 =	sshll.u32 s4, $0x1;
	s4 =	sadd.s32 s21, s2  }
0x9d: {  	[timem:s6], [sflag:s22] =	dma.local [hbm:s4], s20  }
0x9e: {  	_ =	swait.ge [sflag:s22], s20  }
0x9f: {  	s3 =	ssub.s32 $0x0, s20;
	[sflag:s22] =	ssyncset.done $0x0  }
0xa0: {  	[sflag:s22] =	ssyncadd.s32 s3;
	_ =	sdelay $0x1  }
0xa1: {  	s23 =	simm.s32 $0x1B8B  }
0xa2: {  	_ =	swait.ge [sflag:s23], $0x1  }
0xa3: {  	[sflag:s23] =	ssyncset.done $0x0  }
0xa4: {  	s25 =	simm.s32 $0x1B8E;
	s24 =	sld [smem:$0x3FFE];
	[sflag:s23] =	ssyncadd.s32 $0xFFFFFFFF  }
0xa5: {  	s26 =	simm.s32 $execute0_lowered;
	[smem:$0x3FD2] =	sst s25  }
0xa6: {  	s4 =	sshll.u32 s26, $0x1;
	_ =	strace $0x80000049;
	[dreg:$0x1] =	wrdreg $0xFFFFFFFF  }
0xa7: {  	s28 =	simm.s32 $_size_execute0_lowered;
	s2 =	sadd.s32 s2, s4;
	[dreg:$0x0] =	wrdreg $0x0  }
0xa8: {  	s4 =	sshll.u32 s28, $0x1;
	[dreg:$0x2] =	wrdreg s2  }
0xa9: {  	[dreg:$0x3] =	wrdreg s4  }
0xaa: {  	[dreg:$0x4] =	wrdreg $0xC0  }
0xab: {  	_ =	task [dreg:s6], $0x5FFFF  }
0xac: {  	[dreg:$0x1] =	wrdreg $0xFFFFFFFF  }
0xad: {  	[dreg:$0x0] =	wrdreg $0x60  }
0xae: {  	[dreg:$0x2] =	wrdreg s24  }
0xaf: {  	[dreg:$0x3] =	wrdreg $0x9  }
0xb0: {  	_ =	task.clear_ibuf [dreg:s6], $0x4FFFF;
	_ =	strace $0x90000049  }
0xb1: {  	s29 =	simm.s32 $0x9;
	_ =	strace $0x8000004B  }
0xb2: {  	_ =	swait.ge [sflag:s29], $0x1  }
0xb3: {  	[sflag:s29] =	ssyncadd.s32 $0xFFFFFFFF  }
0xb4: {  	_ =	strace $0x9000004B  }
0xb5: {  	_ =	sfence  }
0xb6: {  	s30 =	sld [smem:$0x0];
	_ =	sdelay $0x2  }
0xb7: {  	s31 =	sshll.u32 s1, $0xD;
	s1 =	sshrl.u32 s1, $0x2  }
0xb8: {  	s3 =	sand.u32 $0x4000, s31;
	s1 =	sadd.s32 s1, s30  }
0xb9: {  	s0 =	sor.u32 s3, s0;
	s1 =	sshll.u32 s1, $0x11  }
0xba: {  	s0 =	sor.u32 s1, s0  }
0xbb: {  	s0 =	sadd.s32 $0x8F2B, s0  }
0xbc: {  	[sflag:s0] =	ssyncadd.remote.s32 $0x1  }
0xbd: {  	_ =	sfence.sel $0xFFFF  }
0xbe: {  	[dreg:$0x0] =	wrdreg $0xFFFFFFFF;
	(pc) =	sbr.abs _section_cstart, $3  }
0xbf: {  	[dreg:$0x1] =	wrdreg $0xFFFFFFFF  }
0xc0: {  	_ =	task.clear_ibuf [dreg:s6], $0x2FFFF;
	_ =	strace $0x9FFFFFFF  }
0xc1: {  	(tm) =	ssettm $0x7FFFFFFF  }
tec
execute0_lowered:
.L_overlay_start_1:
0x0: {  	(tag) =	ssettag $0x1  }
0x1: {  	s8 =	rddreg [dreg:$0x0]  }
0x2: {  	s0 =	rddreg [dreg:$0x1];
	_ =	strace $0x8000004A;
	s1 =	stileid.u32  }
0x3: {  	s3 =	srdreg.scid;
	s4 =	simm.s32 $0x1;
	s7 =	simm.s32 $0x1  }
0x4: {  	s9 =	simm.s32 $0x1;
	s10 =	simm.s32 $0x3;
	s13 =	simm.s32 $0x0  }
0x5: {  	s12 =	simm.s32 $0x0;
	s5 =	sand.u32 $0x1, s3;
	s6 =	sshll.u32 s1, $0x1  }
0x6: {  	s2 =	sadd.s32 $0x32200, s8;
	s3 =	sadd.s32 $0x1DC00, s8;
	s5 =	sor.u32 s6, s5  }
.Ltmp0:
0x7: {  	[sflag:s4] =	ssyncpa.u1 $0x0;
	p0 =	slt.u32 s5, $0x9;
	(pc) =	sbr.rel .LBB2_1-.Ltmp0, $4  }
0x8: {  	s6 =	simm.s32 $0x2;
	s7 =	simm.s32 @!p0 $0x0;
	p0 =	sne.s32 s5, $0x8  }
0x9: {  	[sflag:s6] =	ssyncpa.u1 $0x0;
	s5 =	smul.u32 $0xFA0, s5;
	s9 =	simm.s32 @!p0 $0x0  }
0xa: {  	s8 =	sadd.s32 $0x2CC00, s8;
	[sflag:s10] =	ssyncpa.u1 $0x0;
	s7 =	sadd.s32 s9, s7  }
0xb: {  	vm0 =	vmmov $0xffff;
	s10 =	simm.s32 $0x0;
	s11 =	smov.u32 s5;
	s9 =	sadd.s32 $0x1, s7  }
.LBB2_4:
0xc: {  	v2 =	vnsel vm1, $0x0, v2  }
0xd: {  	vm1 =	vgt.s32 v0, $0x0;
	v2 =	vmin.u32 v2, $0x270FF  }
0xe: {  	v0 =	vnsel vm1, $0x0, v0  }
0xf: {  	v0 =	vmin.u32 v0, $0x270FF  }
0x10: {  	[tilespmem:s18], [sflag:$0x1] =	stream.indirect_vreg.gather [hbm4b:s2+s10], $0x1, v1, vm0, $0x4038;
	[tilespmem:$0x3E80] =	vst v63  }
0x11: {  	(ifvalue) =	ssetifvalue $0x7FFFFFFF  }
0x12: {  	[tilespmem:s15], [sflag:$0x1] =	stream.indirect_vreg.gather [hbm4b:s2+s10], $0x1, v2, vm0, $0x4038;
	[tilespmem:$0x3E80] =	vst v63  }
0x13: {  	s29 =	sadd.s32 $0x10, s15;
	(ifvalue) =	ssetifvalue $0x7FFFFFFF  }
0x14: {  	[tilespmem:s29], [sflag:$0x1] =	stream.indirect_vreg.gather [hbm4b:s2+s10], $0x1, v0, vm0, $0x4038;
	[tilespmem:$0x3E80] =	vst v63  }
0x15: {  	_ =	swait.ge [sflag:s4], $0xFA0  }
0x16: {  	s30 =	sshrl.u32 s13, $0x3;
	[sflag:s4] =	ssyncset.done $0x0  }
0x17: {  	s31 =	sand.u32 $0x7, s13;
	s15 =	sadd.s32 s8, s30;
	[sflag:s4] =	ssyncadd.s32 $0xFFFFF060  }
0x18: {  	[hbm4b:s15+s31] =	stream.linear.scatter [tilespmem:s14], [sflag:$0x3], $0xFA0, $0x38;
	[tilespmem:$0x3E80] =	vst v63  }
.LBB2_5:
0x19: {  	s15 =	sadd.s32 $0x1F400, s11  }
0x1a: {  	p1 =	sgt.s32 s15, $0x270FF  }
0x1b: {  	s15 =	smov.u32 @p1 s5;
	p1 =	sne.s32 s12, s9  }
.Ltmp1:
0x1c: {  	p0 =	slt.u32 s12, $0x2;
	(pc) =	sbr.rel @!p1 .LBB2_6-.Ltmp1, $4  }
0x1d: {  	s14 =	simm.s32 @!p0 $0x3  }
0x1e: {  	_ =	swait.ge @!p0 [sflag:s14], $0xFA0  }
0x1f: {  	s16 =	sadd.s32 $0x1, s12;
	s13 =	smov.u32 s11;
	[sflag:s14] =	ssyncset.done @!p0 $0x0  }
0x20: {  	s12 =	smov.u32 s16;
	s11 =	smov.u32 s15;
	[sflag:s14] =	ssyncadd.s32 @!p0 $0xFFFFF060  }
.LBB2_1:
0x21: {  	p0 =	sge.u32 s12, s7  }
0x22: {  	s14 =	sxor.u32 @!p0 $0x1, s12  }
0x23: {  	s14 =	smul.u32 @!p0 $0x3E80, s14  }
0x24: {  	s31 =	sadd.s32 $0xFFFFFFFF, s12;
	s15 =	sshrl.u32 @!p0 s11, $0x3  }
0x25: {  	s16 =	sand.u32 @!p0 $0x7, s11;
	s15 =	sadd.s32 @!p0 s3, s15;
	s14 =	sshra.s32 @!p0 s14, $0x2  }
0x26: {  	[tilespmem:s14], [sflag:$0x2] =	stream.linear.gather @!p0 [hbm4b:s15+s16], $0xFA0, $0x38;
	[tilespmem:$0x3E80] =	vst v63  }
0x27: {  	p0 =	sge.u32 s31, s7  }
.Ltmp2:
0x28: {  	_ = 	snop;
	(pc) =	sbr.rel @p0 .LBB2_5-.Ltmp2, $1  }
0x29: {  	_ =	sdelay $0x3  }
0x2a: {  	s14 =	sand.u32 $0x1, s12  }
0x2b: {  	_ =	swait.ge [sflag:s6], $0xFA0;
	p0 =	seq.s32 s14, $0x1;
	s14 =	simm.s32 $0xFA0  }
0x2c: {  	[sflag:s6] =	ssyncset.done $0x0;
	s14 =	simm.s32 @!p0 $0x0  }
0x2d: {  	[sflag:s6] =	ssyncadd.s32 $0xFFFFF060;
	(ifvalue) =	ssetifvalue $0x7FFFFFFF;
	v0 =	vld.msk [tilespmem:s14+$0x0 ss:$0x1], $0xffff;
	_ =	sdelay $0x4  }
0x2e: {  	s15 =	sadd.s32 $0x10, s14;
	vm1 =	vgt.s32 v0, $0x0  }
0x2f: {  	v2 =	vld.msk [tilespmem:s15+$0x0 ss:$0x1], $0xffff;
	v1 =	vnsel vm1, $0x0, v0  }
0x30: {  	v1 =	vmin.u32 v1, $0x270FF;
	_ =	sdelay $0x2  }
0x31: {  	s17 =	simm.s32 $0x20;
	s14 =	sadd.s32 $0x1F40, s14;
	s16 =	sadd.s32 $0x10, s15  }
0x32: {  	s15 =	sadd.s32 $0x10, s14;
	s18 =	smov.u32 s14;
	v0 =	vld.msk [tilespmem:s16+$0x0 ss:$0x1], $0xffff;
	vm1 =	vgt.s32 v2, $0x0;
	(ifvalue) =	ssetifvalue $0x7FFFFFFF  }
.LBB2_3:
0x33: {  	[tilespmem:s18], [sflag:$0x1] =	stream.indirect_vreg.gather [hbm4b:s2+s10], $0x1, v1, vm0, $0x4038;
	[tilespmem:$0x3E80] =	vst v63  }
0x34: {  	s17 =	sadd.s32 $0x10, s17  }
0x35: {  	v2 =	vnsel vm1, $0x0, v2;
	p0 =	slt.u32 s17, $0xF90  }
.Ltmp3:
0x36: {  	s18 =	smov.u32 s15;
	v1 =	vmin.u32 v2, $0x270FF;
	(pc) =	sbr.rel @p0 .LBB2_3-.Ltmp3, $3  }
0x37: {  	_ =	sdelay $0x1  }
0x38: {  	s16 =	sadd.s32 $0x10, s16  }
0x39: {  	vm1 =	vgt.s32 v0, $0x0;
	s15 =	sadd.s32 $0x10, s15;
	v2 =	vmov v0;
	(ifvalue) =	ssetifvalue $0x7FFFFFFF;
	v0 =	vld.msk [tilespmem:s16+$0x0 ss:$0x1], $0xffff  }
.Ltmp4:
0x3a: {  	_ = 	snop;
	(pc) =	sbr.rel .LBB2_4-.Ltmp4, $1  }
0x3b: {  	_ =	sdelay $0x3  }
.LBB2_6:
0x3c: {  	_ =	sfence.sel $0x180000  }
0x3d: {  	s2 =	simm.s32 $0x2;
	[bflag:$0x0] =	sbarrier.arrive $0xFFFF  }
0x3e: {  	s30 =	simm.s32 $0x3;
	[sflag:s2] =	ssyncpa.u1 $0x1  }
0x3f: {  	s31 =	simm.s32 $0x1;
	[sflag:s30] =	ssyncpa.u1 $0x1  }
0x40: {  	[sflag:s31] =	ssyncpa.u1 $0x1  }
0x41: {  	p0 =	sne.s32 s1, $0x0;
	_ =	strace $0x9000004A  }
0x42: {  	s0 =	sadd.s32 @!p0 $0x100000, s0;
	[bflag:$0x2] =	sbarrier.arrive $0xFFFF  }
0x43: {  	[sflag:s0] =	ssyncadd.tile.s32 @!p0 $0x1;
	_ =	shalt  }
.Lfunc_end2:
_tile_overlayer_lowered:
.L_overlay_start_2:
0x44: {  	(tag) =	ssettag $0x2  }
0x45: {  	s0 =	rddreg [dreg:$0x0];
	s2 =	stileid.u32  }
0x46: {  	s1 =	rddreg [dreg:$0x1];
	p0 =	sne.s32 s2, $0x0  }
0x47: {  	s3 =	rddreg [dreg:$0x2];
	[bflag:$0x3] =	sbarrier.arrive $0xFFFF;
	s2 =	simm.s32 @!p0 $0x1C01  }
0x48: {  	[timem:s3], [sflag:s2] =	dma.local @!p0 [hbm:s0], s1  }
0x49: {  	s0 =	simm.s32 @!p0 $0x1  }
0x4a: {  	_ =	swait.ge @!p0 [sflag:s0], s1  }
0x4b: {  	s1 =	ssub.s32 @!p0 $0x0, s1;
	[sflag:s0] =	ssyncset.done @!p0 $0x0  }
0x4c: {  	[sflag:s0] =	ssyncadd.s32 @!p0 s1  }
0x4d: {  	[bflag:$0x3] =	sbarrier.arrive $0xFFFF  }
0x4e: {  	_ =	shalt  }

// kernel: gather_offload_async_start.3
scs
__scs_entry_jumppad:
0x0: {  	(pc) =	sbr.rel $0x88, $3  }
0x1: {  	(tag) =	ssettag $0x0;
	lr =	simm.s32 $0x1  }
0x2: {  	[smem:$0x3F84] =	sst lr;
	_ =	strace $0xD0000000  }
0x3: {  	_ = 	snop  }
0x4: {  	_ = 	snop  }
0x5: {  	_ = 	snop  }
0x6: {  	_ = 	snop  }
0x7: {  	_ = 	snop  }
__scs_overlays_trampoline_lowered:
0x8: {  	[smem:$0x3F93] =	sst s0  }
0x9: {  	[smem:$0x3F94] =	sst s1  }
0xa: {  	[smem:$0x3F95] =	sst s2  }
0xb: {  	[smem:$0x3F96] =	sst s3  }
0xc: {  	[smem:$0x3F97] =	sst s4  }
0xd: {  	[smem:$0x3F98] =	sst s5  }
0xe: {  	[smem:$0x3F99] =	sst s6  }
0xf: {  	[smem:$0x3F9A] =	sst s7  }
0x10: {  	[smem:$0x3F9B] =	sst s8  }
0x11: {  	[smem:$0x3F9C] =	sst s9;
	s0 =	simm.s32 @!p0 $0x0  }
0x12: {  	s1 =	sld [smem:$0x3F82];
	s0 =	simm.s32 @p0 $0x1  }
0x13: {  	[smem:$0x3F9D] =	sst s0;
	s0 =	simm.s32 @!p1 $0x0  }
0x14: {  	s2 =	sld [smem:$0x3F81];
	s0 =	simm.s32 @p1 $0x1  }
0x15: {  	[smem:$0x3F9E] =	sst s0;
	s0 =	simm.s32 @!p2 $0x0  }
0x16: {  	s3 =	sld [smem:$0x3FDB];
	s0 =	simm.s32 @p2 $0x1  }
0x17: {  	s4 =	simm.s32 $0x1BF5;
	[smem:$0x3FA0] =	sst s0  }
0x18: {  	s0 =	sld [smem:$0x3F83];
	_ =	swait.ge [sflag:s4], $0x0  }
0x19: {  	s7 =	sld [smem:$0x3F84]  }
0x1a: {  	s8 =	sadd.s32 $0xFFFFE003, lr  }
0x1b: {  	s9 =	sadd.s32 $0xFFFFFEF7, lr;
	s5 =	simm.s32 $0xFFFFFFFF;
	p2 =	slt.u32 s8, $0xFFFFF086  }
0x1c: {  	p1 =	slt.u32 s9, $0xF7A;
	s5 =	simm.s32 @!p2 $0x0  }
0x1d: {  	s5 =	simm.s32 @p1 $0x1;
	p0 =	seq.s32 s7, s2  }
0x1e: {  	s7 =	smul.u32 @!p0 $0xF7A, s2;
	p2 =	seq.s32 @!p0 s5, $0x0  }
0x1f: {  	s9 =	smul.u32 $0xF7A, s1;
	s8 =	simm.s32 @!p0 $0x1BF5;
	p2 =	por !p2, p0  }
0x20: {  	[sflag:s8] =	ssyncset.s32 @!p0 $0xFFFFF086;
	s6 =	sadd.s32 @!p0 s3, s7;
	s7 =	simm.s32 @!p0 $0x108  }
0x21: {  	s3 =	sadd.s32 s3, s9;
	s6 =	sadd.s32 @!p0 $0x88, s6;
	s7 =	simm.s32 @p2 $0x1082  }
0x22: {  	[simem:s7], [sflag:s8] =	dma.local @!p0 [hbm:s6], $0xF7A  }
0x23: {  	s9 =	sor.u32 $0xD0000000, s2;
	s6 =	simm.s32 $0x108;
	_ =	swait.ge @!p0 [sflag:s8], $0x0  }
0x24: {  	s3 =	sadd.s32 $0x88, s3;
	s6 =	simm.s32 @!p1 $0x1082;
	[sflag:s4] =	ssyncset.s32 $0xFFFFF086  }
0x25: {  	[simem:s6], [sflag:s4] =	dma.local [hbm:s3], $0xF7A  }
0x26: {  	[smem:$0x3F84] =	sst s1;
	(tag) =	ssettag s2;
	_ =	strace s9  }
0x27: {  	s1 =	sld [smem:$0x3F94]  }
0x28: {  	s2 =	sld [smem:$0x3F95]  }
0x29: {  	s4 =	sld [smem:$0x3F97]  }
0x2a: {  	p0 =	seq.s32 s5, $0x0;
	s5 =	sld [smem:$0x3F98]  }
0x2b: {  	s6 =	sld [smem:$0x3F99]  }
0x2c: {  	s7 =	sld [smem:$0x3F9A]  }
0x2d: {  	s3 =	simm.s32 $0x108;
	s8 =	sld [smem:$0x3F9B]  }
0x2e: {  	s3 =	simm.s32 @!p0 $0x1082;
	s9 =	sld [smem:$0x3F9C]  }
0x2f: {  	lr =	sadd.s32 s0, s3;
	s0 =	sld [smem:$0x3F93]  }
0x30: {  	s3 =	sld [smem:$0x3F96]  }
0x31: {  	[smem:$0x3F9F] =	sst s10  }
0x32: {  	s10 =	sld [smem:$0x3F9D];
	_ =	sdelay $0x3  }
0x33: {  	p0 =	seq.s32 s10, $0x1;
	s10 =	sld [smem:$0x3F9F];
	_ =	sdelay $0x3  }
0x34: {  	[smem:$0x3F9F] =	sst s10  }
0x35: {  	s10 =	sld [smem:$0x3F9E];
	_ =	sdelay $0x3  }
0x36: {  	p1 =	seq.s32 s10, $0x1;
	s10 =	sld [smem:$0x3F9F];
	_ =	sdelay $0x3  }
0x37: {  	[smem:$0x3F9F] =	sst s10  }
0x38: {  	s10 =	sld [smem:$0x3FA0]  }
0x39: {  	_ = 	snop;
	(pc) =	sbr.ind lr, $3  }
0x3a: {  	_ = 	snop  }
0x3b: {  	_ = 	snop  }
0x3c: {  	p2 =	seq.s32 s10, $0x1;
	s10 =	sld [smem:$0x3F9F]  }
0x3d: {  	_ =	shalt  }
0x3e: {  	_ =	shalt  }
0x3f: {  	_ =	shalt  }
0x40: {  	_ =	shalt  }
0x41: {  	_ =	shalt  }
0x42: {  	_ =	shalt  }
0x43: {  	_ =	shalt  }
0x44: {  	_ =	shalt  }
0x45: {  	_ =	shalt  }
0x46: {  	_ =	shalt  }
0x47: {  	_ =	shalt  }
0x48: {  	_ =	shalt  }
0x49: {  	_ =	shalt  }
0x4a: {  	_ =	shalt  }
0x4b: {  	_ =	shalt  }
0x4c: {  	_ =	shalt  }
0x4d: {  	_ =	shalt  }
0x4e: {  	_ =	shalt  }
0x4f: {  	_ =	shalt  }
0x50: {  	_ =	shalt  }
0x51: {  	_ =	shalt  }
0x52: {  	_ =	shalt  }
0x53: {  	_ =	shalt  }
0x54: {  	_ =	shalt  }
0x55: {  	_ =	shalt  }
0x56: {  	_ =	shalt  }
0x57: {  	_ =	shalt  }
0x58: {  	_ =	shalt  }
0x59: {  	_ =	shalt  }
0x5a: {  	_ =	shalt  }
0x5b: {  	_ =	shalt  }
0x5c: {  	_ =	shalt  }
0x5d: {  	_ =	shalt  }
0x5e: {  	_ =	shalt  }
0x5f: {  	_ =	shalt  }
0x60: {  	_ =	shalt  }
0x61: {  	_ =	shalt  }
0x62: {  	_ =	shalt  }
0x63: {  	_ =	shalt  }
0x64: {  	_ =	shalt  }
0x65: {  	_ =	shalt  }
0x66: {  	_ =	shalt  }
0x67: {  	_ =	shalt  }
0x68: {  	_ =	shalt  }
0x69: {  	_ =	shalt  }
0x6a: {  	_ =	shalt  }
0x6b: {  	_ =	shalt  }
0x6c: {  	_ =	shalt  }
0x6d: {  	_ =	shalt  }
0x6e: {  	_ =	shalt  }
0x6f: {  	_ =	shalt  }
0x70: {  	_ =	shalt  }
0x71: {  	_ =	shalt  }
0x72: {  	_ =	shalt  }
0x73: {  	_ =	shalt  }
0x74: {  	_ =	shalt  }
0x75: {  	_ =	shalt  }
0x76: {  	_ =	shalt  }
0x77: {  	_ =	shalt  }
0x78: {  	_ =	shalt  }
0x79: {  	_ =	shalt  }
0x7a: {  	_ =	shalt  }
0x7b: {  	_ =	shalt  }
0x7c: {  	_ =	shalt  }
0x7d: {  	_ =	shalt  }
0x7e: {  	_ =	shalt  }
0x7f: {  	_ =	shalt  }
0x80: {  	_ =	shalt  }
0x81: {  	_ =	shalt  }
0x82: {  	_ =	shalt  }
0x83: {  	_ =	shalt  }
0x84: {  	_ =	shalt  }
0x85: {  	_ =	shalt  }
0x86: {  	_ =	shalt  }
0x87: {  	_ =	shalt  }
.Lfunc_end0:
.L_simem_size_0:
called_computation.3_lowered:
.L_overlay_start_0:
0x88: {  	s2 =	sld [smem:$0x3FD9]  }
0x89: {  	s3 =	sld [smem:$0x3FFE];
	_ =	sdelay $0x1  }
0x8a: {  	s1 =	srdreg.scid  }
0x8b: {  	s0 =	sand.u32 $0x1, s1  }
0x8c: {  	s17 =	sshll.u32 s0, $0xA;
	s2 =	sadd.s32 s3, s2  }
0x8d: {  	s2 =	sadd.s32 s2, s17  }
0x8e: {  	[smem:$0x3FAB] =	sst s2  }
0x8f: {  	_ = 	snop  }
0x90: {  	(tm) =	ssettm $0x1  }
0x91: {  	s18 =	sld [smem:$0x3FFB];
	_ =	sdelay $0x3  }
0x92: {  	_ =	strace s18  }
0x93: {  	s2 =	sld [smem:$0x3FFC];
	_ =	sdelay $0x3  }
0x94: {  	_ =	strace s2  }
0x95: {  	s2 =	sld [smem:$0x3FFD];
	_ =	sdelay $0x3  }
0x96: {  	_ =	strace s2  }
0x97: {  	_ =	strace $0x8FFFFFFF  }
0x98: {  	s19 =	sld [smem:$0x3FDB];
	_ =	sdelay $0x1  }
0x99: {  	s20 =	simm.s32 $_scs_section_size  }
0x9a: {  	s4 =	simm.s32 $_size__tile_overlayer_lowered;
	s5 =	simm.s32 $_tile_overlayer_lowered  }
0x9b: {  	s6 =	simm.s32 $0x1BFF;
	s21 =	sshll.u32 s5, $0x1;
	s3 =	sadd.s32 s20, s19  }
0x9c: {  	s22 =	simm.s32 $0x0;
	s4 =	sshll.u32 s4, $0x1;
	s5 =	sadd.s32 s21, s3  }
0x9d: {  	[timem:s22], [sflag:s6] =	dma.local [hbm:s5], s4  }
0x9e: {  	_ =	swait.ge [sflag:s6], s4  }
0x9f: {  	s4 =	ssub.s32 $0x0, s4;
	[sflag:s6] =	ssyncset.done $0x0  }
0xa0: {  	[sflag:s6] =	ssyncadd.s32 s4;
	_ =	sdelay $0x1  }
0xa1: {  	s23 =	simm.s32 $0x1B8B  }
0xa2: {  	_ =	swait.ge [sflag:s23], $0x1  }
0xa3: {  	[sflag:s23] =	ssyncset.done $0x0  }
0xa4: {  	[sflag:s23] =	ssyncadd.s32 $0xFFFFFFFF  }
0xa5: {  	s4 =	sld [smem:$0x0]  }
0xa6: {  	s5 =	sand.u32 $0xFFFFFFFE, s1  }
0xa7: {  	p0 =	sne.s32 s1, s5  }
0xa8: {  	s5 =	sshll.u32 @p0 s5, $0xE  }
0xa9: {  	s5 =	sadd.s32 @p0 $0x11B8D, s5;
	s6 =	sshll.u32 @p0 s4, $0x11  }
0xaa: {  	s5 =	sor.u32 @p0 s6, s5  }
0xab: {  	[sflag:s5] =	ssyncadd.remote.s32 @p0 $0x1;
	_ =	sdelay $0x1  }
0xac: {  	s5 =	simm.s32 @p0 $0x1B8D  }
0xad: {  	_ =	swait.eq @p0 [sflag:s5], $0x1  }
0xae: {  	[sflag:s5] =	ssyncadd.s32 @p0 $0xFFFFFFFF  }
0xaf: {  	s6 =	sshll.u32 @!p0 s1, $0xE  }
0xb0: {  	s6 =	sor.u32 @!p0 $0x4000, s6;
	s5 =	simm.s32 @!p0 $0x1B8D  }
0xb1: {  	s4 =	sshll.u32 @!p0 s4, $0x11;
	s6 =	sadd.s32 @!p0 $0x11B8D, s6;
	_ =	swait.eq @!p0 [sflag:s5], $0x1  }
0xb2: {  	s4 =	sor.u32 @!p0 s4, s6;
	[sflag:s5] =	ssyncadd.s32 @!p0 $0xFFFFFFFF  }
0xb3: {  	s25 =	simm.s32 $0x1B8E;
	s24 =	sld [smem:$0x3FFE];
	[sflag:s4] =	ssyncadd.remote.s32 @!p0 $0x1  }
0xb4: {  	s26 =	simm.s32 $execute0_lowered;
	[smem:$0x3FD2] =	sst s25  }
0xb5: {  	s5 =	sshll.u32 s26, $0x1;
	_ =	strace $0x8000004C;
	[dreg:$0x1] =	wrdreg $0xFFFFFFFF  }
0xb6: {  	s28 =	simm.s32 $_size_execute0_lowered;
	s3 =	sadd.s32 s3, s5;
	[dreg:$0x0] =	wrdreg $0x0  }
0xb7: {  	s5 =	sshll.u32 s28, $0x1;
	[dreg:$0x2] =	wrdreg s3  }
0xb8: {  	[dreg:$0x3] =	wrdreg s5  }
0xb9: {  	[dreg:$0x4] =	wrdreg $0xC0  }
0xba: {  	_ =	task [dreg:s22], $0x5FFFF  }
0xbb: {  	[dreg:$0x1] =	wrdreg $0xFFFFFFFF  }
0xbc: {  	[dreg:$0x0] =	wrdreg $0x60  }
0xbd: {  	[dreg:$0x2] =	wrdreg s24  }
0xbe: {  	[dreg:$0x3] =	wrdreg $0xA  }
0xbf: {  	_ =	task.clear_ibuf [dreg:s22], $0x4FFFF;
	_ =	strace $0x9000004C  }
0xc0: {  	s29 =	simm.s32 $0xA;
	_ =	strace $0x8000004E  }
0xc1: {  	_ =	swait.ge [sflag:s29], $0x1  }
0xc2: {  	[sflag:s29] =	ssyncadd.s32 $0xFFFFFFFF  }
0xc3: {  	_ =	strace $0x9000004E  }
0xc4: {  	_ =	sfence  }
0xc5: {  	s30 =	sld [smem:$0x0];
	_ =	sdelay $0x2  }
0xc6: {  	s31 =	sshll.u32 s1, $0xD;
	s1 =	sshrl.u32 s1, $0x2  }
0xc7: {  	s4 =	sand.u32 $0x4000, s31;
	s1 =	sadd.s32 s1, s30  }
0xc8: {  	s0 =	sor.u32 s4, s0;
	s1 =	sshll.u32 s1, $0x11  }
0xc9: {  	s0 =	sor.u32 s1, s0  }
0xca: {  	s0 =	sadd.s32 $0x8F2B, s0  }
0xcb: {  	[sflag:s0] =	ssyncadd.remote.s32 $0x1  }
0xcc: {  	_ =	sfence.sel $0xFFFF  }
0xcd: {  	[dreg:$0x0] =	wrdreg $0xFFFFFFFF;
	(pc) =	sbr.abs _section_cstart, $3  }
0xce: {  	[dreg:$0x1] =	wrdreg $0xFFFFFFFF  }
0xcf: {  	_ =	task.clear_ibuf [dreg:s22], $0x2FFFF;
	_ =	strace $0x9FFFFFFF  }
0xd0: {  	(tm) =	ssettm $0x7FFFFFFF  }
0xd1: {  	_ =	shalt  }
tec
execute0_lowered:
.L_overlay_start_1:
0x0: {  	(tag) =	ssettag $0x1  }
0x1: {  	s8 =	rddreg [dreg:$0x0]  }
0x2: {  	s0 =	rddreg [dreg:$0x1];
	_ =	strace $0x8000004D;
	s1 =	stileid.u32  }
0x3: {  	s3 =	srdreg.scid;
	s4 =	simm.s32 $0x1;
	s7 =	simm.s32 $0x1  }
0x4: {  	s9 =	simm.s32 $0x1;
	s10 =	simm.s32 $0x3;
	s13 =	simm.s32 $0x0  }
0x5: {  	s12 =	simm.s32 $0x0;
	s5 =	sand.u32 $0x1, s3;
	s6 =	sshll.u32 s1, $0x1  }
0x6: {  	s2 =	sadd.s32 $0x27C00, s8;
	s3 =	sadd.s32 $0x1DC00, s8;
	s5 =	sor.u32 s6, s5  }
.Ltmp0:
0x7: {  	[sflag:s4] =	ssyncpa.u1 $0x0;
	p0 =	slt.u32 s5, $0x9;
	(pc) =	sbr.rel .LBB2_1-.Ltmp0, $4  }
0x8: {  	s6 =	simm.s32 $0x2;
	s7 =	simm.s32 @!p0 $0x0;
	p0 =	sne.s32 s5, $0x8  }
0x9: {  	[sflag:s6] =	ssyncpa.u1 $0x0;
	s5 =	smul.u32 $0xFA0, s5;
	s9 =	simm.s32 @!p0 $0x0  }
0xa: {  	s8 =	sadd.s32 $0x9C00, s8;
	[sflag:s10] =	ssyncpa.u1 $0x0;
	s7 =	sadd.s32 s9, s7  }
0xb: {  	vm0 =	vmmov $0xffff;
	s10 =	simm.s32 $0x0;
	s11 =	smov.u32 s5;
	s9 =	sadd.s32 $0x1, s7  }
.LBB2_4:
0xc: {  	v2 =	vnsel vm1, $0x0, v2  }
0xd: {  	vm1 =	vgt.s32 v0, $0x0;
	v2 =	vmin.u32 v2, $0x270FF  }
0xe: {  	v0 =	vnsel vm1, $0x0, v0  }
0xf: {  	v0 =	vmin.u32 v0, $0x270FF  }
0x10: {  	[tilespmem:s18], [sflag:$0x1] =	stream.indirect_vreg.gather [hbm4b:s2+s10], $0x1, v1, vm0, $0x4038;
	[tilespmem:$0x3E80] =	vst v63  }
0x11: {  	(ifvalue) =	ssetifvalue $0x7FFFFFFF  }
0x12: {  	[tilespmem:s15], [sflag:$0x1] =	stream.indirect_vreg.gather [hbm4b:s2+s10], $0x1, v2, vm0, $0x4038;
	[tilespmem:$0x3E80] =	vst v63  }
0x13: {  	s29 =	sadd.s32 $0x10, s15;
	(ifvalue) =	ssetifvalue $0x7FFFFFFF  }
0x14: {  	[tilespmem:s29], [sflag:$0x1] =	stream.indirect_vreg.gather [hbm4b:s2+s10], $0x1, v0, vm0, $0x4038;
	[tilespmem:$0x3E80] =	vst v63  }
0x15: {  	_ =	swait.ge [sflag:s4], $0xFA0  }
0x16: {  	s30 =	sshrl.u32 s13, $0x3;
	[sflag:s4] =	ssyncset.done $0x0  }
0x17: {  	s31 =	sand.u32 $0x7, s13;
	s15 =	sadd.s32 s8, s30;
	[sflag:s4] =	ssyncadd.s32 $0xFFFFF060  }
0x18: {  	[hbm4b:s15+s31] =	stream.linear.scatter [tilespmem:s14], [sflag:$0x3], $0xFA0, $0x38;
	[tilespmem:$0x3E80] =	vst v63  }
.LBB2_5:
0x19: {  	s15 =	sadd.s32 $0x1F400, s11  }
0x1a: {  	p1 =	sgt.s32 s15, $0x270FF  }
0x1b: {  	s15 =	smov.u32 @p1 s5;
	p1 =	sne.s32 s12, s9  }
.Ltmp1:
0x1c: {  	p0 =	slt.u32 s12, $0x2;
	(pc) =	sbr.rel @!p1 .LBB2_6-.Ltmp1, $4  }
0x1d: {  	s14 =	simm.s32 @!p0 $0x3  }
0x1e: {  	_ =	swait.ge @!p0 [sflag:s14], $0xFA0  }
0x1f: {  	s16 =	sadd.s32 $0x1, s12;
	s13 =	smov.u32 s11;
	[sflag:s14] =	ssyncset.done @!p0 $0x0  }
0x20: {  	s12 =	smov.u32 s16;
	s11 =	smov.u32 s15;
	[sflag:s14] =	ssyncadd.s32 @!p0 $0xFFFFF060  }
.LBB2_1:
0x21: {  	p0 =	sge.u32 s12, s7  }
0x22: {  	s14 =	sxor.u32 @!p0 $0x1, s12  }
0x23: {  	s14 =	smul.u32 @!p0 $0x3E80, s14  }
0x24: {  	s31 =	sadd.s32 $0xFFFFFFFF, s12;
	s15 =	sshrl.u32 @!p0 s11, $0x3  }
0x25: {  	s16 =	sand.u32 @!p0 $0x7, s11;
	s15 =	sadd.s32 @!p0 s3, s15;
	s14 =	sshra.s32 @!p0 s14, $0x2  }
0x26: {  	[tilespmem:s14], [sflag:$0x2] =	stream.linear.gather @!p0 [hbm4b:s15+s16], $0xFA0, $0x38;
	[tilespmem:$0x3E80] =	vst v63  }
0x27: {  	p0 =	sge.u32 s31, s7  }
.Ltmp2:
0x28: {  	_ = 	snop;
	(pc) =	sbr.rel @p0 .LBB2_5-.Ltmp2, $1  }
0x29: {  	_ =	sdelay $0x3  }
0x2a: {  	s14 =	sand.u32 $0x1, s12  }
0x2b: {  	_ =	swait.ge [sflag:s6], $0xFA0;
	p0 =	seq.s32 s14, $0x1;
	s14 =	simm.s32 $0xFA0  }
0x2c: {  	[sflag:s6] =	ssyncset.done $0x0;
	s14 =	simm.s32 @!p0 $0x0  }
0x2d: {  	[sflag:s6] =	ssyncadd.s32 $0xFFFFF060;
	(ifvalue) =	ssetifvalue $0x7FFFFFFF;
	v0 =	vld.msk [tilespmem:s14+$0x0 ss:$0x1], $0xffff;
	_ =	sdelay $0x4  }
0x2e: {  	s15 =	sadd.s32 $0x10, s14;
	vm1 =	vgt.s32 v0, $0x0  }
0x2f: {  	v2 =	vld.msk [tilespmem:s15+$0x0 ss:$0x1], $0xffff;
	v1 =	vnsel vm1, $0x0, v0  }
0x30: {  	v1 =	vmin.u32 v1, $0x270FF;
	_ =	sdelay $0x2  }
0x31: {  	s17 =	simm.s32 $0x20;
	s14 =	sadd.s32 $0x1F40, s14;
	s16 =	sadd.s32 $0x10, s15  }
0x32: {  	s15 =	sadd.s32 $0x10, s14;
	s18 =	smov.u32 s14;
	v0 =	vld.msk [tilespmem:s16+$0x0 ss:$0x1], $0xffff;
	vm1 =	vgt.s32 v2, $0x0;
	(ifvalue) =	ssetifvalue $0x7FFFFFFF  }
.LBB2_3:
0x33: {  	[tilespmem:s18], [sflag:$0x1] =	stream.indirect_vreg.gather [hbm4b:s2+s10], $0x1, v1, vm0, $0x4038;
	[tilespmem:$0x3E80] =	vst v63  }
0x34: {  	s17 =	sadd.s32 $0x10, s17  }
0x35: {  	v2 =	vnsel vm1, $0x0, v2;
	p0 =	slt.u32 s17, $0xF90  }
.Ltmp3:
0x36: {  	s18 =	smov.u32 s15;
	v1 =	vmin.u32 v2, $0x270FF;
	(pc) =	sbr.rel @p0 .LBB2_3-.Ltmp3, $3  }
0x37: {  	_ =	sdelay $0x1  }
0x38: {  	s16 =	sadd.s32 $0x10, s16  }
0x39: {  	vm1 =	vgt.s32 v0, $0x0;
	s15 =	sadd.s32 $0x10, s15;
	v2 =	vmov v0;
	(ifvalue) =	ssetifvalue $0x7FFFFFFF;
	v0 =	vld.msk [tilespmem:s16+$0x0 ss:$0x1], $0xffff  }
.Ltmp4:
0x3a: {  	_ = 	snop;
	(pc) =	sbr.rel .LBB2_4-.Ltmp4, $1  }
0x3b: {  	_ =	sdelay $0x3  }
.LBB2_6:
0x3c: {  	_ =	sfence.sel $0x180000  }
0x3d: {  	s2 =	simm.s32 $0x2;
	[bflag:$0x0] =	sbarrier.arrive $0xFFFF  }
0x3e: {  	s30 =	simm.s32 $0x3;
	[sflag:s2] =	ssyncpa.u1 $0x1  }
0x3f: {  	s31 =	simm.s32 $0x1;
	[sflag:s30] =	ssyncpa.u1 $0x1  }
0x40: {  	[sflag:s31] =	ssyncpa.u1 $0x1  }
0x41: {  	p0 =	sne.s32 s1, $0x0;
	_ =	strace $0x9000004D  }
0x42: {  	s0 =	sadd.s32 @!p0 $0x100000, s0;
	[bflag:$0x2] =	sbarrier.arrive $0xFFFF  }
0x43: {  	[sflag:s0] =	ssyncadd.tile.s32 @!p0 $0x1;
	_ =	shalt  }
.Lfunc_end2:
_tile_overlayer_lowered:
.L_overlay_start_2:
0x44: {  	(tag) =	ssettag $0x2  }
0x45: {  	s0 =	rddreg [dreg:$0x0];
	s2 =	stileid.u32  }
0x46: {  	s1 =	rddreg [dreg:$0x1];
	p0 =	sne.s32 s2, $0x0  }
0x47: {  	s3 =	rddreg [dreg:$0x2];
	[bflag:$0x3] =	sbarrier.arrive $0xFFFF;
	s2 =	simm.s32 @!p0 $0x1C01  }
0x48: {  	[timem:s3], [sflag:s2] =	dma.local @!p0 [hbm:s0], s1  }
0x49: {  	s0 =	simm.s32 @!p0 $0x1  }
0x4a: {  	_ =	swait.ge @!p0 [sflag:s0], s1  }
0x4b: {  	s1 =	ssub.s32 @!p0 $0x0, s1;
	[sflag:s0] =	ssyncset.done @!p0 $0x0  }
0x4c: {  	[sflag:s0] =	ssyncadd.s32 @!p0 s1  }
0x4d: {  	[bflag:$0x3] =	sbarrier.arrive $0xFFFF  }
0x4e: {  	_ =	shalt  }

// kernel: gather_offload_async_start
scs
__scs_entry_jumppad:
0x0: {  	(pc) =	sbr.rel $0x88, $3  }
0x1: {  	(tag) =	ssettag $0x0;
	lr =	simm.s32 $0x1  }
0x2: {  	[smem:$0x3F84] =	sst lr;
	_ =	strace $0xD0000000  }
0x3: {  	_ = 	snop  }
0x4: {  	_ = 	snop  }
0x5: {  	_ = 	snop  }
0x6: {  	_ = 	snop  }
0x7: {  	_ = 	snop  }
__scs_overlays_trampoline_lowered:
0x8: {  	[smem:$0x3F93] =	sst s0  }
0x9: {  	[smem:$0x3F94] =	sst s1  }
0xa: {  	[smem:$0x3F95] =	sst s2  }
0xb: {  	[smem:$0x3F96] =	sst s3  }
0xc: {  	[smem:$0x3F97] =	sst s4  }
0xd: {  	[smem:$0x3F98] =	sst s5  }
0xe: {  	[smem:$0x3F99] =	sst s6  }
0xf: {  	[smem:$0x3F9A] =	sst s7  }
0x10: {  	[smem:$0x3F9B] =	sst s8  }
0x11: {  	[smem:$0x3F9C] =	sst s9;
	s0 =	simm.s32 @!p0 $0x0  }
0x12: {  	s1 =	sld [smem:$0x3F82];
	s0 =	simm.s32 @p0 $0x1  }
0x13: {  	[smem:$0x3F9D] =	sst s0;
	s0 =	simm.s32 @!p1 $0x0  }
0x14: {  	s2 =	sld [smem:$0x3F81];
	s0 =	simm.s32 @p1 $0x1  }
0x15: {  	[smem:$0x3F9E] =	sst s0;
	s0 =	simm.s32 @!p2 $0x0  }
0x16: {  	s3 =	sld [smem:$0x3FDB];
	s0 =	simm.s32 @p2 $0x1  }
0x17: {  	s4 =	simm.s32 $0x1BF5;
	[smem:$0x3FA0] =	sst s0  }
0x18: {  	s0 =	sld [smem:$0x3F83];
	_ =	swait.ge [sflag:s4], $0x0  }
0x19: {  	s7 =	sld [smem:$0x3F84]  }
0x1a: {  	s8 =	sadd.s32 $0xFFFFE003, lr  }
0x1b: {  	s9 =	sadd.s32 $0xFFFFFEF7, lr;
	s5 =	simm.s32 $0xFFFFFFFF;
	p2 =	slt.u32 s8, $0xFFFFF086  }
0x1c: {  	p1 =	slt.u32 s9, $0xF7A;
	s5 =	simm.s32 @!p2 $0x0  }
0x1d: {  	s5 =	simm.s32 @p1 $0x1;
	p0 =	seq.s32 s7, s2  }
0x1e: {  	s7 =	smul.u32 @!p0 $0xF7A, s2;
	p2 =	seq.s32 @!p0 s5, $0x0  }
0x1f: {  	s9 =	smul.u32 $0xF7A, s1;
	s8 =	simm.s32 @!p0 $0x1BF5;
	p2 =	por !p2, p0  }
0x20: {  	[sflag:s8] =	ssyncset.s32 @!p0 $0xFFFFF086;
	s6 =	sadd.s32 @!p0 s3, s7;
	s7 =	simm.s32 @!p0 $0x108  }
0x21: {  	s3 =	sadd.s32 s3, s9;
	s6 =	sadd.s32 @!p0 $0x88, s6;
	s7 =	simm.s32 @p2 $0x1082  }
0x22: {  	[simem:s7], [sflag:s8] =	dma.local @!p0 [hbm:s6], $0xF7A  }
0x23: {  	s9 =	sor.u32 $0xD0000000, s2;
	s6 =	simm.s32 $0x108;
	_ =	swait.ge @!p0 [sflag:s8], $0x0  }
0x24: {  	s3 =	sadd.s32 $0x88, s3;
	s6 =	simm.s32 @!p1 $0x1082;
	[sflag:s4] =	ssyncset.s32 $0xFFFFF086  }
0x25: {  	[simem:s6], [sflag:s4] =	dma.local [hbm:s3], $0xF7A  }
0x26: {  	[smem:$0x3F84] =	sst s1;
	(tag) =	ssettag s2;
	_ =	strace s9  }
0x27: {  	s1 =	sld [smem:$0x3F94]  }
0x28: {  	s2 =	sld [smem:$0x3F95]  }
0x29: {  	s4 =	sld [smem:$0x3F97]  }
0x2a: {  	p0 =	seq.s32 s5, $0x0;
	s5 =	sld [smem:$0x3F98]  }
0x2b: {  	s6 =	sld [smem:$0x3F99]  }
0x2c: {  	s7 =	sld [smem:$0x3F9A]  }
0x2d: {  	s3 =	simm.s32 $0x108;
	s8 =	sld [smem:$0x3F9B]  }
0x2e: {  	s3 =	simm.s32 @!p0 $0x1082;
	s9 =	sld [smem:$0x3F9C]  }
0x2f: {  	lr =	sadd.s32 s0, s3;
	s0 =	sld [smem:$0x3F93]  }
0x30: {  	s3 =	sld [smem:$0x3F96]  }
0x31: {  	[smem:$0x3F9F] =	sst s10  }
0x32: {  	s10 =	sld [smem:$0x3F9D];
	_ =	sdelay $0x3  }
0x33: {  	p0 =	seq.s32 s10, $0x1;
	s10 =	sld [smem:$0x3F9F];
	_ =	sdelay $0x3  }
0x34: {  	[smem:$0x3F9F] =	sst s10  }
0x35: {  	s10 =	sld [smem:$0x3F9E];
	_ =	sdelay $0x3  }
0x36: {  	p1 =	seq.s32 s10, $0x1;
	s10 =	sld [smem:$0x3F9F];
	_ =	sdelay $0x3  }
0x37: {  	[smem:$0x3F9F] =	sst s10  }
0x38: {  	s10 =	sld [smem:$0x3FA0]  }
0x39: {  	_ = 	snop;
	(pc) =	sbr.ind lr, $3  }
0x3a: {  	_ = 	snop  }
0x3b: {  	_ = 	snop  }
0x3c: {  	p2 =	seq.s32 s10, $0x1;
	s10 =	sld [smem:$0x3F9F]  }
0x3d: {  	_ =	shalt  }
0x3e: {  	_ =	shalt  }
0x3f: {  	_ =	shalt  }
0x40: {  	_ =	shalt  }
0x41: {  	_ =	shalt  }
0x42: {  	_ =	shalt  }
0x43: {  	_ =	shalt  }
0x44: {  	_ =	shalt  }
0x45: {  	_ =	shalt  }
0x46: {  	_ =	shalt  }
0x47: {  	_ =	shalt  }
0x48: {  	_ =	shalt  }
0x49: {  	_ =	shalt  }
0x4a: {  	_ =	shalt  }
0x4b: {  	_ =	shalt  }
0x4c: {  	_ =	shalt  }
0x4d: {  	_ =	shalt  }
0x4e: {  	_ =	shalt  }
0x4f: {  	_ =	shalt  }
0x50: {  	_ =	shalt  }
0x51: {  	_ =	shalt  }
0x52: {  	_ =	shalt  }
0x53: {  	_ =	shalt  }
0x54: {  	_ =	shalt  }
0x55: {  	_ =	shalt  }
0x56: {  	_ =	shalt  }
0x57: {  	_ =	shalt  }
0x58: {  	_ =	shalt  }
0x59: {  	_ =	shalt  }
0x5a: {  	_ =	shalt  }
0x5b: {  	_ =	shalt  }
0x5c: {  	_ =	shalt  }
0x5d: {  	_ =	shalt  }
0x5e: {  	_ =	shalt  }
0x5f: {  	_ =	shalt  }
0x60: {  	_ =	shalt  }
0x61: {  	_ =	shalt  }
0x62: {  	_ =	shalt  }
0x63: {  	_ =	shalt  }
0x64: {  	_ =	shalt  }
0x65: {  	_ =	shalt  }
0x66: {  	_ =	shalt  }
0x67: {  	_ =	shalt  }
0x68: {  	_ =	shalt  }
0x69: {  	_ =	shalt  }
0x6a: {  	_ =	shalt  }
0x6b: {  	_ =	shalt  }
0x6c: {  	_ =	shalt  }
0x6d: {  	_ =	shalt  }
0x6e: {  	_ =	shalt  }
0x6f: {  	_ =	shalt  }
0x70: {  	_ =	shalt  }
0x71: {  	_ =	shalt  }
0x72: {  	_ =	shalt  }
0x73: {  	_ =	shalt  }
0x74: {  	_ =	shalt  }
0x75: {  	_ =	shalt  }
0x76: {  	_ =	shalt  }
0x77: {  	_ =	shalt  }
0x78: {  	_ =	shalt  }
0x79: {  	_ =	shalt  }
0x7a: {  	_ =	shalt  }
0x7b: {  	_ =	shalt  }
0x7c: {  	_ =	shalt  }
0x7d: {  	_ =	shalt  }
0x7e: {  	_ =	shalt  }
0x7f: {  	_ =	shalt  }
0x80: {  	_ =	shalt  }
0x81: {  	_ =	shalt  }
0x82: {  	_ =	shalt  }
0x83: {  	_ =	shalt  }
0x84: {  	_ =	shalt  }
0x85: {  	_ =	shalt  }
0x86: {  	_ =	shalt  }
0x87: {  	_ =	shalt  }
.Lfunc_end0:
.L_simem_size_0:
called_computation_lowered:
.L_overlay_start_0:
0x88: {  	s2 =	sld [smem:$0x3FD9]  }
0x89: {  	s3 =	sld [smem:$0x3FFE];
	_ =	sdelay $0x1  }
0x8a: {  	s1 =	srdreg.scid  }
0x8b: {  	s0 =	sand.u32 $0x1, s1  }
0x8c: {  	s16 =	sshll.u32 s0, $0xA;
	s2 =	sadd.s32 s3, s2  }
0x8d: {  	s2 =	sadd.s32 s2, s16  }
0x8e: {  	[smem:$0x3FAB] =	sst s2  }
0x8f: {  	_ = 	snop  }
0x90: {  	(tm) =	ssettm $0x1  }
0x91: {  	s17 =	sld [smem:$0x3FFB];
	_ =	sdelay $0x3  }
0x92: {  	_ =	strace s17  }
0x93: {  	s2 =	sld [smem:$0x3FFC];
	_ =	sdelay $0x3  }
0x94: {  	_ =	strace s2  }
0x95: {  	s2 =	sld [smem:$0x3FFD];
	_ =	sdelay $0x3  }
0x96: {  	_ =	strace s2  }
0x97: {  	_ =	strace $0x8FFFFFFF  }
0x98: {  	s18 =	sld [smem:$0x3FDB];
	_ =	sdelay $0x1  }
0x99: {  	s19 =	simm.s32 $_scs_section_size  }
0x9a: {  	s4 =	simm.s32 $_size__tile_overlayer_lowered;
	s5 =	simm.s32 $_tile_overlayer_lowered  }
0x9b: {  	s22 =	simm.s32 $0x1BFF;
	s21 =	sshll.u32 s5, $0x1;
	s2 =	sadd.s32 s19, s18  }
0x9c: {  	s6 =	simm.s32 $0x0;
	s20 =	sshll.u32 s4, $0x1;
	s4 =	sadd.s32 s21, s2  }
0x9d: {  	[timem:s6], [sflag:s22] =	dma.local [hbm:s4], s20  }
0x9e: {  	_ =	swait.ge [sflag:s22], s20  }
0x9f: {  	s3 =	ssub.s32 $0x0, s20;
	[sflag:s22] =	ssyncset.done $0x0  }
0xa0: {  	[sflag:s22] =	ssyncadd.s32 s3;
	_ =	sdelay $0x1  }
0xa1: {  	s23 =	simm.s32 $0x1B8B  }
0xa2: {  	_ =	swait.ge [sflag:s23], $0x1  }
0xa3: {  	[sflag:s23] =	ssyncset.done $0x0  }
0xa4: {  	s25 =	simm.s32 $0x1B8E;
	s24 =	sld [smem:$0x3FFE];
	[sflag:s23] =	ssyncadd.s32 $0xFFFFFFFF  }
0xa5: {  	s26 =	simm.s32 $execute0_lowered;
	[smem:$0x3FD2] =	sst s25  }
0xa6: {  	s4 =	sshll.u32 s26, $0x1;
	_ =	strace $0x80000064;
	[dreg:$0x1] =	wrdreg $0xFFFFFFFF  }
0xa7: {  	s28 =	simm.s32 $_size_execute0_lowered;
	s2 =	sadd.s32 s2, s4;
	[dreg:$0x0] =	wrdreg $0x0  }
0xa8: {  	s4 =	sshll.u32 s28, $0x1;
	[dreg:$0x2] =	wrdreg s2  }
0xa9: {  	[dreg:$0x3] =	wrdreg s4  }
0xaa: {  	[dreg:$0x4] =	wrdreg $0xC0  }
0xab: {  	_ =	task [dreg:s6], $0x5FFFF  }
0xac: {  	[dreg:$0x1] =	wrdreg $0xFFFFFFFF  }
0xad: {  	[dreg:$0x0] =	wrdreg $0x60  }
0xae: {  	[dreg:$0x2] =	wrdreg s24  }
0xaf: {  	[dreg:$0x3] =	wrdreg $0x9  }
0xb0: {  	_ =	task.clear_ibuf [dreg:s6], $0x4FFFF;
	_ =	strace $0x90000064  }
0xb1: {  	s29 =	simm.s32 $0x9;
	_ =	strace $0x80000066  }
0xb2: {  	_ =	swait.ge [sflag:s29], $0x1  }
0xb3: {  	[sflag:s29] =	ssyncadd.s32 $0xFFFFFFFF  }
0xb4: {  	_ =	strace $0x90000066  }
0xb5: {  	_ =	sfence  }
0xb6: {  	s30 =	sld [smem:$0x0];
	_ =	sdelay $0x2  }
0xb7: {  	s31 =	sshll.u32 s1, $0xD;
	s1 =	sshrl.u32 s1, $0x2  }
0xb8: {  	s3 =	sand.u32 $0x4000, s31;
	s1 =	sadd.s32 s1, s30  }
0xb9: {  	s0 =	sor.u32 s3, s0;
	s1 =	sshll.u32 s1, $0x11  }
0xba: {  	s0 =	sor.u32 s1, s0  }
0xbb: {  	s0 =	sadd.s32 $0x8F2B, s0  }
0xbc: {  	[sflag:s0] =	ssyncadd.remote.s32 $0x1  }
0xbd: {  	_ =	sfence.sel $0xFFFF  }
0xbe: {  	[dreg:$0x0] =	wrdreg $0xFFFFFFFF;
	(pc) =	sbr.abs _section_cstart, $3  }
0xbf: {  	[dreg:$0x1] =	wrdreg $0xFFFFFFFF  }
0xc0: {  	_ =	task.clear_ibuf [dreg:s6], $0x2FFFF;
	_ =	strace $0x9FFFFFFF  }
0xc1: {  	(tm) =	ssettm $0x7FFFFFFF  }
tec
execute0_lowered:
.L_overlay_start_1:
0x0: {  	(tag) =	ssettag $0x1  }
0x1: {  	s8 =	rddreg [dreg:$0x0]  }
0x2: {  	s0 =	rddreg [dreg:$0x1];
	_ =	strace $0x80000065;
	s1 =	stileid.u32  }
0x3: {  	s3 =	srdreg.scid;
	s4 =	simm.s32 $0x1;
	s7 =	simm.s32 $0x1  }
0x4: {  	s9 =	simm.s32 $0x1;
	s10 =	simm.s32 $0x3;
	s13 =	simm.s32 $0x0  }
0x5: {  	s12 =	simm.s32 $0x0;
	s5 =	sand.u32 $0x1, s3;
	s6 =	sshll.u32 s1, $0x1  }
0x6: {  	s2 =	sadd.s32 $0x32200, s8;
	s3 =	sadd.s32 $0x1DC00, s8;
	s5 =	sor.u32 s6, s5  }
.Ltmp0:
0x7: {  	[sflag:s4] =	ssyncpa.u1 $0x0;
	p0 =	slt.u32 s5, $0x9;
	(pc) =	sbr.rel .LBB2_1-.Ltmp0, $4  }
0x8: {  	s6 =	simm.s32 $0x2;
	s7 =	simm.s32 @!p0 $0x0;
	p0 =	sne.s32 s5, $0x8  }
0x9: {  	[sflag:s6] =	ssyncpa.u1 $0x0;
	s5 =	smul.u32 $0xFA0, s5;
	s9 =	simm.s32 @!p0 $0x0  }
0xa: {  	s8 =	sadd.s32 $0x2CC00, s8;
	[sflag:s10] =	ssyncpa.u1 $0x0;
	s7 =	sadd.s32 s9, s7  }
0xb: {  	vm0 =	vmmov $0xffff;
	s10 =	simm.s32 $0x0;
	s11 =	smov.u32 s5;
	s9 =	sadd.s32 $0x1, s7  }
.LBB2_4:
0xc: {  	v2 =	vnsel vm1, $0x0, v2  }
0xd: {  	vm1 =	vgt.s32 v0, $0x0;
	v2 =	vmin.u32 v2, $0x270FF  }
0xe: {  	v0 =	vnsel vm1, $0x0, v0  }
0xf: {  	v0 =	vmin.u32 v0, $0x270FF  }
0x10: {  	[tilespmem:s18], [sflag:$0x1] =	stream.indirect_vreg.gather [hbm4b:s2+s10], $0x1, v1, vm0, $0x4038;
	[tilespmem:$0x3E80] =	vst v63  }
0x11: {  	(ifvalue) =	ssetifvalue $0x7FFFFFFF  }
0x12: {  	[tilespmem:s15], [sflag:$0x1] =	stream.indirect_vreg.gather [hbm4b:s2+s10], $0x1, v2, vm0, $0x4038;
	[tilespmem:$0x3E80] =	vst v63  }
0x13: {  	s29 =	sadd.s32 $0x10, s15;
	(ifvalue) =	ssetifvalue $0x7FFFFFFF  }
0x14: {  	[tilespmem:s29], [sflag:$0x1] =	stream.indirect_vreg.gather [hbm4b:s2+s10], $0x1, v0, vm0, $0x4038;
	[tilespmem:$0x3E80] =	vst v63  }
0x15: {  	_ =	swait.ge [sflag:s4], $0xFA0  }
0x16: {  	s30 =	sshrl.u32 s13, $0x3;
	[sflag:s4] =	ssyncset.done $0x0  }
0x17: {  	s31 =	sand.u32 $0x7, s13;
	s15 =	sadd.s32 s8, s30;
	[sflag:s4] =	ssyncadd.s32 $0xFFFFF060  }
0x18: {  	[hbm4b:s15+s31] =	stream.linear.scatter [tilespmem:s14], [sflag:$0x3], $0xFA0, $0x38;
	[tilespmem:$0x3E80] =	vst v63  }
.LBB2_5:
0x19: {  	s15 =	sadd.s32 $0x1F400, s11  }
0x1a: {  	p1 =	sgt.s32 s15, $0x270FF  }
0x1b: {  	s15 =	smov.u32 @p1 s5;
	p1 =	sne.s32 s12, s9  }
.Ltmp1:
0x1c: {  	p0 =	slt.u32 s12, $0x2;
	(pc) =	sbr.rel @!p1 .LBB2_6-.Ltmp1, $4  }
0x1d: {  	s14 =	simm.s32 @!p0 $0x3  }
0x1e: {  	_ =	swait.ge @!p0 [sflag:s14], $0xFA0  }
0x1f: {  	s16 =	sadd.s32 $0x1, s12;
	s13 =	smov.u32 s11;
	[sflag:s14] =	ssyncset.done @!p0 $0x0  }
0x20: {  	s12 =	smov.u32 s16;
	s11 =	smov.u32 s15;
	[sflag:s14] =	ssyncadd.s32 @!p0 $0xFFFFF060  }
.LBB2_1:
0x21: {  	p0 =	sge.u32 s12, s7  }
0x22: {  	s14 =	sxor.u32 @!p0 $0x1, s12  }
0x23: {  	s14 =	smul.u32 @!p0 $0x3E80, s14  }
0x24: {  	s31 =	sadd.s32 $0xFFFFFFFF, s12;
	s15 =	sshrl.u32 @!p0 s11, $0x3  }
0x25: {  	s16 =	sand.u32 @!p0 $0x7, s11;
	s15 =	sadd.s32 @!p0 s3, s15;
	s14 =	sshra.s32 @!p0 s14, $0x2  }
0x26: {  	[tilespmem:s14], [sflag:$0x2] =	stream.linear.gather @!p0 [hbm4b:s15+s16], $0xFA0, $0x38;
	[tilespmem:$0x3E80] =	vst v63  }
0x27: {  	p0 =	sge.u32 s31, s7  }
.Ltmp2:
0x28: {  	_ = 	snop;
	(pc) =	sbr.rel @p0 .LBB2_5-.Ltmp2, $1  }
0x29: {  	_ =	sdelay $0x3  }
0x2a: {  	s14 =	sand.u32 $0x1, s12  }
0x2b: {  	_ =	swait.ge [sflag:s6], $0xFA0;
	p0 =	seq.s32 s14, $0x1;
	s14 =	simm.s32 $0xFA0  }
0x2c: {  	[sflag:s6] =	ssyncset.done $0x0;
	s14 =	simm.s32 @!p0 $0x0  }
0x2d: {  	[sflag:s6] =	ssyncadd.s32 $0xFFFFF060;
	(ifvalue) =	ssetifvalue $0x7FFFFFFF;
	v0 =	vld.msk [tilespmem:s14+$0x0 ss:$0x1], $0xffff;
	_ =	sdelay $0x4  }
0x2e: {  	s15 =	sadd.s32 $0x10, s14;
	vm1 =	vgt.s32 v0, $0x0  }
0x2f: {  	v2 =	vld.msk [tilespmem:s15+$0x0 ss:$0x1], $0xffff;
	v1 =	vnsel vm1, $0x0, v0  }
0x30: {  	v1 =	vmin.u32 v1, $0x270FF;
	_ =	sdelay $0x2  }
0x31: {  	s17 =	simm.s32 $0x20;
	s14 =	sadd.s32 $0x1F40, s14;
	s16 =	sadd.s32 $0x10, s15  }
0x32: {  	s15 =	sadd.s32 $0x10, s14;
	s18 =	smov.u32 s14;
	v0 =	vld.msk [tilespmem:s16+$0x0 ss:$0x1], $0xffff;
	vm1 =	vgt.s32 v2, $0x0;
	(ifvalue) =	ssetifvalue $0x7FFFFFFF  }
.LBB2_3:
0x33: {  	[tilespmem:s18], [sflag:$0x1] =	stream.indirect_vreg.gather [hbm4b:s2+s10], $0x1, v1, vm0, $0x4038;
	[tilespmem:$0x3E80] =	vst v63  }
0x34: {  	s17 =	sadd.s32 $0x10, s17  }
0x35: {  	v2 =	vnsel vm1, $0x0, v2;
	p0 =	slt.u32 s17, $0xF90  }
.Ltmp3:
0x36: {  	s18 =	smov.u32 s15;
	v1 =	vmin.u32 v2, $0x270FF;
	(pc) =	sbr.rel @p0 .LBB2_3-.Ltmp3, $3  }
0x37: {  	_ =	sdelay $0x1  }
0x38: {  	s16 =	sadd.s32 $0x10, s16  }
0x39: {  	vm1 =	vgt.s32 v0, $0x0;
	s15 =	sadd.s32 $0x10, s15;
	v2 =	vmov v0;
	(ifvalue) =	ssetifvalue $0x7FFFFFFF;
	v0 =	vld.msk [tilespmem:s16+$0x0 ss:$0x1], $0xffff  }
.Ltmp4:
0x3a: {  	_ = 	snop;
	(pc) =	sbr.rel .LBB2_4-.Ltmp4, $1  }
0x3b: {  	_ =	sdelay $0x3  }
.LBB2_6:
0x3c: {  	_ =	sfence.sel $0x180000  }
0x3d: {  	s2 =	simm.s32 $0x2;
	[bflag:$0x0] =	sbarrier.arrive $0xFFFF  }
0x3e: {  	s30 =	simm.s32 $0x3;
	[sflag:s2] =	ssyncpa.u1 $0x1  }
0x3f: {  	s31 =	simm.s32 $0x1;
	[sflag:s30] =	ssyncpa.u1 $0x1  }
0x40: {  	[sflag:s31] =	ssyncpa.u1 $0x1  }
0x41: {  	p0 =	sne.s32 s1, $0x0;
	_ =	strace $0x90000065  }
0x42: {  	s0 =	sadd.s32 @!p0 $0x100000, s0;
	[bflag:$0x2] =	sbarrier.arrive $0xFFFF  }
0x43: {  	[sflag:s0] =	ssyncadd.tile.s32 @!p0 $0x1;
	_ =	shalt  }
.Lfunc_end2:
_tile_overlayer_lowered:
.L_overlay_start_2:
0x44: {  	(tag) =	ssettag $0x2  }
0x45: {  	s0 =	rddreg [dreg:$0x0];
	s2 =	stileid.u32  }
0x46: {  	s1 =	rddreg [dreg:$0x1];
	p0 =	sne.s32 s2, $0x0  }
0x47: {  	s3 =	rddreg [dreg:$0x2];
	[bflag:$0x3] =	sbarrier.arrive $0xFFFF;
	s2 =	simm.s32 @!p0 $0x1C01  }
0x48: {  	[timem:s3], [sflag:s2] =	dma.local @!p0 [hbm:s0], s1  }
0x49: {  	s0 =	simm.s32 @!p0 $0x1  }
0x4a: {  	_ =	swait.ge @!p0 [sflag:s0], s1  }
0x4b: {  	s1 =	ssub.s32 @!p0 $0x0, s1;
	[sflag:s0] =	ssyncset.done @!p0 $0x0  }
0x4c: {  	[sflag:s0] =	ssyncadd.s32 @!p0 s1  }
0x4d: {  	[bflag:$0x3] =	sbarrier.arrive $0xFFFF  }
0x4e: {  	_ =	shalt  }

// kernel: kernel.18.cloned.1.call-start
scs
__scs_entry_jumppad:
0x0: {  	(pc) =	sbr.rel $0x88, $3  }
0x1: {  	(tag) =	ssettag $0x0;
	lr =	simm.s32 $0x1  }
0x2: {  	[smem:$0x3F84] =	sst lr;
	_ =	strace $0xD0000000  }
0x3: {  	_ = 	snop  }
0x4: {  	_ = 	snop  }
0x5: {  	_ = 	snop  }
0x6: {  	_ = 	snop  }
0x7: {  	_ = 	snop  }
__scs_overlays_trampoline_lowered:
0x8: {  	[smem:$0x3F93] =	sst s0  }
0x9: {  	[smem:$0x3F94] =	sst s1  }
0xa: {  	[smem:$0x3F95] =	sst s2  }
0xb: {  	[smem:$0x3F96] =	sst s3  }
0xc: {  	[smem:$0x3F97] =	sst s4  }
0xd: {  	[smem:$0x3F98] =	sst s5  }
0xe: {  	[smem:$0x3F99] =	sst s6  }
0xf: {  	[smem:$0x3F9A] =	sst s7  }
0x10: {  	[smem:$0x3F9B] =	sst s8  }
0x11: {  	[smem:$0x3F9C] =	sst s9;
	s0 =	simm.s32 @!p0 $0x0  }
0x12: {  	s1 =	sld [smem:$0x3F82];
	s0 =	simm.s32 @p0 $0x1  }
0x13: {  	[smem:$0x3F9D] =	sst s0;
	s0 =	simm.s32 @!p1 $0x0  }
0x14: {  	s2 =	sld [smem:$0x3F81];
	s0 =	simm.s32 @p1 $0x1  }
0x15: {  	[smem:$0x3F9E] =	sst s0;
	s0 =	simm.s32 @!p2 $0x0  }
0x16: {  	s3 =	sld [smem:$0x3FDB];
	s0 =	simm.s32 @p2 $0x1  }
0x17: {  	s4 =	simm.s32 $0x1BF5;
	[smem:$0x3FA0] =	sst s0  }
0x18: {  	s0 =	sld [smem:$0x3F83];
	_ =	swait.ge [sflag:s4], $0x0  }
0x19: {  	s7 =	sld [smem:$0x3F84]  }
0x1a: {  	s8 =	sadd.s32 $0xFFFFE003, lr  }
0x1b: {  	s9 =	sadd.s32 $0xFFFFFEF7, lr;
	s5 =	simm.s32 $0xFFFFFFFF;
	p2 =	slt.u32 s8, $0xFFFFF086  }
0x1c: {  	p1 =	slt.u32 s9, $0xF7A;
	s5 =	simm.s32 @!p2 $0x0  }
0x1d: {  	s5 =	simm.s32 @p1 $0x1;
	p0 =	seq.s32 s7, s2  }
0x1e: {  	s7 =	smul.u32 @!p0 $0xF7A, s2;
	p2 =	seq.s32 @!p0 s5, $0x0  }
0x1f: {  	s9 =	smul.u32 $0xF7A, s1;
	s8 =	simm.s32 @!p0 $0x1BF5;
	p2 =	por !p2, p0  }
0x20: {  	[sflag:s8] =	ssyncset.s32 @!p0 $0xFFFFF086;
	s6 =	sadd.s32 @!p0 s3, s7;
	s7 =	simm.s32 @!p0 $0x108  }
0x21: {  	s3 =	sadd.s32 s3, s9;
	s6 =	sadd.s32 @!p0 $0x88, s6;
	s7 =	simm.s32 @p2 $0x1082  }
0x22: {  	[simem:s7], [sflag:s8] =	dma.local @!p0 [hbm:s6], $0xF7A  }
0x23: {  	s9 =	sor.u32 $0xD0000000, s2;
	s6 =	simm.s32 $0x108;
	_ =	swait.ge @!p0 [sflag:s8], $0x0  }
0x24: {  	s3 =	sadd.s32 $0x88, s3;
	s6 =	simm.s32 @!p1 $0x1082;
	[sflag:s4] =	ssyncset.s32 $0xFFFFF086  }
0x25: {  	[simem:s6], [sflag:s4] =	dma.local [hbm:s3], $0xF7A  }
0x26: {  	[smem:$0x3F84] =	sst s1;
	(tag) =	ssettag s2;
	_ =	strace s9  }
0x27: {  	s1 =	sld [smem:$0x3F94]  }
0x28: {  	s2 =	sld [smem:$0x3F95]  }
0x29: {  	s4 =	sld [smem:$0x3F97]  }
0x2a: {  	p0 =	seq.s32 s5, $0x0;
	s5 =	sld [smem:$0x3F98]  }
0x2b: {  	s6 =	sld [smem:$0x3F99]  }
0x2c: {  	s7 =	sld [smem:$0x3F9A]  }
0x2d: {  	s3 =	simm.s32 $0x108;
	s8 =	sld [smem:$0x3F9B]  }
0x2e: {  	s3 =	simm.s32 @!p0 $0x1082;
	s9 =	sld [smem:$0x3F9C]  }
0x2f: {  	lr =	sadd.s32 s0, s3;
	s0 =	sld [smem:$0x3F93]  }
0x30: {  	s3 =	sld [smem:$0x3F96]  }
0x31: {  	[smem:$0x3F9F] =	sst s10  }
0x32: {  	s10 =	sld [smem:$0x3F9D];
	_ =	sdelay $0x3  }
0x33: {  	p0 =	seq.s32 s10, $0x1;
	s10 =	sld [smem:$0x3F9F];
	_ =	sdelay $0x3  }
0x34: {  	[smem:$0x3F9F] =	sst s10  }
0x35: {  	s10 =	sld [smem:$0x3F9E];
	_ =	sdelay $0x3  }
0x36: {  	p1 =	seq.s32 s10, $0x1;
	s10 =	sld [smem:$0x3F9F];
	_ =	sdelay $0x3  }
0x37: {  	[smem:$0x3F9F] =	sst s10  }
0x38: {  	s10 =	sld [smem:$0x3FA0]  }
0x39: {  	_ = 	snop;
	(pc) =	sbr.ind lr, $3  }
0x3a: {  	_ = 	snop  }
0x3b: {  	_ = 	snop  }
0x3c: {  	p2 =	seq.s32 s10, $0x1;
	s10 =	sld [smem:$0x3F9F]  }
0x3d: {  	_ =	shalt  }
0x3e: {  	_ =	shalt  }
0x3f: {  	_ =	shalt  }
0x40: {  	_ =	shalt  }
0x41: {  	_ =	shalt  }
0x42: {  	_ =	shalt  }
0x43: {  	_ =	shalt  }
0x44: {  	_ =	shalt  }
0x45: {  	_ =	shalt  }
0x46: {  	_ =	shalt  }
0x47: {  	_ =	shalt  }
0x48: {  	_ =	shalt  }
0x49: {  	_ =	shalt  }
0x4a: {  	_ =	shalt  }
0x4b: {  	_ =	shalt  }
0x4c: {  	_ =	shalt  }
0x4d: {  	_ =	shalt  }
0x4e: {  	_ =	shalt  }
0x4f: {  	_ =	shalt  }
0x50: {  	_ =	shalt  }
0x51: {  	_ =	shalt  }
0x52: {  	_ =	shalt  }
0x53: {  	_ =	shalt  }
0x54: {  	_ =	shalt  }
0x55: {  	_ =	shalt  }
0x56: {  	_ =	shalt  }
0x57: {  	_ =	shalt  }
0x58: {  	_ =	shalt  }
0x59: {  	_ =	shalt  }
0x5a: {  	_ =	shalt  }
0x5b: {  	_ =	shalt  }
0x5c: {  	_ =	shalt  }
0x5d: {  	_ =	shalt  }
0x5e: {  	_ =	shalt  }
0x5f: {  	_ =	shalt  }
0x60: {  	_ =	shalt  }
0x61: {  	_ =	shalt  }
0x62: {  	_ =	shalt  }
0x63: {  	_ =	shalt  }
0x64: {  	_ =	shalt  }
0x65: {  	_ =	shalt  }
0x66: {  	_ =	shalt  }
0x67: {  	_ =	shalt  }
0x68: {  	_ =	shalt  }
0x69: {  	_ =	shalt  }
0x6a: {  	_ =	shalt  }
0x6b: {  	_ =	shalt  }
0x6c: {  	_ =	shalt  }
0x6d: {  	_ =	shalt  }
0x6e: {  	_ =	shalt  }
0x6f: {  	_ =	shalt  }
0x70: {  	_ =	shalt  }
0x71: {  	_ =	shalt  }
0x72: {  	_ =	shalt  }
0x73: {  	_ =	shalt  }
0x74: {  	_ =	shalt  }
0x75: {  	_ =	shalt  }
0x76: {  	_ =	shalt  }
0x77: {  	_ =	shalt  }
0x78: {  	_ =	shalt  }
0x79: {  	_ =	shalt  }
0x7a: {  	_ =	shalt  }
0x7b: {  	_ =	shalt  }
0x7c: {  	_ =	shalt  }
0x7d: {  	_ =	shalt  }
0x7e: {  	_ =	shalt  }
0x7f: {  	_ =	shalt  }
0x80: {  	_ =	shalt  }
0x81: {  	_ =	shalt  }
0x82: {  	_ =	shalt  }
0x83: {  	_ =	shalt  }
0x84: {  	_ =	shalt  }
0x85: {  	_ =	shalt  }
0x86: {  	_ =	shalt  }
0x87: {  	_ =	shalt  }
.Lfunc_end0:
.L_simem_size_0:
called_computation.4_lowered:
.L_overlay_start_0:
0x88: {  	s2 =	sld [smem:$0x3FD9]  }
0x89: {  	s3 =	sld [smem:$0x3FFE];
	_ =	sdelay $0x1  }
0x8a: {  	s1 =	srdreg.scid  }
0x8b: {  	s0 =	sand.u32 $0x1, s1  }
0x8c: {  	s17 =	sshll.u32 s0, $0xA;
	s2 =	sadd.s32 s3, s2  }
0x8d: {  	s2 =	sadd.s32 s2, s17  }
0x8e: {  	[smem:$0x3FAB] =	sst s2  }
0x8f: {  	_ = 	snop  }
0x90: {  	(tm) =	ssettm $0x1  }
0x91: {  	s18 =	sld [smem:$0x3FFB];
	_ =	sdelay $0x3  }
0x92: {  	_ =	strace s18  }
0x93: {  	s2 =	sld [smem:$0x3FFC];
	_ =	sdelay $0x3  }
0x94: {  	_ =	strace s2  }
0x95: {  	s2 =	sld [smem:$0x3FFD];
	_ =	sdelay $0x3  }
0x96: {  	_ =	strace s2  }
0x97: {  	_ =	strace $0x8FFFFFFF  }
0x98: {  	s19 =	sld [smem:$0x3FDB];
	_ =	sdelay $0x1  }
0x99: {  	s20 =	simm.s32 $_scs_section_size  }
0x9a: {  	s4 =	simm.s32 $_size__tile_overlayer_lowered;
	s5 =	simm.s32 $_tile_overlayer_lowered  }
0x9b: {  	s6 =	simm.s32 $0x1BFF;
	s21 =	sshll.u32 s5, $0x1;
	s3 =	sadd.s32 s20, s19  }
0x9c: {  	s22 =	simm.s32 $0x0;
	s4 =	sshll.u32 s4, $0x1;
	s5 =	sadd.s32 s21, s3  }
0x9d: {  	[timem:s22], [sflag:s6] =	dma.local [hbm:s5], s4  }
0x9e: {  	_ =	swait.ge [sflag:s6], s4  }
0x9f: {  	s4 =	ssub.s32 $0x0, s4;
	[sflag:s6] =	ssyncset.done $0x0  }
0xa0: {  	[sflag:s6] =	ssyncadd.s32 s4;
	_ =	sdelay $0x1  }
0xa1: {  	s23 =	simm.s32 $0x1B8B  }
0xa2: {  	_ =	swait.ge [sflag:s23], $0x1  }
0xa3: {  	[sflag:s23] =	ssyncset.done $0x0  }
0xa4: {  	[sflag:s23] =	ssyncadd.s32 $0xFFFFFFFF  }
0xa5: {  	s4 =	sld [smem:$0x0]  }
0xa6: {  	s5 =	sand.u32 $0xFFFFFFFE, s1  }
0xa7: {  	p0 =	sne.s32 s1, s5  }
0xa8: {  	s5 =	sshll.u32 @p0 s5, $0xE  }
0xa9: {  	s5 =	sadd.s32 @p0 $0x11B8D, s5;
	s6 =	sshll.u32 @p0 s4, $0x11  }
0xaa: {  	s5 =	sor.u32 @p0 s6, s5  }
0xab: {  	[sflag:s5] =	ssyncadd.remote.s32 @p0 $0x1;
	_ =	sdelay $0x1  }
0xac: {  	s5 =	simm.s32 @p0 $0x1B8D  }
0xad: {  	_ =	swait.eq @p0 [sflag:s5], $0x1  }
0xae: {  	[sflag:s5] =	ssyncadd.s32 @p0 $0xFFFFFFFF  }
0xaf: {  	s6 =	sshll.u32 @!p0 s1, $0xE  }
0xb0: {  	s6 =	sor.u32 @!p0 $0x4000, s6;
	s5 =	simm.s32 @!p0 $0x1B8D  }
0xb1: {  	s4 =	sshll.u32 @!p0 s4, $0x11;
	s6 =	sadd.s32 @!p0 $0x11B8D, s6;
	_ =	swait.eq @!p0 [sflag:s5], $0x1  }
0xb2: {  	s4 =	sor.u32 @!p0 s4, s6;
	[sflag:s5] =	ssyncadd.s32 @!p0 $0xFFFFFFFF  }
0xb3: {  	s25 =	simm.s32 $0x1B8E;
	s24 =	sld [smem:$0x3FFE];
	[sflag:s4] =	ssyncadd.remote.s32 @!p0 $0x1  }
0xb4: {  	s26 =	simm.s32 $execute0_lowered;
	[smem:$0x3FD2] =	sst s25  }
0xb5: {  	s5 =	sshll.u32 s26, $0x1;
	_ =	strace $0x8000004F;
	[dreg:$0x1] =	wrdreg $0xFFFFFFFF  }
0xb6: {  	s28 =	simm.s32 $_size_execute0_lowered;
	s3 =	sadd.s32 s3, s5;
	[dreg:$0x0] =	wrdreg $0x0  }
0xb7: {  	s5 =	sshll.u32 s28, $0x1;
	[dreg:$0x2] =	wrdreg s3  }
0xb8: {  	[dreg:$0x3] =	wrdreg s5  }
0xb9: {  	[dreg:$0x4] =	wrdreg $0xC0  }
0xba: {  	_ =	task [dreg:s22], $0x5FFFF  }
0xbb: {  	[dreg:$0x1] =	wrdreg $0xFFFFFFFF  }
0xbc: {  	[dreg:$0x0] =	wrdreg $0x60  }
0xbd: {  	[dreg:$0x2] =	wrdreg s24  }
0xbe: {  	[dreg:$0x3] =	wrdreg $0x0  }
0xbf: {  	[dreg:$0x4] =	wrdreg $0xB  }
0xc0: {  	_ =	task.clear_ibuf [dreg:s22], $0x5FFFF;
	_ =	strace $0x9000004F  }
0xc1: {  	s29 =	simm.s32 $0xB;
	_ =	strace $0x80000051  }
0xc2: {  	_ =	swait.ge [sflag:s29], $0x1  }
0xc3: {  	[sflag:s29] =	ssyncadd.s32 $0xFFFFFFFF  }
0xc4: {  	_ =	strace $0x90000051  }
0xc5: {  	_ =	sfence  }
0xc6: {  	s30 =	sld [smem:$0x0];
	_ =	sdelay $0x2  }
0xc7: {  	s31 =	sshll.u32 s1, $0xD;
	s1 =	sshrl.u32 s1, $0x2  }
0xc8: {  	s4 =	sand.u32 $0x4000, s31;
	s1 =	sadd.s32 s1, s30  }
0xc9: {  	s0 =	sor.u32 s4, s0;
	s1 =	sshll.u32 s1, $0x11  }
0xca: {  	s0 =	sor.u32 s1, s0  }
0xcb: {  	s0 =	sadd.s32 $0x8F2B, s0  }
0xcc: {  	[sflag:s0] =	ssyncadd.remote.s32 $0x1  }
0xcd: {  	_ =	sfence.sel $0xFFFF  }
0xce: {  	[dreg:$0x0] =	wrdreg $0xFFFFFFFF;
	(pc) =	sbr.abs _section_cstart, $3  }
0xcf: {  	[dreg:$0x1] =	wrdreg $0xFFFFFFFF  }
0xd0: {  	_ =	task.clear_ibuf [dreg:s22], $0x2FFFF;
	_ =	strace $0x9FFFFFFF  }
0xd1: {  	(tm) =	ssettm $0x7FFFFFFF  }
tec
execute0_lowered:
.L_overlay_start_1:
0x0: {  	(tag) =	ssettag $0x1  }
0x1: {  	s5 =	rddreg [dreg:$0x0]  }
0x2: {  	s2 =	rddreg [dreg:$0x1]  }
0x3: {  	s0 =	rddreg [dreg:$0x2]  }
0x4: {  	s1 =	stileid.u32;
	s6 =	srdreg.scid  }
0x5: {  	s3 =	simm.s32 $0x0;
	s15 =	simm.s32 $0x14000;
	s4 =	smul.u32 $0x28000, s1  }
0x6: {  	s16 =	simm.s32 $0x1;
	s17 =	simm.s32 $0x18000;
	s7 =	smul.u32 $0x500, s1  }
0x7: {  	s18 =	simm.s32 $0x80;
	s21 =	simm.s32 $0x0;
	s9 =	smul.u32 $0x14000, s1  }
0x8: {  	s6 =	sand.u32 $0x1, s6;
	[smem:$0x7FF] =	sst s3;
	s30 =	smul.u32 $0x50000, s1  }
0x9: {  	s19 =	sshll.u32 s1, $0x6;
	s8 =	smul.u32 $0x140000, s6;
	_ =	strace $0x80000050  }
0xa: {  	s31 =	ssub.s32 $0x2, s6;
	p0 =	seq.s32 s6, $0x1;
	s19 =	sor.u32 $0x1C01, s19  }
0xb: {  	s12 =	sadd.s32 s4, s5;
	s14 =	sadd.s32 s7, s5;
	s4 =	sadd.s32 $0xEC00, s5  }
0xc: {  	s10 =	sshrl.u32 s31, $0x1;
	s7 =	sshrl.u32 s30, $0x2;
	s8 =	sadd.s32 s9, s8  }
.Ltmp0:
0xd: {  	s9 =	ssub.s32 s31, s10;
	s12 =	sadd.s32 $0x522E00, s12;
	(pc) =	sbr.rel .LBB2_1-.Ltmp0, $4  }
0xe: {  	s13 =	sadd.s32 $0x13C00, s14;
	s14 =	sadd.s32 $0x22C00, s14;
	s8 =	sshrl.u32 s8, $0x3  }
0xf: {  	s8 =	sadd.s32 s8, s5;
	s5 =	sadd.s32 s7, s2;
	s7 =	smax.u32 s9, $0x1  }
0x10: {  	s6 =	sadd.s32 $0x37200, s8;
	s8 =	sadd.s32 $0x4000, s5;
	s9 =	sadd.s32 $0x8000, s5  }
0x11: {  	s10 =	sadd.s32 $0xC000, s5;
	s11 =	sadd.s32 $0x10000, s5;
	s20 =	sshrl.u32 s5, $0x3  }
.LBB2_7:
0x12: {  	[sflag:s16] =	ssyncadd.s32 $0xFFFFC000  }
.LBB2_8:
0x13: {  	s21 =	sadd.s32 $0x1, s21  }
0x14: {  	p1 =	sne.s32 s21, s7  }
.Ltmp1:
0x15: {  	[bflag:$0x0] =	sbarrier.arrive $0xFFFF;
	(pc) =	sbr.rel @!p1 .LBB2_9-.Ltmp1, $4  }
0x16: {  	[hbm:s6], [sflag:s19] =	dma.local [spmem:s20], $0x2800  }
0x17: {  	_ =	swait.ge [sflag:s16], $0x2800  }
0x18: {  	[sflag:s16] =	ssyncset.done $0x0  }
0x19: {  	[sflag:s16] =	ssyncadd.s32 $0xFFFFD800  }
.LBB2_1:
0x1a: {  	[tilespmem:s15], [sflag:$0x1] =	stream.linear.gather [hbm4b:s4+s3], $0x4000, $0x38;
	[tilespmem:$0x18080] =	vst v63  }
0x1b: {  	_ =	swait.ge [sflag:s16], $0x4000  }
0x1c: {  	[sflag:s16] =	ssyncset.done $0x0  }
0x1d: {  	[sflag:s16] =	ssyncadd.s32 $0xFFFFC000  }
0x1e: {  	[spmem:s5] =	stream.linear.scatter [tilespmem:s15], [sflag:$0x1], $0x4000, $0x38;
	[tilespmem:$0x18080] =	vst v63  }
0x1f: {  	_ =	swait.ge [sflag:s16], $0x4000  }
0x20: {  	[sflag:s16] =	ssyncset.done $0x0  }
0x21: {  	[sflag:s16] =	ssyncadd.s32 $0xFFFFC000  }
0x22: {  	[spmem:s8] =	stream.linear.scatter [tilespmem:s15], [sflag:$0x1], $0x4000, $0x38;
	[tilespmem:$0x18080] =	vst v63  }
0x23: {  	_ =	swait.ge [sflag:s16], $0x4000  }
0x24: {  	[sflag:s16] =	ssyncset.done $0x0  }
0x25: {  	[sflag:s16] =	ssyncadd.s32 $0xFFFFC000  }
0x26: {  	[spmem:s9] =	stream.linear.scatter [tilespmem:s15], [sflag:$0x1], $0x4000, $0x38;
	[tilespmem:$0x18080] =	vst v63  }
0x27: {  	_ =	swait.ge [sflag:s16], $0x4000  }
0x28: {  	[sflag:s16] =	ssyncset.done $0x0  }
0x29: {  	[sflag:s16] =	ssyncadd.s32 $0xFFFFC000  }
0x2a: {  	[spmem:s10] =	stream.linear.scatter [tilespmem:s15], [sflag:$0x1], $0x4000, $0x38;
	[tilespmem:$0x18080] =	vst v63  }
0x2b: {  	_ =	swait.ge [sflag:s16], $0x4000  }
0x2c: {  	[sflag:s16] =	ssyncset.done $0x0  }
0x2d: {  	[sflag:s16] =	ssyncadd.s32 $0xFFFFC000  }
0x2e: {  	[spmem:s11] =	stream.linear.scatter [tilespmem:s15], [sflag:$0x1], $0x4000, $0x38;
	[tilespmem:$0x18080] =	vst v63  }
.Ltmp2:
0x2f: {  	_ =	swait.ge [sflag:s16], $0x4000;
	(pc) =	sbr.rel @!p0 .LBB2_2-.Ltmp2, $3  }
0x30: {  	[sflag:s16] =	ssyncset.done $0x0  }
0x31: {  	[sflag:s16] =	ssyncadd.s32 $0xFFFFC000  }
0x32: {  	[bflag:$0x0] =	sbarrier.arrive $0xFFFF;
	_ =	sdelay $0x1  }
0x33: {  	[tilespmem:s15], [sflag:$0x1] =	stream.linear.gather [hbm4b:s12+s3], $0x4000, $0x38;
	[tilespmem:$0x18080] =	vst v63  }
0x34: {  	_ =	swait.ge [sflag:s16], $0x4000  }
0x35: {  	[sflag:s16] =	ssyncset.done $0x0  }
0x36: {  	s22 =	sadd.s32 $0x0, s14;
	[sflag:s16] =	ssyncadd.s32 $0xFFFFC000  }
0x37: {  	[tilespmem:s17], [sflag:$0x1] =	stream.linear.gather [hbm4b:s22+s3], $0x80, $0x38;
	[tilespmem:$0x18080] =	vst v63  }
0x38: {  	_ =	swait.ge [sflag:s16], $0x80  }
0x39: {  	[sflag:s16] =	ssyncset.done $0x0  }
0x3a: {  	[sflag:s16] =	ssyncadd.s32 $0xFFFFFF80  }
0x3b: {  	[spmem:s2] =	stream.indirect.scatter.add.f32 [tilespmem:s15], [sflag:$0x1], $0x80, s17, s18, $0xb8;
	[tilespmem:$0x18080] =	vst v63  }
0x3c: {  	_ =	swait.ge [sflag:s16], $0x4000  }
0x3d: {  	s23 =	smov.u32 s12;
	s22 =	simm.s32 $0x10;
	[sflag:s16] =	ssyncset.done $0x0  }
.LBB2_6:
0x3e: {  	p1 =	sne.s32 s22, $0x4F0;
	[sflag:s16] =	ssyncadd.s32 $0xFFFFC000;
	s23 =	sadd.s32 $0x800, s23  }
0x3f: {  	[tilespmem:s15], [sflag:$0x1] =	stream.linear.gather [hbm4b:s23+s3], $0x4000, $0x38;
	[tilespmem:$0x18080] =	vst v63  }
0x40: {  	s24 =	smov.u32 s22;
	s22 =	sadd.s32 $0x10, s22;
	_ =	swait.ge [sflag:s16], $0x4000  }
0x41: {  	[sflag:s16] =	ssyncset.done $0x0  }
0x42: {  	s24 =	sadd.s32 s24, s14;
	[sflag:s16] =	ssyncadd.s32 $0xFFFFC000  }
0x43: {  	[tilespmem:s17], [sflag:$0x1] =	stream.linear.gather [hbm4b:s24+s3], $0x80, $0x38;
	[tilespmem:$0x18080] =	vst v63  }
0x44: {  	_ =	swait.ge [sflag:s16], $0x80  }
.Ltmp3:
0x45: {  	[sflag:s16] =	ssyncset.done $0x0;
	(pc) =	sbr.rel @p1 .LBB2_6-.Ltmp3, $4  }
0x46: {  	[sflag:s16] =	ssyncadd.s32 $0xFFFFFF80  }
0x47: {  	[spmem:s2] =	stream.indirect.scatter.add.f32 [tilespmem:s15], [sflag:$0x1], $0x80, s17, s18, $0xb8;
	[tilespmem:$0x18080] =	vst v63  }
0x48: {  	_ =	swait.ge [sflag:s16], $0x4000  }
0x49: {  	[sflag:s16] =	ssyncset.done $0x0  }
.Ltmp4:
0x4a: {  	_ = 	snop;
	(pc) =	sbr.rel .LBB2_7-.Ltmp4, $1  }
0x4b: {  	_ =	sdelay $0x3  }
.LBB2_2:
0x4c: {  	[tilespmem:s15], [sflag:$0x1] =	stream.linear.gather [hbm4b:s12+s3], $0x4000, $0x38;
	[tilespmem:$0x18080] =	vst v63  }
0x4d: {  	_ =	swait.ge [sflag:s16], $0x4000  }
0x4e: {  	[sflag:s16] =	ssyncset.done $0x0  }
0x4f: {  	s22 =	sadd.s32 $0x0, s13;
	[sflag:s16] =	ssyncadd.s32 $0xFFFFC000  }
0x50: {  	[tilespmem:s17], [sflag:$0x1] =	stream.linear.gather [hbm4b:s22+s3], $0x80, $0x38;
	[tilespmem:$0x18080] =	vst v63  }
0x51: {  	_ =	swait.ge [sflag:s16], $0x80  }
0x52: {  	[sflag:s16] =	ssyncset.done $0x0  }
0x53: {  	[sflag:s16] =	ssyncadd.s32 $0xFFFFFF80  }
0x54: {  	[spmem:s2] =	stream.indirect.scatter.add.f32 [tilespmem:s15], [sflag:$0x1], $0x80, s17, s18, $0xb8;
	[tilespmem:$0x18080] =	vst v63  }
0x55: {  	_ =	swait.ge [sflag:s16], $0x4000  }
0x56: {  	s23 =	smov.u32 s12;
	s22 =	simm.s32 $0x10;
	[sflag:s16] =	ssyncset.done $0x0  }
.LBB2_3:
0x57: {  	p1 =	seq.s32 s22, $0x4F0;
	[sflag:s16] =	ssyncadd.s32 $0xFFFFC000;
	s23 =	sadd.s32 $0x800, s23  }
0x58: {  	[tilespmem:s15], [sflag:$0x1] =	stream.linear.gather [hbm4b:s23+s3], $0x4000, $0x38;
	[tilespmem:$0x18080] =	vst v63  }
0x59: {  	s24 =	smov.u32 s22;
	s22 =	sadd.s32 $0x10, s22;
	_ =	swait.ge [sflag:s16], $0x4000  }
0x5a: {  	[sflag:s16] =	ssyncset.done $0x0  }
0x5b: {  	s24 =	sadd.s32 s24, s13;
	[sflag:s16] =	ssyncadd.s32 $0xFFFFC000  }
0x5c: {  	[tilespmem:s17], [sflag:$0x1] =	stream.linear.gather [hbm4b:s24+s3], $0x80, $0x38;
	[tilespmem:$0x18080] =	vst v63  }
0x5d: {  	_ =	swait.ge [sflag:s16], $0x80  }
.Ltmp5:
0x5e: {  	[sflag:s16] =	ssyncset.done $0x0;
	(pc) =	sbr.rel @!p1 .LBB2_3-.Ltmp5, $4  }
0x5f: {  	[sflag:s16] =	ssyncadd.s32 $0xFFFFFF80  }
0x60: {  	[spmem:s2] =	stream.indirect.scatter.add.f32 [tilespmem:s15], [sflag:$0x1], $0x80, s17, s18, $0xb8;
	[tilespmem:$0x18080] =	vst v63  }
0x61: {  	_ =	swait.ge [sflag:s16], $0x4000  }
0x62: {  	[sflag:s16] =	ssyncset.done $0x0  }
.Ltmp6:
0x63: {  	(pc) =	sbr.rel .LBB2_8-.Ltmp6, $2  }
0x64: {  	_ =	sdelay $0x2  }
0x65: {  	[sflag:s16] =	ssyncadd.s32 $0xFFFFC000  }
.LBB2_9:
0x66: {  	_ =	sfence.sel $0x180000  }
0x67: {  	[bflag:$0x0] =	sbarrier.arrive $0xFFFF  }
0x68: {  	p0 =	sne.s32 s1, $0x0;
	_ =	strace $0x90000050  }
0x69: {  	s0 =	sadd.s32 @!p0 $0x100000, s0;
	[bflag:$0x2] =	sbarrier.arrive $0xFFFF  }
0x6a: {  	[sflag:s0] =	ssyncadd.tile.s32 @!p0 $0x1;
	_ =	shalt  }
.Lfunc_end2:
_tile_overlayer_lowered:
.L_overlay_start_2:
0x6b: {  	(tag) =	ssettag $0x2  }
0x6c: {  	s0 =	rddreg [dreg:$0x0];
	s2 =	stileid.u32  }
0x6d: {  	s1 =	rddreg [dreg:$0x1];
	p0 =	sne.s32 s2, $0x0  }
0x6e: {  	s3 =	rddreg [dreg:$0x2];
	[bflag:$0x3] =	sbarrier.arrive $0xFFFF;
	s2 =	simm.s32 @!p0 $0x1C01  }
0x6f: {  	[timem:s3], [sflag:s2] =	dma.local @!p0 [hbm:s0], s1  }
0x70: {  	s0 =	simm.s32 @!p0 $0x1  }
0x71: {  	_ =	swait.ge @!p0 [sflag:s0], s1  }
0x72: {  	s1 =	ssub.s32 @!p0 $0x0, s1;
	[sflag:s0] =	ssyncset.done @!p0 $0x0  }
0x73: {  	[sflag:s0] =	ssyncadd.s32 @!p0 s1  }
0x74: {  	[bflag:$0x3] =	sbarrier.arrive $0xFFFF  }
0x75: {  	_ =	shalt  }

// kernel: kernel.21.cloned.1.call-start
scs
__scs_entry_jumppad:
0x0: {  	(pc) =	sbr.rel $0x88, $3  }
0x1: {  	(tag) =	ssettag $0x0;
	lr =	simm.s32 $0x1  }
0x2: {  	[smem:$0x3F84] =	sst lr;
	_ =	strace $0xD0000000  }
0x3: {  	_ = 	snop  }
0x4: {  	_ = 	snop  }
0x5: {  	_ = 	snop  }
0x6: {  	_ = 	snop  }
0x7: {  	_ = 	snop  }
__scs_overlays_trampoline_lowered:
0x8: {  	[smem:$0x3F93] =	sst s0  }
0x9: {  	[smem:$0x3F94] =	sst s1  }
0xa: {  	[smem:$0x3F95] =	sst s2  }
0xb: {  	[smem:$0x3F96] =	sst s3  }
0xc: {  	[smem:$0x3F97] =	sst s4  }
0xd: {  	[smem:$0x3F98] =	sst s5  }
0xe: {  	[smem:$0x3F99] =	sst s6  }
0xf: {  	[smem:$0x3F9A] =	sst s7  }
0x10: {  	[smem:$0x3F9B] =	sst s8  }
0x11: {  	[smem:$0x3F9C] =	sst s9;
	s0 =	simm.s32 @!p0 $0x0  }
0x12: {  	s1 =	sld [smem:$0x3F82];
	s0 =	simm.s32 @p0 $0x1  }
0x13: {  	[smem:$0x3F9D] =	sst s0;
	s0 =	simm.s32 @!p1 $0x0  }
0x14: {  	s2 =	sld [smem:$0x3F81];
	s0 =	simm.s32 @p1 $0x1  }
0x15: {  	[smem:$0x3F9E] =	sst s0;
	s0 =	simm.s32 @!p2 $0x0  }
0x16: {  	s3 =	sld [smem:$0x3FDB];
	s0 =	simm.s32 @p2 $0x1  }
0x17: {  	s4 =	simm.s32 $0x1BF5;
	[smem:$0x3FA0] =	sst s0  }
0x18: {  	s0 =	sld [smem:$0x3F83];
	_ =	swait.ge [sflag:s4], $0x0  }
0x19: {  	s7 =	sld [smem:$0x3F84]  }
0x1a: {  	s8 =	sadd.s32 $0xFFFFE003, lr  }
0x1b: {  	s9 =	sadd.s32 $0xFFFFFEF7, lr;
	s5 =	simm.s32 $0xFFFFFFFF;
	p2 =	slt.u32 s8, $0xFFFFF086  }
0x1c: {  	p1 =	slt.u32 s9, $0xF7A;
	s5 =	simm.s32 @!p2 $0x0  }
0x1d: {  	s5 =	simm.s32 @p1 $0x1;
	p0 =	seq.s32 s7, s2  }
0x1e: {  	s7 =	smul.u32 @!p0 $0xF7A, s2;
	p2 =	seq.s32 @!p0 s5, $0x0  }
0x1f: {  	s9 =	smul.u32 $0xF7A, s1;
	s8 =	simm.s32 @!p0 $0x1BF5;
	p2 =	por !p2, p0  }
0x20: {  	[sflag:s8] =	ssyncset.s32 @!p0 $0xFFFFF086;
	s6 =	sadd.s32 @!p0 s3, s7;
	s7 =	simm.s32 @!p0 $0x108  }
0x21: {  	s3 =	sadd.s32 s3, s9;
	s6 =	sadd.s32 @!p0 $0x88, s6;
	s7 =	simm.s32 @p2 $0x1082  }
0x22: {  	[simem:s7], [sflag:s8] =	dma.local @!p0 [hbm:s6], $0xF7A  }
0x23: {  	s9 =	sor.u32 $0xD0000000, s2;
	s6 =	simm.s32 $0x108;
	_ =	swait.ge @!p0 [sflag:s8], $0x0  }
0x24: {  	s3 =	sadd.s32 $0x88, s3;
	s6 =	simm.s32 @!p1 $0x1082;
	[sflag:s4] =	ssyncset.s32 $0xFFFFF086  }
0x25: {  	[simem:s6], [sflag:s4] =	dma.local [hbm:s3], $0xF7A  }
0x26: {  	[smem:$0x3F84] =	sst s1;
	(tag) =	ssettag s2;
	_ =	strace s9  }
0x27: {  	s1 =	sld [smem:$0x3F94]  }
0x28: {  	s2 =	sld [smem:$0x3F95]  }
0x29: {  	s4 =	sld [smem:$0x3F97]  }
0x2a: {  	p0 =	seq.s32 s5, $0x0;
	s5 =	sld [smem:$0x3F98]  }
0x2b: {  	s6 =	sld [smem:$0x3F99]  }
0x2c: {  	s7 =	sld [smem:$0x3F9A]  }
0x2d: {  	s3 =	simm.s32 $0x108;
	s8 =	sld [smem:$0x3F9B]  }
0x2e: {  	s3 =	simm.s32 @!p0 $0x1082;
	s9 =	sld [smem:$0x3F9C]  }
0x2f: {  	lr =	sadd.s32 s0, s3;
	s0 =	sld [smem:$0x3F93]  }
0x30: {  	s3 =	sld [smem:$0x3F96]  }
0x31: {  	[smem:$0x3F9F] =	sst s10  }
0x32: {  	s10 =	sld [smem:$0x3F9D];
	_ =	sdelay $0x3  }
0x33: {  	p0 =	seq.s32 s10, $0x1;
	s10 =	sld [smem:$0x3F9F];
	_ =	sdelay $0x3  }
0x34: {  	[smem:$0x3F9F] =	sst s10  }
0x35: {  	s10 =	sld [smem:$0x3F9E];
	_ =	sdelay $0x3  }
0x36: {  	p1 =	seq.s32 s10, $0x1;
	s10 =	sld [smem:$0x3F9F];
	_ =	sdelay $0x3  }
0x37: {  	[smem:$0x3F9F] =	sst s10  }
0x38: {  	s10 =	sld [smem:$0x3FA0]  }
0x39: {  	_ = 	snop;
	(pc) =	sbr.ind lr, $3  }
0x3a: {  	_ = 	snop  }
0x3b: {  	_ = 	snop  }
0x3c: {  	p2 =	seq.s32 s10, $0x1;
	s10 =	sld [smem:$0x3F9F]  }
0x3d: {  	_ =	shalt  }
0x3e: {  	_ =	shalt  }
0x3f: {  	_ =	shalt  }
0x40: {  	_ =	shalt  }
0x41: {  	_ =	shalt  }
0x42: {  	_ =	shalt  }
0x43: {  	_ =	shalt  }
0x44: {  	_ =	shalt  }
0x45: {  	_ =	shalt  }
0x46: {  	_ =	shalt  }
0x47: {  	_ =	shalt  }
0x48: {  	_ =	shalt  }
0x49: {  	_ =	shalt  }
0x4a: {  	_ =	shalt  }
0x4b: {  	_ =	shalt  }
0x4c: {  	_ =	shalt  }
0x4d: {  	_ =	shalt  }
0x4e: {  	_ =	shalt  }
0x4f: {  	_ =	shalt  }
0x50: {  	_ =	shalt  }
0x51: {  	_ =	shalt  }
0x52: {  	_ =	shalt  }
0x53: {  	_ =	shalt  }
0x54: {  	_ =	shalt  }
0x55: {  	_ =	shalt  }
0x56: {  	_ =	shalt  }
0x57: {  	_ =	shalt  }
0x58: {  	_ =	shalt  }
0x59: {  	_ =	shalt  }
0x5a: {  	_ =	shalt  }
0x5b: {  	_ =	shalt  }
0x5c: {  	_ =	shalt  }
0x5d: {  	_ =	shalt  }
0x5e: {  	_ =	shalt  }
0x5f: {  	_ =	shalt  }
0x60: {  	_ =	shalt  }
0x61: {  	_ =	shalt  }
0x62: {  	_ =	shalt  }
0x63: {  	_ =	shalt  }
0x64: {  	_ =	shalt  }
0x65: {  	_ =	shalt  }
0x66: {  	_ =	shalt  }
0x67: {  	_ =	shalt  }
0x68: {  	_ =	shalt  }
0x69: {  	_ =	shalt  }
0x6a: {  	_ =	shalt  }
0x6b: {  	_ =	shalt  }
0x6c: {  	_ =	shalt  }
0x6d: {  	_ =	shalt  }
0x6e: {  	_ =	shalt  }
0x6f: {  	_ =	shalt  }
0x70: {  	_ =	shalt  }
0x71: {  	_ =	shalt  }
0x72: {  	_ =	shalt  }
0x73: {  	_ =	shalt  }
0x74: {  	_ =	shalt  }
0x75: {  	_ =	shalt  }
0x76: {  	_ =	shalt  }
0x77: {  	_ =	shalt  }
0x78: {  	_ =	shalt  }
0x79: {  	_ =	shalt  }
0x7a: {  	_ =	shalt  }
0x7b: {  	_ =	shalt  }
0x7c: {  	_ =	shalt  }
0x7d: {  	_ =	shalt  }
0x7e: {  	_ =	shalt  }
0x7f: {  	_ =	shalt  }
0x80: {  	_ =	shalt  }
0x81: {  	_ =	shalt  }
0x82: {  	_ =	shalt  }
0x83: {  	_ =	shalt  }
0x84: {  	_ =	shalt  }
0x85: {  	_ =	shalt  }
0x86: {  	_ =	shalt  }
0x87: {  	_ =	shalt  }
.Lfunc_end0:
.L_simem_size_0:
called_computation.5_lowered:
.L_overlay_start_0:
0x88: {  	s2 =	sld [smem:$0x3FD9]  }
0x89: {  	s3 =	sld [smem:$0x3FFE];
	_ =	sdelay $0x1  }
0x8a: {  	s1 =	srdreg.scid  }
0x8b: {  	s0 =	sand.u32 $0x1, s1  }
0x8c: {  	s16 =	sshll.u32 s0, $0xA;
	s2 =	sadd.s32 s3, s2  }
0x8d: {  	s2 =	sadd.s32 s2, s16  }
0x8e: {  	[smem:$0x3FAB] =	sst s2  }
0x8f: {  	_ = 	snop  }
0x90: {  	(tm) =	ssettm $0x1  }
0x91: {  	s17 =	sld [smem:$0x3FFB];
	_ =	sdelay $0x3  }
0x92: {  	_ =	strace s17  }
0x93: {  	s2 =	sld [smem:$0x3FFC];
	_ =	sdelay $0x3  }
0x94: {  	_ =	strace s2  }
0x95: {  	s2 =	sld [smem:$0x3FFD];
	_ =	sdelay $0x3  }
0x96: {  	_ =	strace s2  }
0x97: {  	_ =	strace $0x8FFFFFFF  }
0x98: {  	s18 =	sld [smem:$0x3FDB];
	_ =	sdelay $0x1  }
0x99: {  	s19 =	simm.s32 $_scs_section_size  }
0x9a: {  	s4 =	simm.s32 $_size__tile_overlayer_lowered;
	s5 =	simm.s32 $_tile_overlayer_lowered  }
0x9b: {  	s22 =	simm.s32 $0x1BFF;
	s21 =	sshll.u32 s5, $0x1;
	s2 =	sadd.s32 s19, s18  }
0x9c: {  	s6 =	simm.s32 $0x0;
	s20 =	sshll.u32 s4, $0x1;
	s4 =	sadd.s32 s21, s2  }
0x9d: {  	[timem:s6], [sflag:s22] =	dma.local [hbm:s4], s20  }
0x9e: {  	_ =	swait.ge [sflag:s22], s20  }
0x9f: {  	s3 =	ssub.s32 $0x0, s20;
	[sflag:s22] =	ssyncset.done $0x0  }
0xa0: {  	[sflag:s22] =	ssyncadd.s32 s3;
	_ =	sdelay $0x1  }
0xa1: {  	s23 =	simm.s32 $0x1B8B  }
0xa2: {  	_ =	swait.ge [sflag:s23], $0x1  }
0xa3: {  	[sflag:s23] =	ssyncset.done $0x0  }
0xa4: {  	s25 =	simm.s32 $0x1B8E;
	s24 =	sld [smem:$0x3FFE];
	[sflag:s23] =	ssyncadd.s32 $0xFFFFFFFF  }
0xa5: {  	s26 =	simm.s32 $execute0_lowered;
	[smem:$0x3FD2] =	sst s25  }
0xa6: {  	s4 =	sshll.u32 s26, $0x1;
	_ =	strace $0x80000052;
	[dreg:$0x1] =	wrdreg $0xFFFFFFFF  }
0xa7: {  	s28 =	simm.s32 $_size_execute0_lowered;
	s2 =	sadd.s32 s2, s4;
	[dreg:$0x0] =	wrdreg $0x0  }
0xa8: {  	s4 =	sshll.u32 s28, $0x1;
	[dreg:$0x2] =	wrdreg s2  }
0xa9: {  	[dreg:$0x3] =	wrdreg s4  }
0xaa: {  	[dreg:$0x4] =	wrdreg $0xC0  }
0xab: {  	_ =	task [dreg:s6], $0x5FFFF  }
0xac: {  	[dreg:$0x1] =	wrdreg $0xFFFFFFFF  }
0xad: {  	[dreg:$0x0] =	wrdreg $0x60  }
0xae: {  	[dreg:$0x2] =	wrdreg s24  }
0xaf: {  	[dreg:$0x3] =	wrdreg $0x9  }
0xb0: {  	_ =	task.clear_ibuf [dreg:s6], $0x4FFFF;
	_ =	strace $0x90000052  }
0xb1: {  	s29 =	simm.s32 $0x9;
	_ =	strace $0x80000054  }
0xb2: {  	_ =	swait.ge [sflag:s29], $0x1  }
0xb3: {  	[sflag:s29] =	ssyncadd.s32 $0xFFFFFFFF  }
0xb4: {  	_ =	strace $0x90000054  }
0xb5: {  	_ =	sfence  }
0xb6: {  	s30 =	sld [smem:$0x0];
	_ =	sdelay $0x2  }
0xb7: {  	s31 =	sshll.u32 s1, $0xD;
	s1 =	sshrl.u32 s1, $0x2  }
0xb8: {  	s3 =	sand.u32 $0x4000, s31;
	s1 =	sadd.s32 s1, s30  }
0xb9: {  	s0 =	sor.u32 s3, s0;
	s1 =	sshll.u32 s1, $0x11  }
0xba: {  	s0 =	sor.u32 s1, s0  }
0xbb: {  	s0 =	sadd.s32 $0x8F2B, s0  }
0xbc: {  	[sflag:s0] =	ssyncadd.remote.s32 $0x1  }
0xbd: {  	_ =	sfence.sel $0xFFFF  }
0xbe: {  	[dreg:$0x0] =	wrdreg $0xFFFFFFFF;
	(pc) =	sbr.abs _section_cstart, $3  }
0xbf: {  	[dreg:$0x1] =	wrdreg $0xFFFFFFFF  }
0xc0: {  	_ =	task.clear_ibuf [dreg:s6], $0x2FFFF;
	_ =	strace $0x9FFFFFFF  }
0xc1: {  	(tm) =	ssettm $0x7FFFFFFF  }
tec
execute0_lowered:
.L_overlay_start_1:
0x0: {  	(tag) =	ssettag $0x1  }
0x1: {  	s9 =	rddreg [dreg:$0x0]  }
0x2: {  	s0 =	rddreg [dreg:$0x1];
	s1 =	simm.s32 $0x0  }
0x3: {  	s7 =	srdreg.scid;
	s3 =	stileid.u32;
	s14 =	simm.s32 $0x100  }
0x4: {  	s15 =	simm.s32 $0x180;
	s16 =	simm.s32 $0x4180;
	s17 =	simm.s32 $0x8180  }
0x5: {  	s18 =	simm.s32 $0x1;
	s19 =	simm.s32 $0x2;
	s20 =	simm.s32 $0x3  }
0x6: {  	s21 =	simm.s32 $0xC180;
	s22 =	simm.s32 $0x0;
	[smem:$0x7FF] =	sst s1  }
0x7: {  	s2 =	sadd.s32 $0x13C00, s9;
	s4 =	sadd.s32 $0x22C00, s9;
	s5 =	sadd.s32 $0x18C00, s9  }
0x8: {  	s6 =	sadd.s32 $0xAE400, s9;
	s10 =	sand.u32 $0x1, s7;
	s7 =	sadd.s32 $0xD5600, s9  }
0x9: {  	s12 =	sshll.u32 s3, $0x1;
	s8 =	sadd.s32 $0x522E00, s9;
	s11 =	ssub.s32 $0x2, s10  }
0xa: {  	s9 =	sadd.s32 $0xFD600, s9;
	_ =	strace $0x80000053;
	s13 =	sshrl.u32 s11, $0x1  }
0xb: {  	s10 =	sor.u32 s10, s12;
	s12 =	simm.s32 $0x4;
	s11 =	ssub.s32 s11, s13  }
0xc: {  	s10 =	smul.u32 $0x1400, s10;
	s13 =	simm.s32 $0x80;
	s11 =	smax.u32 s11, $0x1  }
.LBB2_1:
0xd: {  	s23 =	simm.s32 $0x0  }
.LBB2_2:
0xe: {  	s24 =	sshll.u32 s23, $0x7  }
0xf: {  	s24 =	sadd.s32 s10, s24  }
0x10: {  	s25 =	sshrl.u32 s24, $0x3  }
0x11: {  	s28 =	simm.s32 $0x0;
	s26 =	sadd.s32 s2, s25  }
0x12: {  	[tilespmem:s28], [sflag:$0x4] =	stream.linear.gather [hbm4b:s26+s28], $0x80, $0x38;
	[tilespmem:$0x10180] =	vst v63  }
0x13: {  	_ =	swait.ge [sflag:s12], $0x80  }
0x14: {  	[sflag:s12] =	ssyncset.done $0x0  }
0x15: {  	s31 =	sadd.s32 s4, s25;
	[sflag:s12] =	ssyncadd.s32 $0xFFFFFF80  }
0x16: {  	[tilespmem:s13], [sflag:$0x4] =	stream.linear.gather [hbm4b:s31+s28], $0x80, $0x38;
	[tilespmem:$0x10180] =	vst v63  }
0x17: {  	_ =	swait.ge [sflag:s12], $0x80  }
0x18: {  	[sflag:s12] =	ssyncset.done $0x0  }
0x19: {  	s25 =	sadd.s32 s5, s25;
	[sflag:s12] =	ssyncadd.s32 $0xFFFFFF80  }
0x1a: {  	[tilespmem:s14], [sflag:$0x4] =	stream.linear.gather [hbm4b:s25+s28], $0x80, $0x38;
	[tilespmem:$0x10180] =	vst v63  }
0x1b: {  	_ =	swait.ge [sflag:s12], $0x80  }
0x1c: {  	[sflag:s12] =	ssyncset.done $0x0  }
0x1d: {  	[sflag:s12] =	ssyncadd.s32 $0xFFFFFF80  }
0x1e: {  	[tilespmem:s15], [sflag:$0x1] =	stream.indirect.gather [hbm4b:s6+s13], $0x80, s28, s13, $0xb8;
	[tilespmem:$0x10180] =	vst v63  }
0x1f: {  	_ = 	snop  }
0x20: {  	[tilespmem:s16], [sflag:$0x2] =	stream.indirect.gather [hbm4b:s7+s13], $0x80, s13, s13, $0xb8;
	[tilespmem:$0x10180] =	vst v63  }
0x21: {  	_ = 	snop  }
0x22: {  	[tilespmem:s17], [sflag:$0x3] =	stream.indirect.gather [hbm4b:s8+s13], $0x80, s14, s13, $0xb8;
	[tilespmem:$0x10180] =	vst v63  }
0x23: {  	_ =	swait.ge [sflag:s18], $0x4000  }
0x24: {  	[sflag:s18] =	ssyncset.done $0x0  }
0x25: {  	[sflag:s18] =	ssyncadd.s32 $0xFFFFC000  }
0x26: {  	_ =	swait.ge [sflag:s19], $0x4000  }
0x27: {  	[sflag:s19] =	ssyncset.done $0x0  }
0x28: {  	[sflag:s19] =	ssyncadd.s32 $0xFFFFC000  }
0x29: {  	_ =	swait.ge [sflag:s20], $0x4000  }
0x2a: {  	[sflag:s20] =	ssyncset.done $0x0  }
0x2b: {  	s25 =	simm.s32 $0x0;
	[sflag:s20] =	ssyncadd.s32 $0xFFFFC000  }
0x2c: {  	v0 =	vld [tilespmem:s25+$0x41B0]  }
0x2d: {  	v1 =	vld [tilespmem:s25+$0x81B0]  }
0x2e: {  	v2 =	vld [tilespmem:s25+$0x4180]  }
0x2f: {  	v3 =	vld [tilespmem:s25+$0x8180]  }
0x30: {  	v5 =	vld [tilespmem:s25+$0x4190]  }
0x31: {  	v6 =	vld [tilespmem:s25+$0x8190]  }
0x32: {  	v7 =	vld [tilespmem:s25+$0x41A0]  }
0x33: {  	v8 =	vld [tilespmem:s25+$0x81A0]  }
0x34: {  	v4 =	vld [tilespmem:s25+$0x180];
	v0 =	vsub.f32 v0, v1  }
0x35: {  	v2 =	vsub.f32 v2, v3;
	v1 =	vld [tilespmem:s25+$0x190]  }
0x36: {  	v5 =	vsub.f32 v5, v6;
	v3 =	vld [tilespmem:s25+$0x1B0];
	[tilespmem:s25+$0xC1B0] =	vst v0  }
0x37: {  	s26 =	simm.s32 $0x80;
	[tilespmem:s25+$0xC180] =	vst v2;
	v2 =	vld [tilespmem:s25+$0x1A0]  }
0x38: {  	s28 =	simm.s32 $0x400;
	v0 =	vld [tilespmem:s26+$0x41B0];
	[tilespmem:s25+$0xC190] =	vst v5;
	v5 =	vsub.f32 v7, v8  }
.LBB2_3:
0x39: {  	p0 =	sne.s32 s28, $0xFE00;
	v6 =	vld [tilespmem:s26+$0x81B0];
	[tilespmem:s25+$0xC1C0] =	vst v4  }
0x3a: {  	v4 =	vld [tilespmem:s26+$0x4180];
	[tilespmem:s25+$0xC1A0] =	vst v5  }
0x3b: {  	v5 =	vld [tilespmem:s26+$0x8180];
	[tilespmem:s25+$0xC1D0] =	vst v1  }
0x3c: {  	v7 =	vld [tilespmem:s26+$0x4190];
	[tilespmem:s25+$0xC1E0] =	vst v2  }
0x3d: {  	v2 =	vld [tilespmem:s26+$0x8190];
	[tilespmem:s25+$0xC1F0] =	vst v3;
	s25 =	smov.u32 s26  }
0x3e: {  	v8 =	vld [tilespmem:s25+$0x41A0];
	v0 =	vsub.f32 v0, v6  }
0x3f: {  	v6 =	vld [tilespmem:s25+$0x81A0]  }
.Ltmp0:
0x40: {  	v3 =	vsub.f32 v4, v5;
	v4 =	vld [tilespmem:s25+$0x180];
	[tilespmem:s25+$0xC1B0] =	vst v0;
	(pc) =	sbr.rel @p0 .LBB2_3-.Ltmp0, $4  }
0x41: {  	v1 =	vld [tilespmem:s25+$0x190]  }
0x42: {  	[tilespmem:s25+$0xC180] =	vst v3;
	v5 =	vsub.f32 v7, v2;
	v2 =	vld [tilespmem:s25+$0x1A0]  }
0x43: {  	s26 =	sshra.s32 s28, $0x2;
	v3 =	vld [tilespmem:s25+$0x1B0]  }
0x44: {  	s28 =	sadd.s32 $0x200, s28;
	v0 =	vld [tilespmem:s26+$0x41B0];
	[tilespmem:s25+$0xC190] =	vst v5;
	v5 =	vsub.f32 v8, v6  }
0x45: {  	v6 =	vld [tilespmem:s26+$0x81B0];
	[tilespmem:s25+$0xC1C0] =	vst v4  }
0x46: {  	v4 =	vld [tilespmem:s26+$0x4180];
	[tilespmem:s25+$0xC1A0] =	vst v5  }
0x47: {  	v5 =	vld [tilespmem:s26+$0x8180];
	[tilespmem:s25+$0xC1D0] =	vst v1  }
0x48: {  	v1 =	vld [tilespmem:s26+$0x4190];
	[tilespmem:s25+$0xC1E0] =	vst v2  }
0x49: {  	v2 =	vld [tilespmem:s26+$0x8190];
	[tilespmem:s25+$0xC1F0] =	vst v3  }
0x4a: {  	v3 =	vld [tilespmem:s26+$0x41A0]  }
0x4b: {  	v59 =	vld [tilespmem:s26+$0x81A0]  }
0x4c: {  	v7 =	vld [tilespmem:s26+$0x180]  }
0x4d: {  	v0 =	vsub.f32 v0, v6;
	v60 =	vld [tilespmem:s26+$0x190]  }
0x4e: {  	v61 =	vld [tilespmem:s26+$0x1A0];
	v4 =	vsub.f32 v4, v5  }
0x4f: {  	v62 =	vld [tilespmem:s26+$0x1B0];
	[tilespmem:s26+$0xC1B0] =	vst v0  }
0x50: {  	[tilespmem:s26+$0xC180] =	vst v4  }
0x51: {  	[tilespmem:s26+$0xC1C0] =	vst v7  }
0x52: {  	[tilespmem:s26+$0xC1D0] =	vst v60  }
0x53: {  	v1 =	vsub.f32 v1, v2;
	[tilespmem:s26+$0xC1E0] =	vst v61  }
0x54: {  	s23 =	sadd.s32 $0x1, s23;
	v63 =	vsub.f32 v3, v59;
	[tilespmem:s26+$0xC1F0] =	vst v62  }
0x55: {  	s24 =	sshll.u32 s24, $0x4;
	p0 =	sne.s32 s23, $0x28;
	[tilespmem:s26+$0xC190] =	vst v1  }
.Ltmp1:
0x56: {  	s24 =	sadd.s32 s9, s24;
	[tilespmem:s26+$0xC1A0] =	vst v63;
	(pc) =	sbr.rel @p0 .LBB2_2-.Ltmp1, $4  }
0x57: {  	[hbm4b:s24+s1] =	stream.linear.scatter [tilespmem:s21], [sflag:$0x4], $0x4000, $0x38;
	[tilespmem:$0x10180] =	vst v63  }
0x58: {  	_ =	swait.ge [sflag:s12], $0x4000  }
0x59: {  	[sflag:s12] =	ssyncset.done $0x0  }
0x5a: {  	[sflag:s12] =	ssyncadd.s32 $0xFFFFC000  }
0x5b: {  	s22 =	sadd.s32 $0x1, s22  }
0x5c: {  	p0 =	sne.s32 s22, s11  }
.Ltmp2:
0x5d: {  	_ = 	snop;
	(pc) =	sbr.rel @p0 .LBB2_1-.Ltmp2, $1  }
0x5e: {  	_ =	sdelay $0x3  }
0x5f: {  	_ =	sfence.sel $0x180000  }
0x60: {  	[bflag:$0x0] =	sbarrier.arrive $0xFFFF  }
0x61: {  	p0 =	sne.s32 s3, $0x0;
	_ =	strace $0x90000053  }
0x62: {  	s0 =	sadd.s32 @!p0 $0x100000, s0;
	[bflag:$0x2] =	sbarrier.arrive $0xFFFF  }
0x63: {  	[sflag:s0] =	ssyncadd.tile.s32 @!p0 $0x1;
	_ =	shalt  }
.Lfunc_end2:
_tile_overlayer_lowered:
.L_overlay_start_2:
0x64: {  	(tag) =	ssettag $0x2  }
0x65: {  	s0 =	rddreg [dreg:$0x0];
	s2 =	stileid.u32  }
0x66: {  	s1 =	rddreg [dreg:$0x1];
	p0 =	sne.s32 s2, $0x0  }
0x67: {  	s3 =	rddreg [dreg:$0x2];
	[bflag:$0x3] =	sbarrier.arrive $0xFFFF;
	s2 =	simm.s32 @!p0 $0x1C04  }
0x68: {  	[timem:s3], [sflag:s2] =	dma.local @!p0 [hbm:s0], s1  }
0x69: {  	s0 =	simm.s32 @!p0 $0x4  }
0x6a: {  	_ =	swait.ge @!p0 [sflag:s0], s1  }
0x6b: {  	s1 =	ssub.s32 @!p0 $0x0, s1;
	[sflag:s0] =	ssyncset.done @!p0 $0x0  }
0x6c: {  	[sflag:s0] =	ssyncadd.s32 @!p0 s1  }
0x6d: {  	[bflag:$0x3] =	sbarrier.arrive $0xFFFF  }
0x6e: {  	_ =	shalt  }

// kernel: kernel.24.cloned.1.call-start
scs
__scs_entry_jumppad:
0x0: {  	(pc) =	sbr.rel $0x88, $3  }
0x1: {  	(tag) =	ssettag $0x0;
	lr =	simm.s32 $0x1  }
0x2: {  	[smem:$0x3F84] =	sst lr;
	_ =	strace $0xD0000000  }
0x3: {  	_ = 	snop  }
0x4: {  	_ = 	snop  }
0x5: {  	_ = 	snop  }
0x6: {  	_ = 	snop  }
0x7: {  	_ = 	snop  }
__scs_overlays_trampoline_lowered:
0x8: {  	[smem:$0x3F93] =	sst s0  }
0x9: {  	[smem:$0x3F94] =	sst s1  }
0xa: {  	[smem:$0x3F95] =	sst s2  }
0xb: {  	[smem:$0x3F96] =	sst s3  }
0xc: {  	[smem:$0x3F97] =	sst s4  }
0xd: {  	[smem:$0x3F98] =	sst s5  }
0xe: {  	[smem:$0x3F99] =	sst s6  }
0xf: {  	[smem:$0x3F9A] =	sst s7  }
0x10: {  	[smem:$0x3F9B] =	sst s8  }
0x11: {  	[smem:$0x3F9C] =	sst s9;
	s0 =	simm.s32 @!p0 $0x0  }
0x12: {  	s1 =	sld [smem:$0x3F82];
	s0 =	simm.s32 @p0 $0x1  }
0x13: {  	[smem:$0x3F9D] =	sst s0;
	s0 =	simm.s32 @!p1 $0x0  }
0x14: {  	s2 =	sld [smem:$0x3F81];
	s0 =	simm.s32 @p1 $0x1  }
0x15: {  	[smem:$0x3F9E] =	sst s0;
	s0 =	simm.s32 @!p2 $0x0  }
0x16: {  	s3 =	sld [smem:$0x3FDB];
	s0 =	simm.s32 @p2 $0x1  }
0x17: {  	s4 =	simm.s32 $0x1BF5;
	[smem:$0x3FA0] =	sst s0  }
0x18: {  	s0 =	sld [smem:$0x3F83];
	_ =	swait.ge [sflag:s4], $0x0  }
0x19: {  	s7 =	sld [smem:$0x3F84]  }
0x1a: {  	s8 =	sadd.s32 $0xFFFFE003, lr  }
0x1b: {  	s9 =	sadd.s32 $0xFFFFFEF7, lr;
	s5 =	simm.s32 $0xFFFFFFFF;
	p2 =	slt.u32 s8, $0xFFFFF086  }
0x1c: {  	p1 =	slt.u32 s9, $0xF7A;
	s5 =	simm.s32 @!p2 $0x0  }
0x1d: {  	s5 =	simm.s32 @p1 $0x1;
	p0 =	seq.s32 s7, s2  }
0x1e: {  	s7 =	smul.u32 @!p0 $0xF7A, s2;
	p2 =	seq.s32 @!p0 s5, $0x0  }
0x1f: {  	s9 =	smul.u32 $0xF7A, s1;
	s8 =	simm.s32 @!p0 $0x1BF5;
	p2 =	por !p2, p0  }
0x20: {  	[sflag:s8] =	ssyncset.s32 @!p0 $0xFFFFF086;
	s6 =	sadd.s32 @!p0 s3, s7;
	s7 =	simm.s32 @!p0 $0x108  }
0x21: {  	s3 =	sadd.s32 s3, s9;
	s6 =	sadd.s32 @!p0 $0x88, s6;
	s7 =	simm.s32 @p2 $0x1082  }
0x22: {  	[simem:s7], [sflag:s8] =	dma.local @!p0 [hbm:s6], $0xF7A  }
0x23: {  	s9 =	sor.u32 $0xD0000000, s2;
	s6 =	simm.s32 $0x108;
	_ =	swait.ge @!p0 [sflag:s8], $0x0  }
0x24: {  	s3 =	sadd.s32 $0x88, s3;
	s6 =	simm.s32 @!p1 $0x1082;
	[sflag:s4] =	ssyncset.s32 $0xFFFFF086  }
0x25: {  	[simem:s6], [sflag:s4] =	dma.local [hbm:s3], $0xF7A  }
0x26: {  	[smem:$0x3F84] =	sst s1;
	(tag) =	ssettag s2;
	_ =	strace s9  }
0x27: {  	s1 =	sld [smem:$0x3F94]  }
0x28: {  	s2 =	sld [smem:$0x3F95]  }
0x29: {  	s4 =	sld [smem:$0x3F97]  }
0x2a: {  	p0 =	seq.s32 s5, $0x0;
	s5 =	sld [smem:$0x3F98]  }
0x2b: {  	s6 =	sld [smem:$0x3F99]  }
0x2c: {  	s7 =	sld [smem:$0x3F9A]  }
0x2d: {  	s3 =	simm.s32 $0x108;
	s8 =	sld [smem:$0x3F9B]  }
0x2e: {  	s3 =	simm.s32 @!p0 $0x1082;
	s9 =	sld [smem:$0x3F9C]  }
0x2f: {  	lr =	sadd.s32 s0, s3;
	s0 =	sld [smem:$0x3F93]  }
0x30: {  	s3 =	sld [smem:$0x3F96]  }
0x31: {  	[smem:$0x3F9F] =	sst s10  }
0x32: {  	s10 =	sld [smem:$0x3F9D];
	_ =	sdelay $0x3  }
0x33: {  	p0 =	seq.s32 s10, $0x1;
	s10 =	sld [smem:$0x3F9F];
	_ =	sdelay $0x3  }
0x34: {  	[smem:$0x3F9F] =	sst s10  }
0x35: {  	s10 =	sld [smem:$0x3F9E];
	_ =	sdelay $0x3  }
0x36: {  	p1 =	seq.s32 s10, $0x1;
	s10 =	sld [smem:$0x3F9F];
	_ =	sdelay $0x3  }
0x37: {  	[smem:$0x3F9F] =	sst s10  }
0x38: {  	s10 =	sld [smem:$0x3FA0]  }
0x39: {  	_ = 	snop;
	(pc) =	sbr.ind lr, $3  }
0x3a: {  	_ = 	snop  }
0x3b: {  	_ = 	snop  }
0x3c: {  	p2 =	seq.s32 s10, $0x1;
	s10 =	sld [smem:$0x3F9F]  }
0x3d: {  	_ =	shalt  }
0x3e: {  	_ =	shalt  }
0x3f: {  	_ =	shalt  }
0x40: {  	_ =	shalt  }
0x41: {  	_ =	shalt  }
0x42: {  	_ =	shalt  }
0x43: {  	_ =	shalt  }
0x44: {  	_ =	shalt  }
0x45: {  	_ =	shalt  }
0x46: {  	_ =	shalt  }
0x47: {  	_ =	shalt  }
0x48: {  	_ =	shalt  }
0x49: {  	_ =	shalt  }
0x4a: {  	_ =	shalt  }
0x4b: {  	_ =	shalt  }
0x4c: {  	_ =	shalt  }
0x4d: {  	_ =	shalt  }
0x4e: {  	_ =	shalt  }
0x4f: {  	_ =	shalt  }
0x50: {  	_ =	shalt  }
0x51: {  	_ =	shalt  }
0x52: {  	_ =	shalt  }
0x53: {  	_ =	shalt  }
0x54: {  	_ =	shalt  }
0x55: {  	_ =	shalt  }
0x56: {  	_ =	shalt  }
0x57: {  	_ =	shalt  }
0x58: {  	_ =	shalt  }
0x59: {  	_ =	shalt  }
0x5a: {  	_ =	shalt  }
0x5b: {  	_ =	shalt  }
0x5c: {  	_ =	shalt  }
0x5d: {  	_ =	shalt  }
0x5e: {  	_ =	shalt  }
0x5f: {  	_ =	shalt  }
0x60: {  	_ =	shalt  }
0x61: {  	_ =	shalt  }
0x62: {  	_ =	shalt  }
0x63: {  	_ =	shalt  }
0x64: {  	_ =	shalt  }
0x65: {  	_ =	shalt  }
0x66: {  	_ =	shalt  }
0x67: {  	_ =	shalt  }
0x68: {  	_ =	shalt  }
0x69: {  	_ =	shalt  }
0x6a: {  	_ =	shalt  }
0x6b: {  	_ =	shalt  }
0x6c: {  	_ =	shalt  }
0x6d: {  	_ =	shalt  }
0x6e: {  	_ =	shalt  }
0x6f: {  	_ =	shalt  }
0x70: {  	_ =	shalt  }
0x71: {  	_ =	shalt  }
0x72: {  	_ =	shalt  }
0x73: {  	_ =	shalt  }
0x74: {  	_ =	shalt  }
0x75: {  	_ =	shalt  }
0x76: {  	_ =	shalt  }
0x77: {  	_ =	shalt  }
0x78: {  	_ =	shalt  }
0x79: {  	_ =	shalt  }
0x7a: {  	_ =	shalt  }
0x7b: {  	_ =	shalt  }
0x7c: {  	_ =	shalt  }
0x7d: {  	_ =	shalt  }
0x7e: {  	_ =	shalt  }
0x7f: {  	_ =	shalt  }
0x80: {  	_ =	shalt  }
0x81: {  	_ =	shalt  }
0x82: {  	_ =	shalt  }
0x83: {  	_ =	shalt  }
0x84: {  	_ =	shalt  }
0x85: {  	_ =	shalt  }
0x86: {  	_ =	shalt  }
0x87: {  	_ =	shalt  }
.Lfunc_end0:
.L_simem_size_0:
called_computation.6_lowered:
.L_overlay_start_0:
0x88: {  	s2 =	sld [smem:$0x3FD9]  }
0x89: {  	s3 =	sld [smem:$0x3FFE];
	_ =	sdelay $0x1  }
0x8a: {  	s1 =	srdreg.scid  }
0x8b: {  	s0 =	sand.u32 $0x1, s1  }
0x8c: {  	s16 =	sshll.u32 s0, $0xA;
	s2 =	sadd.s32 s3, s2  }
0x8d: {  	s2 =	sadd.s32 s2, s16  }
0x8e: {  	[smem:$0x3FAB] =	sst s2  }
0x8f: {  	_ = 	snop  }
0x90: {  	(tm) =	ssettm $0x1  }
0x91: {  	s17 =	sld [smem:$0x3FFB];
	_ =	sdelay $0x3  }
0x92: {  	_ =	strace s17  }
0x93: {  	s2 =	sld [smem:$0x3FFC];
	_ =	sdelay $0x3  }
0x94: {  	_ =	strace s2  }
0x95: {  	s2 =	sld [smem:$0x3FFD];
	_ =	sdelay $0x3  }
0x96: {  	_ =	strace s2  }
0x97: {  	_ =	strace $0x8FFFFFFF  }
0x98: {  	s18 =	sld [smem:$0x3FDB];
	_ =	sdelay $0x1  }
0x99: {  	s19 =	simm.s32 $_scs_section_size  }
0x9a: {  	s4 =	simm.s32 $_size__tile_overlayer_lowered;
	s5 =	simm.s32 $_tile_overlayer_lowered  }
0x9b: {  	s22 =	simm.s32 $0x1BFF;
	s21 =	sshll.u32 s5, $0x1;
	s2 =	sadd.s32 s19, s18  }
0x9c: {  	s6 =	simm.s32 $0x0;
	s20 =	sshll.u32 s4, $0x1;
	s4 =	sadd.s32 s21, s2  }
0x9d: {  	[timem:s6], [sflag:s22] =	dma.local [hbm:s4], s20  }
0x9e: {  	_ =	swait.ge [sflag:s22], s20  }
0x9f: {  	s3 =	ssub.s32 $0x0, s20;
	[sflag:s22] =	ssyncset.done $0x0  }
0xa0: {  	[sflag:s22] =	ssyncadd.s32 s3;
	_ =	sdelay $0x1  }
0xa1: {  	s23 =	simm.s32 $0x1B8B  }
0xa2: {  	_ =	swait.ge [sflag:s23], $0x1  }
0xa3: {  	[sflag:s23] =	ssyncset.done $0x0  }
0xa4: {  	s25 =	simm.s32 $0x1B8E;
	s24 =	sld [smem:$0x3FFE];
	[sflag:s23] =	ssyncadd.s32 $0xFFFFFFFF  }
0xa5: {  	s26 =	simm.s32 $execute0_lowered;
	[smem:$0x3FD2] =	sst s25  }
0xa6: {  	s4 =	sshll.u32 s26, $0x1;
	_ =	strace $0x80000055;
	[dreg:$0x1] =	wrdreg $0xFFFFFFFF  }
0xa7: {  	s28 =	simm.s32 $_size_execute0_lowered;
	s2 =	sadd.s32 s2, s4;
	[dreg:$0x0] =	wrdreg $0x0  }
0xa8: {  	s4 =	sshll.u32 s28, $0x1;
	[dreg:$0x2] =	wrdreg s2  }
0xa9: {  	[dreg:$0x3] =	wrdreg s4  }
0xaa: {  	[dreg:$0x4] =	wrdreg $0xC0  }
0xab: {  	_ =	task [dreg:s6], $0x5FFFF  }
0xac: {  	[dreg:$0x1] =	wrdreg $0xFFFFFFFF  }
0xad: {  	[dreg:$0x0] =	wrdreg $0x60  }
0xae: {  	[dreg:$0x2] =	wrdreg s24  }
0xaf: {  	[dreg:$0x3] =	wrdreg $0x0  }
0xb0: {  	[dreg:$0x4] =	wrdreg $0x9  }
0xb1: {  	_ =	task.clear_ibuf [dreg:s6], $0x5FFFF;
	_ =	strace $0x90000055  }
0xb2: {  	s29 =	simm.s32 $0x9;
	_ =	strace $0x80000057  }
0xb3: {  	_ =	swait.ge [sflag:s29], $0x1  }
0xb4: {  	[sflag:s29] =	ssyncadd.s32 $0xFFFFFFFF  }
0xb5: {  	_ =	strace $0x90000057  }
0xb6: {  	_ =	sfence  }
0xb7: {  	s30 =	sld [smem:$0x0];
	_ =	sdelay $0x2  }
0xb8: {  	s31 =	sshll.u32 s1, $0xD;
	s1 =	sshrl.u32 s1, $0x2  }
0xb9: {  	s3 =	sand.u32 $0x4000, s31;
	s1 =	sadd.s32 s1, s30  }
0xba: {  	s0 =	sor.u32 s3, s0;
	s1 =	sshll.u32 s1, $0x11  }
0xbb: {  	s0 =	sor.u32 s1, s0  }
0xbc: {  	s0 =	sadd.s32 $0x8F2B, s0  }
0xbd: {  	[sflag:s0] =	ssyncadd.remote.s32 $0x1  }
0xbe: {  	_ =	sfence.sel $0xFFFF  }
0xbf: {  	[dreg:$0x0] =	wrdreg $0xFFFFFFFF;
	(pc) =	sbr.abs _section_cstart, $3  }
0xc0: {  	[dreg:$0x1] =	wrdreg $0xFFFFFFFF  }
0xc1: {  	_ =	task.clear_ibuf [dreg:s6], $0x2FFFF;
	_ =	strace $0x9FFFFFFF  }
0xc2: {  	(tm) =	ssettm $0x7FFFFFFF  }
0xc3: {  	_ =	shalt  }
tec
execute0_lowered:
.L_overlay_start_1:
0x0: {  	(tag) =	ssettag $0x1  }
0x1: {  	s5 =	rddreg [dreg:$0x0]  }
0x2: {  	s2 =	rddreg [dreg:$0x1]  }
0x3: {  	s0 =	rddreg [dreg:$0x2]  }
0x4: {  	s1 =	stileid.u32;
	s6 =	srdreg.scid  }
0x5: {  	s3 =	simm.s32 $0x0;
	s15 =	simm.s32 $0x14000;
	s4 =	smul.u32 $0x28000, s1  }
0x6: {  	s16 =	simm.s32 $0x1;
	s17 =	simm.s32 $0x18000;
	s7 =	smul.u32 $0x500, s1  }
0x7: {  	s18 =	simm.s32 $0x80;
	s21 =	simm.s32 $0x0;
	s9 =	smul.u32 $0x14000, s1  }
0x8: {  	s6 =	sand.u32 $0x1, s6;
	[smem:$0x7FF] =	sst s3;
	s30 =	smul.u32 $0x50000, s1  }
0x9: {  	s19 =	sshll.u32 s1, $0x6;
	s8 =	smul.u32 $0x140000, s6;
	_ =	strace $0x80000056  }
0xa: {  	s31 =	ssub.s32 $0x2, s6;
	p0 =	seq.s32 s6, $0x1;
	s19 =	sor.u32 $0x1C01, s19  }
0xb: {  	s12 =	sadd.s32 s4, s5;
	s14 =	sadd.s32 s7, s5;
	s4 =	sadd.s32 $0xEC00, s5  }
0xc: {  	s10 =	sshrl.u32 s31, $0x1;
	s7 =	sshrl.u32 s30, $0x2;
	s8 =	sadd.s32 s9, s8  }
.Ltmp0:
0xd: {  	s9 =	ssub.s32 s31, s10;
	s12 =	sadd.s32 $0x37D600, s12;
	(pc) =	sbr.rel .LBB2_1-.Ltmp0, $4  }
0xe: {  	s13 =	sadd.s32 $0x13C00, s14;
	s14 =	sadd.s32 $0x22C00, s14;
	s8 =	sshrl.u32 s8, $0x3  }
0xf: {  	s8 =	sadd.s32 s8, s5;
	s5 =	sadd.s32 s7, s2;
	s7 =	smax.u32 s9, $0x1  }
0x10: {  	s6 =	sadd.s32 $0x27C00, s8;
	s8 =	sadd.s32 $0x4000, s5;
	s9 =	sadd.s32 $0x8000, s5  }
0x11: {  	s10 =	sadd.s32 $0xC000, s5;
	s11 =	sadd.s32 $0x10000, s5;
	s20 =	sshrl.u32 s5, $0x3  }
.LBB2_7:
0x12: {  	[sflag:s16] =	ssyncadd.s32 $0xFFFFC000  }
.LBB2_8:
0x13: {  	s21 =	sadd.s32 $0x1, s21  }
0x14: {  	p1 =	sne.s32 s21, s7  }
.Ltmp1:
0x15: {  	[bflag:$0x0] =	sbarrier.arrive $0xFFFF;
	(pc) =	sbr.rel @!p1 .LBB2_9-.Ltmp1, $4  }
0x16: {  	[hbm:s6], [sflag:s19] =	dma.local [spmem:s20], $0x2800  }
0x17: {  	_ =	swait.ge [sflag:s16], $0x2800  }
0x18: {  	[sflag:s16] =	ssyncset.done $0x0  }
0x19: {  	[sflag:s16] =	ssyncadd.s32 $0xFFFFD800  }
.LBB2_1:
0x1a: {  	[tilespmem:s15], [sflag:$0x1] =	stream.linear.gather [hbm4b:s4+s3], $0x4000, $0x38;
	[tilespmem:$0x18080] =	vst v63  }
0x1b: {  	_ =	swait.ge [sflag:s16], $0x4000  }
0x1c: {  	[sflag:s16] =	ssyncset.done $0x0  }
0x1d: {  	[sflag:s16] =	ssyncadd.s32 $0xFFFFC000  }
0x1e: {  	[spmem:s5] =	stream.linear.scatter [tilespmem:s15], [sflag:$0x1], $0x4000, $0x38;
	[tilespmem:$0x18080] =	vst v63  }
0x1f: {  	_ =	swait.ge [sflag:s16], $0x4000  }
0x20: {  	[sflag:s16] =	ssyncset.done $0x0  }
0x21: {  	[sflag:s16] =	ssyncadd.s32 $0xFFFFC000  }
0x22: {  	[spmem:s8] =	stream.linear.scatter [tilespmem:s15], [sflag:$0x1], $0x4000, $0x38;
	[tilespmem:$0x18080] =	vst v63  }
0x23: {  	_ =	swait.ge [sflag:s16], $0x4000  }
0x24: {  	[sflag:s16] =	ssyncset.done $0x0  }
0x25: {  	[sflag:s16] =	ssyncadd.s32 $0xFFFFC000  }
0x26: {  	[spmem:s9] =	stream.linear.scatter [tilespmem:s15], [sflag:$0x1], $0x4000, $0x38;
	[tilespmem:$0x18080] =	vst v63  }
0x27: {  	_ =	swait.ge [sflag:s16], $0x4000  }
0x28: {  	[sflag:s16] =	ssyncset.done $0x0  }
0x29: {  	[sflag:s16] =	ssyncadd.s32 $0xFFFFC000  }
0x2a: {  	[spmem:s10] =	stream.linear.scatter [tilespmem:s15], [sflag:$0x1], $0x4000, $0x38;
	[tilespmem:$0x18080] =	vst v63  }
0x2b: {  	_ =	swait.ge [sflag:s16], $0x4000  }
0x2c: {  	[sflag:s16] =	ssyncset.done $0x0  }
0x2d: {  	[sflag:s16] =	ssyncadd.s32 $0xFFFFC000  }
0x2e: {  	[spmem:s11] =	stream.linear.scatter [tilespmem:s15], [sflag:$0x1], $0x4000, $0x38;
	[tilespmem:$0x18080] =	vst v63  }
.Ltmp2:
0x2f: {  	_ =	swait.ge [sflag:s16], $0x4000;
	(pc) =	sbr.rel @!p0 .LBB2_2-.Ltmp2, $3  }
0x30: {  	[sflag:s16] =	ssyncset.done $0x0  }
0x31: {  	[sflag:s16] =	ssyncadd.s32 $0xFFFFC000  }
0x32: {  	[bflag:$0x0] =	sbarrier.arrive $0xFFFF;
	_ =	sdelay $0x1  }
0x33: {  	[tilespmem:s15], [sflag:$0x1] =	stream.linear.gather [hbm4b:s12+s3], $0x4000, $0x38;
	[tilespmem:$0x18080] =	vst v63  }
0x34: {  	_ =	swait.ge [sflag:s16], $0x4000  }
0x35: {  	[sflag:s16] =	ssyncset.done $0x0  }
0x36: {  	s22 =	sadd.s32 $0x0, s14;
	[sflag:s16] =	ssyncadd.s32 $0xFFFFC000  }
0x37: {  	[tilespmem:s17], [sflag:$0x1] =	stream.linear.gather [hbm4b:s22+s3], $0x80, $0x38;
	[tilespmem:$0x18080] =	vst v63  }
0x38: {  	_ =	swait.ge [sflag:s16], $0x80  }
0x39: {  	[sflag:s16] =	ssyncset.done $0x0  }
0x3a: {  	[sflag:s16] =	ssyncadd.s32 $0xFFFFFF80  }
0x3b: {  	[spmem:s2] =	stream.indirect.scatter.add.f32 [tilespmem:s15], [sflag:$0x1], $0x80, s17, s18, $0xb8;
	[tilespmem:$0x18080] =	vst v63  }
0x3c: {  	_ =	swait.ge [sflag:s16], $0x4000  }
0x3d: {  	s23 =	smov.u32 s12;
	s22 =	simm.s32 $0x10;
	[sflag:s16] =	ssyncset.done $0x0  }
.LBB2_6:
0x3e: {  	p1 =	sne.s32 s22, $0x4F0;
	[sflag:s16] =	ssyncadd.s32 $0xFFFFC000;
	s23 =	sadd.s32 $0x800, s23  }
0x3f: {  	[tilespmem:s15], [sflag:$0x1] =	stream.linear.gather [hbm4b:s23+s3], $0x4000, $0x38;
	[tilespmem:$0x18080] =	vst v63  }
0x40: {  	s24 =	smov.u32 s22;
	s22 =	sadd.s32 $0x10, s22;
	_ =	swait.ge [sflag:s16], $0x4000  }
0x41: {  	[sflag:s16] =	ssyncset.done $0x0  }
0x42: {  	s24 =	sadd.s32 s24, s14;
	[sflag:s16] =	ssyncadd.s32 $0xFFFFC000  }
0x43: {  	[tilespmem:s17], [sflag:$0x1] =	stream.linear.gather [hbm4b:s24+s3], $0x80, $0x38;
	[tilespmem:$0x18080] =	vst v63  }
0x44: {  	_ =	swait.ge [sflag:s16], $0x80  }
.Ltmp3:
0x45: {  	[sflag:s16] =	ssyncset.done $0x0;
	(pc) =	sbr.rel @p1 .LBB2_6-.Ltmp3, $4  }
0x46: {  	[sflag:s16] =	ssyncadd.s32 $0xFFFFFF80  }
0x47: {  	[spmem:s2] =	stream.indirect.scatter.add.f32 [tilespmem:s15], [sflag:$0x1], $0x80, s17, s18, $0xb8;
	[tilespmem:$0x18080] =	vst v63  }
0x48: {  	_ =	swait.ge [sflag:s16], $0x4000  }
0x49: {  	[sflag:s16] =	ssyncset.done $0x0  }
.Ltmp4:
0x4a: {  	_ = 	snop;
	(pc) =	sbr.rel .LBB2_7-.Ltmp4, $1  }
0x4b: {  	_ =	sdelay $0x3  }
.LBB2_2:
0x4c: {  	[tilespmem:s15], [sflag:$0x1] =	stream.linear.gather [hbm4b:s12+s3], $0x4000, $0x38;
	[tilespmem:$0x18080] =	vst v63  }
0x4d: {  	_ =	swait.ge [sflag:s16], $0x4000  }
0x4e: {  	[sflag:s16] =	ssyncset.done $0x0  }
0x4f: {  	s22 =	sadd.s32 $0x0, s13;
	[sflag:s16] =	ssyncadd.s32 $0xFFFFC000  }
0x50: {  	[tilespmem:s17], [sflag:$0x1] =	stream.linear.gather [hbm4b:s22+s3], $0x80, $0x38;
	[tilespmem:$0x18080] =	vst v63  }
0x51: {  	_ =	swait.ge [sflag:s16], $0x80  }
0x52: {  	[sflag:s16] =	ssyncset.done $0x0  }
0x53: {  	[sflag:s16] =	ssyncadd.s32 $0xFFFFFF80  }
0x54: {  	[spmem:s2] =	stream.indirect.scatter.add.f32 [tilespmem:s15], [sflag:$0x1], $0x80, s17, s18, $0xb8;
	[tilespmem:$0x18080] =	vst v63  }
0x55: {  	_ =	swait.ge [sflag:s16], $0x4000  }
0x56: {  	s23 =	smov.u32 s12;
	s22 =	simm.s32 $0x10;
	[sflag:s16] =	ssyncset.done $0x0  }
.LBB2_3:
0x57: {  	p1 =	seq.s32 s22, $0x4F0;
	[sflag:s16] =	ssyncadd.s32 $0xFFFFC000;
	s23 =	sadd.s32 $0x800, s23  }
0x58: {  	[tilespmem:s15], [sflag:$0x1] =	stream.linear.gather [hbm4b:s23+s3], $0x4000, $0x38;
	[tilespmem:$0x18080] =	vst v63  }
0x59: {  	s24 =	smov.u32 s22;
	s22 =	sadd.s32 $0x10, s22;
	_ =	swait.ge [sflag:s16], $0x4000  }
0x5a: {  	[sflag:s16] =	ssyncset.done $0x0  }
0x5b: {  	s24 =	sadd.s32 s24, s13;
	[sflag:s16] =	ssyncadd.s32 $0xFFFFC000  }
0x5c: {  	[tilespmem:s17], [sflag:$0x1] =	stream.linear.gather [hbm4b:s24+s3], $0x80, $0x38;
	[tilespmem:$0x18080] =	vst v63  }
0x5d: {  	_ =	swait.ge [sflag:s16], $0x80  }
.Ltmp5:
0x5e: {  	[sflag:s16] =	ssyncset.done $0x0;
	(pc) =	sbr.rel @!p1 .LBB2_3-.Ltmp5, $4  }
0x5f: {  	[sflag:s16] =	ssyncadd.s32 $0xFFFFFF80  }
0x60: {  	[spmem:s2] =	stream.indirect.scatter.add.f32 [tilespmem:s15], [sflag:$0x1], $0x80, s17, s18, $0xb8;
	[tilespmem:$0x18080] =	vst v63  }
0x61: {  	_ =	swait.ge [sflag:s16], $0x4000  }
0x62: {  	[sflag:s16] =	ssyncset.done $0x0  }
.Ltmp6:
0x63: {  	(pc) =	sbr.rel .LBB2_8-.Ltmp6, $2  }
0x64: {  	_ =	sdelay $0x2  }
0x65: {  	[sflag:s16] =	ssyncadd.s32 $0xFFFFC000  }
.LBB2_9:
0x66: {  	_ =	sfence.sel $0x180000  }
0x67: {  	[bflag:$0x0] =	sbarrier.arrive $0xFFFF  }
0x68: {  	p0 =	sne.s32 s1, $0x0;
	_ =	strace $0x90000056  }
0x69: {  	s0 =	sadd.s32 @!p0 $0x100000, s0;
	[bflag:$0x2] =	sbarrier.arrive $0xFFFF  }
0x6a: {  	[sflag:s0] =	ssyncadd.tile.s32 @!p0 $0x1;
	_ =	shalt  }
.Lfunc_end2:
_tile_overlayer_lowered:
.L_overlay_start_2:
0x6b: {  	(tag) =	ssettag $0x2  }
0x6c: {  	s0 =	rddreg [dreg:$0x0];
	s2 =	stileid.u32  }
0x6d: {  	s1 =	rddreg [dreg:$0x1];
	p0 =	sne.s32 s2, $0x0  }
0x6e: {  	s3 =	rddreg [dreg:$0x2];
	[bflag:$0x3] =	sbarrier.arrive $0xFFFF;
	s2 =	simm.s32 @!p0 $0x1C01  }
0x6f: {  	[timem:s3], [sflag:s2] =	dma.local @!p0 [hbm:s0], s1  }
0x70: {  	s0 =	simm.s32 @!p0 $0x1  }
0x71: {  	_ =	swait.ge @!p0 [sflag:s0], s1  }
0x72: {  	s1 =	ssub.s32 @!p0 $0x0, s1;
	[sflag:s0] =	ssyncset.done @!p0 $0x0  }
0x73: {  	[sflag:s0] =	ssyncadd.s32 @!p0 s1  }
0x74: {  	[bflag:$0x3] =	sbarrier.arrive $0xFFFF  }
0x75: {  	_ =	shalt  }

// kernel: kernel.27.cloned.1.call-start
scs
__scs_entry_jumppad:
0x0: {  	(pc) =	sbr.rel $0x88, $3  }
0x1: {  	(tag) =	ssettag $0x0;
	lr =	simm.s32 $0x1  }
0x2: {  	[smem:$0x3F84] =	sst lr;
	_ =	strace $0xD0000000  }
0x3: {  	_ = 	snop  }
0x4: {  	_ = 	snop  }
0x5: {  	_ = 	snop  }
0x6: {  	_ = 	snop  }
0x7: {  	_ = 	snop  }
__scs_overlays_trampoline_lowered:
0x8: {  	[smem:$0x3F93] =	sst s0  }
0x9: {  	[smem:$0x3F94] =	sst s1  }
0xa: {  	[smem:$0x3F95] =	sst s2  }
0xb: {  	[smem:$0x3F96] =	sst s3  }
0xc: {  	[smem:$0x3F97] =	sst s4  }
0xd: {  	[smem:$0x3F98] =	sst s5  }
0xe: {  	[smem:$0x3F99] =	sst s6  }
0xf: {  	[smem:$0x3F9A] =	sst s7  }
0x10: {  	[smem:$0x3F9B] =	sst s8  }
0x11: {  	[smem:$0x3F9C] =	sst s9;
	s0 =	simm.s32 @!p0 $0x0  }
0x12: {  	s1 =	sld [smem:$0x3F82];
	s0 =	simm.s32 @p0 $0x1  }
0x13: {  	[smem:$0x3F9D] =	sst s0;
	s0 =	simm.s32 @!p1 $0x0  }
0x14: {  	s2 =	sld [smem:$0x3F81];
	s0 =	simm.s32 @p1 $0x1  }
0x15: {  	[smem:$0x3F9E] =	sst s0;
	s0 =	simm.s32 @!p2 $0x0  }
0x16: {  	s3 =	sld [smem:$0x3FDB];
	s0 =	simm.s32 @p2 $0x1  }
0x17: {  	s4 =	simm.s32 $0x1BF5;
	[smem:$0x3FA0] =	sst s0  }
0x18: {  	s0 =	sld [smem:$0x3F83];
	_ =	swait.ge [sflag:s4], $0x0  }
0x19: {  	s7 =	sld [smem:$0x3F84]  }
0x1a: {  	s8 =	sadd.s32 $0xFFFFE003, lr  }
0x1b: {  	s9 =	sadd.s32 $0xFFFFFEF7, lr;
	s5 =	simm.s32 $0xFFFFFFFF;
	p2 =	slt.u32 s8, $0xFFFFF086  }
0x1c: {  	p1 =	slt.u32 s9, $0xF7A;
	s5 =	simm.s32 @!p2 $0x0  }
0x1d: {  	s5 =	simm.s32 @p1 $0x1;
	p0 =	seq.s32 s7, s2  }
0x1e: {  	s7 =	smul.u32 @!p0 $0xF7A, s2;
	p2 =	seq.s32 @!p0 s5, $0x0  }
0x1f: {  	s9 =	smul.u32 $0xF7A, s1;
	s8 =	simm.s32 @!p0 $0x1BF5;
	p2 =	por !p2, p0  }
0x20: {  	[sflag:s8] =	ssyncset.s32 @!p0 $0xFFFFF086;
	s6 =	sadd.s32 @!p0 s3, s7;
	s7 =	simm.s32 @!p0 $0x108  }
0x21: {  	s3 =	sadd.s32 s3, s9;
	s6 =	sadd.s32 @!p0 $0x88, s6;
	s7 =	simm.s32 @p2 $0x1082  }
0x22: {  	[simem:s7], [sflag:s8] =	dma.local @!p0 [hbm:s6], $0xF7A  }
0x23: {  	s9 =	sor.u32 $0xD0000000, s2;
	s6 =	simm.s32 $0x108;
	_ =	swait.ge @!p0 [sflag:s8], $0x0  }
0x24: {  	s3 =	sadd.s32 $0x88, s3;
	s6 =	simm.s32 @!p1 $0x1082;
	[sflag:s4] =	ssyncset.s32 $0xFFFFF086  }
0x25: {  	[simem:s6], [sflag:s4] =	dma.local [hbm:s3], $0xF7A  }
0x26: {  	[smem:$0x3F84] =	sst s1;
	(tag) =	ssettag s2;
	_ =	strace s9  }
0x27: {  	s1 =	sld [smem:$0x3F94]  }
0x28: {  	s2 =	sld [smem:$0x3F95]  }
0x29: {  	s4 =	sld [smem:$0x3F97]  }
0x2a: {  	p0 =	seq.s32 s5, $0x0;
	s5 =	sld [smem:$0x3F98]  }
0x2b: {  	s6 =	sld [smem:$0x3F99]  }
0x2c: {  	s7 =	sld [smem:$0x3F9A]  }
0x2d: {  	s3 =	simm.s32 $0x108;
	s8 =	sld [smem:$0x3F9B]  }
0x2e: {  	s3 =	simm.s32 @!p0 $0x1082;
	s9 =	sld [smem:$0x3F9C]  }
0x2f: {  	lr =	sadd.s32 s0, s3;
	s0 =	sld [smem:$0x3F93]  }
0x30: {  	s3 =	sld [smem:$0x3F96]  }
0x31: {  	[smem:$0x3F9F] =	sst s10  }
0x32: {  	s10 =	sld [smem:$0x3F9D];
	_ =	sdelay $0x3  }
0x33: {  	p0 =	seq.s32 s10, $0x1;
	s10 =	sld [smem:$0x3F9F];
	_ =	sdelay $0x3  }
0x34: {  	[smem:$0x3F9F] =	sst s10  }
0x35: {  	s10 =	sld [smem:$0x3F9E];
	_ =	sdelay $0x3  }
0x36: {  	p1 =	seq.s32 s10, $0x1;
	s10 =	sld [smem:$0x3F9F];
	_ =	sdelay $0x3  }
0x37: {  	[smem:$0x3F9F] =	sst s10  }
0x38: {  	s10 =	sld [smem:$0x3FA0]  }
0x39: {  	_ = 	snop;
	(pc) =	sbr.ind lr, $3  }
0x3a: {  	_ = 	snop  }
0x3b: {  	_ = 	snop  }
0x3c: {  	p2 =	seq.s32 s10, $0x1;
	s10 =	sld [smem:$0x3F9F]  }
0x3d: {  	_ =	shalt  }
0x3e: {  	_ =	shalt  }
0x3f: {  	_ =	shalt  }
0x40: {  	_ =	shalt  }
0x41: {  	_ =	shalt  }
0x42: {  	_ =	shalt  }
0x43: {  	_ =	shalt  }
0x44: {  	_ =	shalt  }
0x45: {  	_ =	shalt  }
0x46: {  	_ =	shalt  }
0x47: {  	_ =	shalt  }
0x48: {  	_ =	shalt  }
0x49: {  	_ =	shalt  }
0x4a: {  	_ =	shalt  }
0x4b: {  	_ =	shalt  }
0x4c: {  	_ =	shalt  }
0x4d: {  	_ =	shalt  }
0x4e: {  	_ =	shalt  }
0x4f: {  	_ =	shalt  }
0x50: {  	_ =	shalt  }
0x51: {  	_ =	shalt  }
0x52: {  	_ =	shalt  }
0x53: {  	_ =	shalt  }
0x54: {  	_ =	shalt  }
0x55: {  	_ =	shalt  }
0x56: {  	_ =	shalt  }
0x57: {  	_ =	shalt  }
0x58: {  	_ =	shalt  }
0x59: {  	_ =	shalt  }
0x5a: {  	_ =	shalt  }
0x5b: {  	_ =	shalt  }
0x5c: {  	_ =	shalt  }
0x5d: {  	_ =	shalt  }
0x5e: {  	_ =	shalt  }
0x5f: {  	_ =	shalt  }
0x60: {  	_ =	shalt  }
0x61: {  	_ =	shalt  }
0x62: {  	_ =	shalt  }
0x63: {  	_ =	shalt  }
0x64: {  	_ =	shalt  }
0x65: {  	_ =	shalt  }
0x66: {  	_ =	shalt  }
0x67: {  	_ =	shalt  }
0x68: {  	_ =	shalt  }
0x69: {  	_ =	shalt  }
0x6a: {  	_ =	shalt  }
0x6b: {  	_ =	shalt  }
0x6c: {  	_ =	shalt  }
0x6d: {  	_ =	shalt  }
0x6e: {  	_ =	shalt  }
0x6f: {  	_ =	shalt  }
0x70: {  	_ =	shalt  }
0x71: {  	_ =	shalt  }
0x72: {  	_ =	shalt  }
0x73: {  	_ =	shalt  }
0x74: {  	_ =	shalt  }
0x75: {  	_ =	shalt  }
0x76: {  	_ =	shalt  }
0x77: {  	_ =	shalt  }
0x78: {  	_ =	shalt  }
0x79: {  	_ =	shalt  }
0x7a: {  	_ =	shalt  }
0x7b: {  	_ =	shalt  }
0x7c: {  	_ =	shalt  }
0x7d: {  	_ =	shalt  }
0x7e: {  	_ =	shalt  }
0x7f: {  	_ =	shalt  }
0x80: {  	_ =	shalt  }
0x81: {  	_ =	shalt  }
0x82: {  	_ =	shalt  }
0x83: {  	_ =	shalt  }
0x84: {  	_ =	shalt  }
0x85: {  	_ =	shalt  }
0x86: {  	_ =	shalt  }
0x87: {  	_ =	shalt  }
.Lfunc_end0:
.L_simem_size_0:
called_computation.7_lowered:
.L_overlay_start_0:
0x88: {  	s2 =	sld [smem:$0x3FD9]  }
0x89: {  	s3 =	sld [smem:$0x3FFE];
	_ =	sdelay $0x1  }
0x8a: {  	s1 =	srdreg.scid  }
0x8b: {  	s0 =	sand.u32 $0x1, s1  }
0x8c: {  	s16 =	sshll.u32 s0, $0xA;
	s2 =	sadd.s32 s3, s2  }
0x8d: {  	s2 =	sadd.s32 s2, s16  }
0x8e: {  	[smem:$0x3FAB] =	sst s2  }
0x8f: {  	_ = 	snop  }
0x90: {  	(tm) =	ssettm $0x1  }
0x91: {  	s17 =	sld [smem:$0x3FFB];
	_ =	sdelay $0x3  }
0x92: {  	_ =	strace s17  }
0x93: {  	s2 =	sld [smem:$0x3FFC];
	_ =	sdelay $0x3  }
0x94: {  	_ =	strace s2  }
0x95: {  	s2 =	sld [smem:$0x3FFD];
	_ =	sdelay $0x3  }
0x96: {  	_ =	strace s2  }
0x97: {  	_ =	strace $0x8FFFFFFF  }
0x98: {  	s18 =	sld [smem:$0x3FDB];
	_ =	sdelay $0x1  }
0x99: {  	s19 =	simm.s32 $_scs_section_size  }
0x9a: {  	s4 =	simm.s32 $_size__tile_overlayer_lowered;
	s5 =	simm.s32 $_tile_overlayer_lowered  }
0x9b: {  	s22 =	simm.s32 $0x1BFF;
	s21 =	sshll.u32 s5, $0x1;
	s2 =	sadd.s32 s19, s18  }
0x9c: {  	s6 =	simm.s32 $0x0;
	s20 =	sshll.u32 s4, $0x1;
	s4 =	sadd.s32 s21, s2  }
0x9d: {  	[timem:s6], [sflag:s22] =	dma.local [hbm:s4], s20  }
0x9e: {  	_ =	swait.ge [sflag:s22], s20  }
0x9f: {  	s3 =	ssub.s32 $0x0, s20;
	[sflag:s22] =	ssyncset.done $0x0  }
0xa0: {  	[sflag:s22] =	ssyncadd.s32 s3;
	_ =	sdelay $0x1  }
0xa1: {  	s23 =	simm.s32 $0x1B8B  }
0xa2: {  	_ =	swait.ge [sflag:s23], $0x1  }
0xa3: {  	[sflag:s23] =	ssyncset.done $0x0  }
0xa4: {  	s25 =	simm.s32 $0x1B8E;
	s24 =	sld [smem:$0x3FFE];
	[sflag:s23] =	ssyncadd.s32 $0xFFFFFFFF  }
0xa5: {  	s26 =	simm.s32 $execute0_lowered;
	[smem:$0x3FD2] =	sst s25  }
0xa6: {  	s4 =	sshll.u32 s26, $0x1;
	_ =	strace $0x80000058;
	[dreg:$0x1] =	wrdreg $0xFFFFFFFF  }
0xa7: {  	s28 =	simm.s32 $_size_execute0_lowered;
	s2 =	sadd.s32 s2, s4;
	[dreg:$0x0] =	wrdreg $0x0  }
0xa8: {  	s4 =	sshll.u32 s28, $0x1;
	[dreg:$0x2] =	wrdreg s2  }
0xa9: {  	[dreg:$0x3] =	wrdreg s4  }
0xaa: {  	[dreg:$0x4] =	wrdreg $0xC0  }
0xab: {  	_ =	task [dreg:s6], $0x5FFFF  }
0xac: {  	[dreg:$0x1] =	wrdreg $0xFFFFFFFF  }
0xad: {  	[dreg:$0x0] =	wrdreg $0x60  }
0xae: {  	[dreg:$0x2] =	wrdreg s24  }
0xaf: {  	[dreg:$0x3] =	wrdreg $0x9  }
0xb0: {  	_ =	task.clear_ibuf [dreg:s6], $0x4FFFF;
	_ =	strace $0x90000058  }
0xb1: {  	s29 =	simm.s32 $0x9;
	_ =	strace $0x8000005A  }
0xb2: {  	_ =	swait.ge [sflag:s29], $0x1  }
0xb3: {  	[sflag:s29] =	ssyncadd.s32 $0xFFFFFFFF  }
0xb4: {  	_ =	strace $0x9000005A  }
0xb5: {  	_ =	sfence  }
0xb6: {  	s30 =	sld [smem:$0x0];
	_ =	sdelay $0x2  }
0xb7: {  	s31 =	sshll.u32 s1, $0xD;
	s1 =	sshrl.u32 s1, $0x2  }
0xb8: {  	s3 =	sand.u32 $0x4000, s31;
	s1 =	sadd.s32 s1, s30  }
0xb9: {  	s0 =	sor.u32 s3, s0;
	s1 =	sshll.u32 s1, $0x11  }
0xba: {  	s0 =	sor.u32 s1, s0  }
0xbb: {  	s0 =	sadd.s32 $0x8F2B, s0  }
0xbc: {  	[sflag:s0] =	ssyncadd.remote.s32 $0x1  }
0xbd: {  	_ =	sfence.sel $0xFFFF  }
0xbe: {  	[dreg:$0x0] =	wrdreg $0xFFFFFFFF;
	(pc) =	sbr.abs _section_cstart, $3  }
0xbf: {  	[dreg:$0x1] =	wrdreg $0xFFFFFFFF  }
0xc0: {  	_ =	task.clear_ibuf [dreg:s6], $0x2FFFF;
	_ =	strace $0x9FFFFFFF  }
0xc1: {  	(tm) =	ssettm $0x7FFFFFFF  }
tec
execute0_lowered:
.L_overlay_start_1:
0x0: {  	(tag) =	ssettag $0x1  }
0x1: {  	s9 =	rddreg [dreg:$0x0]  }
0x2: {  	s0 =	rddreg [dreg:$0x1];
	s1 =	simm.s32 $0x0  }
0x3: {  	s7 =	srdreg.scid;
	s3 =	stileid.u32;
	s14 =	simm.s32 $0x100  }
0x4: {  	s15 =	simm.s32 $0x180;
	s16 =	simm.s32 $0x4180;
	s17 =	simm.s32 $0x8180  }
0x5: {  	s18 =	simm.s32 $0x1;
	s19 =	simm.s32 $0x2;
	s20 =	simm.s32 $0x3  }
0x6: {  	s21 =	simm.s32 $0xC180;
	s22 =	simm.s32 $0x0;
	[smem:$0x7FF] =	sst s1  }
0x7: {  	s2 =	sadd.s32 $0x13C00, s9;
	s4 =	sadd.s32 $0x22C00, s9;
	s5 =	sadd.s32 $0x18C00, s9  }
0x8: {  	s6 =	sadd.s32 $0x27C00, s9;
	s10 =	sand.u32 $0x1, s7;
	s7 =	sadd.s32 $0xAE400, s9  }
0x9: {  	s12 =	sshll.u32 s3, $0x1;
	s8 =	sadd.s32 $0x37D600, s9;
	s11 =	ssub.s32 $0x2, s10  }
0xa: {  	s9 =	sadd.s32 $0xD6400, s9;
	_ =	strace $0x80000059;
	s13 =	sshrl.u32 s11, $0x1  }
0xb: {  	s10 =	sor.u32 s10, s12;
	s12 =	simm.s32 $0x4;
	s11 =	ssub.s32 s11, s13  }
0xc: {  	s10 =	smul.u32 $0x1400, s10;
	s13 =	simm.s32 $0x80;
	s11 =	smax.u32 s11, $0x1  }
.LBB2_1:
0xd: {  	s23 =	simm.s32 $0x0  }
.LBB2_2:
0xe: {  	s24 =	sshll.u32 s23, $0x7  }
0xf: {  	s24 =	sadd.s32 s10, s24  }
0x10: {  	s25 =	sshrl.u32 s24, $0x3  }
0x11: {  	s28 =	simm.s32 $0x0;
	s26 =	sadd.s32 s2, s25  }
0x12: {  	[tilespmem:s28], [sflag:$0x4] =	stream.linear.gather [hbm4b:s26+s28], $0x80, $0x38;
	[tilespmem:$0x10180] =	vst v63  }
0x13: {  	_ =	swait.ge [sflag:s12], $0x80  }
0x14: {  	[sflag:s12] =	ssyncset.done $0x0  }
0x15: {  	s31 =	sadd.s32 s4, s25;
	[sflag:s12] =	ssyncadd.s32 $0xFFFFFF80  }
0x16: {  	[tilespmem:s13], [sflag:$0x4] =	stream.linear.gather [hbm4b:s31+s28], $0x80, $0x38;
	[tilespmem:$0x10180] =	vst v63  }
0x17: {  	_ =	swait.ge [sflag:s12], $0x80  }
0x18: {  	[sflag:s12] =	ssyncset.done $0x0  }
0x19: {  	s25 =	sadd.s32 s5, s25;
	[sflag:s12] =	ssyncadd.s32 $0xFFFFFF80  }
0x1a: {  	[tilespmem:s14], [sflag:$0x4] =	stream.linear.gather [hbm4b:s25+s28], $0x80, $0x38;
	[tilespmem:$0x10180] =	vst v63  }
0x1b: {  	_ =	swait.ge [sflag:s12], $0x80  }
0x1c: {  	[sflag:s12] =	ssyncset.done $0x0  }
0x1d: {  	[sflag:s12] =	ssyncadd.s32 $0xFFFFFF80  }
0x1e: {  	[tilespmem:s15], [sflag:$0x1] =	stream.indirect.gather [hbm4b:s6+s13], $0x80, s28, s13, $0xb8;
	[tilespmem:$0x10180] =	vst v63  }
0x1f: {  	_ = 	snop  }
0x20: {  	[tilespmem:s16], [sflag:$0x2] =	stream.indirect.gather [hbm4b:s7+s13], $0x80, s13, s13, $0xb8;
	[tilespmem:$0x10180] =	vst v63  }
0x21: {  	_ = 	snop  }
0x22: {  	[tilespmem:s17], [sflag:$0x3] =	stream.indirect.gather [hbm4b:s8+s13], $0x80, s14, s13, $0xb8;
	[tilespmem:$0x10180] =	vst v63  }
0x23: {  	_ =	swait.ge [sflag:s18], $0x4000  }
0x24: {  	[sflag:s18] =	ssyncset.done $0x0  }
0x25: {  	[sflag:s18] =	ssyncadd.s32 $0xFFFFC000  }
0x26: {  	_ =	swait.ge [sflag:s19], $0x4000  }
0x27: {  	[sflag:s19] =	ssyncset.done $0x0  }
0x28: {  	[sflag:s19] =	ssyncadd.s32 $0xFFFFC000  }
0x29: {  	_ =	swait.ge [sflag:s20], $0x4000  }
0x2a: {  	[sflag:s20] =	ssyncset.done $0x0  }
0x2b: {  	s25 =	simm.s32 $0x0;
	[sflag:s20] =	ssyncadd.s32 $0xFFFFC000  }
0x2c: {  	v0 =	vld [tilespmem:s25+$0x41B0]  }
0x2d: {  	v1 =	vld [tilespmem:s25+$0x81B0]  }
0x2e: {  	v2 =	vld [tilespmem:s25+$0x4180]  }
0x2f: {  	v3 =	vld [tilespmem:s25+$0x8180]  }
0x30: {  	v5 =	vld [tilespmem:s25+$0x4190]  }
0x31: {  	v6 =	vld [tilespmem:s25+$0x8190]  }
0x32: {  	v7 =	vld [tilespmem:s25+$0x41A0]  }
0x33: {  	v8 =	vld [tilespmem:s25+$0x81A0]  }
0x34: {  	v4 =	vld [tilespmem:s25+$0x180];
	v0 =	vsub.f32 v0, v1  }
0x35: {  	v2 =	vsub.f32 v2, v3;
	v1 =	vld [tilespmem:s25+$0x190]  }
0x36: {  	v5 =	vsub.f32 v5, v6;
	v3 =	vld [tilespmem:s25+$0x1B0];
	[tilespmem:s25+$0xC1B0] =	vst v0  }
0x37: {  	s26 =	simm.s32 $0x80;
	[tilespmem:s25+$0xC180] =	vst v2;
	v2 =	vld [tilespmem:s25+$0x1A0]  }
0x38: {  	s28 =	simm.s32 $0x400;
	v0 =	vld [tilespmem:s26+$0x41B0];
	[tilespmem:s25+$0xC190] =	vst v5;
	v5 =	vsub.f32 v7, v8  }
.LBB2_3:
0x39: {  	p0 =	sne.s32 s28, $0xFE00;
	v6 =	vld [tilespmem:s26+$0x81B0];
	[tilespmem:s25+$0xC1C0] =	vst v4  }
0x3a: {  	v4 =	vld [tilespmem:s26+$0x4180];
	[tilespmem:s25+$0xC1A0] =	vst v5  }
0x3b: {  	v5 =	vld [tilespmem:s26+$0x8180];
	[tilespmem:s25+$0xC1D0] =	vst v1  }
0x3c: {  	v7 =	vld [tilespmem:s26+$0x4190];
	[tilespmem:s25+$0xC1E0] =	vst v2  }
0x3d: {  	v2 =	vld [tilespmem:s26+$0x8190];
	[tilespmem:s25+$0xC1F0] =	vst v3;
	s25 =	smov.u32 s26  }
0x3e: {  	v8 =	vld [tilespmem:s25+$0x41A0];
	v0 =	vsub.f32 v0, v6  }
0x3f: {  	v6 =	vld [tilespmem:s25+$0x81A0]  }
.Ltmp0:
0x40: {  	v3 =	vsub.f32 v4, v5;
	v4 =	vld [tilespmem:s25+$0x180];
	[tilespmem:s25+$0xC1B0] =	vst v0;
	(pc) =	sbr.rel @p0 .LBB2_3-.Ltmp0, $4  }
0x41: {  	v1 =	vld [tilespmem:s25+$0x190]  }
0x42: {  	[tilespmem:s25+$0xC180] =	vst v3;
	v5 =	vsub.f32 v7, v2;
	v2 =	vld [tilespmem:s25+$0x1A0]  }
0x43: {  	s26 =	sshra.s32 s28, $0x2;
	v3 =	vld [tilespmem:s25+$0x1B0]  }
0x44: {  	s28 =	sadd.s32 $0x200, s28;
	v0 =	vld [tilespmem:s26+$0x41B0];
	[tilespmem:s25+$0xC190] =	vst v5;
	v5 =	vsub.f32 v8, v6  }
0x45: {  	v6 =	vld [tilespmem:s26+$0x81B0];
	[tilespmem:s25+$0xC1C0] =	vst v4  }
0x46: {  	v4 =	vld [tilespmem:s26+$0x4180];
	[tilespmem:s25+$0xC1A0] =	vst v5  }
0x47: {  	v5 =	vld [tilespmem:s26+$0x8180];
	[tilespmem:s25+$0xC1D0] =	vst v1  }
0x48: {  	v1 =	vld [tilespmem:s26+$0x4190];
	[tilespmem:s25+$0xC1E0] =	vst v2  }
0x49: {  	v2 =	vld [tilespmem:s26+$0x8190];
	[tilespmem:s25+$0xC1F0] =	vst v3  }
0x4a: {  	v3 =	vld [tilespmem:s26+$0x41A0]  }
0x4b: {  	v59 =	vld [tilespmem:s26+$0x81A0]  }
0x4c: {  	v7 =	vld [tilespmem:s26+$0x180]  }
0x4d: {  	v0 =	vsub.f32 v0, v6;
	v60 =	vld [tilespmem:s26+$0x190]  }
0x4e: {  	v61 =	vld [tilespmem:s26+$0x1A0];
	v4 =	vsub.f32 v4, v5  }
0x4f: {  	v62 =	vld [tilespmem:s26+$0x1B0];
	[tilespmem:s26+$0xC1B0] =	vst v0  }
0x50: {  	[tilespmem:s26+$0xC180] =	vst v4  }
0x51: {  	[tilespmem:s26+$0xC1C0] =	vst v7  }
0x52: {  	[tilespmem:s26+$0xC1D0] =	vst v60  }
0x53: {  	v1 =	vsub.f32 v1, v2;
	[tilespmem:s26+$0xC1E0] =	vst v61  }
0x54: {  	s23 =	sadd.s32 $0x1, s23;
	v63 =	vsub.f32 v3, v59;
	[tilespmem:s26+$0xC1F0] =	vst v62  }
0x55: {  	s24 =	sshll.u32 s24, $0x4;
	p0 =	sne.s32 s23, $0x28;
	[tilespmem:s26+$0xC190] =	vst v1  }
.Ltmp1:
0x56: {  	s24 =	sadd.s32 s9, s24;
	[tilespmem:s26+$0xC1A0] =	vst v63;
	(pc) =	sbr.rel @p0 .LBB2_2-.Ltmp1, $4  }
0x57: {  	[hbm4b:s24+s1] =	stream.linear.scatter [tilespmem:s21], [sflag:$0x4], $0x4000, $0x38;
	[tilespmem:$0x10180] =	vst v63  }
0x58: {  	_ =	swait.ge [sflag:s12], $0x4000  }
0x59: {  	[sflag:s12] =	ssyncset.done $0x0  }
0x5a: {  	[sflag:s12] =	ssyncadd.s32 $0xFFFFC000  }
0x5b: {  	s22 =	sadd.s32 $0x1, s22  }
0x5c: {  	p0 =	sne.s32 s22, s11  }
.Ltmp2:
0x5d: {  	_ = 	snop;
	(pc) =	sbr.rel @p0 .LBB2_1-.Ltmp2, $1  }
0x5e: {  	_ =	sdelay $0x3  }
0x5f: {  	_ =	sfence.sel $0x180000  }
0x60: {  	[bflag:$0x0] =	sbarrier.arrive $0xFFFF  }
0x61: {  	p0 =	sne.s32 s3, $0x0;
	_ =	strace $0x90000059  }
0x62: {  	s0 =	sadd.s32 @!p0 $0x100000, s0;
	[bflag:$0x2] =	sbarrier.arrive $0xFFFF  }
0x63: {  	[sflag:s0] =	ssyncadd.tile.s32 @!p0 $0x1;
	_ =	shalt  }
.Lfunc_end2:
_tile_overlayer_lowered:
.L_overlay_start_2:
0x64: {  	(tag) =	ssettag $0x2  }
0x65: {  	s0 =	rddreg [dreg:$0x0];
	s2 =	stileid.u32  }
0x66: {  	s1 =	rddreg [dreg:$0x1];
	p0 =	sne.s32 s2, $0x0  }
0x67: {  	s3 =	rddreg [dreg:$0x2];
	[bflag:$0x3] =	sbarrier.arrive $0xFFFF;
	s2 =	simm.s32 @!p0 $0x1C04  }
0x68: {  	[timem:s3], [sflag:s2] =	dma.local @!p0 [hbm:s0], s1  }
0x69: {  	s0 =	simm.s32 @!p0 $0x4  }
0x6a: {  	_ =	swait.ge @!p0 [sflag:s0], s1  }
0x6b: {  	s1 =	ssub.s32 @!p0 $0x0, s1;
	[sflag:s0] =	ssyncset.done @!p0 $0x0  }
0x6c: {  	[sflag:s0] =	ssyncadd.s32 @!p0 s1  }
0x6d: {  	[bflag:$0x3] =	sbarrier.arrive $0xFFFF  }
0x6e: {  	_ =	shalt  }

// kernel: kernel.30.cloned.1.call-start
scs
__scs_entry_jumppad:
0x0: {  	(pc) =	sbr.rel $0x88, $3  }
0x1: {  	(tag) =	ssettag $0x0;
	lr =	simm.s32 $0x1  }
0x2: {  	[smem:$0x3F84] =	sst lr;
	_ =	strace $0xD0000000  }
0x3: {  	_ = 	snop  }
0x4: {  	_ = 	snop  }
0x5: {  	_ = 	snop  }
0x6: {  	_ = 	snop  }
0x7: {  	_ = 	snop  }
__scs_overlays_trampoline_lowered:
0x8: {  	[smem:$0x3F93] =	sst s0  }
0x9: {  	[smem:$0x3F94] =	sst s1  }
0xa: {  	[smem:$0x3F95] =	sst s2  }
0xb: {  	[smem:$0x3F96] =	sst s3  }
0xc: {  	[smem:$0x3F97] =	sst s4  }
0xd: {  	[smem:$0x3F98] =	sst s5  }
0xe: {  	[smem:$0x3F99] =	sst s6  }
0xf: {  	[smem:$0x3F9A] =	sst s7  }
0x10: {  	[smem:$0x3F9B] =	sst s8  }
0x11: {  	[smem:$0x3F9C] =	sst s9;
	s0 =	simm.s32 @!p0 $0x0  }
0x12: {  	s1 =	sld [smem:$0x3F82];
	s0 =	simm.s32 @p0 $0x1  }
0x13: {  	[smem:$0x3F9D] =	sst s0;
	s0 =	simm.s32 @!p1 $0x0  }
0x14: {  	s2 =	sld [smem:$0x3F81];
	s0 =	simm.s32 @p1 $0x1  }
0x15: {  	[smem:$0x3F9E] =	sst s0;
	s0 =	simm.s32 @!p2 $0x0  }
0x16: {  	s3 =	sld [smem:$0x3FDB];
	s0 =	simm.s32 @p2 $0x1  }
0x17: {  	s4 =	simm.s32 $0x1BF5;
	[smem:$0x3FA0] =	sst s0  }
0x18: {  	s0 =	sld [smem:$0x3F83];
	_ =	swait.ge [sflag:s4], $0x0  }
0x19: {  	s7 =	sld [smem:$0x3F84]  }
0x1a: {  	s8 =	sadd.s32 $0xFFFFE003, lr  }
0x1b: {  	s9 =	sadd.s32 $0xFFFFFEF7, lr;
	s5 =	simm.s32 $0xFFFFFFFF;
	p2 =	slt.u32 s8, $0xFFFFF086  }
0x1c: {  	p1 =	slt.u32 s9, $0xF7A;
	s5 =	simm.s32 @!p2 $0x0  }
0x1d: {  	s5 =	simm.s32 @p1 $0x1;
	p0 =	seq.s32 s7, s2  }
0x1e: {  	s7 =	smul.u32 @!p0 $0xF7A, s2;
	p2 =	seq.s32 @!p0 s5, $0x0  }
0x1f: {  	s9 =	smul.u32 $0xF7A, s1;
	s8 =	simm.s32 @!p0 $0x1BF5;
	p2 =	por !p2, p0  }
0x20: {  	[sflag:s8] =	ssyncset.s32 @!p0 $0xFFFFF086;
	s6 =	sadd.s32 @!p0 s3, s7;
	s7 =	simm.s32 @!p0 $0x108  }
0x21: {  	s3 =	sadd.s32 s3, s9;
	s6 =	sadd.s32 @!p0 $0x88, s6;
	s7 =	simm.s32 @p2 $0x1082  }
0x22: {  	[simem:s7], [sflag:s8] =	dma.local @!p0 [hbm:s6], $0xF7A  }
0x23: {  	s9 =	sor.u32 $0xD0000000, s2;
	s6 =	simm.s32 $0x108;
	_ =	swait.ge @!p0 [sflag:s8], $0x0  }
0x24: {  	s3 =	sadd.s32 $0x88, s3;
	s6 =	simm.s32 @!p1 $0x1082;
	[sflag:s4] =	ssyncset.s32 $0xFFFFF086  }
0x25: {  	[simem:s6], [sflag:s4] =	dma.local [hbm:s3], $0xF7A  }
0x26: {  	[smem:$0x3F84] =	sst s1;
	(tag) =	ssettag s2;
	_ =	strace s9  }
0x27: {  	s1 =	sld [smem:$0x3F94]  }
0x28: {  	s2 =	sld [smem:$0x3F95]  }
0x29: {  	s4 =	sld [smem:$0x3F97]  }
0x2a: {  	p0 =	seq.s32 s5, $0x0;
	s5 =	sld [smem:$0x3F98]  }
0x2b: {  	s6 =	sld [smem:$0x3F99]  }
0x2c: {  	s7 =	sld [smem:$0x3F9A]  }
0x2d: {  	s3 =	simm.s32 $0x108;
	s8 =	sld [smem:$0x3F9B]  }
0x2e: {  	s3 =	simm.s32 @!p0 $0x1082;
	s9 =	sld [smem:$0x3F9C]  }
0x2f: {  	lr =	sadd.s32 s0, s3;
	s0 =	sld [smem:$0x3F93]  }
0x30: {  	s3 =	sld [smem:$0x3F96]  }
0x31: {  	[smem:$0x3F9F] =	sst s10  }
0x32: {  	s10 =	sld [smem:$0x3F9D];
	_ =	sdelay $0x3  }
0x33: {  	p0 =	seq.s32 s10, $0x1;
	s10 =	sld [smem:$0x3F9F];
	_ =	sdelay $0x3  }
0x34: {  	[smem:$0x3F9F] =	sst s10  }
0x35: {  	s10 =	sld [smem:$0x3F9E];
	_ =	sdelay $0x3  }
0x36: {  	p1 =	seq.s32 s10, $0x1;
	s10 =	sld [smem:$0x3F9F];
	_ =	sdelay $0x3  }
0x37: {  	[smem:$0x3F9F] =	sst s10  }
0x38: {  	s10 =	sld [smem:$0x3FA0]  }
0x39: {  	_ = 	snop;
	(pc) =	sbr.ind lr, $3  }
0x3a: {  	_ = 	snop  }
0x3b: {  	_ = 	snop  }
0x3c: {  	p2 =	seq.s32 s10, $0x1;
	s10 =	sld [smem:$0x3F9F]  }
0x3d: {  	_ =	shalt  }
0x3e: {  	_ =	shalt  }
0x3f: {  	_ =	shalt  }
0x40: {  	_ =	shalt  }
0x41: {  	_ =	shalt  }
0x42: {  	_ =	shalt  }
0x43: {  	_ =	shalt  }
0x44: {  	_ =	shalt  }
0x45: {  	_ =	shalt  }
0x46: {  	_ =	shalt  }
0x47: {  	_ =	shalt  }
0x48: {  	_ =	shalt  }
0x49: {  	_ =	shalt  }
0x4a: {  	_ =	shalt  }
0x4b: {  	_ =	shalt  }
0x4c: {  	_ =	shalt  }
0x4d: {  	_ =	shalt  }
0x4e: {  	_ =	shalt  }
0x4f: {  	_ =	shalt  }
0x50: {  	_ =	shalt  }
0x51: {  	_ =	shalt  }
0x52: {  	_ =	shalt  }
0x53: {  	_ =	shalt  }
0x54: {  	_ =	shalt  }
0x55: {  	_ =	shalt  }
0x56: {  	_ =	shalt  }
0x57: {  	_ =	shalt  }
0x58: {  	_ =	shalt  }
0x59: {  	_ =	shalt  }
0x5a: {  	_ =	shalt  }
0x5b: {  	_ =	shalt  }
0x5c: {  	_ =	shalt  }
0x5d: {  	_ =	shalt  }
0x5e: {  	_ =	shalt  }
0x5f: {  	_ =	shalt  }
0x60: {  	_ =	shalt  }
0x61: {  	_ =	shalt  }
0x62: {  	_ =	shalt  }
0x63: {  	_ =	shalt  }
0x64: {  	_ =	shalt  }
0x65: {  	_ =	shalt  }
0x66: {  	_ =	shalt  }
0x67: {  	_ =	shalt  }
0x68: {  	_ =	shalt  }
0x69: {  	_ =	shalt  }
0x6a: {  	_ =	shalt  }
0x6b: {  	_ =	shalt  }
0x6c: {  	_ =	shalt  }
0x6d: {  	_ =	shalt  }
0x6e: {  	_ =	shalt  }
0x6f: {  	_ =	shalt  }
0x70: {  	_ =	shalt  }
0x71: {  	_ =	shalt  }
0x72: {  	_ =	shalt  }
0x73: {  	_ =	shalt  }
0x74: {  	_ =	shalt  }
0x75: {  	_ =	shalt  }
0x76: {  	_ =	shalt  }
0x77: {  	_ =	shalt  }
0x78: {  	_ =	shalt  }
0x79: {  	_ =	shalt  }
0x7a: {  	_ =	shalt  }
0x7b: {  	_ =	shalt  }
0x7c: {  	_ =	shalt  }
0x7d: {  	_ =	shalt  }
0x7e: {  	_ =	shalt  }
0x7f: {  	_ =	shalt  }
0x80: {  	_ =	shalt  }
0x81: {  	_ =	shalt  }
0x82: {  	_ =	shalt  }
0x83: {  	_ =	shalt  }
0x84: {  	_ =	shalt  }
0x85: {  	_ =	shalt  }
0x86: {  	_ =	shalt  }
0x87: {  	_ =	shalt  }
.Lfunc_end0:
.L_simem_size_0:
called_computation.8_lowered:
.L_overlay_start_0:
0x88: {  	s2 =	sld [smem:$0x3FD9]  }
0x89: {  	s3 =	sld [smem:$0x3FFE];
	_ =	sdelay $0x1  }
0x8a: {  	s1 =	srdreg.scid  }
0x8b: {  	s0 =	sand.u32 $0x1, s1  }
0x8c: {  	s16 =	sshll.u32 s0, $0xA;
	s2 =	sadd.s32 s3, s2  }
0x8d: {  	s2 =	sadd.s32 s2, s16  }
0x8e: {  	[smem:$0x3FAB] =	sst s2  }
0x8f: {  	_ = 	snop  }
0x90: {  	(tm) =	ssettm $0x1  }
0x91: {  	s17 =	sld [smem:$0x3FFB];
	_ =	sdelay $0x3  }
0x92: {  	_ =	strace s17  }
0x93: {  	s2 =	sld [smem:$0x3FFC];
	_ =	sdelay $0x3  }
0x94: {  	_ =	strace s2  }
0x95: {  	s2 =	sld [smem:$0x3FFD];
	_ =	sdelay $0x3  }
0x96: {  	_ =	strace s2  }
0x97: {  	_ =	strace $0x8FFFFFFF  }
0x98: {  	s18 =	sld [smem:$0x3FDB];
	_ =	sdelay $0x1  }
0x99: {  	s19 =	simm.s32 $_scs_section_size  }
0x9a: {  	s4 =	simm.s32 $_size__tile_overlayer_lowered;
	s5 =	simm.s32 $_tile_overlayer_lowered  }
0x9b: {  	s22 =	simm.s32 $0x1BFF;
	s21 =	sshll.u32 s5, $0x1;
	s2 =	sadd.s32 s19, s18  }
0x9c: {  	s6 =	simm.s32 $0x0;
	s20 =	sshll.u32 s4, $0x1;
	s4 =	sadd.s32 s21, s2  }
0x9d: {  	[timem:s6], [sflag:s22] =	dma.local [hbm:s4], s20  }
0x9e: {  	_ =	swait.ge [sflag:s22], s20  }
0x9f: {  	s3 =	ssub.s32 $0x0, s20;
	[sflag:s22] =	ssyncset.done $0x0  }
0xa0: {  	[sflag:s22] =	ssyncadd.s32 s3;
	_ =	sdelay $0x1  }
0xa1: {  	s23 =	simm.s32 $0x1B8B  }
0xa2: {  	_ =	swait.ge [sflag:s23], $0x1  }
0xa3: {  	[sflag:s23] =	ssyncset.done $0x0  }
0xa4: {  	s25 =	simm.s32 $0x1B8E;
	s24 =	sld [smem:$0x3FFE];
	[sflag:s23] =	ssyncadd.s32 $0xFFFFFFFF  }
0xa5: {  	s26 =	simm.s32 $execute0_lowered;
	[smem:$0x3FD2] =	sst s25  }
0xa6: {  	s4 =	sshll.u32 s26, $0x1;
	_ =	strace $0x8000005B;
	[dreg:$0x1] =	wrdreg $0xFFFFFFFF  }
0xa7: {  	s28 =	simm.s32 $_size_execute0_lowered;
	s2 =	sadd.s32 s2, s4;
	[dreg:$0x0] =	wrdreg $0x0  }
0xa8: {  	s4 =	sshll.u32 s28, $0x1;
	[dreg:$0x2] =	wrdreg s2  }
0xa9: {  	[dreg:$0x3] =	wrdreg s4  }
0xaa: {  	[dreg:$0x4] =	wrdreg $0xC0  }
0xab: {  	_ =	task [dreg:s6], $0x5FFFF  }
0xac: {  	[dreg:$0x1] =	wrdreg $0xFFFFFFFF  }
0xad: {  	[dreg:$0x0] =	wrdreg $0x60  }
0xae: {  	[dreg:$0x2] =	wrdreg s24  }
0xaf: {  	[dreg:$0x3] =	wrdreg $0x0  }
0xb0: {  	[dreg:$0x4] =	wrdreg $0x9  }
0xb1: {  	_ =	task.clear_ibuf [dreg:s6], $0x5FFFF;
	_ =	strace $0x9000005B  }
0xb2: {  	s29 =	simm.s32 $0x9;
	_ =	strace $0x8000005D  }
0xb3: {  	_ =	swait.ge [sflag:s29], $0x1  }
0xb4: {  	[sflag:s29] =	ssyncadd.s32 $0xFFFFFFFF  }
0xb5: {  	_ =	strace $0x9000005D  }
0xb6: {  	_ =	sfence  }
0xb7: {  	s30 =	sld [smem:$0x0];
	_ =	sdelay $0x2  }
0xb8: {  	s31 =	sshll.u32 s1, $0xD;
	s1 =	sshrl.u32 s1, $0x2  }
0xb9: {  	s3 =	sand.u32 $0x4000, s31;
	s1 =	sadd.s32 s1, s30  }
0xba: {  	s0 =	sor.u32 s3, s0;
	s1 =	sshll.u32 s1, $0x11  }
0xbb: {  	s0 =	sor.u32 s1, s0  }
0xbc: {  	s0 =	sadd.s32 $0x8F2B, s0  }
0xbd: {  	[sflag:s0] =	ssyncadd.remote.s32 $0x1  }
0xbe: {  	_ =	sfence.sel $0xFFFF  }
0xbf: {  	[dreg:$0x0] =	wrdreg $0xFFFFFFFF;
	(pc) =	sbr.abs _section_cstart, $3  }
0xc0: {  	[dreg:$0x1] =	wrdreg $0xFFFFFFFF  }
0xc1: {  	_ =	task.clear_ibuf [dreg:s6], $0x2FFFF;
	_ =	strace $0x9FFFFFFF  }
0xc2: {  	(tm) =	ssettm $0x7FFFFFFF  }
0xc3: {  	_ =	shalt  }
tec
execute0_lowered:
.L_overlay_start_1:
0x0: {  	(tag) =	ssettag $0x1  }
0x1: {  	s5 =	rddreg [dreg:$0x0]  }
0x2: {  	s2 =	rddreg [dreg:$0x1]  }
0x3: {  	s0 =	rddreg [dreg:$0x2]  }
0x4: {  	s1 =	stileid.u32;
	s6 =	srdreg.scid  }
0x5: {  	s3 =	simm.s32 $0x0;
	s15 =	simm.s32 $0x14000;
	s4 =	smul.u32 $0x28000, s1  }
0x6: {  	s16 =	simm.s32 $0x1;
	s17 =	simm.s32 $0x18000;
	s7 =	smul.u32 $0x500, s1  }
0x7: {  	s18 =	simm.s32 $0x80;
	s21 =	simm.s32 $0x0;
	s9 =	smul.u32 $0x14000, s1  }
0x8: {  	s6 =	sand.u32 $0x1, s6;
	[smem:$0x7FF] =	sst s3;
	s30 =	smul.u32 $0x50000, s1  }
0x9: {  	s19 =	sshll.u32 s1, $0x6;
	s8 =	smul.u32 $0x140000, s6;
	_ =	strace $0x8000005C  }
0xa: {  	s31 =	ssub.s32 $0x2, s6;
	p0 =	seq.s32 s6, $0x1;
	s19 =	sor.u32 $0x1C01, s19  }
0xb: {  	s12 =	sadd.s32 s4, s5;
	s14 =	sadd.s32 s7, s5;
	s4 =	sadd.s32 $0xEC00, s5  }
0xc: {  	s10 =	sshrl.u32 s31, $0x1;
	s7 =	sshrl.u32 s30, $0x2;
	s8 =	sadd.s32 s9, s8  }
.Ltmp0:
0xd: {  	s9 =	ssub.s32 s31, s10;
	s12 =	sadd.s32 $0x356400, s12;
	(pc) =	sbr.rel .LBB2_1-.Ltmp0, $4  }
0xe: {  	s13 =	sadd.s32 $0x13C00, s14;
	s14 =	sadd.s32 $0x22C00, s14;
	s8 =	sshrl.u32 s8, $0x3  }
0xf: {  	s8 =	sadd.s32 s8, s5;
	s5 =	sadd.s32 s7, s2;
	s7 =	smax.u32 s9, $0x1  }
0x10: {  	s6 =	sadd.s32 $0x76000, s8;
	s8 =	sadd.s32 $0x4000, s5;
	s9 =	sadd.s32 $0x8000, s5  }
0x11: {  	s10 =	sadd.s32 $0xC000, s5;
	s11 =	sadd.s32 $0x10000, s5;
	s20 =	sshrl.u32 s5, $0x3  }
.LBB2_7:
0x12: {  	[sflag:s16] =	ssyncadd.s32 $0xFFFFC000  }
.LBB2_8:
0x13: {  	s21 =	sadd.s32 $0x1, s21  }
0x14: {  	p1 =	sne.s32 s21, s7  }
.Ltmp1:
0x15: {  	[bflag:$0x0] =	sbarrier.arrive $0xFFFF;
	(pc) =	sbr.rel @!p1 .LBB2_9-.Ltmp1, $4  }
0x16: {  	[hbm:s6], [sflag:s19] =	dma.local [spmem:s20], $0x2800  }
0x17: {  	_ =	swait.ge [sflag:s16], $0x2800  }
0x18: {  	[sflag:s16] =	ssyncset.done $0x0  }
0x19: {  	[sflag:s16] =	ssyncadd.s32 $0xFFFFD800  }
.LBB2_1:
0x1a: {  	[tilespmem:s15], [sflag:$0x1] =	stream.linear.gather [hbm4b:s4+s3], $0x4000, $0x38;
	[tilespmem:$0x18080] =	vst v63  }
0x1b: {  	_ =	swait.ge [sflag:s16], $0x4000  }
0x1c: {  	[sflag:s16] =	ssyncset.done $0x0  }
0x1d: {  	[sflag:s16] =	ssyncadd.s32 $0xFFFFC000  }
0x1e: {  	[spmem:s5] =	stream.linear.scatter [tilespmem:s15], [sflag:$0x1], $0x4000, $0x38;
	[tilespmem:$0x18080] =	vst v63  }
0x1f: {  	_ =	swait.ge [sflag:s16], $0x4000  }
0x20: {  	[sflag:s16] =	ssyncset.done $0x0  }
0x21: {  	[sflag:s16] =	ssyncadd.s32 $0xFFFFC000  }
0x22: {  	[spmem:s8] =	stream.linear.scatter [tilespmem:s15], [sflag:$0x1], $0x4000, $0x38;
	[tilespmem:$0x18080] =	vst v63  }
0x23: {  	_ =	swait.ge [sflag:s16], $0x4000  }
0x24: {  	[sflag:s16] =	ssyncset.done $0x0  }
0x25: {  	[sflag:s16] =	ssyncadd.s32 $0xFFFFC000  }
0x26: {  	[spmem:s9] =	stream.linear.scatter [tilespmem:s15], [sflag:$0x1], $0x4000, $0x38;
	[tilespmem:$0x18080] =	vst v63  }
0x27: {  	_ =	swait.ge [sflag:s16], $0x4000  }
0x28: {  	[sflag:s16] =	ssyncset.done $0x0  }
0x29: {  	[sflag:s16] =	ssyncadd.s32 $0xFFFFC000  }
0x2a: {  	[spmem:s10] =	stream.linear.scatter [tilespmem:s15], [sflag:$0x1], $0x4000, $0x38;
	[tilespmem:$0x18080] =	vst v63  }
0x2b: {  	_ =	swait.ge [sflag:s16], $0x4000  }
0x2c: {  	[sflag:s16] =	ssyncset.done $0x0  }
0x2d: {  	[sflag:s16] =	ssyncadd.s32 $0xFFFFC000  }
0x2e: {  	[spmem:s11] =	stream.linear.scatter [tilespmem:s15], [sflag:$0x1], $0x4000, $0x38;
	[tilespmem:$0x18080] =	vst v63  }
.Ltmp2:
0x2f: {  	_ =	swait.ge [sflag:s16], $0x4000;
	(pc) =	sbr.rel @!p0 .LBB2_2-.Ltmp2, $3  }
0x30: {  	[sflag:s16] =	ssyncset.done $0x0  }
0x31: {  	[sflag:s16] =	ssyncadd.s32 $0xFFFFC000  }
0x32: {  	[bflag:$0x0] =	sbarrier.arrive $0xFFFF;
	_ =	sdelay $0x1  }
0x33: {  	[tilespmem:s15], [sflag:$0x1] =	stream.linear.gather [hbm4b:s12+s3], $0x4000, $0x38;
	[tilespmem:$0x18080] =	vst v63  }
0x34: {  	_ =	swait.ge [sflag:s16], $0x4000  }
0x35: {  	[sflag:s16] =	ssyncset.done $0x0  }
0x36: {  	s22 =	sadd.s32 $0x0, s14;
	[sflag:s16] =	ssyncadd.s32 $0xFFFFC000  }
0x37: {  	[tilespmem:s17], [sflag:$0x1] =	stream.linear.gather [hbm4b:s22+s3], $0x80, $0x38;
	[tilespmem:$0x18080] =	vst v63  }
0x38: {  	_ =	swait.ge [sflag:s16], $0x80  }
0x39: {  	[sflag:s16] =	ssyncset.done $0x0  }
0x3a: {  	[sflag:s16] =	ssyncadd.s32 $0xFFFFFF80  }
0x3b: {  	[spmem:s2] =	stream.indirect.scatter.add.f32 [tilespmem:s15], [sflag:$0x1], $0x80, s17, s18, $0xb8;
	[tilespmem:$0x18080] =	vst v63  }
0x3c: {  	_ =	swait.ge [sflag:s16], $0x4000  }
0x3d: {  	s23 =	smov.u32 s12;
	s22 =	simm.s32 $0x10;
	[sflag:s16] =	ssyncset.done $0x0  }
.LBB2_6:
0x3e: {  	p1 =	sne.s32 s22, $0x4F0;
	[sflag:s16] =	ssyncadd.s32 $0xFFFFC000;
	s23 =	sadd.s32 $0x800, s23  }
0x3f: {  	[tilespmem:s15], [sflag:$0x1] =	stream.linear.gather [hbm4b:s23+s3], $0x4000, $0x38;
	[tilespmem:$0x18080] =	vst v63  }
0x40: {  	s24 =	smov.u32 s22;
	s22 =	sadd.s32 $0x10, s22;
	_ =	swait.ge [sflag:s16], $0x4000  }
0x41: {  	[sflag:s16] =	ssyncset.done $0x0  }
0x42: {  	s24 =	sadd.s32 s24, s14;
	[sflag:s16] =	ssyncadd.s32 $0xFFFFC000  }
0x43: {  	[tilespmem:s17], [sflag:$0x1] =	stream.linear.gather [hbm4b:s24+s3], $0x80, $0x38;
	[tilespmem:$0x18080] =	vst v63  }
0x44: {  	_ =	swait.ge [sflag:s16], $0x80  }
.Ltmp3:
0x45: {  	[sflag:s16] =	ssyncset.done $0x0;
	(pc) =	sbr.rel @p1 .LBB2_6-.Ltmp3, $4  }
0x46: {  	[sflag:s16] =	ssyncadd.s32 $0xFFFFFF80  }
0x47: {  	[spmem:s2] =	stream.indirect.scatter.add.f32 [tilespmem:s15], [sflag:$0x1], $0x80, s17, s18, $0xb8;
	[tilespmem:$0x18080] =	vst v63  }
0x48: {  	_ =	swait.ge [sflag:s16], $0x4000  }
0x49: {  	[sflag:s16] =	ssyncset.done $0x0  }
.Ltmp4:
0x4a: {  	_ = 	snop;
	(pc) =	sbr.rel .LBB2_7-.Ltmp4, $1  }
0x4b: {  	_ =	sdelay $0x3  }
.LBB2_2:
0x4c: {  	[tilespmem:s15], [sflag:$0x1] =	stream.linear.gather [hbm4b:s12+s3], $0x4000, $0x38;
	[tilespmem:$0x18080] =	vst v63  }
0x4d: {  	_ =	swait.ge [sflag:s16], $0x4000  }
0x4e: {  	[sflag:s16] =	ssyncset.done $0x0  }
0x4f: {  	s22 =	sadd.s32 $0x0, s13;
	[sflag:s16] =	ssyncadd.s32 $0xFFFFC000  }
0x50: {  	[tilespmem:s17], [sflag:$0x1] =	stream.linear.gather [hbm4b:s22+s3], $0x80, $0x38;
	[tilespmem:$0x18080] =	vst v63  }
0x51: {  	_ =	swait.ge [sflag:s16], $0x80  }
0x52: {  	[sflag:s16] =	ssyncset.done $0x0  }
0x53: {  	[sflag:s16] =	ssyncadd.s32 $0xFFFFFF80  }
0x54: {  	[spmem:s2] =	stream.indirect.scatter.add.f32 [tilespmem:s15], [sflag:$0x1], $0x80, s17, s18, $0xb8;
	[tilespmem:$0x18080] =	vst v63  }
0x55: {  	_ =	swait.ge [sflag:s16], $0x4000  }
0x56: {  	s23 =	smov.u32 s12;
	s22 =	simm.s32 $0x10;
	[sflag:s16] =	ssyncset.done $0x0  }
.LBB2_3:
0x57: {  	p1 =	seq.s32 s22, $0x4F0;
	[sflag:s16] =	ssyncadd.s32 $0xFFFFC000;
	s23 =	sadd.s32 $0x800, s23  }
0x58: {  	[tilespmem:s15], [sflag:$0x1] =	stream.linear.gather [hbm4b:s23+s3], $0x4000, $0x38;
	[tilespmem:$0x18080] =	vst v63  }
0x59: {  	s24 =	smov.u32 s22;
	s22 =	sadd.s32 $0x10, s22;
	_ =	swait.ge [sflag:s16], $0x4000  }
0x5a: {  	[sflag:s16] =	ssyncset.done $0x0  }
0x5b: {  	s24 =	sadd.s32 s24, s13;
	[sflag:s16] =	ssyncadd.s32 $0xFFFFC000  }
0x5c: {  	[tilespmem:s17], [sflag:$0x1] =	stream.linear.gather [hbm4b:s24+s3], $0x80, $0x38;
	[tilespmem:$0x18080] =	vst v63  }
0x5d: {  	_ =	swait.ge [sflag:s16], $0x80  }
.Ltmp5:
0x5e: {  	[sflag:s16] =	ssyncset.done $0x0;
	(pc) =	sbr.rel @!p1 .LBB2_3-.Ltmp5, $4  }
0x5f: {  	[sflag:s16] =	ssyncadd.s32 $0xFFFFFF80  }
0x60: {  	[spmem:s2] =	stream.indirect.scatter.add.f32 [tilespmem:s15], [sflag:$0x1], $0x80, s17, s18, $0xb8;
	[tilespmem:$0x18080] =	vst v63  }
0x61: {  	_ =	swait.ge [sflag:s16], $0x4000  }
0x62: {  	[sflag:s16] =	ssyncset.done $0x0  }
.Ltmp6:
0x63: {  	(pc) =	sbr.rel .LBB2_8-.Ltmp6, $2  }
0x64: {  	_ =	sdelay $0x2  }
0x65: {  	[sflag:s16] =	ssyncadd.s32 $0xFFFFC000  }
.LBB2_9:
0x66: {  	_ =	sfence.sel $0x180000  }
0x67: {  	[bflag:$0x0] =	sbarrier.arrive $0xFFFF  }
0x68: {  	p0 =	sne.s32 s1, $0x0;
	_ =	strace $0x9000005C  }
0x69: {  	s0 =	sadd.s32 @!p0 $0x100000, s0;
	[bflag:$0x2] =	sbarrier.arrive $0xFFFF  }
0x6a: {  	[sflag:s0] =	ssyncadd.tile.s32 @!p0 $0x1;
	_ =	shalt  }
.Lfunc_end2:
_tile_overlayer_lowered:
.L_overlay_start_2:
0x6b: {  	(tag) =	ssettag $0x2  }
0x6c: {  	s0 =	rddreg [dreg:$0x0];
	s2 =	stileid.u32  }
0x6d: {  	s1 =	rddreg [dreg:$0x1];
	p0 =	sne.s32 s2, $0x0  }
0x6e: {  	s3 =	rddreg [dreg:$0x2];
	[bflag:$0x3] =	sbarrier.arrive $0xFFFF;
	s2 =	simm.s32 @!p0 $0x1C01  }
0x6f: {  	[timem:s3], [sflag:s2] =	dma.local @!p0 [hbm:s0], s1  }
0x70: {  	s0 =	simm.s32 @!p0 $0x1  }
0x71: {  	_ =	swait.ge @!p0 [sflag:s0], s1  }
0x72: {  	s1 =	ssub.s32 @!p0 $0x0, s1;
	[sflag:s0] =	ssyncset.done @!p0 $0x0  }
0x73: {  	[sflag:s0] =	ssyncadd.s32 @!p0 s1  }
0x74: {  	[bflag:$0x3] =	sbarrier.arrive $0xFFFF  }
0x75: {  	_ =	shalt  }

// kernel: kernel.33.cloned.1.call-start
scs
__scs_entry_jumppad:
0x0: {  	(pc) =	sbr.rel $0x88, $3  }
0x1: {  	(tag) =	ssettag $0x0;
	lr =	simm.s32 $0x1  }
0x2: {  	[smem:$0x3F84] =	sst lr;
	_ =	strace $0xD0000000  }
0x3: {  	_ = 	snop  }
0x4: {  	_ = 	snop  }
0x5: {  	_ = 	snop  }
0x6: {  	_ = 	snop  }
0x7: {  	_ = 	snop  }
__scs_overlays_trampoline_lowered:
0x8: {  	[smem:$0x3F93] =	sst s0  }
0x9: {  	[smem:$0x3F94] =	sst s1  }
0xa: {  	[smem:$0x3F95] =	sst s2  }
0xb: {  	[smem:$0x3F96] =	sst s3  }
0xc: {  	[smem:$0x3F97] =	sst s4  }
0xd: {  	[smem:$0x3F98] =	sst s5  }
0xe: {  	[smem:$0x3F99] =	sst s6  }
0xf: {  	[smem:$0x3F9A] =	sst s7  }
0x10: {  	[smem:$0x3F9B] =	sst s8  }
0x11: {  	[smem:$0x3F9C] =	sst s9;
	s0 =	simm.s32 @!p0 $0x0  }
0x12: {  	s1 =	sld [smem:$0x3F82];
	s0 =	simm.s32 @p0 $0x1  }
0x13: {  	[smem:$0x3F9D] =	sst s0;
	s0 =	simm.s32 @!p1 $0x0  }
0x14: {  	s2 =	sld [smem:$0x3F81];
	s0 =	simm.s32 @p1 $0x1  }
0x15: {  	[smem:$0x3F9E] =	sst s0;
	s0 =	simm.s32 @!p2 $0x0  }
0x16: {  	s3 =	sld [smem:$0x3FDB];
	s0 =	simm.s32 @p2 $0x1  }
0x17: {  	s4 =	simm.s32 $0x1BF5;
	[smem:$0x3FA0] =	sst s0  }
0x18: {  	s0 =	sld [smem:$0x3F83];
	_ =	swait.ge [sflag:s4], $0x0  }
0x19: {  	s7 =	sld [smem:$0x3F84]  }
0x1a: {  	s8 =	sadd.s32 $0xFFFFE003, lr  }
0x1b: {  	s9 =	sadd.s32 $0xFFFFFEF7, lr;
	s5 =	simm.s32 $0xFFFFFFFF;
	p2 =	slt.u32 s8, $0xFFFFF086  }
0x1c: {  	p1 =	slt.u32 s9, $0xF7A;
	s5 =	simm.s32 @!p2 $0x0  }
0x1d: {  	s5 =	simm.s32 @p1 $0x1;
	p0 =	seq.s32 s7, s2  }
0x1e: {  	s7 =	smul.u32 @!p0 $0xF7A, s2;
	p2 =	seq.s32 @!p0 s5, $0x0  }
0x1f: {  	s9 =	smul.u32 $0xF7A, s1;
	s8 =	simm.s32 @!p0 $0x1BF5;
	p2 =	por !p2, p0  }
0x20: {  	[sflag:s8] =	ssyncset.s32 @!p0 $0xFFFFF086;
	s6 =	sadd.s32 @!p0 s3, s7;
	s7 =	simm.s32 @!p0 $0x108  }
0x21: {  	s3 =	sadd.s32 s3, s9;
	s6 =	sadd.s32 @!p0 $0x88, s6;
	s7 =	simm.s32 @p2 $0x1082  }
0x22: {  	[simem:s7], [sflag:s8] =	dma.local @!p0 [hbm:s6], $0xF7A  }
0x23: {  	s9 =	sor.u32 $0xD0000000, s2;
	s6 =	simm.s32 $0x108;
	_ =	swait.ge @!p0 [sflag:s8], $0x0  }
0x24: {  	s3 =	sadd.s32 $0x88, s3;
	s6 =	simm.s32 @!p1 $0x1082;
	[sflag:s4] =	ssyncset.s32 $0xFFFFF086  }
0x25: {  	[simem:s6], [sflag:s4] =	dma.local [hbm:s3], $0xF7A  }
0x26: {  	[smem:$0x3F84] =	sst s1;
	(tag) =	ssettag s2;
	_ =	strace s9  }
0x27: {  	s1 =	sld [smem:$0x3F94]  }
0x28: {  	s2 =	sld [smem:$0x3F95]  }
0x29: {  	s4 =	sld [smem:$0x3F97]  }
0x2a: {  	p0 =	seq.s32 s5, $0x0;
	s5 =	sld [smem:$0x3F98]  }
0x2b: {  	s6 =	sld [smem:$0x3F99]  }
0x2c: {  	s7 =	sld [smem:$0x3F9A]  }
0x2d: {  	s3 =	simm.s32 $0x108;
	s8 =	sld [smem:$0x3F9B]  }
0x2e: {  	s3 =	simm.s32 @!p0 $0x1082;
	s9 =	sld [smem:$0x3F9C]  }
0x2f: {  	lr =	sadd.s32 s0, s3;
	s0 =	sld [smem:$0x3F93]  }
0x30: {  	s3 =	sld [smem:$0x3F96]  }
0x31: {  	[smem:$0x3F9F] =	sst s10  }
0x32: {  	s10 =	sld [smem:$0x3F9D];
	_ =	sdelay $0x3  }
0x33: {  	p0 =	seq.s32 s10, $0x1;
	s10 =	sld [smem:$0x3F9F];
	_ =	sdelay $0x3  }
0x34: {  	[smem:$0x3F9F] =	sst s10  }
0x35: {  	s10 =	sld [smem:$0x3F9E];
	_ =	sdelay $0x3  }
0x36: {  	p1 =	seq.s32 s10, $0x1;
	s10 =	sld [smem:$0x3F9F];
	_ =	sdelay $0x3  }
0x37: {  	[smem:$0x3F9F] =	sst s10  }
0x38: {  	s10 =	sld [smem:$0x3FA0]  }
0x39: {  	_ = 	snop;
	(pc) =	sbr.ind lr, $3  }
0x3a: {  	_ = 	snop  }
0x3b: {  	_ = 	snop  }
0x3c: {  	p2 =	seq.s32 s10, $0x1;
	s10 =	sld [smem:$0x3F9F]  }
0x3d: {  	_ =	shalt  }
0x3e: {  	_ =	shalt  }
0x3f: {  	_ =	shalt  }
0x40: {  	_ =	shalt  }
0x41: {  	_ =	shalt  }
0x42: {  	_ =	shalt  }
0x43: {  	_ =	shalt  }
0x44: {  	_ =	shalt  }
0x45: {  	_ =	shalt  }
0x46: {  	_ =	shalt  }
0x47: {  	_ =	shalt  }
0x48: {  	_ =	shalt  }
0x49: {  	_ =	shalt  }
0x4a: {  	_ =	shalt  }
0x4b: {  	_ =	shalt  }
0x4c: {  	_ =	shalt  }
0x4d: {  	_ =	shalt  }
0x4e: {  	_ =	shalt  }
0x4f: {  	_ =	shalt  }
0x50: {  	_ =	shalt  }
0x51: {  	_ =	shalt  }
0x52: {  	_ =	shalt  }
0x53: {  	_ =	shalt  }
0x54: {  	_ =	shalt  }
0x55: {  	_ =	shalt  }
0x56: {  	_ =	shalt  }
0x57: {  	_ =	shalt  }
0x58: {  	_ =	shalt  }
0x59: {  	_ =	shalt  }
0x5a: {  	_ =	shalt  }
0x5b: {  	_ =	shalt  }
0x5c: {  	_ =	shalt  }
0x5d: {  	_ =	shalt  }
0x5e: {  	_ =	shalt  }
0x5f: {  	_ =	shalt  }
0x60: {  	_ =	shalt  }
0x61: {  	_ =	shalt  }
0x62: {  	_ =	shalt  }
0x63: {  	_ =	shalt  }
0x64: {  	_ =	shalt  }
0x65: {  	_ =	shalt  }
0x66: {  	_ =	shalt  }
0x67: {  	_ =	shalt  }
0x68: {  	_ =	shalt  }
0x69: {  	_ =	shalt  }
0x6a: {  	_ =	shalt  }
0x6b: {  	_ =	shalt  }
0x6c: {  	_ =	shalt  }
0x6d: {  	_ =	shalt  }
0x6e: {  	_ =	shalt  }
0x6f: {  	_ =	shalt  }
0x70: {  	_ =	shalt  }
0x71: {  	_ =	shalt  }
0x72: {  	_ =	shalt  }
0x73: {  	_ =	shalt  }
0x74: {  	_ =	shalt  }
0x75: {  	_ =	shalt  }
0x76: {  	_ =	shalt  }
0x77: {  	_ =	shalt  }
0x78: {  	_ =	shalt  }
0x79: {  	_ =	shalt  }
0x7a: {  	_ =	shalt  }
0x7b: {  	_ =	shalt  }
0x7c: {  	_ =	shalt  }
0x7d: {  	_ =	shalt  }
0x7e: {  	_ =	shalt  }
0x7f: {  	_ =	shalt  }
0x80: {  	_ =	shalt  }
0x81: {  	_ =	shalt  }
0x82: {  	_ =	shalt  }
0x83: {  	_ =	shalt  }
0x84: {  	_ =	shalt  }
0x85: {  	_ =	shalt  }
0x86: {  	_ =	shalt  }
0x87: {  	_ =	shalt  }
.Lfunc_end0:
.L_simem_size_0:
called_computation.9_lowered:
.L_overlay_start_0:
0x88: {  	s2 =	sld [smem:$0x3FD9]  }
0x89: {  	s3 =	sld [smem:$0x3FFE];
	_ =	sdelay $0x1  }
0x8a: {  	s1 =	srdreg.scid  }
0x8b: {  	s0 =	sand.u32 $0x1, s1  }
0x8c: {  	s16 =	sshll.u32 s0, $0xA;
	s2 =	sadd.s32 s3, s2  }
0x8d: {  	s2 =	sadd.s32 s2, s16  }
0x8e: {  	[smem:$0x3FAB] =	sst s2  }
0x8f: {  	_ = 	snop  }
0x90: {  	(tm) =	ssettm $0x1  }
0x91: {  	s17 =	sld [smem:$0x3FFB];
	_ =	sdelay $0x3  }
0x92: {  	_ =	strace s17  }
0x93: {  	s2 =	sld [smem:$0x3FFC];
	_ =	sdelay $0x3  }
0x94: {  	_ =	strace s2  }
0x95: {  	s2 =	sld [smem:$0x3FFD];
	_ =	sdelay $0x3  }
0x96: {  	_ =	strace s2  }
0x97: {  	_ =	strace $0x8FFFFFFF  }
0x98: {  	s18 =	sld [smem:$0x3FDB];
	_ =	sdelay $0x1  }
0x99: {  	s19 =	simm.s32 $_scs_section_size  }
0x9a: {  	s4 =	simm.s32 $_size__tile_overlayer_lowered;
	s5 =	simm.s32 $_tile_overlayer_lowered  }
0x9b: {  	s22 =	simm.s32 $0x1BFF;
	s21 =	sshll.u32 s5, $0x1;
	s2 =	sadd.s32 s19, s18  }
0x9c: {  	s6 =	simm.s32 $0x0;
	s20 =	sshll.u32 s4, $0x1;
	s4 =	sadd.s32 s21, s2  }
0x9d: {  	[timem:s6], [sflag:s22] =	dma.local [hbm:s4], s20  }
0x9e: {  	_ =	swait.ge [sflag:s22], s20  }
0x9f: {  	s3 =	ssub.s32 $0x0, s20;
	[sflag:s22] =	ssyncset.done $0x0  }
0xa0: {  	[sflag:s22] =	ssyncadd.s32 s3;
	_ =	sdelay $0x1  }
0xa1: {  	s23 =	simm.s32 $0x1B8B  }
0xa2: {  	_ =	swait.ge [sflag:s23], $0x1  }
0xa3: {  	[sflag:s23] =	ssyncset.done $0x0  }
0xa4: {  	s25 =	simm.s32 $0x1B8E;
	s24 =	sld [smem:$0x3FFE];
	[sflag:s23] =	ssyncadd.s32 $0xFFFFFFFF  }
0xa5: {  	s26 =	simm.s32 $execute0_lowered;
	[smem:$0x3FD2] =	sst s25  }
0xa6: {  	s4 =	sshll.u32 s26, $0x1;
	_ =	strace $0x8000005E;
	[dreg:$0x1] =	wrdreg $0xFFFFFFFF  }
0xa7: {  	s28 =	simm.s32 $_size_execute0_lowered;
	s2 =	sadd.s32 s2, s4;
	[dreg:$0x0] =	wrdreg $0x0  }
0xa8: {  	s4 =	sshll.u32 s28, $0x1;
	[dreg:$0x2] =	wrdreg s2  }
0xa9: {  	[dreg:$0x3] =	wrdreg s4  }
0xaa: {  	[dreg:$0x4] =	wrdreg $0xC0  }
0xab: {  	_ =	task [dreg:s6], $0x5FFFF  }
0xac: {  	[dreg:$0x1] =	wrdreg $0xFFFFFFFF  }
0xad: {  	[dreg:$0x0] =	wrdreg $0x60  }
0xae: {  	[dreg:$0x2] =	wrdreg s24  }
0xaf: {  	[dreg:$0x3] =	wrdreg $0x9  }
0xb0: {  	_ =	task.clear_ibuf [dreg:s6], $0x4FFFF;
	_ =	strace $0x9000005E  }
0xb1: {  	s29 =	simm.s32 $0x9;
	_ =	strace $0x80000060  }
0xb2: {  	_ =	swait.ge [sflag:s29], $0x1  }
0xb3: {  	[sflag:s29] =	ssyncadd.s32 $0xFFFFFFFF  }
0xb4: {  	_ =	strace $0x90000060  }
0xb5: {  	_ =	sfence  }
0xb6: {  	s30 =	sld [smem:$0x0];
	_ =	sdelay $0x2  }
0xb7: {  	s31 =	sshll.u32 s1, $0xD;
	s1 =	sshrl.u32 s1, $0x2  }
0xb8: {  	s3 =	sand.u32 $0x4000, s31;
	s1 =	sadd.s32 s1, s30  }
0xb9: {  	s0 =	sor.u32 s3, s0;
	s1 =	sshll.u32 s1, $0x11  }
0xba: {  	s0 =	sor.u32 s1, s0  }
0xbb: {  	s0 =	sadd.s32 $0x8F2B, s0  }
0xbc: {  	[sflag:s0] =	ssyncadd.remote.s32 $0x1  }
0xbd: {  	_ =	sfence.sel $0xFFFF  }
0xbe: {  	[dreg:$0x0] =	wrdreg $0xFFFFFFFF;
	(pc) =	sbr.abs _section_cstart, $3  }
0xbf: {  	[dreg:$0x1] =	wrdreg $0xFFFFFFFF  }
0xc0: {  	_ =	task.clear_ibuf [dreg:s6], $0x2FFFF;
	_ =	strace $0x9FFFFFFF  }
0xc1: {  	(tm) =	ssettm $0x7FFFFFFF  }
tec
execute0_lowered:
.L_overlay_start_1:
0x0: {  	(tag) =	ssettag $0x1  }
0x1: {  	s9 =	rddreg [dreg:$0x0]  }
0x2: {  	s0 =	rddreg [dreg:$0x1];
	s1 =	simm.s32 $0x0  }
0x3: {  	s7 =	srdreg.scid;
	s3 =	stileid.u32;
	s14 =	simm.s32 $0x100  }
0x4: {  	s15 =	simm.s32 $0x180;
	s16 =	simm.s32 $0x4180;
	s17 =	simm.s32 $0x8180  }
0x5: {  	s18 =	simm.s32 $0x1;
	s19 =	simm.s32 $0x2;
	s20 =	simm.s32 $0x3  }
0x6: {  	s21 =	simm.s32 $0xC180;
	s22 =	simm.s32 $0x0;
	[smem:$0x7FF] =	sst s1  }
0x7: {  	s2 =	sadd.s32 $0x13C00, s9;
	s4 =	sadd.s32 $0x22C00, s9;
	s5 =	sadd.s32 $0x18C00, s9  }
0x8: {  	s6 =	sadd.s32 $0x27C00, s9;
	s10 =	sand.u32 $0x1, s7;
	s7 =	sadd.s32 $0xC6000, s9  }
0x9: {  	s12 =	sshll.u32 s3, $0x1;
	s8 =	sadd.s32 $0x356400, s9;
	s11 =	ssub.s32 $0x2, s10  }
0xa: {  	s9 =	sadd.s32 $0x5D6400, s9;
	_ =	strace $0x8000005F;
	s13 =	sshrl.u32 s11, $0x1  }
0xb: {  	s10 =	sor.u32 s10, s12;
	s12 =	simm.s32 $0x4;
	s11 =	ssub.s32 s11, s13  }
0xc: {  	s10 =	smul.u32 $0x1400, s10;
	s13 =	simm.s32 $0x80;
	s11 =	smax.u32 s11, $0x1  }
.LBB2_1:
0xd: {  	s23 =	simm.s32 $0x0  }
.LBB2_2:
0xe: {  	s24 =	sshll.u32 s23, $0x7  }
0xf: {  	s24 =	sadd.s32 s10, s24  }
0x10: {  	s25 =	sshrl.u32 s24, $0x3  }
0x11: {  	s28 =	simm.s32 $0x0;
	s26 =	sadd.s32 s2, s25  }
0x12: {  	[tilespmem:s28], [sflag:$0x4] =	stream.linear.gather [hbm4b:s26+s28], $0x80, $0x38;
	[tilespmem:$0x10180] =	vst v63  }
0x13: {  	_ =	swait.ge [sflag:s12], $0x80  }
0x14: {  	[sflag:s12] =	ssyncset.done $0x0  }
0x15: {  	s31 =	sadd.s32 s4, s25;
	[sflag:s12] =	ssyncadd.s32 $0xFFFFFF80  }
0x16: {  	[tilespmem:s13], [sflag:$0x4] =	stream.linear.gather [hbm4b:s31+s28], $0x80, $0x38;
	[tilespmem:$0x10180] =	vst v63  }
0x17: {  	_ =	swait.ge [sflag:s12], $0x80  }
0x18: {  	[sflag:s12] =	ssyncset.done $0x0  }
0x19: {  	s25 =	sadd.s32 s5, s25;
	[sflag:s12] =	ssyncadd.s32 $0xFFFFFF80  }
0x1a: {  	[tilespmem:s14], [sflag:$0x4] =	stream.linear.gather [hbm4b:s25+s28], $0x80, $0x38;
	[tilespmem:$0x10180] =	vst v63  }
0x1b: {  	_ =	swait.ge [sflag:s12], $0x80  }
0x1c: {  	[sflag:s12] =	ssyncset.done $0x0  }
0x1d: {  	[sflag:s12] =	ssyncadd.s32 $0xFFFFFF80  }
0x1e: {  	[tilespmem:s15], [sflag:$0x1] =	stream.indirect.gather [hbm4b:s6+s13], $0x80, s28, s13, $0xb8;
	[tilespmem:$0x10180] =	vst v63  }
0x1f: {  	_ = 	snop  }
0x20: {  	[tilespmem:s16], [sflag:$0x2] =	stream.indirect.gather [hbm4b:s7+s13], $0x80, s13, s13, $0xb8;
	[tilespmem:$0x10180] =	vst v63  }
0x21: {  	_ = 	snop  }
0x22: {  	[tilespmem:s17], [sflag:$0x3] =	stream.indirect.gather [hbm4b:s8+s13], $0x80, s14, s13, $0xb8;
	[tilespmem:$0x10180] =	vst v63  }
0x23: {  	_ =	swait.ge [sflag:s18], $0x4000  }
0x24: {  	[sflag:s18] =	ssyncset.done $0x0  }
0x25: {  	[sflag:s18] =	ssyncadd.s32 $0xFFFFC000  }
0x26: {  	_ =	swait.ge [sflag:s19], $0x4000  }
0x27: {  	[sflag:s19] =	ssyncset.done $0x0  }
0x28: {  	[sflag:s19] =	ssyncadd.s32 $0xFFFFC000  }
0x29: {  	_ =	swait.ge [sflag:s20], $0x4000  }
0x2a: {  	[sflag:s20] =	ssyncset.done $0x0  }
0x2b: {  	s25 =	simm.s32 $0x0;
	[sflag:s20] =	ssyncadd.s32 $0xFFFFC000  }
0x2c: {  	v0 =	vld [tilespmem:s25+$0x41B0]  }
0x2d: {  	v1 =	vld [tilespmem:s25+$0x81B0]  }
0x2e: {  	v2 =	vld [tilespmem:s25+$0x4180]  }
0x2f: {  	v3 =	vld [tilespmem:s25+$0x8180]  }
0x30: {  	v5 =	vld [tilespmem:s25+$0x4190]  }
0x31: {  	v6 =	vld [tilespmem:s25+$0x8190]  }
0x32: {  	v7 =	vld [tilespmem:s25+$0x41A0]  }
0x33: {  	v8 =	vld [tilespmem:s25+$0x81A0]  }
0x34: {  	v4 =	vld [tilespmem:s25+$0x180];
	v0 =	vsub.f32 v0, v1  }
0x35: {  	v2 =	vsub.f32 v2, v3;
	v1 =	vld [tilespmem:s25+$0x190]  }
0x36: {  	v5 =	vsub.f32 v5, v6;
	v3 =	vld [tilespmem:s25+$0x1B0];
	[tilespmem:s25+$0xC1B0] =	vst v0  }
0x37: {  	s26 =	simm.s32 $0x80;
	[tilespmem:s25+$0xC180] =	vst v2;
	v2 =	vld [tilespmem:s25+$0x1A0]  }
0x38: {  	s28 =	simm.s32 $0x400;
	v0 =	vld [tilespmem:s26+$0x41B0];
	[tilespmem:s25+$0xC190] =	vst v5;
	v5 =	vsub.f32 v7, v8  }
.LBB2_3:
0x39: {  	p0 =	sne.s32 s28, $0xFE00;
	v6 =	vld [tilespmem:s26+$0x81B0];
	[tilespmem:s25+$0xC1C0] =	vst v4  }
0x3a: {  	v4 =	vld [tilespmem:s26+$0x4180];
	[tilespmem:s25+$0xC1A0] =	vst v5  }
0x3b: {  	v5 =	vld [tilespmem:s26+$0x8180];
	[tilespmem:s25+$0xC1D0] =	vst v1  }
0x3c: {  	v7 =	vld [tilespmem:s26+$0x4190];
	[tilespmem:s25+$0xC1E0] =	vst v2  }
0x3d: {  	v2 =	vld [tilespmem:s26+$0x8190];
	[tilespmem:s25+$0xC1F0] =	vst v3;
	s25 =	smov.u32 s26  }
0x3e: {  	v8 =	vld [tilespmem:s25+$0x41A0];
	v0 =	vsub.f32 v0, v6  }
0x3f: {  	v6 =	vld [tilespmem:s25+$0x81A0]  }
.Ltmp0:
0x40: {  	v3 =	vsub.f32 v4, v5;
	v4 =	vld [tilespmem:s25+$0x180];
	[tilespmem:s25+$0xC1B0] =	vst v0;
	(pc) =	sbr.rel @p0 .LBB2_3-.Ltmp0, $4  }
0x41: {  	v1 =	vld [tilespmem:s25+$0x190]  }
0x42: {  	[tilespmem:s25+$0xC180] =	vst v3;
	v5 =	vsub.f32 v7, v2;
	v2 =	vld [tilespmem:s25+$0x1A0]  }
0x43: {  	s26 =	sshra.s32 s28, $0x2;
	v3 =	vld [tilespmem:s25+$0x1B0]  }
0x44: {  	s28 =	sadd.s32 $0x200, s28;
	v0 =	vld [tilespmem:s26+$0x41B0];
	[tilespmem:s25+$0xC190] =	vst v5;
	v5 =	vsub.f32 v8, v6  }
0x45: {  	v6 =	vld [tilespmem:s26+$0x81B0];
	[tilespmem:s25+$0xC1C0] =	vst v4  }
0x46: {  	v4 =	vld [tilespmem:s26+$0x4180];
	[tilespmem:s25+$0xC1A0] =	vst v5  }
0x47: {  	v5 =	vld [tilespmem:s26+$0x8180];
	[tilespmem:s25+$0xC1D0] =	vst v1  }
0x48: {  	v1 =	vld [tilespmem:s26+$0x4190];
	[tilespmem:s25+$0xC1E0] =	vst v2  }
0x49: {  	v2 =	vld [tilespmem:s26+$0x8190];
	[tilespmem:s25+$0xC1F0] =	vst v3  }
0x4a: {  	v3 =	vld [tilespmem:s26+$0x41A0]  }
0x4b: {  	v59 =	vld [tilespmem:s26+$0x81A0]  }
0x4c: {  	v7 =	vld [tilespmem:s26+$0x180]  }
0x4d: {  	v0 =	vsub.f32 v0, v6;
	v60 =	vld [tilespmem:s26+$0x190]  }
0x4e: {  	v61 =	vld [tilespmem:s26+$0x1A0];
	v4 =	vsub.f32 v4, v5  }
0x4f: {  	v62 =	vld [tilespmem:s26+$0x1B0];
	[tilespmem:s26+$0xC1B0] =	vst v0  }
0x50: {  	[tilespmem:s26+$0xC180] =	vst v4  }
0x51: {  	[tilespmem:s26+$0xC1C0] =	vst v7  }
0x52: {  	[tilespmem:s26+$0xC1D0] =	vst v60  }
0x53: {  	v1 =	vsub.f32 v1, v2;
	[tilespmem:s26+$0xC1E0] =	vst v61  }
0x54: {  	s23 =	sadd.s32 $0x1, s23;
	v63 =	vsub.f32 v3, v59;
	[tilespmem:s26+$0xC1F0] =	vst v62  }
0x55: {  	s24 =	sshll.u32 s24, $0x4;
	p0 =	sne.s32 s23, $0x28;
	[tilespmem:s26+$0xC190] =	vst v1  }
.Ltmp1:
0x56: {  	s24 =	sadd.s32 s9, s24;
	[tilespmem:s26+$0xC1A0] =	vst v63;
	(pc) =	sbr.rel @p0 .LBB2_2-.Ltmp1, $4  }
0x57: {  	[hbm4b:s24+s1] =	stream.linear.scatter [tilespmem:s21], [sflag:$0x4], $0x4000, $0x38;
	[tilespmem:$0x10180] =	vst v63  }
0x58: {  	_ =	swait.ge [sflag:s12], $0x4000  }
0x59: {  	[sflag:s12] =	ssyncset.done $0x0  }
0x5a: {  	[sflag:s12] =	ssyncadd.s32 $0xFFFFC000  }
0x5b: {  	s22 =	sadd.s32 $0x1, s22  }
0x5c: {  	p0 =	sne.s32 s22, s11  }
.Ltmp2:
0x5d: {  	_ = 	snop;
	(pc) =	sbr.rel @p0 .LBB2_1-.Ltmp2, $1  }
0x5e: {  	_ =	sdelay $0x3  }
0x5f: {  	_ =	sfence.sel $0x180000  }
0x60: {  	[bflag:$0x0] =	sbarrier.arrive $0xFFFF  }
0x61: {  	p0 =	sne.s32 s3, $0x0;
	_ =	strace $0x9000005F  }
0x62: {  	s0 =	sadd.s32 @!p0 $0x100000, s0;
	[bflag:$0x2] =	sbarrier.arrive $0xFFFF  }
0x63: {  	[sflag:s0] =	ssyncadd.tile.s32 @!p0 $0x1;
	_ =	shalt  }
.Lfunc_end2:
_tile_overlayer_lowered:
.L_overlay_start_2:
0x64: {  	(tag) =	ssettag $0x2  }
0x65: {  	s0 =	rddreg [dreg:$0x0];
	s2 =	stileid.u32  }
0x66: {  	s1 =	rddreg [dreg:$0x1];
	p0 =	sne.s32 s2, $0x0  }
0x67: {  	s3 =	rddreg [dreg:$0x2];
	[bflag:$0x3] =	sbarrier.arrive $0xFFFF;
	s2 =	simm.s32 @!p0 $0x1C04  }
0x68: {  	[timem:s3], [sflag:s2] =	dma.local @!p0 [hbm:s0], s1  }
0x69: {  	s0 =	simm.s32 @!p0 $0x4  }
0x6a: {  	_ =	swait.ge @!p0 [sflag:s0], s1  }
0x6b: {  	s1 =	ssub.s32 @!p0 $0x0, s1;
	[sflag:s0] =	ssyncset.done @!p0 $0x0  }
0x6c: {  	[sflag:s0] =	ssyncadd.s32 @!p0 s1  }
0x6d: {  	[bflag:$0x3] =	sbarrier.arrive $0xFFFF  }
0x6e: {  	_ =	shalt  }

// kernel: kernel.36.cloned.1.call-start
scs
__scs_entry_jumppad:
0x0: {  	(pc) =	sbr.rel $0x88, $3  }
0x1: {  	(tag) =	ssettag $0x0;
	lr =	simm.s32 $0x1  }
0x2: {  	[smem:$0x3F84] =	sst lr;
	_ =	strace $0xD0000000  }
0x3: {  	_ = 	snop  }
0x4: {  	_ = 	snop  }
0x5: {  	_ = 	snop  }
0x6: {  	_ = 	snop  }
0x7: {  	_ = 	snop  }
__scs_overlays_trampoline_lowered:
0x8: {  	[smem:$0x3F93] =	sst s0  }
0x9: {  	[smem:$0x3F94] =	sst s1  }
0xa: {  	[smem:$0x3F95] =	sst s2  }
0xb: {  	[smem:$0x3F96] =	sst s3  }
0xc: {  	[smem:$0x3F97] =	sst s4  }
0xd: {  	[smem:$0x3F98] =	sst s5  }
0xe: {  	[smem:$0x3F99] =	sst s6  }
0xf: {  	[smem:$0x3F9A] =	sst s7  }
0x10: {  	[smem:$0x3F9B] =	sst s8  }
0x11: {  	[smem:$0x3F9C] =	sst s9;
	s0 =	simm.s32 @!p0 $0x0  }
0x12: {  	s1 =	sld [smem:$0x3F82];
	s0 =	simm.s32 @p0 $0x1  }
0x13: {  	[smem:$0x3F9D] =	sst s0;
	s0 =	simm.s32 @!p1 $0x0  }
0x14: {  	s2 =	sld [smem:$0x3F81];
	s0 =	simm.s32 @p1 $0x1  }
0x15: {  	[smem:$0x3F9E] =	sst s0;
	s0 =	simm.s32 @!p2 $0x0  }
0x16: {  	s3 =	sld [smem:$0x3FDB];
	s0 =	simm.s32 @p2 $0x1  }
0x17: {  	s4 =	simm.s32 $0x1BF5;
	[smem:$0x3FA0] =	sst s0  }
0x18: {  	s0 =	sld [smem:$0x3F83];
	_ =	swait.ge [sflag:s4], $0x0  }
0x19: {  	s7 =	sld [smem:$0x3F84]  }
0x1a: {  	s8 =	sadd.s32 $0xFFFFE003, lr  }
0x1b: {  	s9 =	sadd.s32 $0xFFFFFEF7, lr;
	s5 =	simm.s32 $0xFFFFFFFF;
	p2 =	slt.u32 s8, $0xFFFFF086  }
0x1c: {  	p1 =	slt.u32 s9, $0xF7A;
	s5 =	simm.s32 @!p2 $0x0  }
0x1d: {  	s5 =	simm.s32 @p1 $0x1;
	p0 =	seq.s32 s7, s2  }
0x1e: {  	s7 =	smul.u32 @!p0 $0xF7A, s2;
	p2 =	seq.s32 @!p0 s5, $0x0  }
0x1f: {  	s9 =	smul.u32 $0xF7A, s1;
	s8 =	simm.s32 @!p0 $0x1BF5;
	p2 =	por !p2, p0  }
0x20: {  	[sflag:s8] =	ssyncset.s32 @!p0 $0xFFFFF086;
	s6 =	sadd.s32 @!p0 s3, s7;
	s7 =	simm.s32 @!p0 $0x108  }
0x21: {  	s3 =	sadd.s32 s3, s9;
	s6 =	sadd.s32 @!p0 $0x88, s6;
	s7 =	simm.s32 @p2 $0x1082  }
0x22: {  	[simem:s7], [sflag:s8] =	dma.local @!p0 [hbm:s6], $0xF7A  }
0x23: {  	s9 =	sor.u32 $0xD0000000, s2;
	s6 =	simm.s32 $0x108;
	_ =	swait.ge @!p0 [sflag:s8], $0x0  }
0x24: {  	s3 =	sadd.s32 $0x88, s3;
	s6 =	simm.s32 @!p1 $0x1082;
	[sflag:s4] =	ssyncset.s32 $0xFFFFF086  }
0x25: {  	[simem:s6], [sflag:s4] =	dma.local [hbm:s3], $0xF7A  }
0x26: {  	[smem:$0x3F84] =	sst s1;
	(tag) =	ssettag s2;
	_ =	strace s9  }
0x27: {  	s1 =	sld [smem:$0x3F94]  }
0x28: {  	s2 =	sld [smem:$0x3F95]  }
0x29: {  	s4 =	sld [smem:$0x3F97]  }
0x2a: {  	p0 =	seq.s32 s5, $0x0;
	s5 =	sld [smem:$0x3F98]  }
0x2b: {  	s6 =	sld [smem:$0x3F99]  }
0x2c: {  	s7 =	sld [smem:$0x3F9A]  }
0x2d: {  	s3 =	simm.s32 $0x108;
	s8 =	sld [smem:$0x3F9B]  }
0x2e: {  	s3 =	simm.s32 @!p0 $0x1082;
	s9 =	sld [smem:$0x3F9C]  }
0x2f: {  	lr =	sadd.s32 s0, s3;
	s0 =	sld [smem:$0x3F93]  }
0x30: {  	s3 =	sld [smem:$0x3F96]  }
0x31: {  	[smem:$0x3F9F] =	sst s10  }
0x32: {  	s10 =	sld [smem:$0x3F9D];
	_ =	sdelay $0x3  }
0x33: {  	p0 =	seq.s32 s10, $0x1;
	s10 =	sld [smem:$0x3F9F];
	_ =	sdelay $0x3  }
0x34: {  	[smem:$0x3F9F] =	sst s10  }
0x35: {  	s10 =	sld [smem:$0x3F9E];
	_ =	sdelay $0x3  }
0x36: {  	p1 =	seq.s32 s10, $0x1;
	s10 =	sld [smem:$0x3F9F];
	_ =	sdelay $0x3  }
0x37: {  	[smem:$0x3F9F] =	sst s10  }
0x38: {  	s10 =	sld [smem:$0x3FA0]  }
0x39: {  	_ = 	snop;
	(pc) =	sbr.ind lr, $3  }
0x3a: {  	_ = 	snop  }
0x3b: {  	_ = 	snop  }
0x3c: {  	p2 =	seq.s32 s10, $0x1;
	s10 =	sld [smem:$0x3F9F]  }
0x3d: {  	_ =	shalt  }
0x3e: {  	_ =	shalt  }
0x3f: {  	_ =	shalt  }
0x40: {  	_ =	shalt  }
0x41: {  	_ =	shalt  }
0x42: {  	_ =	shalt  }
0x43: {  	_ =	shalt  }
0x44: {  	_ =	shalt  }
0x45: {  	_ =	shalt  }
0x46: {  	_ =	shalt  }
0x47: {  	_ =	shalt  }
0x48: {  	_ =	shalt  }
0x49: {  	_ =	shalt  }
0x4a: {  	_ =	shalt  }
0x4b: {  	_ =	shalt  }
0x4c: {  	_ =	shalt  }
0x4d: {  	_ =	shalt  }
0x4e: {  	_ =	shalt  }
0x4f: {  	_ =	shalt  }
0x50: {  	_ =	shalt  }
0x51: {  	_ =	shalt  }
0x52: {  	_ =	shalt  }
0x53: {  	_ =	shalt  }
0x54: {  	_ =	shalt  }
0x55: {  	_ =	shalt  }
0x56: {  	_ =	shalt  }
0x57: {  	_ =	shalt  }
0x58: {  	_ =	shalt  }
0x59: {  	_ =	shalt  }
0x5a: {  	_ =	shalt  }
0x5b: {  	_ =	shalt  }
0x5c: {  	_ =	shalt  }
0x5d: {  	_ =	shalt  }
0x5e: {  	_ =	shalt  }
0x5f: {  	_ =	shalt  }
0x60: {  	_ =	shalt  }
0x61: {  	_ =	shalt  }
0x62: {  	_ =	shalt  }
0x63: {  	_ =	shalt  }
0x64: {  	_ =	shalt  }
0x65: {  	_ =	shalt  }
0x66: {  	_ =	shalt  }
0x67: {  	_ =	shalt  }
0x68: {  	_ =	shalt  }
0x69: {  	_ =	shalt  }
0x6a: {  	_ =	shalt  }
0x6b: {  	_ =	shalt  }
0x6c: {  	_ =	shalt  }
0x6d: {  	_ =	shalt  }
0x6e: {  	_ =	shalt  }
0x6f: {  	_ =	shalt  }
0x70: {  	_ =	shalt  }
0x71: {  	_ =	shalt  }
0x72: {  	_ =	shalt  }
0x73: {  	_ =	shalt  }
0x74: {  	_ =	shalt  }
0x75: {  	_ =	shalt  }
0x76: {  	_ =	shalt  }
0x77: {  	_ =	shalt  }
0x78: {  	_ =	shalt  }
0x79: {  	_ =	shalt  }
0x7a: {  	_ =	shalt  }
0x7b: {  	_ =	shalt  }
0x7c: {  	_ =	shalt  }
0x7d: {  	_ =	shalt  }
0x7e: {  	_ =	shalt  }
0x7f: {  	_ =	shalt  }
0x80: {  	_ =	shalt  }
0x81: {  	_ =	shalt  }
0x82: {  	_ =	shalt  }
0x83: {  	_ =	shalt  }
0x84: {  	_ =	shalt  }
0x85: {  	_ =	shalt  }
0x86: {  	_ =	shalt  }
0x87: {  	_ =	shalt  }
.Lfunc_end0:
.L_simem_size_0:
called_computation.10_lowered:
.L_overlay_start_0:
0x88: {  	s2 =	sld [smem:$0x3FD9]  }
0x89: {  	s3 =	sld [smem:$0x3FFE];
	_ =	sdelay $0x1  }
0x8a: {  	s1 =	srdreg.scid  }
0x8b: {  	s0 =	sand.u32 $0x1, s1  }
0x8c: {  	s16 =	sshll.u32 s0, $0xA;
	s2 =	sadd.s32 s3, s2  }
0x8d: {  	s2 =	sadd.s32 s2, s16  }
0x8e: {  	[smem:$0x3FAB] =	sst s2  }
0x8f: {  	_ = 	snop  }
0x90: {  	(tm) =	ssettm $0x1  }
0x91: {  	s17 =	sld [smem:$0x3FFB];
	_ =	sdelay $0x3  }
0x92: {  	_ =	strace s17  }
0x93: {  	s2 =	sld [smem:$0x3FFC];
	_ =	sdelay $0x3  }
0x94: {  	_ =	strace s2  }
0x95: {  	s2 =	sld [smem:$0x3FFD];
	_ =	sdelay $0x3  }
0x96: {  	_ =	strace s2  }
0x97: {  	_ =	strace $0x8FFFFFFF  }
0x98: {  	s18 =	sld [smem:$0x3FDB];
	_ =	sdelay $0x1  }
0x99: {  	s19 =	simm.s32 $_scs_section_size  }
0x9a: {  	s4 =	simm.s32 $_size__tile_overlayer_lowered;
	s5 =	simm.s32 $_tile_overlayer_lowered  }
0x9b: {  	s22 =	simm.s32 $0x1BFF;
	s21 =	sshll.u32 s5, $0x1;
	s2 =	sadd.s32 s19, s18  }
0x9c: {  	s6 =	simm.s32 $0x0;
	s20 =	sshll.u32 s4, $0x1;
	s4 =	sadd.s32 s21, s2  }
0x9d: {  	[timem:s6], [sflag:s22] =	dma.local [hbm:s4], s20  }
0x9e: {  	_ =	swait.ge [sflag:s22], s20  }
0x9f: {  	s3 =	ssub.s32 $0x0, s20;
	[sflag:s22] =	ssyncset.done $0x0  }
0xa0: {  	[sflag:s22] =	ssyncadd.s32 s3;
	_ =	sdelay $0x1  }
0xa1: {  	s23 =	simm.s32 $0x1B8B  }
0xa2: {  	_ =	swait.ge [sflag:s23], $0x1  }
0xa3: {  	[sflag:s23] =	ssyncset.done $0x0  }
0xa4: {  	s25 =	simm.s32 $0x1B8E;
	s24 =	sld [smem:$0x3FFE];
	[sflag:s23] =	ssyncadd.s32 $0xFFFFFFFF  }
0xa5: {  	s26 =	simm.s32 $execute0_lowered;
	[smem:$0x3FD2] =	sst s25  }
0xa6: {  	s4 =	sshll.u32 s26, $0x1;
	_ =	strace $0x80000061;
	[dreg:$0x1] =	wrdreg $0xFFFFFFFF  }
0xa7: {  	s28 =	simm.s32 $_size_execute0_lowered;
	s2 =	sadd.s32 s2, s4;
	[dreg:$0x0] =	wrdreg $0x0  }
0xa8: {  	s4 =	sshll.u32 s28, $0x1;
	[dreg:$0x2] =	wrdreg s2  }
0xa9: {  	[dreg:$0x3] =	wrdreg s4  }
0xaa: {  	[dreg:$0x4] =	wrdreg $0xC0  }
0xab: {  	_ =	task [dreg:s6], $0x5FFFF  }
0xac: {  	[dreg:$0x1] =	wrdreg $0xFFFFFFFF  }
0xad: {  	[dreg:$0x0] =	wrdreg $0x60  }
0xae: {  	[dreg:$0x2] =	wrdreg s24  }
0xaf: {  	[dreg:$0x3] =	wrdreg $0x0  }
0xb0: {  	[dreg:$0x4] =	wrdreg $0x9  }
0xb1: {  	_ =	task.clear_ibuf [dreg:s6], $0x5FFFF;
	_ =	strace $0x90000061  }
0xb2: {  	s29 =	simm.s32 $0x9;
	_ =	strace $0x80000063  }
0xb3: {  	_ =	swait.ge [sflag:s29], $0x1  }
0xb4: {  	[sflag:s29] =	ssyncadd.s32 $0xFFFFFFFF  }
0xb5: {  	_ =	strace $0x90000063  }
0xb6: {  	_ =	sfence  }
0xb7: {  	s30 =	sld [smem:$0x0];
	_ =	sdelay $0x2  }
0xb8: {  	s31 =	sshll.u32 s1, $0xD;
	s1 =	sshrl.u32 s1, $0x2  }
0xb9: {  	s3 =	sand.u32 $0x4000, s31;
	s1 =	sadd.s32 s1, s30  }
0xba: {  	s0 =	sor.u32 s3, s0;
	s1 =	sshll.u32 s1, $0x11  }
0xbb: {  	s0 =	sor.u32 s1, s0  }
0xbc: {  	s0 =	sadd.s32 $0x8F2B, s0  }
0xbd: {  	[sflag:s0] =	ssyncadd.remote.s32 $0x1  }
0xbe: {  	_ =	sfence.sel $0xFFFF  }
0xbf: {  	[dreg:$0x0] =	wrdreg $0xFFFFFFFF;
	(pc) =	sbr.abs _section_cstart, $3  }
0xc0: {  	[dreg:$0x1] =	wrdreg $0xFFFFFFFF  }
0xc1: {  	_ =	task.clear_ibuf [dreg:s6], $0x2FFFF;
	_ =	strace $0x9FFFFFFF  }
0xc2: {  	(tm) =	ssettm $0x7FFFFFFF  }
0xc3: {  	_ =	shalt  }
tec
execute0_lowered:
.L_overlay_start_1:
0x0: {  	(tag) =	ssettag $0x1  }
0x1: {  	s5 =	rddreg [dreg:$0x0]  }
0x2: {  	s2 =	rddreg [dreg:$0x1]  }
0x3: {  	s0 =	rddreg [dreg:$0x2]  }
0x4: {  	s1 =	stileid.u32;
	s6 =	srdreg.scid  }
0x5: {  	s3 =	simm.s32 $0x0;
	s15 =	simm.s32 $0x14000;
	s4 =	smul.u32 $0x28000, s1  }
0x6: {  	s16 =	simm.s32 $0x1;
	s17 =	simm.s32 $0x18000;
	s7 =	smul.u32 $0x500, s1  }
0x7: {  	s18 =	simm.s32 $0x80;
	s21 =	simm.s32 $0x0;
	s9 =	smul.u32 $0x14000, s1  }
0x8: {  	s6 =	sand.u32 $0x1, s6;
	[smem:$0x7FF] =	sst s3;
	s30 =	smul.u32 $0x50000, s1  }
0x9: {  	s19 =	sshll.u32 s1, $0x6;
	s8 =	smul.u32 $0x140000, s6;
	_ =	strace $0x80000062  }
0xa: {  	s31 =	ssub.s32 $0x2, s6;
	p0 =	seq.s32 s6, $0x1;
	s19 =	sor.u32 $0x1C01, s19  }
0xb: {  	s12 =	sadd.s32 s4, s5;
	s14 =	sadd.s32 s7, s5;
	s4 =	sadd.s32 $0xEC00, s5  }
0xc: {  	s10 =	sshrl.u32 s31, $0x1;
	s7 =	sshrl.u32 s30, $0x2;
	s8 =	sadd.s32 s9, s8  }
.Ltmp0:
0xd: {  	s9 =	ssub.s32 s31, s10;
	s12 =	sadd.s32 $0x76000, s12;
	(pc) =	sbr.rel .LBB2_1-.Ltmp0, $4  }
0xe: {  	s13 =	sadd.s32 $0x13C00, s14;
	s14 =	sadd.s32 $0x22C00, s14;
	s8 =	sshrl.u32 s8, $0x3  }
0xf: {  	s8 =	sadd.s32 s8, s5;
	s5 =	sadd.s32 s7, s2;
	s7 =	smax.u32 s9, $0x1  }
0x10: {  	s6 =	sadd.s32 $0x2F6000, s8;
	s8 =	sadd.s32 $0x4000, s5;
	s9 =	sadd.s32 $0x8000, s5  }
0x11: {  	s10 =	sadd.s32 $0xC000, s5;
	s11 =	sadd.s32 $0x10000, s5;
	s20 =	sshrl.u32 s5, $0x3  }
.LBB2_7:
0x12: {  	[sflag:s16] =	ssyncadd.s32 $0xFFFFC000  }
.LBB2_8:
0x13: {  	s21 =	sadd.s32 $0x1, s21  }
0x14: {  	p1 =	sne.s32 s21, s7  }
.Ltmp1:
0x15: {  	[bflag:$0x0] =	sbarrier.arrive $0xFFFF;
	(pc) =	sbr.rel @!p1 .LBB2_9-.Ltmp1, $4  }
0x16: {  	[hbm:s6], [sflag:s19] =	dma.local [spmem:s20], $0x2800  }
0x17: {  	_ =	swait.ge [sflag:s16], $0x2800  }
0x18: {  	[sflag:s16] =	ssyncset.done $0x0  }
0x19: {  	[sflag:s16] =	ssyncadd.s32 $0xFFFFD800  }
.LBB2_1:
0x1a: {  	[tilespmem:s15], [sflag:$0x1] =	stream.linear.gather [hbm4b:s4+s3], $0x4000, $0x38;
	[tilespmem:$0x18080] =	vst v63  }
0x1b: {  	_ =	swait.ge [sflag:s16], $0x4000  }
0x1c: {  	[sflag:s16] =	ssyncset.done $0x0  }
0x1d: {  	[sflag:s16] =	ssyncadd.s32 $0xFFFFC000  }
0x1e: {  	[spmem:s5] =	stream.linear.scatter [tilespmem:s15], [sflag:$0x1], $0x4000, $0x38;
	[tilespmem:$0x18080] =	vst v63  }
0x1f: {  	_ =	swait.ge [sflag:s16], $0x4000  }
0x20: {  	[sflag:s16] =	ssyncset.done $0x0  }
0x21: {  	[sflag:s16] =	ssyncadd.s32 $0xFFFFC000  }
0x22: {  	[spmem:s8] =	stream.linear.scatter [tilespmem:s15], [sflag:$0x1], $0x4000, $0x38;
	[tilespmem:$0x18080] =	vst v63  }
0x23: {  	_ =	swait.ge [sflag:s16], $0x4000  }
0x24: {  	[sflag:s16] =	ssyncset.done $0x0  }
0x25: {  	[sflag:s16] =	ssyncadd.s32 $0xFFFFC000  }
0x26: {  	[spmem:s9] =	stream.linear.scatter [tilespmem:s15], [sflag:$0x1], $0x4000, $0x38;
	[tilespmem:$0x18080] =	vst v63  }
0x27: {  	_ =	swait.ge [sflag:s16], $0x4000  }
0x28: {  	[sflag:s16] =	ssyncset.done $0x0  }
0x29: {  	[sflag:s16] =	ssyncadd.s32 $0xFFFFC000  }
0x2a: {  	[spmem:s10] =	stream.linear.scatter [tilespmem:s15], [sflag:$0x1], $0x4000, $0x38;
	[tilespmem:$0x18080] =	vst v63  }
0x2b: {  	_ =	swait.ge [sflag:s16], $0x4000  }
0x2c: {  	[sflag:s16] =	ssyncset.done $0x0  }
0x2d: {  	[sflag:s16] =	ssyncadd.s32 $0xFFFFC000  }
0x2e: {  	[spmem:s11] =	stream.linear.scatter [tilespmem:s15], [sflag:$0x1], $0x4000, $0x38;
	[tilespmem:$0x18080] =	vst v63  }
.Ltmp2:
0x2f: {  	_ =	swait.ge [sflag:s16], $0x4000;
	(pc) =	sbr.rel @!p0 .LBB2_2-.Ltmp2, $3  }
0x30: {  	[sflag:s16] =	ssyncset.done $0x0  }
0x31: {  	[sflag:s16] =	ssyncadd.s32 $0xFFFFC000  }
0x32: {  	[bflag:$0x0] =	sbarrier.arrive $0xFFFF;
	_ =	sdelay $0x1  }
0x33: {  	[tilespmem:s15], [sflag:$0x1] =	stream.linear.gather [hbm4b:s12+s3], $0x4000, $0x38;
	[tilespmem:$0x18080] =	vst v63  }
0x34: {  	_ =	swait.ge [sflag:s16], $0x4000  }
0x35: {  	[sflag:s16] =	ssyncset.done $0x0  }
0x36: {  	s22 =	sadd.s32 $0x0, s14;
	[sflag:s16] =	ssyncadd.s32 $0xFFFFC000  }
0x37: {  	[tilespmem:s17], [sflag:$0x1] =	stream.linear.gather [hbm4b:s22+s3], $0x80, $0x38;
	[tilespmem:$0x18080] =	vst v63  }
0x38: {  	_ =	swait.ge [sflag:s16], $0x80  }
0x39: {  	[sflag:s16] =	ssyncset.done $0x0  }
0x3a: {  	[sflag:s16] =	ssyncadd.s32 $0xFFFFFF80  }
0x3b: {  	[spmem:s2] =	stream.indirect.scatter.add.f32 [tilespmem:s15], [sflag:$0x1], $0x80, s17, s18, $0xb8;
	[tilespmem:$0x18080] =	vst v63  }
0x3c: {  	_ =	swait.ge [sflag:s16], $0x4000  }
0x3d: {  	s23 =	smov.u32 s12;
	s22 =	simm.s32 $0x10;
	[sflag:s16] =	ssyncset.done $0x0  }
.LBB2_6:
0x3e: {  	p1 =	sne.s32 s22, $0x4F0;
	[sflag:s16] =	ssyncadd.s32 $0xFFFFC000;
	s23 =	sadd.s32 $0x800, s23  }
0x3f: {  	[tilespmem:s15], [sflag:$0x1] =	stream.linear.gather [hbm4b:s23+s3], $0x4000, $0x38;
	[tilespmem:$0x18080] =	vst v63  }
0x40: {  	s24 =	smov.u32 s22;
	s22 =	sadd.s32 $0x10, s22;
	_ =	swait.ge [sflag:s16], $0x4000  }
0x41: {  	[sflag:s16] =	ssyncset.done $0x0  }
0x42: {  	s24 =	sadd.s32 s24, s14;
	[sflag:s16] =	ssyncadd.s32 $0xFFFFC000  }
0x43: {  	[tilespmem:s17], [sflag:$0x1] =	stream.linear.gather [hbm4b:s24+s3], $0x80, $0x38;
	[tilespmem:$0x18080] =	vst v63  }
0x44: {  	_ =	swait.ge [sflag:s16], $0x80  }
.Ltmp3:
0x45: {  	[sflag:s16] =	ssyncset.done $0x0;
	(pc) =	sbr.rel @p1 .LBB2_6-.Ltmp3, $4  }
0x46: {  	[sflag:s16] =	ssyncadd.s32 $0xFFFFFF80  }
0x47: {  	[spmem:s2] =	stream.indirect.scatter.add.f32 [tilespmem:s15], [sflag:$0x1], $0x80, s17, s18, $0xb8;
	[tilespmem:$0x18080] =	vst v63  }
0x48: {  	_ =	swait.ge [sflag:s16], $0x4000  }
0x49: {  	[sflag:s16] =	ssyncset.done $0x0  }
.Ltmp4:
0x4a: {  	_ = 	snop;
	(pc) =	sbr.rel .LBB2_7-.Ltmp4, $1  }
0x4b: {  	_ =	sdelay $0x3  }
.LBB2_2:
0x4c: {  	[tilespmem:s15], [sflag:$0x1] =	stream.linear.gather [hbm4b:s12+s3], $0x4000, $0x38;
	[tilespmem:$0x18080] =	vst v63  }
0x4d: {  	_ =	swait.ge [sflag:s16], $0x4000  }
0x4e: {  	[sflag:s16] =	ssyncset.done $0x0  }
0x4f: {  	s22 =	sadd.s32 $0x0, s13;
	[sflag:s16] =	ssyncadd.s32 $0xFFFFC000  }
0x50: {  	[tilespmem:s17], [sflag:$0x1] =	stream.linear.gather [hbm4b:s22+s3], $0x80, $0x38;
	[tilespmem:$0x18080] =	vst v63  }
0x51: {  	_ =	swait.ge [sflag:s16], $0x80  }
0x52: {  	[sflag:s16] =	ssyncset.done $0x0  }
0x53: {  	[sflag:s16] =	ssyncadd.s32 $0xFFFFFF80  }
0x54: {  	[spmem:s2] =	stream.indirect.scatter.add.f32 [tilespmem:s15], [sflag:$0x1], $0x80, s17, s18, $0xb8;
	[tilespmem:$0x18080] =	vst v63  }
0x55: {  	_ =	swait.ge [sflag:s16], $0x4000  }
0x56: {  	s23 =	smov.u32 s12;
	s22 =	simm.s32 $0x10;
	[sflag:s16] =	ssyncset.done $0x0  }
.LBB2_3:
0x57: {  	p1 =	seq.s32 s22, $0x4F0;
	[sflag:s16] =	ssyncadd.s32 $0xFFFFC000;
	s23 =	sadd.s32 $0x800, s23  }
0x58: {  	[tilespmem:s15], [sflag:$0x1] =	stream.linear.gather [hbm4b:s23+s3], $0x4000, $0x38;
	[tilespmem:$0x18080] =	vst v63  }
0x59: {  	s24 =	smov.u32 s22;
	s22 =	sadd.s32 $0x10, s22;
	_ =	swait.ge [sflag:s16], $0x4000  }
0x5a: {  	[sflag:s16] =	ssyncset.done $0x0  }
0x5b: {  	s24 =	sadd.s32 s24, s13;
	[sflag:s16] =	ssyncadd.s32 $0xFFFFC000  }
0x5c: {  	[tilespmem:s17], [sflag:$0x1] =	stream.linear.gather [hbm4b:s24+s3], $0x80, $0x38;
	[tilespmem:$0x18080] =	vst v63  }
0x5d: {  	_ =	swait.ge [sflag:s16], $0x80  }
.Ltmp5:
0x5e: {  	[sflag:s16] =	ssyncset.done $0x0;
	(pc) =	sbr.rel @!p1 .LBB2_3-.Ltmp5, $4  }
0x5f: {  	[sflag:s16] =	ssyncadd.s32 $0xFFFFFF80  }
0x60: {  	[spmem:s2] =	stream.indirect.scatter.add.f32 [tilespmem:s15], [sflag:$0x1], $0x80, s17, s18, $0xb8;
	[tilespmem:$0x18080] =	vst v63  }
0x61: {  	_ =	swait.ge [sflag:s16], $0x4000  }
0x62: {  	[sflag:s16] =	ssyncset.done $0x0  }
.Ltmp6:
0x63: {  	(pc) =	sbr.rel .LBB2_8-.Ltmp6, $2  }
0x64: {  	_ =	sdelay $0x2  }
0x65: {  	[sflag:s16] =	ssyncadd.s32 $0xFFFFC000  }
.LBB2_9:
0x66: {  	_ =	sfence.sel $0x180000  }
0x67: {  	[bflag:$0x0] =	sbarrier.arrive $0xFFFF  }
0x68: {  	p0 =	sne.s32 s1, $0x0;
	_ =	strace $0x90000062  }
0x69: {  	s0 =	sadd.s32 @!p0 $0x100000, s0;
	[bflag:$0x2] =	sbarrier.arrive $0xFFFF  }
0x6a: {  	[sflag:s0] =	ssyncadd.tile.s32 @!p0 $0x1;
	_ =	shalt  }
.Lfunc_end2:
_tile_overlayer_lowered:
.L_overlay_start_2:
0x6b: {  	(tag) =	ssettag $0x2  }
0x6c: {  	s0 =	rddreg [dreg:$0x0];
	s2 =	stileid.u32  }
0x6d: {  	s1 =	rddreg [dreg:$0x1];
	p0 =	sne.s32 s2, $0x0  }
0x6e: {  	s3 =	rddreg [dreg:$0x2];
	[bflag:$0x3] =	sbarrier.arrive $0xFFFF;
	s2 =	simm.s32 @!p0 $0x1C01  }
0x6f: {  	[timem:s3], [sflag:s2] =	dma.local @!p0 [hbm:s0], s1  }
0x70: {  	s0 =	simm.s32 @!p0 $0x1  }
0x71: {  	_ =	swait.ge @!p0 [sflag:s0], s1  }
0x72: {  	s1 =	ssub.s32 @!p0 $0x0, s1;
	[sflag:s0] =	ssyncset.done @!p0 $0x0  }
0x73: {  	[sflag:s0] =	ssyncadd.s32 @!p0 s1  }
0x74: {  	[bflag:$0x3] =	sbarrier.arrive $0xFFFF  }
0x75: {  	_ =	shalt  }

</sc_bundles>
